<compile_context>
chip_gen: v7x
topology: tpu7x:2x2x1
jax: 0.10.2.dev20260603
libtpu: 0.0.44.dev20260713+nightly
codegen_flags: <defaults>
</compile_context>

<pallas_src>
import functools

import jax
import jax.numpy as jnp
from jax import lax
from jax.experimental import pallas as pl
from jax.experimental.pallas import tpu as pltpu
from jax.experimental.pallas import tpu_sc as plsc

N = 10000
E = 320000
D = 128
NPAD = 10240
NC, NS = 2, 16
NW = NC * NS
CHUNK = 128
CPW = 80
EPW = CPW * CHUNK
EPAD = NW * EPW
ROWS_T = NPAD // NS


def _mesh():
    return plsc.VectorSubcoreMesh(
        core_axis_name="c", subcore_axis_name="s", num_cores=NC, num_subcores=NS
    )


DH = D // NC
CPT = EPAD // CHUNK // NS


@functools.partial(
    pl.kernel,
    out_type=jax.ShapeDtypeStruct((NC, NPAD, DH), jnp.float32),
    mesh=_mesh(),
    compiler_params=pltpu.CompilerParams(use_tc_tiling_on_sc=False),
    scratch_types=[
        pltpu.VMEM((CPT, CHUNK), jnp.int32),
        pltpu.VMEM((CHUNK,), jnp.int32),
        pltpu.VMEM((CHUNK,), jnp.int32),
        pltpu.VMEM((CHUNK,), jnp.int32),
        pltpu.VMEM((CHUNK,), jnp.int32),
        pltpu.VMEM((CHUNK, DH), jnp.float32),
        pltpu.VMEM((CHUNK, DH), jnp.float32),
        pltpu.VMEM_SHARED((NPAD, DH), jnp.float32),
        pltpu.VMEM_SHARED((NPAD, DH), jnp.float32),
        pltpu.SemaphoreType.DMA,
        pltpu.SemaphoreType.DMA,
        pltpu.SemaphoreType.DMA,
        pltpu.SemaphoreType.DMA,
    ],
)
def _agg_col(g_hbm, pk_hbm, zero_hbm, out_hbm,
             pk_v, src_a, dst_a, src_b, dst_b, rows_a, rows_b,
             g_sh, acc_sh, gsa, gsb, ssa, ssb):
    c = lax.axis_index("c")
    s = lax.axis_index("s")
    row0 = s * ROWS_T
    d_zero = pltpu.async_copy(zero_hbm.at[pl.ds(row0, ROWS_T)],
                              acc_sh.at[pl.ds(row0, ROWS_T)], gsa)
    d_gst = pltpu.async_copy(g_hbm.at[c, pl.ds(row0, ROWS_T)],
                             g_sh.at[pl.ds(row0, ROWS_T)], gsb)
    d_pk = pltpu.async_copy(pk_hbm.at[s], pk_v, ssa)
    d_zero.wait()
    d_gst.wait()
    d_pk.wait()

    def unpack(ci, src_buf, dst_buf):
        for j in range(CHUNK // 16):
            p = pk_v[ci, pl.ds(16 * j, 16)]
            src_buf[pl.ds(16 * j, 16)] = p & (2**14 - 1)
            dst_buf[pl.ds(16 * j, 16)] = p >> 14

    plsc.subcore_barrier()

    unpack(0, src_a, dst_a)
    unpack(1, src_b, dst_b)
    pltpu.async_copy(g_sh.at[src_a], rows_a, gsa)
    pltpu.async_copy(g_sh.at[src_b], rows_b, gsb)

    def body(i, carry):
        a2 = jnp.minimum(2 * i + 2, CPT - 1)
        b2 = jnp.minimum(2 * i + 3, CPT - 1)
        pltpu.make_async_copy(g_sh.at[src_a], rows_a, gsa).wait()
        pltpu.async_copy(rows_a, acc_sh.at[dst_a], ssa, add=True)
        pltpu.make_async_copy(g_sh.at[src_b], rows_b, gsb).wait()
        pltpu.make_async_copy(rows_a, acc_sh.at[dst_a], ssa).wait()
        unpack(a2, src_a, dst_a)
        pltpu.async_copy(g_sh.at[src_a], rows_a, gsa)
        pltpu.async_copy(rows_b, acc_sh.at[dst_b], ssb, add=True)
        pltpu.make_async_copy(rows_b, acc_sh.at[dst_b], ssb).wait()
        unpack(b2, src_b, dst_b)
        pltpu.async_copy(g_sh.at[src_b], rows_b, gsb)
        return carry

    lax.fori_loop(0, CPT // 2, body, 0)
    pltpu.make_async_copy(g_sh.at[src_a], rows_a, gsa).wait()
    pltpu.make_async_copy(g_sh.at[src_b], rows_b, gsb).wait()
    plsc.subcore_barrier()
    pltpu.sync_copy(acc_sh.at[pl.ds(row0, ROWS_T)],
                    out_hbm.at[c, pl.ds(row0, ROWS_T)])


@functools.partial(
    pl.kernel,
    out_type=jax.ShapeDtypeStruct((NC, NPAD, 16), jnp.float32),
    mesh=_mesh(),
    compiler_params=pltpu.CompilerParams(use_tc_tiling_on_sc=False),
    scratch_types=[
        pltpu.VMEM((CPW, CHUNK), jnp.int32),
        pltpu.VMEM((CHUNK,), jnp.int32),
        pltpu.VMEM((CHUNK,), jnp.int32),
        pltpu.VMEM((CHUNK,), jnp.int32),
        pltpu.VMEM((CHUNK,), jnp.int32),
        pltpu.VMEM((CHUNK, 16), jnp.float32),
        pltpu.VMEM((CHUNK, 16), jnp.float32),
        pltpu.VMEM_SHARED((NPAD, 16), jnp.float32),
        pltpu.VMEM_SHARED((NPAD, 16), jnp.float32),
        pltpu.SemaphoreType.DMA,
        pltpu.SemaphoreType.DMA,
        pltpu.SemaphoreType.DMA,
        pltpu.SemaphoreType.DMA,
    ],
)
def _AGG16(g_hbm, pk_hbm, zero_hbm, out_hbm,
           pk_v, src_a, dst_a, src_b, dst_b, rows_a, rows_b,
           g_sh, acc_sh, gsa, gsb, ssa, ssb):
    c = lax.axis_index("c")
    s = lax.axis_index("s")
    w = s * NC + c
    row0 = s * ROWS_T
    d_zero = pltpu.async_copy(zero_hbm.at[pl.ds(row0, ROWS_T)],
                              acc_sh.at[pl.ds(row0, ROWS_T)], gsa)
    d_gst = pltpu.async_copy(g_hbm.at[pl.ds(row0, ROWS_T)],
                             g_sh.at[pl.ds(row0, ROWS_T)], gsb)
    d_pk = pltpu.async_copy(pk_hbm.at[w], pk_v, ssa)
    d_zero.wait()
    d_gst.wait()
    d_pk.wait()

    def unpack(ci, src_buf, dst_buf):
        for j in range(CHUNK // 16):
            p = pk_v[ci, pl.ds(16 * j, 16)]
            src_buf[pl.ds(16 * j, 16)] = p & (2**14 - 1)
            dst_buf[pl.ds(16 * j, 16)] = p >> 14

    plsc.subcore_barrier()

    unpack(0, src_a, dst_a)
    unpack(1, src_b, dst_b)
    pltpu.async_copy(g_sh.at[src_a], rows_a, gsa)
    pltpu.async_copy(g_sh.at[src_b], rows_b, gsb)

    def body(i, carry):
        a2 = jnp.minimum(2 * i + 2, CPW - 1)
        b2 = jnp.minimum(2 * i + 3, CPW - 1)
        pltpu.make_async_copy(g_sh.at[src_a], rows_a, gsa).wait()
        pltpu.async_copy(rows_a, acc_sh.at[dst_a], ssa, add=True)
        pltpu.make_async_copy(g_sh.at[src_b], rows_b, gsb).wait()
        pltpu.make_async_copy(rows_a, acc_sh.at[dst_a], ssa).wait()
        unpack(a2, src_a, dst_a)
        pltpu.async_copy(g_sh.at[src_a], rows_a, gsa)
        pltpu.async_copy(rows_b, acc_sh.at[dst_b], ssb, add=True)
        pltpu.make_async_copy(rows_b, acc_sh.at[dst_b], ssb).wait()
        unpack(b2, src_b, dst_b)
        pltpu.async_copy(g_sh.at[src_b], rows_b, gsb)
        return carry

    lax.fori_loop(0, CPW // 2, body, 0)
    pltpu.make_async_copy(g_sh.at[src_a], rows_a, gsa).wait()
    pltpu.make_async_copy(g_sh.at[src_b], rows_b, gsb).wait()
    plsc.subcore_barrier()
    pltpu.sync_copy(acc_sh.at[pl.ds(row0, ROWS_T)],
                    out_hbm.at[c, pl.ds(row0, ROWS_T)])


@functools.partial(
    pl.kernel,
    out_type=jax.ShapeDtypeStruct((NC, NPAD, 16), jnp.float32),
    mesh=_mesh(),
    compiler_params=pltpu.CompilerParams(use_tc_tiling_on_sc=False),
    scratch_types=[
        pltpu.VMEM((CPW, CHUNK), jnp.int32),
        pltpu.VMEM((CHUNK, 16), jnp.float32),
        pltpu.VMEM_SHARED((NPAD, 16), jnp.float32),
        pltpu.SemaphoreType.DMA,
    ],
)
def _deg(dst_hbm, ones_hbm, zero_hbm, out_hbm, dst_v, ones_v, acc_sh, sem):
    c = lax.axis_index("c")
    s = lax.axis_index("s")
    w = s * NC + c
    pltpu.sync_copy(zero_hbm.at[pl.ds(s * ROWS_T, ROWS_T)],
                    acc_sh.at[pl.ds(s * ROWS_T, ROWS_T)])
    pltpu.sync_copy(ones_hbm, ones_v)
    pltpu.sync_copy(dst_hbm.at[w], dst_v)
    plsc.subcore_barrier()

    def body(i, carry):
        for j in range(8):
            pltpu.async_copy(ones_v, acc_sh.at[dst_v.at[8 * i + j]], sem,
                             add=True)
        for j in range(8):
            pltpu.make_async_copy(ones_v, acc_sh.at[dst_v.at[8 * i + j]],
                                  sem).wait()
        return carry

    lax.fori_loop(0, CPW // 8, body, 0)
    plsc.subcore_barrier()
    pltpu.sync_copy(acc_sh.at[pl.ds(s * ROWS_T, ROWS_T)],
                    out_hbm.at[c, pl.ds(s * ROWS_T, ROWS_T)])


BLK = 512
GRID = NPAD // BLK


def _tc_h0(x_pad, W0):

    def body(x_ref, w_ref, h_ref):
        h_ref[...] = lax.dot_general(x_ref[...], w_ref[...],
                                     (((1,), (1,)), ((), ())),
                                     preferred_element_type=jnp.float32)

    return pl.pallas_call(
        body,
        grid=(GRID,),
        in_specs=[
            pl.BlockSpec((BLK, D), lambda i: (i, 0)),
            pl.BlockSpec((D, D), lambda i: (0, 0)),
        ],
        out_specs=pl.BlockSpec((BLK, D), lambda i: (i, 0)),
        out_shape=jax.ShapeDtypeStruct((NPAD, D), jnp.float32),
    )(x_pad, W0)


def _tc_first(h0, d0, d1):

    def body(h_ref, d0_ref, d1_ref, g_ref, dis_ref):
        dis = lax.rsqrt(1.0 + d0_ref[...] + d1_ref[...])
        hd = h_ref[...] * dis
        g_ref[...] = jnp.stack([hd[:, :DH], hd[:, DH:]])
        dis_ref[...] = dis

    return pl.pallas_call(
        body,
        grid=(GRID,),
        in_specs=[
            pl.BlockSpec((BLK, D), lambda i: (i, 0)),
            pl.BlockSpec((BLK, 1), lambda i: (i, 0)),
            pl.BlockSpec((BLK, 1), lambda i: (i, 0)),
        ],
        out_specs=[
            pl.BlockSpec((NC, BLK, DH), lambda i: (0, i, 0)),
            pl.BlockSpec((BLK, 1), lambda i: (i, 0)),
        ],
        out_shape=[
            jax.ShapeDtypeStruct((NC, NPAD, DH), jnp.float32),
            jax.ShapeDtypeStruct((NPAD, 1), jnp.float32),
        ],
    )(h0, d0, d1)


def _make_tc_mid(dout):

    def body(a0_ref, a1_ref, g0_ref, g1_ref, dis_ref, b_ref, w_ref, o_ref):
        dis = dis_ref[...]
        t = jnp.concatenate([a0_ref[...] + g0_ref[...],
                             a1_ref[...] + g1_ref[...]], axis=1)
        x = jnp.maximum(dis * t + b_ref[...], 0.0)
        h = lax.dot_general(x, w_ref[...], (((1,), (1,)), ((), ())),
                            preferred_element_type=jnp.float32)
        hd = h * dis
        if dout == D:
            o_ref[...] = jnp.stack([hd[:, :DH], hd[:, DH:]])
        else:
            o_ref[...] = hd

    def run(a0, a1, g0, g1, dis, b, W):
        return pl.pallas_call(
            body,
            grid=(GRID,),
            in_specs=[
                pl.BlockSpec((BLK, DH), lambda i: (i, 0)),
                pl.BlockSpec((BLK, DH), lambda i: (i, 0)),
                pl.BlockSpec((BLK, DH), lambda i: (i, 0)),
                pl.BlockSpec((BLK, DH), lambda i: (i, 0)),
                pl.BlockSpec((BLK, 1), lambda i: (i, 0)),
                pl.BlockSpec((1, D), lambda i: (0, 0)),
                pl.BlockSpec((dout, D), lambda i: (0, 0)),
            ],
            out_specs=(pl.BlockSpec((NC, BLK, DH), lambda i: (0, i, 0))
                       if dout == D else
                       pl.BlockSpec((BLK, dout), lambda i: (i, 0))),
            out_shape=(jax.ShapeDtypeStruct((NC, NPAD, DH), jnp.float32)
                       if dout == D else
                       jax.ShapeDtypeStruct((NPAD, dout), jnp.float32)),
        )(a0, a1, g0, g1, dis, b, W)

    return run


_TC_MID128 = _make_tc_mid(D)
_TC_MID16 = _make_tc_mid(16)


def _tc_last(a0, a1, g2, dis, b2p):

    def body(a0_ref, a1_ref, g_ref, dis_ref, b_ref, o_ref):
        o_ref[...] = dis_ref[...] * (a0_ref[...] + a1_ref[...] + g_ref[...]) + b_ref[...]

    return pl.pallas_call(
        body,
        grid=(GRID,),
        in_specs=[
            pl.BlockSpec((BLK, 16), lambda i: (i, 0)),
            pl.BlockSpec((BLK, 16), lambda i: (i, 0)),
            pl.BlockSpec((BLK, 16), lambda i: (i, 0)),
            pl.BlockSpec((BLK, 1), lambda i: (i, 0)),
            pl.BlockSpec((1, 16), lambda i: (0, 0)),
        ],
        out_specs=pl.BlockSpec((BLK, 16), lambda i: (i, 0)),
        out_shape=jax.ShapeDtypeStruct((NPAD, 16), jnp.float32),
    )(a0, a1, g2, dis, b2p)


def kernel(x, edge_index, W0, b0, W1, b1, W2, b2):
    src = edge_index[0].astype(jnp.int32)
    dst = edge_index[1].astype(jnp.int32)
    pad_e = EPAD - E
    pad_ids = jnp.full((pad_e,), N, dtype=jnp.int32)
    src_p = jnp.concatenate([src, pad_ids])
    dst_p = jnp.concatenate([dst, pad_ids])
    dst3 = dst_p.reshape(NW, CPW, CHUNK)
    pk = src_p | (dst_p << 14)
    pk3 = pk.reshape(NW, CPW, CHUNK)
    pk16 = pk.reshape(NS, CPT, CHUNK)

    x_pad = jnp.pad(x, ((0, NPAD - N), (0, 0)))
    zeros64 = jnp.zeros((NPAD, DH), jnp.float32)
    zeros16 = jnp.zeros((NPAD, 16), jnp.float32)
    ones16 = jnp.ones((CHUNK, 16), jnp.float32)

    h0 = _tc_h0(x_pad, W0)
    degp = _deg(dst3, ones16, zeros16)
    d0 = degp[0, :, 0:1]
    d1 = degp[1, :, 0:1]

    g0, dis = _tc_first(h0, d0, d1)
    acc0 = _agg_col(g0, pk16, zeros64)
    g1 = _TC_MID128(acc0[0], acc0[1], g0[0], g0[1], dis, b0.reshape(1, D), W1)
    acc1 = _agg_col(g1, pk16, zeros64)

    W2p = jnp.pad(W2, ((0, 16 - W2.shape[0]), (0, 0)))
    b2p = jnp.pad(b2, (0, 16 - b2.shape[0]))
    g2 = _TC_MID16(acc1[0], acc1[1], g1[0], g1[1], dis, b1.reshape(1, D), W2p)
    acc2 = _AGG16(g2, pk3, zeros16)
    out16 = _tc_last(acc2[0], acc2[1], g2, dis, b2p.reshape(1, 16))
    return out16[:N, :5]

# --- scband reference (transcript-rebuilt; emitter-appended) ---
"""Pipeline reference for scband-vulnerability-5523327943291 (READ-ONLY COPY).

The authoritative reference and input builder live on the scoring server;
editing this copy changes nothing except your own understanding.
"""

import jax, jax.numpy as jnp
import numpy as np

N = 10000
E = 320000
D_IN = 128


def gcn_conv(x, edge_index, W, b):
    # Faithful GCNConv: add self-loops, symmetric deg^{-1/2} normalization,
    # linear transform, scatter-add aggregation at dst, add bias.
    n = x.shape[0]
    loop = jnp.arange(n, dtype=edge_index.dtype)
    src = jnp.concatenate([edge_index[0], loop])
    dst = jnp.concatenate([edge_index[1], loop])
    deg = jnp.zeros((n,), dtype=x.dtype).at[dst].add(1.0)
    deg_inv_sqrt = jnp.where(deg > 0, jax.lax.rsqrt(jnp.maximum(deg, 1e-12)), 0.0)
    norm = deg_inv_sqrt[src] * deg_inv_sqrt[dst]
    h = x @ W.T
    msg = h[src] * norm[:, None]
    out = jnp.zeros((n, W.shape[0]), dtype=x.dtype).at[dst].add(msg)
    return out + b


def setup_inputs(seed: int = 0) -> dict:
    key = jax.random.key(seed)
    ks = jax.random.split(key, 8)
    x = jax.random.normal(ks[0], (N, D_IN), dtype=jnp.float32)
    edge_index = jax.random.randint(ks[1], (2, E), 0, N, dtype=jnp.int32)
    W0 = jax.random.normal(ks[2], (128, 128), dtype=jnp.float32) * 0.05
    b0 = jnp.zeros((128,), dtype=jnp.float32)
    W1 = jax.random.normal(ks[3], (128, 128), dtype=jnp.float32) * 0.05
    b1 = jnp.zeros((128,), dtype=jnp.float32)
    W2 = jax.random.normal(ks[4], (5, 128), dtype=jnp.float32) * 0.05
    b2 = jnp.zeros((5,), dtype=jnp.float32)
    return {"x": x, "edge_index": edge_index, "W0": W0, "b0": b0,
            "W1": W1, "b1": b1, "W2": W2, "b2": b2}


def reference(x, edge_index, W0, b0, W1, b1, W2, b2):
    h = jax.nn.relu(gcn_conv(x, edge_index, W0, b0))
    h = jax.nn.relu(gcn_conv(h, edge_index, W1, b1))
    out = gcn_conv(h, edge_index, W2, b2)
    return out

if __name__ == "__main__":
    import jax
    _d = setup_inputs()
    print(jax.jit(kernel)(*tuple(_d.values())))

</pallas_src>

<mosaic_0001>
#map = affine_map<(d0, d1) -> (0, 0, 0)>
#map1 = affine_map<(d0, d1) -> (0, 0)>
module attributes {stable_mosaic.version = 14 : i64} {
  func.func @_deg(%arg0: i32, %arg1: i32, %arg2: memref<32x80x128xi32, #tpu.memory_space<hbm>>, %arg3: memref<128x16xf32, #tpu.memory_space<hbm>>, %arg4: memref<10240x16xf32, #tpu.memory_space<hbm>>, %arg5: memref<2x10240x16xf32, #tpu.memory_space<hbm>>, %arg6: memref<80x128xi32, #tpu.memory_space<vmem>>, %arg7: memref<128x16xf32, #tpu.memory_space<vmem>>, %arg8: memref<10240x16xf32, #tpu.memory_space<vmem_shared>>, %arg9: memref<!tpu.dma_semaphore, #tpu.memory_space<semaphore_mem>>) attributes {dimension_semantics = [#tpu.dimension_semantics<core_parallel>, #tpu.dimension_semantics<subcore_parallel>], iteration_bounds = array<i64: 2, 16>, scalar_prefetch = 0 : i64, scratch_operands = 4 : i64, tpu.core_type = #tpu.core_type<sc_vector_subcore>, window_params = [{transform_indices = #map}, {transform_indices = #map1}, {transform_indices = #map1}, {transform_indices = #map}]} {
    %mul3A = arith.constant 2 : i32
    %mul3A_0 = arith.muli %arg1, %mul3A : i32
    %add3A = arith.addi %mul3A_0, %arg0 : i32
    %mul3A_1 = arith.constant 640 : i32
    %mul3A_2 = arith.muli %arg1, %mul3A_1 : i32
    %mul3A_3 = arith.constant 640 : i32
    %mul3A_4 = arith.muli %arg1, %mul3A_3 : i32
    "tpu.region"() ({
      %run_scoped3A = tpu.sem_alloc : memref<!tpu.dma_semaphore, #tpu.memory_space<semaphore_mem>>
      %dma_start3A = arith.constant 0 : i32
      %dma_start3A_15 = tpu.memref_slice %arg8[%mul3A_4, %dma_start3A] : memref<10240x16xf32, #tpu.memory_space<vmem_shared>> -> memref<640x16xf32, #tpu.memory_space<vmem_shared>>
      %dma_start3A_16 = arith.constant 0 : i32
      %dma_start3A_17 = tpu.memref_slice %arg4[%mul3A_2, %dma_start3A_16] : memref<10240x16xf32, #tpu.memory_space<hbm>> -> memref<640x16xf32, #tpu.memory_space<hbm>>
      tpu.enqueue_dma source(%dma_start3A_17 : memref<640x16xf32, #tpu.memory_space<hbm>>) target(%dma_start3A_15 : memref<640x16xf32, #tpu.memory_space<vmem_shared>>) target_semaphore(%run_scoped3A : memref<!tpu.dma_semaphore, #tpu.memory_space<semaphore_mem>>)
      %dma_wait3A = arith.constant 0 : i32
      %dma_wait3A_18 = tpu.memref_slice %arg8[%mul3A_4, %dma_wait3A] : memref<10240x16xf32, #tpu.memory_space<vmem_shared>> -> memref<640x16xf32, #tpu.memory_space<vmem_shared>>
      %dma_wait3A_19 = arith.constant 0 : i32
      %dma_wait3A_20 = tpu.memref_slice %arg4[%mul3A_2, %dma_wait3A_19] : memref<10240x16xf32, #tpu.memory_space<hbm>> -> memref<640x16xf32, #tpu.memory_space<hbm>>
      tpu.wait_dma2 semaphore(%run_scoped3A : memref<!tpu.dma_semaphore, #tpu.memory_space<semaphore_mem>>) src(%dma_wait3A_20 : memref<640x16xf32, #tpu.memory_space<hbm>>) dst(%dma_wait3A_18 : memref<640x16xf32, #tpu.memory_space<vmem_shared>>)
      tpu.yield
    }) : () -> ()
    "tpu.region"() ({
      %run_scoped3A = tpu.sem_alloc : memref<!tpu.dma_semaphore, #tpu.memory_space<semaphore_mem>>
      tpu.enqueue_dma source(%arg3 : memref<128x16xf32, #tpu.memory_space<hbm>>) target(%arg7 : memref<128x16xf32, #tpu.memory_space<vmem>>) target_semaphore(%run_scoped3A : memref<!tpu.dma_semaphore, #tpu.memory_space<semaphore_mem>>)
      tpu.wait_dma2 semaphore(%run_scoped3A : memref<!tpu.dma_semaphore, #tpu.memory_space<semaphore_mem>>) src(%arg3 : memref<128x16xf32, #tpu.memory_space<hbm>>) dst(%arg7 : memref<128x16xf32, #tpu.memory_space<vmem>>)
      tpu.yield
    }) : () -> ()
    "tpu.region"() ({
      %run_scoped3A = tpu.sem_alloc : memref<!tpu.dma_semaphore, #tpu.memory_space<semaphore_mem>>
      %dma_start3A = arith.constant 0 : i32
      %dma_start3A_15 = arith.constant 0 : i32
      %dma_start3A_16 = tpu.memref_slice %arg2[%add3A, %dma_start3A, %dma_start3A_15] : memref<32x80x128xi32, #tpu.memory_space<hbm>> -> memref<1x80x128xi32, #tpu.memory_space<hbm>>
      %dma_start3A_17 = tpu.memref_squeeze %dma_start3A_16 : memref<1x80x128xi32, #tpu.memory_space<hbm>> -> memref<80x128xi32, #tpu.memory_space<hbm>>
      %dma_start3A_18 = arith.constant 0 : i32
      %dma_start3A_19 = arith.constant 0 : i32
      %dma_start3A_20 = tpu.memref_slice %arg2[%add3A, %dma_start3A_18, %dma_start3A_19] : memref<32x80x128xi32, #tpu.memory_space<hbm>> -> memref<1x80x128xi32, #tpu.memory_space<hbm>>
      %dma_start3A_21 = tpu.memref_squeeze %dma_start3A_20 : memref<1x80x128xi32, #tpu.memory_space<hbm>> -> memref<80x128xi32, #tpu.memory_space<hbm>>
      tpu.enqueue_dma source(%dma_start3A_21 : memref<80x128xi32, #tpu.memory_space<hbm>>) target(%arg6 : memref<80x128xi32, #tpu.memory_space<vmem>>) target_semaphore(%run_scoped3A : memref<!tpu.dma_semaphore, #tpu.memory_space<semaphore_mem>>)
      %dma_wait3A = arith.constant 0 : i32
      %dma_wait3A_22 = arith.constant 0 : i32
      %dma_wait3A_23 = tpu.memref_slice %arg2[%add3A, %dma_wait3A, %dma_wait3A_22] : memref<32x80x128xi32, #tpu.memory_space<hbm>> -> memref<1x80x128xi32, #tpu.memory_space<hbm>>
      %dma_wait3A_24 = tpu.memref_squeeze %dma_wait3A_23 : memref<1x80x128xi32, #tpu.memory_space<hbm>> -> memref<80x128xi32, #tpu.memory_space<hbm>>
      %dma_wait3A_25 = arith.constant 0 : i32
      %dma_wait3A_26 = arith.constant 0 : i32
      %dma_wait3A_27 = tpu.memref_slice %arg2[%add3A, %dma_wait3A_25, %dma_wait3A_26] : memref<32x80x128xi32, #tpu.memory_space<hbm>> -> memref<1x80x128xi32, #tpu.memory_space<hbm>>
      %dma_wait3A_28 = tpu.memref_squeeze %dma_wait3A_27 : memref<1x80x128xi32, #tpu.memory_space<hbm>> -> memref<80x128xi32, #tpu.memory_space<hbm>>
      tpu.wait_dma2 semaphore(%run_scoped3A : memref<!tpu.dma_semaphore, #tpu.memory_space<semaphore_mem>>) src(%dma_wait3A_28 : memref<80x128xi32, #tpu.memory_space<hbm>>) dst(%arg6 : memref<80x128xi32, #tpu.memory_space<vmem>>)
      tpu.yield
    }) : () -> ()
    %barrier3A = arith.constant 0 : index
    tpu.barrier barrier_id(%barrier3A)
    %scan3A = arith.constant 0 : i32
    %scan3A_5 = arith.constant 0 : i32
    %scan3A_6 = arith.constant 10 : i32
    %scan3A_7 = arith.addi %scan3A_5, %scan3A_6 : i32
    %scan3A_8 = arith.constant 1 : i32
    scf.for %scan3A_15 = %scan3A_5 to %scan3A_7 step %scan3A_8  : i32 {
      %mul3A_16 = arith.constant 8 : i32
      %mul3A_17 = arith.muli %mul3A_16, %scan3A_15 : i32
      %add3A_18 = arith.constant 0 : i32
      %add3A_19 = arith.addi %mul3A_17, %add3A_18 : i32
      %dma_start3A = arith.constant 0 : i32
      %dma_start3A_20 = tpu.memref_slice %arg6[%add3A_19, %dma_start3A] : memref<80x128xi32, #tpu.memory_space<vmem>> -> memref<1x128xi32, #tpu.memory_space<vmem>>
      %dma_start3A_21 = tpu.memref_squeeze %dma_start3A_20 : memref<1x128xi32, #tpu.memory_space<vmem>> -> memref<128xi32, #tpu.memory_space<vmem>>
      %dma_start3A_22 = arith.constant 0 : i32
      %dma_start3A_23 = arith.constant 0 : i32
      %dma_start3A_24 = tpu.memref_slice %arg8[%dma_start3A_22, %dma_start3A_23] : memref<10240x16xf32, #tpu.memory_space<vmem_shared>> -> memref<10240x16xf32, #tpu.memory_space<vmem_shared>>
      tpu.enqueue_indirect_dma source(%arg7 : memref<128x16xf32, #tpu.memory_space<vmem>>) target(%dma_start3A_24 : memref<10240x16xf32, #tpu.memory_space<vmem_shared>>) offsets(%dma_start3A_21 : memref<128xi32, #tpu.memory_space<vmem>>) semaphore(%arg9 : memref<!tpu.dma_semaphore, #tpu.memory_space<semaphore_mem>>) {add = true}
      %mul3A_25 = arith.constant 8 : i32
      %mul3A_26 = arith.muli %mul3A_25, %scan3A_15 : i32
      %add3A_27 = arith.constant 1 : i32
      %add3A_28 = arith.addi %mul3A_26, %add3A_27 : i32
      %dma_start3A_29 = arith.constant 0 : i32
      %dma_start3A_30 = tpu.memref_slice %arg6[%add3A_28, %dma_start3A_29] : memref<80x128xi32, #tpu.memory_space<vmem>> -> memref<1x128xi32, #tpu.memory_space<vmem>>
      %dma_start3A_31 = tpu.memref_squeeze %dma_start3A_30 : memref<1x128xi32, #tpu.memory_space<vmem>> -> memref<128xi32, #tpu.memory_space<vmem>>
      %dma_start3A_32 = arith.constant 0 : i32
      %dma_start3A_33 = arith.constant 0 : i32
      %dma_start3A_34 = tpu.memref_slice %arg8[%dma_start3A_32, %dma_start3A_33] : memref<10240x16xf32, #tpu.memory_space<vmem_shared>> -> memref<10240x16xf32, #tpu.memory_space<vmem_shared>>
      tpu.enqueue_indirect_dma source(%arg7 : memref<128x16xf32, #tpu.memory_space<vmem>>) target(%dma_start3A_34 : memref<10240x16xf32, #tpu.memory_space<vmem_shared>>) offsets(%dma_start3A_31 : memref<128xi32, #tpu.memory_space<vmem>>) semaphore(%arg9 : memref<!tpu.dma_semaphore, #tpu.memory_space<semaphore_mem>>) {add = true}
      %mul3A_35 = arith.constant 8 : i32
      %mul3A_36 = arith.muli %mul3A_35, %scan3A_15 : i32
      %add3A_37 = arith.constant 2 : i32
      %add3A_38 = arith.addi %mul3A_36, %add3A_37 : i32
      %dma_start3A_39 = arith.constant 0 : i32
      %dma_start3A_40 = tpu.memref_slice %arg6[%add3A_38, %dma_start3A_39] : memref<80x128xi32, #tpu.memory_space<vmem>> -> memref<1x128xi32, #tpu.memory_space<vmem>>
      %dma_start3A_41 = tpu.memref_squeeze %dma_start3A_40 : memref<1x128xi32, #tpu.memory_space<vmem>> -> memref<128xi32, #tpu.memory_space<vmem>>
      %dma_start3A_42 = arith.constant 0 : i32
      %dma_start3A_43 = arith.constant 0 : i32
      %dma_start3A_44 = tpu.memref_slice %arg8[%dma_start3A_42, %dma_start3A_43] : memref<10240x16xf32, #tpu.memory_space<vmem_shared>> -> memref<10240x16xf32, #tpu.memory_space<vmem_shared>>
      tpu.enqueue_indirect_dma source(%arg7 : memref<128x16xf32, #tpu.memory_space<vmem>>) target(%dma_start3A_44 : memref<10240x16xf32, #tpu.memory_space<vmem_shared>>) offsets(%dma_start3A_41 : memref<128xi32, #tpu.memory_space<vmem>>) semaphore(%arg9 : memref<!tpu.dma_semaphore, #tpu.memory_space<semaphore_mem>>) {add = true}
      %mul3A_45 = arith.constant 8 : i32
      %mul3A_46 = arith.muli %mul3A_45, %scan3A_15 : i32
      %add3A_47 = arith.constant 3 : i32
      %add3A_48 = arith.addi %mul3A_46, %add3A_47 : i32
      %dma_start3A_49 = arith.constant 0 : i32
      %dma_start3A_50 = tpu.memref_slice %arg6[%add3A_48, %dma_start3A_49] : memref<80x128xi32, #tpu.memory_space<vmem>> -> memref<1x128xi32, #tpu.memory_space<vmem>>
      %dma_start3A_51 = tpu.memref_squeeze %dma_start3A_50 : memref<1x128xi32, #tpu.memory_space<vmem>> -> memref<128xi32, #tpu.memory_space<vmem>>
      %dma_start3A_52 = arith.constant 0 : i32
      %dma_start3A_53 = arith.constant 0 : i32
      %dma_start3A_54 = tpu.memref_slice %arg8[%dma_start3A_52, %dma_start3A_53] : memref<10240x16xf32, #tpu.memory_space<vmem_shared>> -> memref<10240x16xf32, #tpu.memory_space<vmem_shared>>
      tpu.enqueue_indirect_dma source(%arg7 : memref<128x16xf32, #tpu.memory_space<vmem>>) target(%dma_start3A_54 : memref<10240x16xf32, #tpu.memory_space<vmem_shared>>) offsets(%dma_start3A_51 : memref<128xi32, #tpu.memory_space<vmem>>) semaphore(%arg9 : memref<!tpu.dma_semaphore, #tpu.memory_space<semaphore_mem>>) {add = true}
      %mul3A_55 = arith.constant 8 : i32
      %mul3A_56 = arith.muli %mul3A_55, %scan3A_15 : i32
      %add3A_57 = arith.constant 4 : i32
      %add3A_58 = arith.addi %mul3A_56, %add3A_57 : i32
      %dma_start3A_59 = arith.constant 0 : i32
      %dma_start3A_60 = tpu.memref_slice %arg6[%add3A_58, %dma_start3A_59] : memref<80x128xi32, #tpu.memory_space<vmem>> -> memref<1x128xi32, #tpu.memory_space<vmem>>
      %dma_start3A_61 = tpu.memref_squeeze %dma_start3A_60 : memref<1x128xi32, #tpu.memory_space<vmem>> -> memref<128xi32, #tpu.memory_space<vmem>>
      %dma_start3A_62 = arith.constant 0 : i32
      %dma_start3A_63 = arith.constant 0 : i32
      %dma_start3A_64 = tpu.memref_slice %arg8[%dma_start3A_62, %dma_start3A_63] : memref<10240x16xf32, #tpu.memory_space<vmem_shared>> -> memref<10240x16xf32, #tpu.memory_space<vmem_shared>>
      tpu.enqueue_indirect_dma source(%arg7 : memref<128x16xf32, #tpu.memory_space<vmem>>) target(%dma_start3A_64 : memref<10240x16xf32, #tpu.memory_space<vmem_shared>>) offsets(%dma_start3A_61 : memref<128xi32, #tpu.memory_space<vmem>>) semaphore(%arg9 : memref<!tpu.dma_semaphore, #tpu.memory_space<semaphore_mem>>) {add = true}
      %mul3A_65 = arith.constant 8 : i32
      %mul3A_66 = arith.muli %mul3A_65, %scan3A_15 : i32
      %add3A_67 = arith.constant 5 : i32
      %add3A_68 = arith.addi %mul3A_66, %add3A_67 : i32
      %dma_start3A_69 = arith.constant 0 : i32
      %dma_start3A_70 = tpu.memref_slice %arg6[%add3A_68, %dma_start3A_69] : memref<80x128xi32, #tpu.memory_space<vmem>> -> memref<1x128xi32, #tpu.memory_space<vmem>>
      %dma_start3A_71 = tpu.memref_squeeze %dma_start3A_70 : memref<1x128xi32, #tpu.memory_space<vmem>> -> memref<128xi32, #tpu.memory_space<vmem>>
      %dma_start3A_72 = arith.constant 0 : i32
      %dma_start3A_73 = arith.constant 0 : i32
      %dma_start3A_74 = tpu.memref_slice %arg8[%dma_start3A_72, %dma_start3A_73] : memref<10240x16xf32, #tpu.memory_space<vmem_shared>> -> memref<10240x16xf32, #tpu.memory_space<vmem_shared>>
      tpu.enqueue_indirect_dma source(%arg7 : memref<128x16xf32, #tpu.memory_space<vmem>>) target(%dma_start3A_74 : memref<10240x16xf32, #tpu.memory_space<vmem_shared>>) offsets(%dma_start3A_71 : memref<128xi32, #tpu.memory_space<vmem>>) semaphore(%arg9 : memref<!tpu.dma_semaphore, #tpu.memory_space<semaphore_mem>>) {add = true}
      %mul3A_75 = arith.constant 8 : i32
      %mul3A_76 = arith.muli %mul3A_75, %scan3A_15 : i32
      %add3A_77 = arith.constant 6 : i32
      %add3A_78 = arith.addi %mul3A_76, %add3A_77 : i32
      %dma_start3A_79 = arith.constant 0 : i32
      %dma_start3A_80 = tpu.memref_slice %arg6[%add3A_78, %dma_start3A_79] : memref<80x128xi32, #tpu.memory_space<vmem>> -> memref<1x128xi32, #tpu.memory_space<vmem>>
      %dma_start3A_81 = tpu.memref_squeeze %dma_start3A_80 : memref<1x128xi32, #tpu.memory_space<vmem>> -> memref<128xi32, #tpu.memory_space<vmem>>
      %dma_start3A_82 = arith.constant 0 : i32
      %dma_start3A_83 = arith.constant 0 : i32
      %dma_start3A_84 = tpu.memref_slice %arg8[%dma_start3A_82, %dma_start3A_83] : memref<10240x16xf32, #tpu.memory_space<vmem_shared>> -> memref<10240x16xf32, #tpu.memory_space<vmem_shared>>
      tpu.enqueue_indirect_dma source(%arg7 : memref<128x16xf32, #tpu.memory_space<vmem>>) target(%dma_start3A_84 : memref<10240x16xf32, #tpu.memory_space<vmem_shared>>) offsets(%dma_start3A_81 : memref<128xi32, #tpu.memory_space<vmem>>) semaphore(%arg9 : memref<!tpu.dma_semaphore, #tpu.memory_space<semaphore_mem>>) {add = true}
      %mul3A_85 = arith.constant 8 : i32
      %mul3A_86 = arith.muli %mul3A_85, %scan3A_15 : i32
      %add3A_87 = arith.constant 7 : i32
      %add3A_88 = arith.addi %mul3A_86, %add3A_87 : i32
      %dma_start3A_89 = arith.constant 0 : i32
      %dma_start3A_90 = tpu.memref_slice %arg6[%add3A_88, %dma_start3A_89] : memref<80x128xi32, #tpu.memory_space<vmem>> -> memref<1x128xi32, #tpu.memory_space<vmem>>
      %dma_start3A_91 = tpu.memref_squeeze %dma_start3A_90 : memref<1x128xi32, #tpu.memory_space<vmem>> -> memref<128xi32, #tpu.memory_space<vmem>>
      %dma_start3A_92 = arith.constant 0 : i32
      %dma_start3A_93 = arith.constant 0 : i32
      %dma_start3A_94 = tpu.memref_slice %arg8[%dma_start3A_92, %dma_start3A_93] : memref<10240x16xf32, #tpu.memory_space<vmem_shared>> -> memref<10240x16xf32, #tpu.memory_space<vmem_shared>>
      tpu.enqueue_indirect_dma source(%arg7 : memref<128x16xf32, #tpu.memory_space<vmem>>) target(%dma_start3A_94 : memref<10240x16xf32, #tpu.memory_space<vmem_shared>>) offsets(%dma_start3A_91 : memref<128xi32, #tpu.memory_space<vmem>>) semaphore(%arg9 : memref<!tpu.dma_semaphore, #tpu.memory_space<semaphore_mem>>) {add = true}
      %mul3A_95 = arith.constant 8 : i32
      %mul3A_96 = arith.muli %mul3A_95, %scan3A_15 : i32
      %add3A_97 = arith.constant 0 : i32
      %add3A_98 = arith.addi %mul3A_96, %add3A_97 : i32
      %dma_wait3A = arith.constant 0 : i32
      %dma_wait3A_99 = tpu.memref_slice %arg6[%add3A_98, %dma_wait3A] : memref<80x128xi32, #tpu.memory_space<vmem>> -> memref<1x128xi32, #tpu.memory_space<vmem>>
      %dma_wait3A_100 = tpu.memref_squeeze %dma_wait3A_99 : memref<1x128xi32, #tpu.memory_space<vmem>> -> memref<128xi32, #tpu.memory_space<vmem>>
      %dma_wait3A_101 = arith.constant 0 : i32
      %dma_wait3A_102 = arith.constant 0 : i32
      %dma_wait3A_103 = tpu.memref_slice %arg8[%dma_wait3A_101, %dma_wait3A_102] : memref<10240x16xf32, #tpu.memory_space<vmem_shared>> -> memref<10240x16xf32, #tpu.memory_space<vmem_shared>>
      tpu.wait_indirect_dma semaphore(%arg9 : memref<!tpu.dma_semaphore, #tpu.memory_space<semaphore_mem>>) src(%arg7 : memref<128x16xf32, #tpu.memory_space<vmem>>) dst(%dma_wait3A_103 : memref<10240x16xf32, #tpu.memory_space<vmem_shared>>)
      %mul3A_104 = arith.constant 8 : i32
      %mul3A_105 = arith.muli %mul3A_104, %scan3A_15 : i32
      %add3A_106 = arith.constant 1 : i32
      %add3A_107 = arith.addi %mul3A_105, %add3A_106 : i32
      %dma_wait3A_108 = arith.constant 0 : i32
      %dma_wait3A_109 = tpu.memref_slice %arg6[%add3A_107, %dma_wait3A_108] : memref<80x128xi32, #tpu.memory_space<vmem>> -> memref<1x128xi32, #tpu.memory_space<vmem>>
      %dma_wait3A_110 = tpu.memref_squeeze %dma_wait3A_109 : memref<1x128xi32, #tpu.memory_space<vmem>> -> memref<128xi32, #tpu.memory_space<vmem>>
      %dma_wait3A_111 = arith.constant 0 : i32
      %dma_wait3A_112 = arith.constant 0 : i32
      %dma_wait3A_113 = tpu.memref_slice %arg8[%dma_wait3A_111, %dma_wait3A_112] : memref<10240x16xf32, #tpu.memory_space<vmem_shared>> -> memref<10240x16xf32, #tpu.memory_space<vmem_shared>>
      tpu.wait_indirect_dma semaphore(%arg9 : memref<!tpu.dma_semaphore, #tpu.memory_space<semaphore_mem>>) src(%arg7 : memref<128x16xf32, #tpu.memory_space<vmem>>) dst(%dma_wait3A_113 : memref<10240x16xf32, #tpu.memory_space<vmem_shared>>)
      %mul3A_114 = arith.constant 8 : i32
      %mul3A_115 = arith.muli %mul3A_114, %scan3A_15 : i32
      %add3A_116 = arith.constant 2 : i32
      %add3A_117 = arith.addi %mul3A_115, %add3A_116 : i32
      %dma_wait3A_118 = arith.constant 0 : i32
      %dma_wait3A_119 = tpu.memref_slice %arg6[%add3A_117, %dma_wait3A_118] : memref<80x128xi32, #tpu.memory_space<vmem>> -> memref<1x128xi32, #tpu.memory_space<vmem>>
      %dma_wait3A_120 = tpu.memref_squeeze %dma_wait3A_119 : memref<1x128xi32, #tpu.memory_space<vmem>> -> memref<128xi32, #tpu.memory_space<vmem>>
      %dma_wait3A_121 = arith.constant 0 : i32
      %dma_wait3A_122 = arith.constant 0 : i32
      %dma_wait3A_123 = tpu.memref_slice %arg8[%dma_wait3A_121, %dma_wait3A_122] : memref<10240x16xf32, #tpu.memory_space<vmem_shared>> -> memref<10240x16xf32, #tpu.memory_space<vmem_shared>>
      tpu.wait_indirect_dma semaphore(%arg9 : memref<!tpu.dma_semaphore, #tpu.memory_space<semaphore_mem>>) src(%arg7 : memref<128x16xf32, #tpu.memory_space<vmem>>) dst(%dma_wait3A_123 : memref<10240x16xf32, #tpu.memory_space<vmem_shared>>)
      %mul3A_124 = arith.constant 8 : i32
      %mul3A_125 = arith.muli %mul3A_124, %scan3A_15 : i32
      %add3A_126 = arith.constant 3 : i32
      %add3A_127 = arith.addi %mul3A_125, %add3A_126 : i32
      %dma_wait3A_128 = arith.constant 0 : i32
      %dma_wait3A_129 = tpu.memref_slice %arg6[%add3A_127, %dma_wait3A_128] : memref<80x128xi32, #tpu.memory_space<vmem>> -> memref<1x128xi32, #tpu.memory_space<vmem>>
      %dma_wait3A_130 = tpu.memref_squeeze %dma_wait3A_129 : memref<1x128xi32, #tpu.memory_space<vmem>> -> memref<128xi32, #tpu.memory_space<vmem>>
      %dma_wait3A_131 = arith.constant 0 : i32
      %dma_wait3A_132 = arith.constant 0 : i32
      %dma_wait3A_133 = tpu.memref_slice %arg8[%dma_wait3A_131, %dma_wait3A_132] : memref<10240x16xf32, #tpu.memory_space<vmem_shared>> -> memref<10240x16xf32, #tpu.memory_space<vmem_shared>>
      tpu.wait_indirect_dma semaphore(%arg9 : memref<!tpu.dma_semaphore, #tpu.memory_space<semaphore_mem>>) src(%arg7 : memref<128x16xf32, #tpu.memory_space<vmem>>) dst(%dma_wait3A_133 : memref<10240x16xf32, #tpu.memory_space<vmem_shared>>)
      %mul3A_134 = arith.constant 8 : i32
      %mul3A_135 = arith.muli %mul3A_134, %scan3A_15 : i32
      %add3A_136 = arith.constant 4 : i32
      %add3A_137 = arith.addi %mul3A_135, %add3A_136 : i32
      %dma_wait3A_138 = arith.constant 0 : i32
      %dma_wait3A_139 = tpu.memref_slice %arg6[%add3A_137, %dma_wait3A_138] : memref<80x128xi32, #tpu.memory_space<vmem>> -> memref<1x128xi32, #tpu.memory_space<vmem>>
      %dma_wait3A_140 = tpu.memref_squeeze %dma_wait3A_139 : memref<1x128xi32, #tpu.memory_space<vmem>> -> memref<128xi32, #tpu.memory_space<vmem>>
      %dma_wait3A_141 = arith.constant 0 : i32
      %dma_wait3A_142 = arith.constant 0 : i32
      %dma_wait3A_143 = tpu.memref_slice %arg8[%dma_wait3A_141, %dma_wait3A_142] : memref<10240x16xf32, #tpu.memory_space<vmem_shared>> -> memref<10240x16xf32, #tpu.memory_space<vmem_shared>>
      tpu.wait_indirect_dma semaphore(%arg9 : memref<!tpu.dma_semaphore, #tpu.memory_space<semaphore_mem>>) src(%arg7 : memref<128x16xf32, #tpu.memory_space<vmem>>) dst(%dma_wait3A_143 : memref<10240x16xf32, #tpu.memory_space<vmem_shared>>)
      %mul3A_144 = arith.constant 8 : i32
      %mul3A_145 = arith.muli %mul3A_144, %scan3A_15 : i32
      %add3A_146 = arith.constant 5 : i32
      %add3A_147 = arith.addi %mul3A_145, %add3A_146 : i32
      %dma_wait3A_148 = arith.constant 0 : i32
      %dma_wait3A_149 = tpu.memref_slice %arg6[%add3A_147, %dma_wait3A_148] : memref<80x128xi32, #tpu.memory_space<vmem>> -> memref<1x128xi32, #tpu.memory_space<vmem>>
      %dma_wait3A_150 = tpu.memref_squeeze %dma_wait3A_149 : memref<1x128xi32, #tpu.memory_space<vmem>> -> memref<128xi32, #tpu.memory_space<vmem>>
      %dma_wait3A_151 = arith.constant 0 : i32
      %dma_wait3A_152 = arith.constant 0 : i32
      %dma_wait3A_153 = tpu.memref_slice %arg8[%dma_wait3A_151, %dma_wait3A_152] : memref<10240x16xf32, #tpu.memory_space<vmem_shared>> -> memref<10240x16xf32, #tpu.memory_space<vmem_shared>>
      tpu.wait_indirect_dma semaphore(%arg9 : memref<!tpu.dma_semaphore, #tpu.memory_space<semaphore_mem>>) src(%arg7 : memref<128x16xf32, #tpu.memory_space<vmem>>) dst(%dma_wait3A_153 : memref<10240x16xf32, #tpu.memory_space<vmem_shared>>)
      %mul3A_154 = arith.constant 8 : i32
      %mul3A_155 = arith.muli %mul3A_154, %scan3A_15 : i32
      %add3A_156 = arith.constant 6 : i32
      %add3A_157 = arith.addi %mul3A_155, %add3A_156 : i32
      %dma_wait3A_158 = arith.constant 0 : i32
      %dma_wait3A_159 = tpu.memref_slice %arg6[%add3A_157, %dma_wait3A_158] : memref<80x128xi32, #tpu.memory_space<vmem>> -> memref<1x128xi32, #tpu.memory_space<vmem>>
      %dma_wait3A_160 = tpu.memref_squeeze %dma_wait3A_159 : memref<1x128xi32, #tpu.memory_space<vmem>> -> memref<128xi32, #tpu.memory_space<vmem>>
      %dma_wait3A_161 = arith.constant 0 : i32
      %dma_wait3A_162 = arith.constant 0 : i32
      %dma_wait3A_163 = tpu.memref_slice %arg8[%dma_wait3A_161, %dma_wait3A_162] : memref<10240x16xf32, #tpu.memory_space<vmem_shared>> -> memref<10240x16xf32, #tpu.memory_space<vmem_shared>>
      tpu.wait_indirect_dma semaphore(%arg9 : memref<!tpu.dma_semaphore, #tpu.memory_space<semaphore_mem>>) src(%arg7 : memref<128x16xf32, #tpu.memory_space<vmem>>) dst(%dma_wait3A_163 : memref<10240x16xf32, #tpu.memory_space<vmem_shared>>)
      %mul3A_164 = arith.constant 8 : i32
      %mul3A_165 = arith.muli %mul3A_164, %scan3A_15 : i32
      %add3A_166 = arith.constant 7 : i32
      %add3A_167 = arith.addi %mul3A_165, %add3A_166 : i32
      %dma_wait3A_168 = arith.constant 0 : i32
      %dma_wait3A_169 = tpu.memref_slice %arg6[%add3A_167, %dma_wait3A_168] : memref<80x128xi32, #tpu.memory_space<vmem>> -> memref<1x128xi32, #tpu.memory_space<vmem>>
      %dma_wait3A_170 = tpu.memref_squeeze %dma_wait3A_169 : memref<1x128xi32, #tpu.memory_space<vmem>> -> memref<128xi32, #tpu.memory_space<vmem>>
      %dma_wait3A_171 = arith.constant 0 : i32
      %dma_wait3A_172 = arith.constant 0 : i32
      %dma_wait3A_173 = tpu.memref_slice %arg8[%dma_wait3A_171, %dma_wait3A_172] : memref<10240x16xf32, #tpu.memory_space<vmem_shared>> -> memref<10240x16xf32, #tpu.memory_space<vmem_shared>>
      tpu.wait_indirect_dma semaphore(%arg9 : memref<!tpu.dma_semaphore, #tpu.memory_space<semaphore_mem>>) src(%arg7 : memref<128x16xf32, #tpu.memory_space<vmem>>) dst(%dma_wait3A_173 : memref<10240x16xf32, #tpu.memory_space<vmem_shared>>)
    }
    %scan3A_9 = arith.constant 10 : i32
    %barrier3A_10 = arith.constant 0 : index
    tpu.barrier barrier_id(%barrier3A_10)
    %mul3A_11 = arith.constant 640 : i32
    %mul3A_12 = arith.muli %arg1, %mul3A_11 : i32
    %mul3A_13 = arith.constant 640 : i32
    %mul3A_14 = arith.muli %arg1, %mul3A_13 : i32
    "tpu.region"() ({
      %run_scoped3A = tpu.sem_alloc : memref<!tpu.dma_semaphore, #tpu.memory_space<semaphore_mem>>
      %dma_start3A = arith.constant 0 : i32
      %dma_start3A_15 = tpu.memref_slice %arg5[%arg0, %mul3A_14, %dma_start3A] : memref<2x10240x16xf32, #tpu.memory_space<hbm>> -> memref<1x640x16xf32, #tpu.memory_space<hbm>>
      %dma_start3A_16 = tpu.memref_squeeze %dma_start3A_15 : memref<1x640x16xf32, #tpu.memory_space<hbm>> -> memref<640x16xf32, #tpu.memory_space<hbm>>
      %dma_start3A_17 = arith.constant 0 : i32
      %dma_start3A_18 = tpu.memref_slice %arg8[%mul3A_12, %dma_start3A_17] : memref<10240x16xf32, #tpu.memory_space<vmem_shared>> -> memref<640x16xf32, #tpu.memory_space<vmem_shared>>
      tpu.enqueue_dma source(%dma_start3A_18 : memref<640x16xf32, #tpu.memory_space<vmem_shared>>) target(%dma_start3A_16 : memref<640x16xf32, #tpu.memory_space<hbm>>) target_semaphore(%run_scoped3A : memref<!tpu.dma_semaphore, #tpu.memory_space<semaphore_mem>>)
      %dma_wait3A = arith.constant 0 : i32
      %dma_wait3A_19 = tpu.memref_slice %arg5[%arg0, %mul3A_14, %dma_wait3A] : memref<2x10240x16xf32, #tpu.memory_space<hbm>> -> memref<1x640x16xf32, #tpu.memory_space<hbm>>
      %dma_wait3A_20 = tpu.memref_squeeze %dma_wait3A_19 : memref<1x640x16xf32, #tpu.memory_space<hbm>> -> memref<640x16xf32, #tpu.memory_space<hbm>>
      %dma_wait3A_21 = arith.constant 0 : i32
      %dma_wait3A_22 = tpu.memref_slice %arg8[%mul3A_12, %dma_wait3A_21] : memref<10240x16xf32, #tpu.memory_space<vmem_shared>> -> memref<640x16xf32, #tpu.memory_space<vmem_shared>>
      tpu.wait_dma2 semaphore(%run_scoped3A : memref<!tpu.dma_semaphore, #tpu.memory_space<semaphore_mem>>) src(%dma_wait3A_22 : memref<640x16xf32, #tpu.memory_space<vmem_shared>>) dst(%dma_wait3A_20 : memref<640x16xf32, #tpu.memory_space<hbm>>)
      tpu.yield
    }) : () -> ()
    return
  }
}

#map = affine_map<(d0, d1) -> (0, 0, 0)>
#map1 = affine_map<(d0, d1) -> (0, 0)>
module attributes {stable_mosaic.version = 14 : i64} {
  func.func @_agg_col(%arg0: i32, %arg1: i32, %arg2: memref<2x10240x64xf32, #tpu.memory_space<hbm>>, %arg3: memref<16x160x128xi32, #tpu.memory_space<hbm>>, %arg4: memref<10240x64xf32, #tpu.memory_space<hbm>>, %arg5: memref<2x10240x64xf32, #tpu.memory_space<hbm>>, %arg6: memref<160x128xi32, #tpu.memory_space<vmem>>, %arg7: memref<128xi32, #tpu.memory_space<vmem>>, %arg8: memref<128xi32, #tpu.memory_space<vmem>>, %arg9: memref<128xi32, #tpu.memory_space<vmem>>, %arg10: memref<128xi32, #tpu.memory_space<vmem>>, %arg11: memref<128x64xf32, #tpu.memory_space<vmem>>, %arg12: memref<128x64xf32, #tpu.memory_space<vmem>>, %arg13: memref<10240x64xf32, #tpu.memory_space<vmem_shared>>, %arg14: memref<10240x64xf32, #tpu.memory_space<vmem_shared>>, %arg15: memref<!tpu.dma_semaphore, #tpu.memory_space<semaphore_mem>>, %arg16: memref<!tpu.dma_semaphore, #tpu.memory_space<semaphore_mem>>, %arg17: memref<!tpu.dma_semaphore, #tpu.memory_space<semaphore_mem>>, %arg18: memref<!tpu.dma_semaphore, #tpu.memory_space<semaphore_mem>>) attributes {dimension_semantics = [#tpu.dimension_semantics<core_parallel>, #tpu.dimension_semantics<subcore_parallel>], iteration_bounds = array<i64: 2, 16>, scalar_prefetch = 0 : i64, scratch_operands = 13 : i64, tpu.core_type = #tpu.core_type<sc_vector_subcore>, window_params = [{transform_indices = #map}, {transform_indices = #map}, {transform_indices = #map1}, {transform_indices = #map}]} {
    %mul3A = arith.constant 640 : i32
    %mul3A_0 = arith.muli %arg1, %mul3A : i32
    %dma_start3A = arith.constant 0 : i32
    %dma_start3A_1 = tpu.memref_slice %arg14[%mul3A_0, %dma_start3A] : memref<10240x64xf32, #tpu.memory_space<vmem_shared>> -> memref<640x64xf32, #tpu.memory_space<vmem_shared>>
    %dma_start3A_2 = arith.constant 0 : i32
    %dma_start3A_3 = tpu.memref_slice %arg4[%mul3A_0, %dma_start3A_2] : memref<10240x64xf32, #tpu.memory_space<hbm>> -> memref<640x64xf32, #tpu.memory_space<hbm>>
    tpu.enqueue_dma source(%dma_start3A_3 : memref<640x64xf32, #tpu.memory_space<hbm>>) target(%dma_start3A_1 : memref<640x64xf32, #tpu.memory_space<vmem_shared>>) target_semaphore(%arg15 : memref<!tpu.dma_semaphore, #tpu.memory_space<semaphore_mem>>)
    %dma_start3A_4 = arith.constant 0 : i32
    %dma_start3A_5 = tpu.memref_slice %arg13[%mul3A_0, %dma_start3A_4] : memref<10240x64xf32, #tpu.memory_space<vmem_shared>> -> memref<640x64xf32, #tpu.memory_space<vmem_shared>>
    %dma_start3A_6 = arith.constant 0 : i32
    %dma_start3A_7 = tpu.memref_slice %arg2[%arg0, %mul3A_0, %dma_start3A_6] : memref<2x10240x64xf32, #tpu.memory_space<hbm>> -> memref<1x640x64xf32, #tpu.memory_space<hbm>>
    %dma_start3A_8 = tpu.memref_squeeze %dma_start3A_7 : memref<1x640x64xf32, #tpu.memory_space<hbm>> -> memref<640x64xf32, #tpu.memory_space<hbm>>
    tpu.enqueue_dma source(%dma_start3A_8 : memref<640x64xf32, #tpu.memory_space<hbm>>) target(%dma_start3A_5 : memref<640x64xf32, #tpu.memory_space<vmem_shared>>) target_semaphore(%arg16 : memref<!tpu.dma_semaphore, #tpu.memory_space<semaphore_mem>>)
    %dma_start3A_9 = arith.constant 0 : i32
    %dma_start3A_10 = arith.constant 0 : i32
    %dma_start3A_11 = tpu.memref_slice %arg3[%arg1, %dma_start3A_9, %dma_start3A_10] : memref<16x160x128xi32, #tpu.memory_space<hbm>> -> memref<1x160x128xi32, #tpu.memory_space<hbm>>
    %dma_start3A_12 = tpu.memref_squeeze %dma_start3A_11 : memref<1x160x128xi32, #tpu.memory_space<hbm>> -> memref<160x128xi32, #tpu.memory_space<hbm>>
    %dma_start3A_13 = arith.constant 0 : i32
    %dma_start3A_14 = arith.constant 0 : i32
    %dma_start3A_15 = tpu.memref_slice %arg3[%arg1, %dma_start3A_13, %dma_start3A_14] : memref<16x160x128xi32, #tpu.memory_space<hbm>> -> memref<1x160x128xi32, #tpu.memory_space<hbm>>
    %dma_start3A_16 = tpu.memref_squeeze %dma_start3A_15 : memref<1x160x128xi32, #tpu.memory_space<hbm>> -> memref<160x128xi32, #tpu.memory_space<hbm>>
    tpu.enqueue_dma source(%dma_start3A_16 : memref<160x128xi32, #tpu.memory_space<hbm>>) target(%arg6 : memref<160x128xi32, #tpu.memory_space<vmem>>) target_semaphore(%arg17 : memref<!tpu.dma_semaphore, #tpu.memory_space<semaphore_mem>>)
    %dma_wait3A = arith.constant 0 : i32
    %dma_wait3A_17 = tpu.memref_slice %arg14[%mul3A_0, %dma_wait3A] : memref<10240x64xf32, #tpu.memory_space<vmem_shared>> -> memref<640x64xf32, #tpu.memory_space<vmem_shared>>
    %dma_wait3A_18 = arith.constant 0 : i32
    %dma_wait3A_19 = tpu.memref_slice %arg4[%mul3A_0, %dma_wait3A_18] : memref<10240x64xf32, #tpu.memory_space<hbm>> -> memref<640x64xf32, #tpu.memory_space<hbm>>
    tpu.wait_dma2 semaphore(%arg15 : memref<!tpu.dma_semaphore, #tpu.memory_space<semaphore_mem>>) src(%dma_wait3A_19 : memref<640x64xf32, #tpu.memory_space<hbm>>) dst(%dma_wait3A_17 : memref<640x64xf32, #tpu.memory_space<vmem_shared>>)
    %dma_wait3A_20 = arith.constant 0 : i32
    %dma_wait3A_21 = tpu.memref_slice %arg13[%mul3A_0, %dma_wait3A_20] : memref<10240x64xf32, #tpu.memory_space<vmem_shared>> -> memref<640x64xf32, #tpu.memory_space<vmem_shared>>
    %dma_wait3A_22 = arith.constant 0 : i32
    %dma_wait3A_23 = tpu.memref_slice %arg2[%arg0, %mul3A_0, %dma_wait3A_22] : memref<2x10240x64xf32, #tpu.memory_space<hbm>> -> memref<1x640x64xf32, #tpu.memory_space<hbm>>
    %dma_wait3A_24 = tpu.memref_squeeze %dma_wait3A_23 : memref<1x640x64xf32, #tpu.memory_space<hbm>> -> memref<640x64xf32, #tpu.memory_space<hbm>>
    tpu.wait_dma2 semaphore(%arg16 : memref<!tpu.dma_semaphore, #tpu.memory_space<semaphore_mem>>) src(%dma_wait3A_24 : memref<640x64xf32, #tpu.memory_space<hbm>>) dst(%dma_wait3A_21 : memref<640x64xf32, #tpu.memory_space<vmem_shared>>)
    %dma_wait3A_25 = arith.constant 0 : i32
    %dma_wait3A_26 = arith.constant 0 : i32
    %dma_wait3A_27 = tpu.memref_slice %arg3[%arg1, %dma_wait3A_25, %dma_wait3A_26] : memref<16x160x128xi32, #tpu.memory_space<hbm>> -> memref<1x160x128xi32, #tpu.memory_space<hbm>>
    %dma_wait3A_28 = tpu.memref_squeeze %dma_wait3A_27 : memref<1x160x128xi32, #tpu.memory_space<hbm>> -> memref<160x128xi32, #tpu.memory_space<hbm>>
    %dma_wait3A_29 = arith.constant 0 : i32
    %dma_wait3A_30 = arith.constant 0 : i32
    %dma_wait3A_31 = tpu.memref_slice %arg3[%arg1, %dma_wait3A_29, %dma_wait3A_30] : memref<16x160x128xi32, #tpu.memory_space<hbm>> -> memref<1x160x128xi32, #tpu.memory_space<hbm>>
    %dma_wait3A_32 = tpu.memref_squeeze %dma_wait3A_31 : memref<1x160x128xi32, #tpu.memory_space<hbm>> -> memref<160x128xi32, #tpu.memory_space<hbm>>
    tpu.wait_dma2 semaphore(%arg17 : memref<!tpu.dma_semaphore, #tpu.memory_space<semaphore_mem>>) src(%dma_wait3A_32 : memref<160x128xi32, #tpu.memory_space<hbm>>) dst(%arg6 : memref<160x128xi32, #tpu.memory_space<vmem>>)
    %barrier3A = arith.constant 0 : index
    tpu.barrier barrier_id(%barrier3A)
    %get3A = arith.constant 0 : i32
    %get3A_33 = arith.index_cast %get3A : i32 to index
    %get3A_34 = arith.constant 0 : index
    %get3A_35 = tpu.vector_load %arg6[%get3A_33, %get3A_34] {strides = array<i32>} : memref<160x128xi32, #tpu.memory_space<vmem>>, vector<1x16xi32>,
    %get3A_36 = vector.shape_cast %get3A_35 : vector<1x16xi32> to vector<16xi32>
    %and3A = arith.constant 16383 : i32
    %and3A_37 = vector.broadcast %and3A : i32 to vector<16xi32>
    %and3A_38 = arith.andi %get3A_36, %and3A_37 : vector<16xi32>
    %swap3A = arith.constant 0 : index
    %swap3A_39 = tpu.vector_load %arg7[%swap3A] {strides = array<i32>} : memref<128xi32, #tpu.memory_space<vmem>>, vector<16xi32>,
    %swap3A_40 = vector.shape_cast %swap3A_39 : vector<16xi32> to vector<16xi32>
    %swap3A_41 = vector.shape_cast %and3A_38 : vector<16xi32> to vector<16xi32>
    tpu.vector_store %arg7[%swap3A], %swap3A_41 {strides = array<i32>} : memref<128xi32, #tpu.memory_space<vmem>>, vector<16xi32>,
    %shift_right_arithmetic3A = arith.constant 14 : i32
    %shift_right_arithmetic3A_42 = vector.broadcast %shift_right_arithmetic3A : i32 to vector<16xi32>
    %shift_right_arithmetic3A_43 = arith.shrsi %get3A_36, %shift_right_arithmetic3A_42 : vector<16xi32>
    %swap3A_44 = arith.constant 0 : index
    %swap3A_45 = tpu.vector_load %arg8[%swap3A_44] {strides = array<i32>} : memref<128xi32, #tpu.memory_space<vmem>>, vector<16xi32>,
    %swap3A_46 = vector.shape_cast %swap3A_45 : vector<16xi32> to vector<16xi32>
    %swap3A_47 = vector.shape_cast %shift_right_arithmetic3A_43 : vector<16xi32> to vector<16xi32>
    tpu.vector_store %arg8[%swap3A_44], %swap3A_47 {strides = array<i32>} : memref<128xi32, #tpu.memory_space<vmem>>, vector<16xi32>,
    %get3A_48 = arith.constant 0 : i32
    %get3A_49 = arith.index_cast %get3A_48 : i32 to index
    %get3A_50 = arith.constant 16 : index
    %get3A_51 = tpu.vector_load %arg6[%get3A_49, %get3A_50] {strides = array<i32>} : memref<160x128xi32, #tpu.memory_space<vmem>>, vector<1x16xi32>,
    %get3A_52 = vector.shape_cast %get3A_51 : vector<1x16xi32> to vector<16xi32>
    %and3A_53 = arith.constant 16383 : i32
    %and3A_54 = vector.broadcast %and3A_53 : i32 to vector<16xi32>
    %and3A_55 = arith.andi %get3A_52, %and3A_54 : vector<16xi32>
    %swap3A_56 = arith.constant 16 : index
    %swap3A_57 = tpu.vector_load %arg7[%swap3A_56] {strides = array<i32>} : memref<128xi32, #tpu.memory_space<vmem>>, vector<16xi32>,
    %swap3A_58 = vector.shape_cast %swap3A_57 : vector<16xi32> to vector<16xi32>
    %swap3A_59 = vector.shape_cast %and3A_55 : vector<16xi32> to vector<16xi32>
    tpu.vector_store %arg7[%swap3A_56], %swap3A_59 {strides = array<i32>} : memref<128xi32, #tpu.memory_space<vmem>>, vector<16xi32>,
    %shift_right_arithmetic3A_60 = arith.constant 14 : i32
    %shift_right_arithmetic3A_61 = vector.broadcast %shift_right_arithmetic3A_60 : i32 to vector<16xi32>
    %shift_right_arithmetic3A_62 = arith.shrsi %get3A_52, %shift_right_arithmetic3A_61 : vector<16xi32>
    %swap3A_63 = arith.constant 16 : index
    %swap3A_64 = tpu.vector_load %arg8[%swap3A_63] {strides = array<i32>} : memref<128xi32, #tpu.memory_space<vmem>>, vector<16xi32>,
    %swap3A_65 = vector.shape_cast %swap3A_64 : vector<16xi32> to vector<16xi32>
    %swap3A_66 = vector.shape_cast %shift_right_arithmetic3A_62 : vector<16xi32> to vector<16xi32>
    tpu.vector_store %arg8[%swap3A_63], %swap3A_66 {strides = array<i32>} : memref<128xi32, #tpu.memory_space<vmem>>, vector<16xi32>,
    %get3A_67 = arith.constant 0 : i32
    %get3A_68 = arith.index_cast %get3A_67 : i32 to index
    %get3A_69 = arith.constant 32 : index
    %get3A_70 = tpu.vector_load %arg6[%get3A_68, %get3A_69] {strides = array<i32>} : memref<160x128xi32, #tpu.memory_space<vmem>>, vector<1x16xi32>,
    %get3A_71 = vector.shape_cast %get3A_70 : vector<1x16xi32> to vector<16xi32>
    %and3A_72 = arith.constant 16383 : i32
    %and3A_73 = vector.broadcast %and3A_72 : i32 to vector<16xi32>
    %and3A_74 = arith.andi %get3A_71, %and3A_73 : vector<16xi32>
    %swap3A_75 = arith.constant 32 : index
    %swap3A_76 = tpu.vector_load %arg7[%swap3A_75] {strides = array<i32>} : memref<128xi32, #tpu.memory_space<vmem>>, vector<16xi32>,
    %swap3A_77 = vector.shape_cast %swap3A_76 : vector<16xi32> to vector<16xi32>
    %swap3A_78 = vector.shape_cast %and3A_74 : vector<16xi32> to vector<16xi32>
    tpu.vector_store %arg7[%swap3A_75], %swap3A_78 {strides = array<i32>} : memref<128xi32, #tpu.memory_space<vmem>>, vector<16xi32>,
    %shift_right_arithmetic3A_79 = arith.constant 14 : i32
    %shift_right_arithmetic3A_80 = vector.broadcast %shift_right_arithmetic3A_79 : i32 to vector<16xi32>
    %shift_right_arithmetic3A_81 = arith.shrsi %get3A_71, %shift_right_arithmetic3A_80 : vector<16xi32>
    %swap3A_82 = arith.constant 32 : index
    %swap3A_83 = tpu.vector_load %arg8[%swap3A_82] {strides = array<i32>} : memref<128xi32, #tpu.memory_space<vmem>>, vector<16xi32>,
    %swap3A_84 = vector.shape_cast %swap3A_83 : vector<16xi32> to vector<16xi32>
    %swap3A_85 = vector.shape_cast %shift_right_arithmetic3A_81 : vector<16xi32> to vector<16xi32>
    tpu.vector_store %arg8[%swap3A_82], %swap3A_85 {strides = array<i32>} : memref<128xi32, #tpu.memory_space<vmem>>, vector<16xi32>,
    %get3A_86 = arith.constant 0 : i32
    %get3A_87 = arith.index_cast %get3A_86 : i32 to index
    %get3A_88 = arith.constant 48 : index
    %get3A_89 = tpu.vector_load %arg6[%get3A_87, %get3A_88] {strides = array<i32>} : memref<160x128xi32, #tpu.memory_space<vmem>>, vector<1x16xi32>,
    %get3A_90 = vector.shape_cast %get3A_89 : vector<1x16xi32> to vector<16xi32>
    %and3A_91 = arith.constant 16383 : i32
    %and3A_92 = vector.broadcast %and3A_91 : i32 to vector<16xi32>
    %and3A_93 = arith.andi %get3A_90, %and3A_92 : vector<16xi32>
    %swap3A_94 = arith.constant 48 : index
    %swap3A_95 = tpu.vector_load %arg7[%swap3A_94] {strides = array<i32>} : memref<128xi32, #tpu.memory_space<vmem>>, vector<16xi32>,
    %swap3A_96 = vector.shape_cast %swap3A_95 : vector<16xi32> to vector<16xi32>
    %swap3A_97 = vector.shape_cast %and3A_93 : vector<16xi32> to vector<16xi32>
    tpu.vector_store %arg7[%swap3A_94], %swap3A_97 {strides = array<i32>} : memref<128xi32, #tpu.memory_space<vmem>>, vector<16xi32>,
    %shift_right_arithmetic3A_98 = arith.constant 14 : i32
    %shift_right_arithmetic3A_99 = vector.broadcast %shift_right_arithmetic3A_98 : i32 to vector<16xi32>
    %shift_right_arithmetic3A_100 = arith.shrsi %get3A_90, %shift_right_arithmetic3A_99 : vector<16xi32>
    %swap3A_101 = arith.constant 48 : index
    %swap3A_102 = tpu.vector_load %arg8[%swap3A_101] {strides = array<i32>} : memref<128xi32, #tpu.memory_space<vmem>>, vector<16xi32>,
    %swap3A_103 = vector.shape_cast %swap3A_102 : vector<16xi32> to vector<16xi32>
    %swap3A_104 = vector.shape_cast %shift_right_arithmetic3A_100 : vector<16xi32> to vector<16xi32>
    tpu.vector_store %arg8[%swap3A_101], %swap3A_104 {strides = array<i32>} : memref<128xi32, #tpu.memory_space<vmem>>, vector<16xi32>,
    %get3A_105 = arith.constant 0 : i32
    %get3A_106 = arith.index_cast %get3A_105 : i32 to index
    %get3A_107 = arith.constant 64 : index
    %get3A_108 = tpu.vector_load %arg6[%get3A_106, %get3A_107] {strides = array<i32>} : memref<160x128xi32, #tpu.memory_space<vmem>>, vector<1x16xi32>,
    %get3A_109 = vector.shape_cast %get3A_108 : vector<1x16xi32> to vector<16xi32>
    %and3A_110 = arith.constant 16383 : i32
    %and3A_111 = vector.broadcast %and3A_110 : i32 to vector<16xi32>
    %and3A_112 = arith.andi %get3A_109, %and3A_111 : vector<16xi32>
    %swap3A_113 = arith.constant 64 : index
    %swap3A_114 = tpu.vector_load %arg7[%swap3A_113] {strides = array<i32>} : memref<128xi32, #tpu.memory_space<vmem>>, vector<16xi32>,
    %swap3A_115 = vector.shape_cast %swap3A_114 : vector<16xi32> to vector<16xi32>
    %swap3A_116 = vector.shape_cast %and3A_112 : vector<16xi32> to vector<16xi32>
    tpu.vector_store %arg7[%swap3A_113], %swap3A_116 {strides = array<i32>} : memref<128xi32, #tpu.memory_space<vmem>>, vector<16xi32>,
    %shift_right_arithmetic3A_117 = arith.constant 14 : i32
    %shift_right_arithmetic3A_118 = vector.broadcast %shift_right_arithmetic3A_117 : i32 to vector<16xi32>
    %shift_right_arithmetic3A_119 = arith.shrsi %get3A_109, %shift_right_arithmetic3A_118 : vector<16xi32>
    %swap3A_120 = arith.constant 64 : index
    %swap3A_121 = tpu.vector_load %arg8[%swap3A_120] {strides = array<i32>} : memref<128xi32, #tpu.memory_space<vmem>>, vector<16xi32>,
    %swap3A_122 = vector.shape_cast %swap3A_121 : vector<16xi32> to vector<16xi32>
    %swap3A_123 = vector.shape_cast %shift_right_arithmetic3A_119 : vector<16xi32> to vector<16xi32>
    tpu.vector_store %arg8[%swap3A_120], %swap3A_123 {strides = array<i32>} : memref<128xi32, #tpu.memory_space<vmem>>, vector<16xi32>,
    %get3A_124 = arith.constant 0 : i32
    %get3A_125 = arith.index_cast %get3A_124 : i32 to index
    %get3A_126 = arith.constant 80 : index
    %get3A_127 = tpu.vector_load %arg6[%get3A_125, %get3A_126] {strides = array<i32>} : memref<160x128xi32, #tpu.memory_space<vmem>>, vector<1x16xi32>,
    %get3A_128 = vector.shape_cast %get3A_127 : vector<1x16xi32> to vector<16xi32>
    %and3A_129 = arith.constant 16383 : i32
    %and3A_130 = vector.broadcast %and3A_129 : i32 to vector<16xi32>
    %and3A_131 = arith.andi %get3A_128, %and3A_130 : vector<16xi32>
    %swap3A_132 = arith.constant 80 : index
    %swap3A_133 = tpu.vector_load %arg7[%swap3A_132] {strides = array<i32>} : memref<128xi32, #tpu.memory_space<vmem>>, vector<16xi32>,
    %swap3A_134 = vector.shape_cast %swap3A_133 : vector<16xi32> to vector<16xi32>
    %swap3A_135 = vector.shape_cast %and3A_131 : vector<16xi32> to vector<16xi32>
    tpu.vector_store %arg7[%swap3A_132], %swap3A_135 {strides = array<i32>} : memref<128xi32, #tpu.memory_space<vmem>>, vector<16xi32>,
    %shift_right_arithmetic3A_136 = arith.constant 14 : i32
    %shift_right_arithmetic3A_137 = vector.broadcast %shift_right_arithmetic3A_136 : i32 to vector<16xi32>
    %shift_right_arithmetic3A_138 = arith.shrsi %get3A_128, %shift_right_arithmetic3A_137 : vector<16xi32>
    %swap3A_139 = arith.constant 80 : index
    %swap3A_140 = tpu.vector_load %arg8[%swap3A_139] {strides = array<i32>} : memref<128xi32, #tpu.memory_space<vmem>>, vector<16xi32>,
    %swap3A_141 = vector.shape_cast %swap3A_140 : vector<16xi32> to vector<16xi32>
    %swap3A_142 = vector.shape_cast %shift_right_arithmetic3A_138 : vector<16xi32> to vector<16xi32>
    tpu.vector_store %arg8[%swap3A_139], %swap3A_142 {strides = array<i32>} : memref<128xi32, #tpu.memory_space<vmem>>, vector<16xi32>,
    %get3A_143 = arith.constant 0 : i32
    %get3A_144 = arith.index_cast %get3A_143 : i32 to index
    %get3A_145 = arith.constant 96 : index
    %get3A_146 = tpu.vector_load %arg6[%get3A_144, %get3A_145] {strides = array<i32>} : memref<160x128xi32, #tpu.memory_space<vmem>>, vector<1x16xi32>,
    %get3A_147 = vector.shape_cast %get3A_146 : vector<1x16xi32> to vector<16xi32>
    %and3A_148 = arith.constant 16383 : i32
    %and3A_149 = vector.broadcast %and3A_148 : i32 to vector<16xi32>
    %and3A_150 = arith.andi %get3A_147, %and3A_149 : vector<16xi32>
    %swap3A_151 = arith.constant 96 : index
    %swap3A_152 = tpu.vector_load %arg7[%swap3A_151] {strides = array<i32>} : memref<128xi32, #tpu.memory_space<vmem>>, vector<16xi32>,
    %swap3A_153 = vector.shape_cast %swap3A_152 : vector<16xi32> to vector<16xi32>
    %swap3A_154 = vector.shape_cast %and3A_150 : vector<16xi32> to vector<16xi32>
    tpu.vector_store %arg7[%swap3A_151], %swap3A_154 {strides = array<i32>} : memref<128xi32, #tpu.memory_space<vmem>>, vector<16xi32>,
    %shift_right_arithmetic3A_155 = arith.constant 14 : i32
    %shift_right_arithmetic3A_156 = vector.broadcast %shift_right_arithmetic3A_155 : i32 to vector<16xi32>
    %shift_right_arithmetic3A_157 = arith.shrsi %get3A_147, %shift_right_arithmetic3A_156 : vector<16xi32>
    %swap3A_158 = arith.constant 96 : index
    %swap3A_159 = tpu.vector_load %arg8[%swap3A_158] {strides = array<i32>} : memref<128xi32, #tpu.memory_space<vmem>>, vector<16xi32>,
    %swap3A_160 = vector.shape_cast %swap3A_159 : vector<16xi32> to vector<16xi32>
    %swap3A_161 = vector.shape_cast %shift_right_arithmetic3A_157 : vector<16xi32> to vector<16xi32>
    tpu.vector_store %arg8[%swap3A_158], %swap3A_161 {strides = array<i32>} : memref<128xi32, #tpu.memory_space<vmem>>, vector<16xi32>,
    %get3A_162 = arith.constant 0 : i32
    %get3A_163 = arith.index_cast %get3A_162 : i32 to index
    %get3A_164 = arith.constant 112 : index
    %get3A_165 = tpu.vector_load %arg6[%get3A_163, %get3A_164] {strides = array<i32>} : memref<160x128xi32, #tpu.memory_space<vmem>>, vector<1x16xi32>,
    %get3A_166 = vector.shape_cast %get3A_165 : vector<1x16xi32> to vector<16xi32>
    %and3A_167 = arith.constant 16383 : i32
    %and3A_168 = vector.broadcast %and3A_167 : i32 to vector<16xi32>
    %and3A_169 = arith.andi %get3A_166, %and3A_168 : vector<16xi32>
    %swap3A_170 = arith.constant 112 : index
    %swap3A_171 = tpu.vector_load %arg7[%swap3A_170] {strides = array<i32>} : memref<128xi32, #tpu.memory_space<vmem>>, vector<16xi32>,
    %swap3A_172 = vector.shape_cast %swap3A_171 : vector<16xi32> to vector<16xi32>
    %swap3A_173 = vector.shape_cast %and3A_169 : vector<16xi32> to vector<16xi32>
    tpu.vector_store %arg7[%swap3A_170], %swap3A_173 {strides = array<i32>} : memref<128xi32, #tpu.memory_space<vmem>>, vector<16xi32>,
    %shift_right_arithmetic3A_174 = arith.constant 14 : i32
    %shift_right_arithmetic3A_175 = vector.broadcast %shift_right_arithmetic3A_174 : i32 to vector<16xi32>
    %shift_right_arithmetic3A_176 = arith.shrsi %get3A_166, %shift_right_arithmetic3A_175 : vector<16xi32>
    %swap3A_177 = arith.constant 112 : index
    %swap3A_178 = tpu.vector_load %arg8[%swap3A_177] {strides = array<i32>} : memref<128xi32, #tpu.memory_space<vmem>>, vector<16xi32>,
    %swap3A_179 = vector.shape_cast %swap3A_178 : vector<16xi32> to vector<16xi32>
    %swap3A_180 = vector.shape_cast %shift_right_arithmetic3A_176 : vector<16xi32> to vector<16xi32>
    tpu.vector_store %arg8[%swap3A_177], %swap3A_180 {strides = array<i32>} : memref<128xi32, #tpu.memory_space<vmem>>, vector<16xi32>,
    %get3A_181 = arith.constant 1 : i32
    %get3A_182 = arith.index_cast %get3A_181 : i32 to index
    %get3A_183 = arith.constant 0 : index
    %get3A_184 = tpu.vector_load %arg6[%get3A_182, %get3A_183] {strides = array<i32>} : memref<160x128xi32, #tpu.memory_space<vmem>>, vector<1x16xi32>,
    %get3A_185 = vector.shape_cast %get3A_184 : vector<1x16xi32> to vector<16xi32>
    %and3A_186 = arith.constant 16383 : i32
    %and3A_187 = vector.broadcast %and3A_186 : i32 to vector<16xi32>
    %and3A_188 = arith.andi %get3A_185, %and3A_187 : vector<16xi32>
    %swap3A_189 = arith.constant 0 : index
    %swap3A_190 = tpu.vector_load %arg9[%swap3A_189] {strides = array<i32>} : memref<128xi32, #tpu.memory_space<vmem>>, vector<16xi32>,
    %swap3A_191 = vector.shape_cast %swap3A_190 : vector<16xi32> to vector<16xi32>
    %swap3A_192 = vector.shape_cast %and3A_188 : vector<16xi32> to vector<16xi32>
    tpu.vector_store %arg9[%swap3A_189], %swap3A_192 {strides = array<i32>} : memref<128xi32, #tpu.memory_space<vmem>>, vector<16xi32>,
    %shift_right_arithmetic3A_193 = arith.constant 14 : i32
    %shift_right_arithmetic3A_194 = vector.broadcast %shift_right_arithmetic3A_193 : i32 to vector<16xi32>
    %shift_right_arithmetic3A_195 = arith.shrsi %get3A_185, %shift_right_arithmetic3A_194 : vector<16xi32>
    %swap3A_196 = arith.constant 0 : index
    %swap3A_197 = tpu.vector_load %arg10[%swap3A_196] {strides = array<i32>} : memref<128xi32, #tpu.memory_space<vmem>>, vector<16xi32>,
    %swap3A_198 = vector.shape_cast %swap3A_197 : vector<16xi32> to vector<16xi32>
    %swap3A_199 = vector.shape_cast %shift_right_arithmetic3A_195 : vector<16xi32> to vector<16xi32>
    tpu.vector_store %arg10[%swap3A_196], %swap3A_199 {strides = array<i32>} : memref<128xi32, #tpu.memory_space<vmem>>, vector<16xi32>,
    %get3A_200 = arith.constant 1 : i32
    %get3A_201 = arith.index_cast %get3A_200 : i32 to index
    %get3A_202 = arith.constant 16 : index
    %get3A_203 = tpu.vector_load %arg6[%get3A_201, %get3A_202] {strides = array<i32>} : memref<160x128xi32, #tpu.memory_space<vmem>>, vector<1x16xi32>,
    %get3A_204 = vector.shape_cast %get3A_203 : vector<1x16xi32> to vector<16xi32>
    %and3A_205 = arith.constant 16383 : i32
    %and3A_206 = vector.broadcast %and3A_205 : i32 to vector<16xi32>
    %and3A_207 = arith.andi %get3A_204, %and3A_206 : vector<16xi32>
    %swap3A_208 = arith.constant 16 : index
    %swap3A_209 = tpu.vector_load %arg9[%swap3A_208] {strides = array<i32>} : memref<128xi32, #tpu.memory_space<vmem>>, vector<16xi32>,
    %swap3A_210 = vector.shape_cast %swap3A_209 : vector<16xi32> to vector<16xi32>
    %swap3A_211 = vector.shape_cast %and3A_207 : vector<16xi32> to vector<16xi32>
    tpu.vector_store %arg9[%swap3A_208], %swap3A_211 {strides = array<i32>} : memref<128xi32, #tpu.memory_space<vmem>>, vector<16xi32>,
    %shift_right_arithmetic3A_212 = arith.constant 14 : i32
    %shift_right_arithmetic3A_213 = vector.broadcast %shift_right_arithmetic3A_212 : i32 to vector<16xi32>
    %shift_right_arithmetic3A_214 = arith.shrsi %get3A_204, %shift_right_arithmetic3A_213 : vector<16xi32>
    %swap3A_215 = arith.constant 16 : index
    %swap3A_216 = tpu.vector_load %arg10[%swap3A_215] {strides = array<i32>} : memref<128xi32, #tpu.memory_space<vmem>>, vector<16xi32>,
    %swap3A_217 = vector.shape_cast %swap3A_216 : vector<16xi32> to vector<16xi32>
    %swap3A_218 = vector.shape_cast %shift_right_arithmetic3A_214 : vector<16xi32> to vector<16xi32>
    tpu.vector_store %arg10[%swap3A_215], %swap3A_218 {strides = array<i32>} : memref<128xi32, #tpu.memory_space<vmem>>, vector<16xi32>,
    %get3A_219 = arith.constant 1 : i32
    %get3A_220 = arith.index_cast %get3A_219 : i32 to index
    %get3A_221 = arith.constant 32 : index
    %get3A_222 = tpu.vector_load %arg6[%get3A_220, %get3A_221] {strides = array<i32>} : memref<160x128xi32, #tpu.memory_space<vmem>>, vector<1x16xi32>,
    %get3A_223 = vector.shape_cast %get3A_222 : vector<1x16xi32> to vector<16xi32>
    %and3A_224 = arith.constant 16383 : i32
    %and3A_225 = vector.broadcast %and3A_224 : i32 to vector<16xi32>
    %and3A_226 = arith.andi %get3A_223, %and3A_225 : vector<16xi32>
    %swap3A_227 = arith.constant 32 : index
    %swap3A_228 = tpu.vector_load %arg9[%swap3A_227] {strides = array<i32>} : memref<128xi32, #tpu.memory_space<vmem>>, vector<16xi32>,
    %swap3A_229 = vector.shape_cast %swap3A_228 : vector<16xi32> to vector<16xi32>
    %swap3A_230 = vector.shape_cast %and3A_226 : vector<16xi32> to vector<16xi32>
    tpu.vector_store %arg9[%swap3A_227], %swap3A_230 {strides = array<i32>} : memref<128xi32, #tpu.memory_space<vmem>>, vector<16xi32>,
    %shift_right_arithmetic3A_231 = arith.constant 14 : i32
    %shift_right_arithmetic3A_232 = vector.broadcast %shift_right_arithmetic3A_231 : i32 to vector<16xi32>
    %shift_right_arithmetic3A_233 = arith.shrsi %get3A_223, %shift_right_arithmetic3A_232 : vector<16xi32>
    %swap3A_234 = arith.constant 32 : index
    %swap3A_235 = tpu.vector_load %arg10[%swap3A_234] {strides = array<i32>} : memref<128xi32, #tpu.memory_space<vmem>>, vector<16xi32>,
    %swap3A_236 = vector.shape_cast %swap3A_235 : vector<16xi32> to vector<16xi32>
    %swap3A_237 = vector.shape_cast %shift_right_arithmetic3A_233 : vector<16xi32> to vector<16xi32>
    tpu.vector_store %arg10[%swap3A_234], %swap3A_237 {strides = array<i32>} : memref<128xi32, #tpu.memory_space<vmem>>, vector<16xi32>,
    %get3A_238 = arith.constant 1 : i32
    %get3A_239 = arith.index_cast %get3A_238 : i32 to index
    %get3A_240 = arith.constant 48 : index
    %get3A_241 = tpu.vector_load %arg6[%get3A_239, %get3A_240] {strides = array<i32>} : memref<160x128xi32, #tpu.memory_space<vmem>>, vector<1x16xi32>,
    %get3A_242 = vector.shape_cast %get3A_241 : vector<1x16xi32> to vector<16xi32>
    %and3A_243 = arith.constant 16383 : i32
    %and3A_244 = vector.broadcast %and3A_243 : i32 to vector<16xi32>
    %and3A_245 = arith.andi %get3A_242, %and3A_244 : vector<16xi32>
    %swap3A_246 = arith.constant 48 : index
    %swap3A_247 = tpu.vector_load %arg9[%swap3A_246] {strides = array<i32>} : memref<128xi32, #tpu.memory_space<vmem>>, vector<16xi32>,
    %swap3A_248 = vector.shape_cast %swap3A_247 : vector<16xi32> to vector<16xi32>
    %swap3A_249 = vector.shape_cast %and3A_245 : vector<16xi32> to vector<16xi32>
    tpu.vector_store %arg9[%swap3A_246], %swap3A_249 {strides = array<i32>} : memref<128xi32, #tpu.memory_space<vmem>>, vector<16xi32>,
    %shift_right_arithmetic3A_250 = arith.constant 14 : i32
    %shift_right_arithmetic3A_251 = vector.broadcast %shift_right_arithmetic3A_250 : i32 to vector<16xi32>
    %shift_right_arithmetic3A_252 = arith.shrsi %get3A_242, %shift_right_arithmetic3A_251 : vector<16xi32>
    %swap3A_253 = arith.constant 48 : index
    %swap3A_254 = tpu.vector_load %arg10[%swap3A_253] {strides = array<i32>} : memref<128xi32, #tpu.memory_space<vmem>>, vector<16xi32>,
    %swap3A_255 = vector.shape_cast %swap3A_254 : vector<16xi32> to vector<16xi32>
    %swap3A_256 = vector.shape_cast %shift_right_arithmetic3A_252 : vector<16xi32> to vector<16xi32>
    tpu.vector_store %arg10[%swap3A_253], %swap3A_256 {strides = array<i32>} : memref<128xi32, #tpu.memory_space<vmem>>, vector<16xi32>,
    %get3A_257 = arith.constant 1 : i32
    %get3A_258 = arith.index_cast %get3A_257 : i32 to index
    %get3A_259 = arith.constant 64 : index
    %get3A_260 = tpu.vector_load %arg6[%get3A_258, %get3A_259] {strides = array<i32>} : memref<160x128xi32, #tpu.memory_space<vmem>>, vector<1x16xi32>,
    %get3A_261 = vector.shape_cast %get3A_260 : vector<1x16xi32> to vector<16xi32>
    %and3A_262 = arith.constant 16383 : i32
    %and3A_263 = vector.broadcast %and3A_262 : i32 to vector<16xi32>
    %and3A_264 = arith.andi %get3A_261, %and3A_263 : vector<16xi32>
    %swap3A_265 = arith.constant 64 : index
    %swap3A_266 = tpu.vector_load %arg9[%swap3A_265] {strides = array<i32>} : memref<128xi32, #tpu.memory_space<vmem>>, vector<16xi32>,
    %swap3A_267 = vector.shape_cast %swap3A_266 : vector<16xi32> to vector<16xi32>
    %swap3A_268 = vector.shape_cast %and3A_264 : vector<16xi32> to vector<16xi32>
    tpu.vector_store %arg9[%swap3A_265], %swap3A_268 {strides = array<i32>} : memref<128xi32, #tpu.memory_space<vmem>>, vector<16xi32>,
    %shift_right_arithmetic3A_269 = arith.constant 14 : i32
    %shift_right_arithmetic3A_270 = vector.broadcast %shift_right_arithmetic3A_269 : i32 to vector<16xi32>
    %shift_right_arithmetic3A_271 = arith.shrsi %get3A_261, %shift_right_arithmetic3A_270 : vector<16xi32>
    %swap3A_272 = arith.constant 64 : index
    %swap3A_273 = tpu.vector_load %arg10[%swap3A_272] {strides = array<i32>} : memref<128xi32, #tpu.memory_space<vmem>>, vector<16xi32>,
    %swap3A_274 = vector.shape_cast %swap3A_273 : vector<16xi32> to vector<16xi32>
    %swap3A_275 = vector.shape_cast %shift_right_arithmetic3A_271 : vector<16xi32> to vector<16xi32>
    tpu.vector_store %arg10[%swap3A_272], %swap3A_275 {strides = array<i32>} : memref<128xi32, #tpu.memory_space<vmem>>, vector<16xi32>,
    %get3A_276 = arith.constant 1 : i32
    %get3A_277 = arith.index_cast %get3A_276 : i32 to index
    %get3A_278 = arith.constant 80 : index
    %get3A_279 = tpu.vector_load %arg6[%get3A_277, %get3A_278] {strides = array<i32>} : memref<160x128xi32, #tpu.memory_space<vmem>>, vector<1x16xi32>,
    %get3A_280 = vector.shape_cast %get3A_279 : vector<1x16xi32> to vector<16xi32>
    %and3A_281 = arith.constant 16383 : i32
    %and3A_282 = vector.broadcast %and3A_281 : i32 to vector<16xi32>
    %and3A_283 = arith.andi %get3A_280, %and3A_282 : vector<16xi32>
    %swap3A_284 = arith.constant 80 : index
    %swap3A_285 = tpu.vector_load %arg9[%swap3A_284] {strides = array<i32>} : memref<128xi32, #tpu.memory_space<vmem>>, vector<16xi32>,
    %swap3A_286 = vector.shape_cast %swap3A_285 : vector<16xi32> to vector<16xi32>
    %swap3A_287 = vector.shape_cast %and3A_283 : vector<16xi32> to vector<16xi32>
    tpu.vector_store %arg9[%swap3A_284], %swap3A_287 {strides = array<i32>} : memref<128xi32, #tpu.memory_space<vmem>>, vector<16xi32>,
    %shift_right_arithmetic3A_288 = arith.constant 14 : i32
    %shift_right_arithmetic3A_289 = vector.broadcast %shift_right_arithmetic3A_288 : i32 to vector<16xi32>
    %shift_right_arithmetic3A_290 = arith.shrsi %get3A_280, %shift_right_arithmetic3A_289 : vector<16xi32>
    %swap3A_291 = arith.constant 80 : index
    %swap3A_292 = tpu.vector_load %arg10[%swap3A_291] {strides = array<i32>} : memref<128xi32, #tpu.memory_space<vmem>>, vector<16xi32>,
    %swap3A_293 = vector.shape_cast %swap3A_292 : vector<16xi32> to vector<16xi32>
    %swap3A_294 = vector.shape_cast %shift_right_arithmetic3A_290 : vector<16xi32> to vector<16xi32>
    tpu.vector_store %arg10[%swap3A_291], %swap3A_294 {strides = array<i32>} : memref<128xi32, #tpu.memory_space<vmem>>, vector<16xi32>,
    %get3A_295 = arith.constant 1 : i32
    %get3A_296 = arith.index_cast %get3A_295 : i32 to index
    %get3A_297 = arith.constant 96 : index
    %get3A_298 = tpu.vector_load %arg6[%get3A_296, %get3A_297] {strides = array<i32>} : memref<160x128xi32, #tpu.memory_space<vmem>>, vector<1x16xi32>,
    %get3A_299 = vector.shape_cast %get3A_298 : vector<1x16xi32> to vector<16xi32>
    %and3A_300 = arith.constant 16383 : i32
    %and3A_301 = vector.broadcast %and3A_300 : i32 to vector<16xi32>
    %and3A_302 = arith.andi %get3A_299, %and3A_301 : vector<16xi32>
    %swap3A_303 = arith.constant 96 : index
    %swap3A_304 = tpu.vector_load %arg9[%swap3A_303] {strides = array<i32>} : memref<128xi32, #tpu.memory_space<vmem>>, vector<16xi32>,
    %swap3A_305 = vector.shape_cast %swap3A_304 : vector<16xi32> to vector<16xi32>
    %swap3A_306 = vector.shape_cast %and3A_302 : vector<16xi32> to vector<16xi32>
    tpu.vector_store %arg9[%swap3A_303], %swap3A_306 {strides = array<i32>} : memref<128xi32, #tpu.memory_space<vmem>>, vector<16xi32>,
    %shift_right_arithmetic3A_307 = arith.constant 14 : i32
    %shift_right_arithmetic3A_308 = vector.broadcast %shift_right_arithmetic3A_307 : i32 to vector<16xi32>
    %shift_right_arithmetic3A_309 = arith.shrsi %get3A_299, %shift_right_arithmetic3A_308 : vector<16xi32>
    %swap3A_310 = arith.constant 96 : index
    %swap3A_311 = tpu.vector_load %arg10[%swap3A_310] {strides = array<i32>} : memref<128xi32, #tpu.memory_space<vmem>>, vector<16xi32>,
    %swap3A_312 = vector.shape_cast %swap3A_311 : vector<16xi32> to vector<16xi32>
    %swap3A_313 = vector.shape_cast %shift_right_arithmetic3A_309 : vector<16xi32> to vector<16xi32>
    tpu.vector_store %arg10[%swap3A_310], %swap3A_313 {strides = array<i32>} : memref<128xi32, #tpu.memory_space<vmem>>, vector<16xi32>,
    %get3A_314 = arith.constant 1 : i32
    %get3A_315 = arith.index_cast %get3A_314 : i32 to index
    %get3A_316 = arith.constant 112 : index
    %get3A_317 = tpu.vector_load %arg6[%get3A_315, %get3A_316] {strides = array<i32>} : memref<160x128xi32, #tpu.memory_space<vmem>>, vector<1x16xi32>,
    %get3A_318 = vector.shape_cast %get3A_317 : vector<1x16xi32> to vector<16xi32>
    %and3A_319 = arith.constant 16383 : i32
    %and3A_320 = vector.broadcast %and3A_319 : i32 to vector<16xi32>
    %and3A_321 = arith.andi %get3A_318, %and3A_320 : vector<16xi32>
    %swap3A_322 = arith.constant 112 : index
    %swap3A_323 = tpu.vector_load %arg9[%swap3A_322] {strides = array<i32>} : memref<128xi32, #tpu.memory_space<vmem>>, vector<16xi32>,
    %swap3A_324 = vector.shape_cast %swap3A_323 : vector<16xi32> to vector<16xi32>
    %swap3A_325 = vector.shape_cast %and3A_321 : vector<16xi32> to vector<16xi32>
    tpu.vector_store %arg9[%swap3A_322], %swap3A_325 {strides = array<i32>} : memref<128xi32, #tpu.memory_space<vmem>>, vector<16xi32>,
    %shift_right_arithmetic3A_326 = arith.constant 14 : i32
    %shift_right_arithmetic3A_327 = vector.broadcast %shift_right_arithmetic3A_326 : i32 to vector<16xi32>
    %shift_right_arithmetic3A_328 = arith.shrsi %get3A_318, %shift_right_arithmetic3A_327 : vector<16xi32>
    %swap3A_329 = arith.constant 112 : index
    %swap3A_330 = tpu.vector_load %arg10[%swap3A_329] {strides = array<i32>} : memref<128xi32, #tpu.memory_space<vmem>>, vector<16xi32>,
    %swap3A_331 = vector.shape_cast %swap3A_330 : vector<16xi32> to vector<16xi32>
    %swap3A_332 = vector.shape_cast %shift_right_arithmetic3A_328 : vector<16xi32> to vector<16xi32>
    tpu.vector_store %arg10[%swap3A_329], %swap3A_332 {strides = array<i32>} : memref<128xi32, #tpu.memory_space<vmem>>, vector<16xi32>,
    %dma_start3A_333 = arith.constant 0 : i32
    %dma_start3A_334 = arith.constant 0 : i32
    %dma_start3A_335 = tpu.memref_slice %arg13[%dma_start3A_333, %dma_start3A_334] : memref<10240x64xf32, #tpu.memory_space<vmem_shared>> -> memref<10240x64xf32, #tpu.memory_space<vmem_shared>>
    tpu.enqueue_indirect_dma source(%dma_start3A_335 : memref<10240x64xf32, #tpu.memory_space<vmem_shared>>) target(%arg11 : memref<128x64xf32, #tpu.memory_space<vmem>>) offsets(%arg7 : memref<128xi32, #tpu.memory_space<vmem>>) semaphore(%arg15 : memref<!tpu.dma_semaphore, #tpu.memory_space<semaphore_mem>>)
    %dma_start3A_336 = arith.constant 0 : i32
    %dma_start3A_337 = arith.constant 0 : i32
    %dma_start3A_338 = tpu.memref_slice %arg13[%dma_start3A_336, %dma_start3A_337] : memref<10240x64xf32, #tpu.memory_space<vmem_shared>> -> memref<10240x64xf32, #tpu.memory_space<vmem_shared>>
    tpu.enqueue_indirect_dma source(%dma_start3A_338 : memref<10240x64xf32, #tpu.memory_space<vmem_shared>>) target(%arg12 : memref<128x64xf32, #tpu.memory_space<vmem>>) offsets(%arg9 : memref<128xi32, #tpu.memory_space<vmem>>) semaphore(%arg16 : memref<!tpu.dma_semaphore, #tpu.memory_space<semaphore_mem>>)
    %scan3A = arith.constant 0 : i32
    %scan3A_339 = arith.constant 0 : i32
    %scan3A_340 = arith.constant 80 : i32
    %scan3A_341 = arith.addi %scan3A_339, %scan3A_340 : i32
    %scan3A_342 = arith.constant 1 : i32
    scf.for %scan3A_351 = %scan3A_339 to %scan3A_341 step %scan3A_342  : i32 {
      %mul3A_352 = arith.constant 2 : i32
      %mul3A_353 = arith.muli %mul3A_352, %scan3A_351 : i32
      %add3A = arith.constant 2 : i32
      %add3A_354 = arith.addi %mul3A_353, %add3A : i32
      %min3A = arith.constant 159 : i32
      %min3A_355 = arith.minsi %add3A_354, %min3A : i32
      %mul3A_356 = arith.constant 2 : i32
      %mul3A_357 = arith.muli %mul3A_356, %scan3A_351 : i32
      %add3A_358 = arith.constant 3 : i32
      %add3A_359 = arith.addi %mul3A_357, %add3A_358 : i32
      %min3A_360 = arith.constant 159 : i32
      %min3A_361 = arith.minsi %add3A_359, %min3A_360 : i32
      %dma_wait3A_362 = arith.constant 0 : i32
      %dma_wait3A_363 = arith.constant 0 : i32
      %dma_wait3A_364 = tpu.memref_slice %arg13[%dma_wait3A_362, %dma_wait3A_363] : memref<10240x64xf32, #tpu.memory_space<vmem_shared>> -> memref<10240x64xf32, #tpu.memory_space<vmem_shared>>
      tpu.wait_indirect_dma semaphore(%arg15 : memref<!tpu.dma_semaphore, #tpu.memory_space<semaphore_mem>>) src(%dma_wait3A_364 : memref<10240x64xf32, #tpu.memory_space<vmem_shared>>) dst(%arg11 : memref<128x64xf32, #tpu.memory_space<vmem>>)
      %dma_start3A_365 = arith.constant 0 : i32
      %dma_start3A_366 = arith.constant 0 : i32
      %dma_start3A_367 = tpu.memref_slice %arg14[%dma_start3A_365, %dma_start3A_366] : memref<10240x64xf32, #tpu.memory_space<vmem_shared>> -> memref<10240x64xf32, #tpu.memory_space<vmem_shared>>
      tpu.enqueue_indirect_dma source(%arg11 : memref<128x64xf32, #tpu.memory_space<vmem>>) target(%dma_start3A_367 : memref<10240x64xf32, #tpu.memory_space<vmem_shared>>) offsets(%arg8 : memref<128xi32, #tpu.memory_space<vmem>>) semaphore(%arg17 : memref<!tpu.dma_semaphore, #tpu.memory_space<semaphore_mem>>) {add = true}
      %dma_wait3A_368 = arith.constant 0 : i32
      %dma_wait3A_369 = arith.constant 0 : i32
      %dma_wait3A_370 = tpu.memref_slice %arg13[%dma_wait3A_368, %dma_wait3A_369] : memref<10240x64xf32, #tpu.memory_space<vmem_shared>> -> memref<10240x64xf32, #tpu.memory_space<vmem_shared>>
      tpu.wait_indirect_dma semaphore(%arg16 : memref<!tpu.dma_semaphore, #tpu.memory_space<semaphore_mem>>) src(%dma_wait3A_370 : memref<10240x64xf32, #tpu.memory_space<vmem_shared>>) dst(%arg12 : memref<128x64xf32, #tpu.memory_space<vmem>>)
      %dma_wait3A_371 = arith.constant 0 : i32
      %dma_wait3A_372 = arith.constant 0 : i32
      %dma_wait3A_373 = tpu.memref_slice %arg14[%dma_wait3A_371, %dma_wait3A_372] : memref<10240x64xf32, #tpu.memory_space<vmem_shared>> -> memref<10240x64xf32, #tpu.memory_space<vmem_shared>>
      tpu.wait_indirect_dma semaphore(%arg17 : memref<!tpu.dma_semaphore, #tpu.memory_space<semaphore_mem>>) src(%arg11 : memref<128x64xf32, #tpu.memory_space<vmem>>) dst(%dma_wait3A_373 : memref<10240x64xf32, #tpu.memory_space<vmem_shared>>)
      %get3A_374 = arith.index_cast %min3A_355 : i32 to index
      %get3A_375 = arith.constant 0 : index
      %get3A_376 = tpu.vector_load %arg6[%get3A_374, %get3A_375] {strides = array<i32>} : memref<160x128xi32, #tpu.memory_space<vmem>>, vector<1x16xi32>,
      %get3A_377 = vector.shape_cast %get3A_376 : vector<1x16xi32> to vector<16xi32>
      %and3A_378 = arith.constant 16383 : i32
      %and3A_379 = vector.broadcast %and3A_378 : i32 to vector<16xi32>
      %and3A_380 = arith.andi %get3A_377, %and3A_379 : vector<16xi32>
      %swap3A_381 = arith.constant 0 : index
      %swap3A_382 = tpu.vector_load %arg7[%swap3A_381] {strides = array<i32>} : memref<128xi32, #tpu.memory_space<vmem>>, vector<16xi32>,
      %swap3A_383 = vector.shape_cast %swap3A_382 : vector<16xi32> to vector<16xi32>
      %swap3A_384 = vector.shape_cast %and3A_380 : vector<16xi32> to vector<16xi32>
      tpu.vector_store %arg7[%swap3A_381], %swap3A_384 {strides = array<i32>} : memref<128xi32, #tpu.memory_space<vmem>>, vector<16xi32>,
      %shift_right_arithmetic3A_385 = arith.constant 14 : i32
      %shift_right_arithmetic3A_386 = vector.broadcast %shift_right_arithmetic3A_385 : i32 to vector<16xi32>
      %shift_right_arithmetic3A_387 = arith.shrsi %get3A_377, %shift_right_arithmetic3A_386 : vector<16xi32>
      %swap3A_388 = arith.constant 0 : index
      %swap3A_389 = tpu.vector_load %arg8[%swap3A_388] {strides = array<i32>} : memref<128xi32, #tpu.memory_space<vmem>>, vector<16xi32>,
      %swap3A_390 = vector.shape_cast %swap3A_389 : vector<16xi32> to vector<16xi32>
      %swap3A_391 = vector.shape_cast %shift_right_arithmetic3A_387 : vector<16xi32> to vector<16xi32>
      tpu.vector_store %arg8[%swap3A_388], %swap3A_391 {strides = array<i32>} : memref<128xi32, #tpu.memory_space<vmem>>, vector<16xi32>,
      %get3A_392 = arith.index_cast %min3A_355 : i32 to index
      %get3A_393 = arith.constant 16 : index
      %get3A_394 = tpu.vector_load %arg6[%get3A_392, %get3A_393] {strides = array<i32>} : memref<160x128xi32, #tpu.memory_space<vmem>>, vector<1x16xi32>,
      %get3A_395 = vector.shape_cast %get3A_394 : vector<1x16xi32> to vector<16xi32>
      %and3A_396 = arith.constant 16383 : i32
      %and3A_397 = vector.broadcast %and3A_396 : i32 to vector<16xi32>
      %and3A_398 = arith.andi %get3A_395, %and3A_397 : vector<16xi32>
      %swap3A_399 = arith.constant 16 : index
      %swap3A_400 = tpu.vector_load %arg7[%swap3A_399] {strides = array<i32>} : memref<128xi32, #tpu.memory_space<vmem>>, vector<16xi32>,
      %swap3A_401 = vector.shape_cast %swap3A_400 : vector<16xi32> to vector<16xi32>
      %swap3A_402 = vector.shape_cast %and3A_398 : vector<16xi32> to vector<16xi32>
      tpu.vector_store %arg7[%swap3A_399], %swap3A_402 {strides = array<i32>} : memref<128xi32, #tpu.memory_space<vmem>>, vector<16xi32>,
      %shift_right_arithmetic3A_403 = arith.constant 14 : i32
      %shift_right_arithmetic3A_404 = vector.broadcast %shift_right_arithmetic3A_403 : i32 to vector<16xi32>
      %shift_right_arithmetic3A_405 = arith.shrsi %get3A_395, %shift_right_arithmetic3A_404 : vector<16xi32>
      %swap3A_406 = arith.constant 16 : index
      %swap3A_407 = tpu.vector_load %arg8[%swap3A_406] {strides = array<i32>} : memref<128xi32, #tpu.memory_space<vmem>>, vector<16xi32>,
      %swap3A_408 = vector.shape_cast %swap3A_407 : vector<16xi32> to vector<16xi32>
      %swap3A_409 = vector.shape_cast %shift_right_arithmetic3A_405 : vector<16xi32> to vector<16xi32>
      tpu.vector_store %arg8[%swap3A_406], %swap3A_409 {strides = array<i32>} : memref<128xi32, #tpu.memory_space<vmem>>, vector<16xi32>,
      %get3A_410 = arith.index_cast %min3A_355 : i32 to index
      %get3A_411 = arith.constant 32 : index
      %get3A_412 = tpu.vector_load %arg6[%get3A_410, %get3A_411] {strides = array<i32>} : memref<160x128xi32, #tpu.memory_space<vmem>>, vector<1x16xi32>,
      %get3A_413 = vector.shape_cast %get3A_412 : vector<1x16xi32> to vector<16xi32>
      %and3A_414 = arith.constant 16383 : i32
      %and3A_415 = vector.broadcast %and3A_414 : i32 to vector<16xi32>
      %and3A_416 = arith.andi %get3A_413, %and3A_415 : vector<16xi32>
      %swap3A_417 = arith.constant 32 : index
      %swap3A_418 = tpu.vector_load %arg7[%swap3A_417] {strides = array<i32>} : memref<128xi32, #tpu.memory_space<vmem>>, vector<16xi32>,
      %swap3A_419 = vector.shape_cast %swap3A_418 : vector<16xi32> to vector<16xi32>
      %swap3A_420 = vector.shape_cast %and3A_416 : vector<16xi32> to vector<16xi32>
      tpu.vector_store %arg7[%swap3A_417], %swap3A_420 {strides = array<i32>} : memref<128xi32, #tpu.memory_space<vmem>>, vector<16xi32>,
      %shift_right_arithmetic3A_421 = arith.constant 14 : i32
      %shift_right_arithmetic3A_422 = vector.broadcast %shift_right_arithmetic3A_421 : i32 to vector<16xi32>
      %shift_right_arithmetic3A_423 = arith.shrsi %get3A_413, %shift_right_arithmetic3A_422 : vector<16xi32>
      %swap3A_424 = arith.constant 32 : index
      %swap3A_425 = tpu.vector_load %arg8[%swap3A_424] {strides = array<i32>} : memref<128xi32, #tpu.memory_space<vmem>>, vector<16xi32>,
      %swap3A_426 = vector.shape_cast %swap3A_425 : vector<16xi32> to vector<16xi32>
      %swap3A_427 = vector.shape_cast %shift_right_arithmetic3A_423 : vector<16xi32> to vector<16xi32>
      tpu.vector_store %arg8[%swap3A_424], %swap3A_427 {strides = array<i32>} : memref<128xi32, #tpu.memory_space<vmem>>, vector<16xi32>,
      %get3A_428 = arith.index_cast %min3A_355 : i32 to index
      %get3A_429 = arith.constant 48 : index
      %get3A_430 = tpu.vector_load %arg6[%get3A_428, %get3A_429] {strides = array<i32>} : memref<160x128xi32, #tpu.memory_space<vmem>>, vector<1x16xi32>,
      %get3A_431 = vector.shape_cast %get3A_430 : vector<1x16xi32> to vector<16xi32>
      %and3A_432 = arith.constant 16383 : i32
      %and3A_433 = vector.broadcast %and3A_432 : i32 to vector<16xi32>
      %and3A_434 = arith.andi %get3A_431, %and3A_433 : vector<16xi32>
      %swap3A_435 = arith.constant 48 : index
      %swap3A_436 = tpu.vector_load %arg7[%swap3A_435] {strides = array<i32>} : memref<128xi32, #tpu.memory_space<vmem>>, vector<16xi32>,
      %swap3A_437 = vector.shape_cast %swap3A_436 : vector<16xi32> to vector<16xi32>
      %swap3A_438 = vector.shape_cast %and3A_434 : vector<16xi32> to vector<16xi32>
      tpu.vector_store %arg7[%swap3A_435], %swap3A_438 {strides = array<i32>} : memref<128xi32, #tpu.memory_space<vmem>>, vector<16xi32>,
      %shift_right_arithmetic3A_439 = arith.constant 14 : i32
      %shift_right_arithmetic3A_440 = vector.broadcast %shift_right_arithmetic3A_439 : i32 to vector<16xi32>
      %shift_right_arithmetic3A_441 = arith.shrsi %get3A_431, %shift_right_arithmetic3A_440 : vector<16xi32>
      %swap3A_442 = arith.constant 48 : index
      %swap3A_443 = tpu.vector_load %arg8[%swap3A_442] {strides = array<i32>} : memref<128xi32, #tpu.memory_space<vmem>>, vector<16xi32>,
      %swap3A_444 = vector.shape_cast %swap3A_443 : vector<16xi32> to vector<16xi32>
      %swap3A_445 = vector.shape_cast %shift_right_arithmetic3A_441 : vector<16xi32> to vector<16xi32>
      tpu.vector_store %arg8[%swap3A_442], %swap3A_445 {strides = array<i32>} : memref<128xi32, #tpu.memory_space<vmem>>, vector<16xi32>,
      %get3A_446 = arith.index_cast %min3A_355 : i32 to index
      %get3A_447 = arith.constant 64 : index
      %get3A_448 = tpu.vector_load %arg6[%get3A_446, %get3A_447] {strides = array<i32>} : memref<160x128xi32, #tpu.memory_space<vmem>>, vector<1x16xi32>,
      %get3A_449 = vector.shape_cast %get3A_448 : vector<1x16xi32> to vector<16xi32>
      %and3A_450 = arith.constant 16383 : i32
      %and3A_451 = vector.broadcast %and3A_450 : i32 to vector<16xi32>
      %and3A_452 = arith.andi %get3A_449, %and3A_451 : vector<16xi32>
      %swap3A_453 = arith.constant 64 : index
      %swap3A_454 = tpu.vector_load %arg7[%swap3A_453] {strides = array<i32>} : memref<128xi32, #tpu.memory_space<vmem>>, vector<16xi32>,
      %swap3A_455 = vector.shape_cast %swap3A_454 : vector<16xi32> to vector<16xi32>
      %swap3A_456 = vector.shape_cast %and3A_452 : vector<16xi32> to vector<16xi32>
      tpu.vector_store %arg7[%swap3A_453], %swap3A_456 {strides = array<i32>} : memref<128xi32, #tpu.memory_space<vmem>>, vector<16xi32>,
      %shift_right_arithmetic3A_457 = arith.constant 14 : i32
      %shift_right_arithmetic3A_458 = vector.broadcast %shift_right_arithmetic3A_457 : i32 to vector<16xi32>
      %shift_right_arithmetic3A_459 = arith.shrsi %get3A_449, %shift_right_arithmetic3A_458 : vector<16xi32>
      %swap3A_460 = arith.constant 64 : index
      %swap3A_461 = tpu.vector_load %arg8[%swap3A_460] {strides = array<i32>} : memref<128xi32, #tpu.memory_space<vmem>>, vector<16xi32>,
      %swap3A_462 = vector.shape_cast %swap3A_461 : vector<16xi32> to vector<16xi32>
      %swap3A_463 = vector.shape_cast %shift_right_arithmetic3A_459 : vector<16xi32> to vector<16xi32>
      tpu.vector_store %arg8[%swap3A_460], %swap3A_463 {strides = array<i32>} : memref<128xi32, #tpu.memory_space<vmem>>, vector<16xi32>,
      %get3A_464 = arith.index_cast %min3A_355 : i32 to index
      %get3A_465 = arith.constant 80 : index
      %get3A_466 = tpu.vector_load %arg6[%get3A_464, %get3A_465] {strides = array<i32>} : memref<160x128xi32, #tpu.memory_space<vmem>>, vector<1x16xi32>,
      %get3A_467 = vector.shape_cast %get3A_466 : vector<1x16xi32> to vector<16xi32>
      %and3A_468 = arith.constant 16383 : i32
      %and3A_469 = vector.broadcast %and3A_468 : i32 to vector<16xi32>
      %and3A_470 = arith.andi %get3A_467, %and3A_469 : vector<16xi32>
      %swap3A_471 = arith.constant 80 : index
      %swap3A_472 = tpu.vector_load %arg7[%swap3A_471] {strides = array<i32>} : memref<128xi32, #tpu.memory_space<vmem>>, vector<16xi32>,
      %swap3A_473 = vector.shape_cast %swap3A_472 : vector<16xi32> to vector<16xi32>
      %swap3A_474 = vector.shape_cast %and3A_470 : vector<16xi32> to vector<16xi32>
      tpu.vector_store %arg7[%swap3A_471], %swap3A_474 {strides = array<i32>} : memref<128xi32, #tpu.memory_space<vmem>>, vector<16xi32>,
      %shift_right_arithmetic3A_475 = arith.constant 14 : i32
      %shift_right_arithmetic3A_476 = vector.broadcast %shift_right_arithmetic3A_475 : i32 to vector<16xi32>
      %shift_right_arithmetic3A_477 = arith.shrsi %get3A_467, %shift_right_arithmetic3A_476 : vector<16xi32>
      %swap3A_478 = arith.constant 80 : index
      %swap3A_479 = tpu.vector_load %arg8[%swap3A_478] {strides = array<i32>} : memref<128xi32, #tpu.memory_space<vmem>>, vector<16xi32>,
      %swap3A_480 = vector.shape_cast %swap3A_479 : vector<16xi32> to vector<16xi32>
      %swap3A_481 = vector.shape_cast %shift_right_arithmetic3A_477 : vector<16xi32> to vector<16xi32>
      tpu.vector_store %arg8[%swap3A_478], %swap3A_481 {strides = array<i32>} : memref<128xi32, #tpu.memory_space<vmem>>, vector<16xi32>,
      %get3A_482 = arith.index_cast %min3A_355 : i32 to index
      %get3A_483 = arith.constant 96 : index
      %get3A_484 = tpu.vector_load %arg6[%get3A_482, %get3A_483] {strides = array<i32>} : memref<160x128xi32, #tpu.memory_space<vmem>>, vector<1x16xi32>,
      %get3A_485 = vector.shape_cast %get3A_484 : vector<1x16xi32> to vector<16xi32>
      %and3A_486 = arith.constant 16383 : i32
      %and3A_487 = vector.broadcast %and3A_486 : i32 to vector<16xi32>
      %and3A_488 = arith.andi %get3A_485, %and3A_487 : vector<16xi32>
      %swap3A_489 = arith.constant 96 : index
      %swap3A_490 = tpu.vector_load %arg7[%swap3A_489] {strides = array<i32>} : memref<128xi32, #tpu.memory_space<vmem>>, vector<16xi32>,
      %swap3A_491 = vector.shape_cast %swap3A_490 : vector<16xi32> to vector<16xi32>
      %swap3A_492 = vector.shape_cast %and3A_488 : vector<16xi32> to vector<16xi32>
      tpu.vector_store %arg7[%swap3A_489], %swap3A_492 {strides = array<i32>} : memref<128xi32, #tpu.memory_space<vmem>>, vector<16xi32>,
      %shift_right_arithmetic3A_493 = arith.constant 14 : i32
      %shift_right_arithmetic3A_494 = vector.broadcast %shift_right_arithmetic3A_493 : i32 to vector<16xi32>
      %shift_right_arithmetic3A_495 = arith.shrsi %get3A_485, %shift_right_arithmetic3A_494 : vector<16xi32>
      %swap3A_496 = arith.constant 96 : index
      %swap3A_497 = tpu.vector_load %arg8[%swap3A_496] {strides = array<i32>} : memref<128xi32, #tpu.memory_space<vmem>>, vector<16xi32>,
      %swap3A_498 = vector.shape_cast %swap3A_497 : vector<16xi32> to vector<16xi32>
      %swap3A_499 = vector.shape_cast %shift_right_arithmetic3A_495 : vector<16xi32> to vector<16xi32>
      tpu.vector_store %arg8[%swap3A_496], %swap3A_499 {strides = array<i32>} : memref<128xi32, #tpu.memory_space<vmem>>, vector<16xi32>,
      %get3A_500 = arith.index_cast %min3A_355 : i32 to index
      %get3A_501 = arith.constant 112 : index
      %get3A_502 = tpu.vector_load %arg6[%get3A_500, %get3A_501] {strides = array<i32>} : memref<160x128xi32, #tpu.memory_space<vmem>>, vector<1x16xi32>,
      %get3A_503 = vector.shape_cast %get3A_502 : vector<1x16xi32> to vector<16xi32>
      %and3A_504 = arith.constant 16383 : i32
      %and3A_505 = vector.broadcast %and3A_504 : i32 to vector<16xi32>
      %and3A_506 = arith.andi %get3A_503, %and3A_505 : vector<16xi32>
      %swap3A_507 = arith.constant 112 : index
      %swap3A_508 = tpu.vector_load %arg7[%swap3A_507] {strides = array<i32>} : memref<128xi32, #tpu.memory_space<vmem>>, vector<16xi32>,
      %swap3A_509 = vector.shape_cast %swap3A_508 : vector<16xi32> to vector<16xi32>
      %swap3A_510 = vector.shape_cast %and3A_506 : vector<16xi32> to vector<16xi32>
      tpu.vector_store %arg7[%swap3A_507], %swap3A_510 {strides = array<i32>} : memref<128xi32, #tpu.memory_space<vmem>>, vector<16xi32>,
      %shift_right_arithmetic3A_511 = arith.constant 14 : i32
      %shift_right_arithmetic3A_512 = vector.broadcast %shift_right_arithmetic3A_511 : i32 to vector<16xi32>
      %shift_right_arithmetic3A_513 = arith.shrsi %get3A_503, %shift_right_arithmetic3A_512 : vector<16xi32>
      %swap3A_514 = arith.constant 112 : index
      %swap3A_515 = tpu.vector_load %arg8[%swap3A_514] {strides = array<i32>} : memref<128xi32, #tpu.memory_space<vmem>>, vector<16xi32>,
      %swap3A_516 = vector.shape_cast %swap3A_515 : vector<16xi32> to vector<16xi32>
      %swap3A_517 = vector.shape_cast %shift_right_arithmetic3A_513 : vector<16xi32> to vector<16xi32>
      tpu.vector_store %arg8[%swap3A_514], %swap3A_517 {strides = array<i32>} : memref<128xi32, #tpu.memory_space<vmem>>, vector<16xi32>,
      %dma_start3A_518 = arith.constant 0 : i32
      %dma_start3A_519 = arith.constant 0 : i32
      %dma_start3A_520 = tpu.memref_slice %arg13[%dma_start3A_518, %dma_start3A_519] : memref<10240x64xf32, #tpu.memory_space<vmem_shared>> -> memref<10240x64xf32, #tpu.memory_space<vmem_shared>>
      tpu.enqueue_indirect_dma source(%dma_start3A_520 : memref<10240x64xf32, #tpu.memory_space<vmem_shared>>) target(%arg11 : memref<128x64xf32, #tpu.memory_space<vmem>>) offsets(%arg7 : memref<128xi32, #tpu.memory_space<vmem>>) semaphore(%arg15 : memref<!tpu.dma_semaphore, #tpu.memory_space<semaphore_mem>>)
      %dma_start3A_521 = arith.constant 0 : i32
      %dma_start3A_522 = arith.constant 0 : i32
      %dma_start3A_523 = tpu.memref_slice %arg14[%dma_start3A_521, %dma_start3A_522] : memref<10240x64xf32, #tpu.memory_space<vmem_shared>> -> memref<10240x64xf32, #tpu.memory_space<vmem_shared>>
      tpu.enqueue_indirect_dma source(%arg12 : memref<128x64xf32, #tpu.memory_space<vmem>>) target(%dma_start3A_523 : memref<10240x64xf32, #tpu.memory_space<vmem_shared>>) offsets(%arg10 : memref<128xi32, #tpu.memory_space<vmem>>) semaphore(%arg18 : memref<!tpu.dma_semaphore, #tpu.memory_space<semaphore_mem>>) {add = true}
      %dma_wait3A_524 = arith.constant 0 : i32
      %dma_wait3A_525 = arith.constant 0 : i32
      %dma_wait3A_526 = tpu.memref_slice %arg14[%dma_wait3A_524, %dma_wait3A_525] : memref<10240x64xf32, #tpu.memory_space<vmem_shared>> -> memref<10240x64xf32, #tpu.memory_space<vmem_shared>>
      tpu.wait_indirect_dma semaphore(%arg18 : memref<!tpu.dma_semaphore, #tpu.memory_space<semaphore_mem>>) src(%arg12 : memref<128x64xf32, #tpu.memory_space<vmem>>) dst(%dma_wait3A_526 : memref<10240x64xf32, #tpu.memory_space<vmem_shared>>)
      %get3A_527 = arith.index_cast %min3A_361 : i32 to index
      %get3A_528 = arith.constant 0 : index
      %get3A_529 = tpu.vector_load %arg6[%get3A_527, %get3A_528] {strides = array<i32>} : memref<160x128xi32, #tpu.memory_space<vmem>>, vector<1x16xi32>,
      %get3A_530 = vector.shape_cast %get3A_529 : vector<1x16xi32> to vector<16xi32>
      %and3A_531 = arith.constant 16383 : i32
      %and3A_532 = vector.broadcast %and3A_531 : i32 to vector<16xi32>
      %and3A_533 = arith.andi %get3A_530, %and3A_532 : vector<16xi32>
      %swap3A_534 = arith.constant 0 : index
      %swap3A_535 = tpu.vector_load %arg9[%swap3A_534] {strides = array<i32>} : memref<128xi32, #tpu.memory_space<vmem>>, vector<16xi32>,
      %swap3A_536 = vector.shape_cast %swap3A_535 : vector<16xi32> to vector<16xi32>
      %swap3A_537 = vector.shape_cast %and3A_533 : vector<16xi32> to vector<16xi32>
      tpu.vector_store %arg9[%swap3A_534], %swap3A_537 {strides = array<i32>} : memref<128xi32, #tpu.memory_space<vmem>>, vector<16xi32>,
      %shift_right_arithmetic3A_538 = arith.constant 14 : i32
      %shift_right_arithmetic3A_539 = vector.broadcast %shift_right_arithmetic3A_538 : i32 to vector<16xi32>
      %shift_right_arithmetic3A_540 = arith.shrsi %get3A_530, %shift_right_arithmetic3A_539 : vector<16xi32>
      %swap3A_541 = arith.constant 0 : index
      %swap3A_542 = tpu.vector_load %arg10[%swap3A_541] {strides = array<i32>} : memref<128xi32, #tpu.memory_space<vmem>>, vector<16xi32>,
      %swap3A_543 = vector.shape_cast %swap3A_542 : vector<16xi32> to vector<16xi32>
      %swap3A_544 = vector.shape_cast %shift_right_arithmetic3A_540 : vector<16xi32> to vector<16xi32>
      tpu.vector_store %arg10[%swap3A_541], %swap3A_544 {strides = array<i32>} : memref<128xi32, #tpu.memory_space<vmem>>, vector<16xi32>,
      %get3A_545 = arith.index_cast %min3A_361 : i32 to index
      %get3A_546 = arith.constant 16 : index
      %get3A_547 = tpu.vector_load %arg6[%get3A_545, %get3A_546] {strides = array<i32>} : memref<160x128xi32, #tpu.memory_space<vmem>>, vector<1x16xi32>,
      %get3A_548 = vector.shape_cast %get3A_547 : vector<1x16xi32> to vector<16xi32>
      %and3A_549 = arith.constant 16383 : i32
      %and3A_550 = vector.broadcast %and3A_549 : i32 to vector<16xi32>
      %and3A_551 = arith.andi %get3A_548, %and3A_550 : vector<16xi32>
      %swap3A_552 = arith.constant 16 : index
      %swap3A_553 = tpu.vector_load %arg9[%swap3A_552] {strides = array<i32>} : memref<128xi32, #tpu.memory_space<vmem>>, vector<16xi32>,
      %swap3A_554 = vector.shape_cast %swap3A_553 : vector<16xi32> to vector<16xi32>
      %swap3A_555 = vector.shape_cast %and3A_551 : vector<16xi32> to vector<16xi32>
      tpu.vector_store %arg9[%swap3A_552], %swap3A_555 {strides = array<i32>} : memref<128xi32, #tpu.memory_space<vmem>>, vector<16xi32>,
      %shift_right_arithmetic3A_556 = arith.constant 14 : i32
      %shift_right_arithmetic3A_557 = vector.broadcast %shift_right_arithmetic3A_556 : i32 to vector<16xi32>
      %shift_right_arithmetic3A_558 = arith.shrsi %get3A_548, %shift_right_arithmetic3A_557 : vector<16xi32>
      %swap3A_559 = arith.constant 16 : index
      %swap3A_560 = tpu.vector_load %arg10[%swap3A_559] {strides = array<i32>} : memref<128xi32, #tpu.memory_space<vmem>>, vector<16xi32>,
      %swap3A_561 = vector.shape_cast %swap3A_560 : vector<16xi32> to vector<16xi32>
      %swap3A_562 = vector.shape_cast %shift_right_arithmetic3A_558 : vector<16xi32> to vector<16xi32>
      tpu.vector_store %arg10[%swap3A_559], %swap3A_562 {strides = array<i32>} : memref<128xi32, #tpu.memory_space<vmem>>, vector<16xi32>,
      %get3A_563 = arith.index_cast %min3A_361 : i32 to index
      %get3A_564 = arith.constant 32 : index
      %get3A_565 = tpu.vector_load %arg6[%get3A_563, %get3A_564] {strides = array<i32>} : memref<160x128xi32, #tpu.memory_space<vmem>>, vector<1x16xi32>,
      %get3A_566 = vector.shape_cast %get3A_565 : vector<1x16xi32> to vector<16xi32>
      %and3A_567 = arith.constant 16383 : i32
      %and3A_568 = vector.broadcast %and3A_567 : i32 to vector<16xi32>
      %and3A_569 = arith.andi %get3A_566, %and3A_568 : vector<16xi32>
      %swap3A_570 = arith.constant 32 : index
      %swap3A_571 = tpu.vector_load %arg9[%swap3A_570] {strides = array<i32>} : memref<128xi32, #tpu.memory_space<vmem>>, vector<16xi32>,
      %swap3A_572 = vector.shape_cast %swap3A_571 : vector<16xi32> to vector<16xi32>
      %swap3A_573 = vector.shape_cast %and3A_569 : vector<16xi32> to vector<16xi32>
      tpu.vector_store %arg9[%swap3A_570], %swap3A_573 {strides = array<i32>} : memref<128xi32, #tpu.memory_space<vmem>>, vector<16xi32>,
      %shift_right_arithmetic3A_574 = arith.constant 14 : i32
      %shift_right_arithmetic3A_575 = vector.broadcast %shift_right_arithmetic3A_574 : i32 to vector<16xi32>
      %shift_right_arithmetic3A_576 = arith.shrsi %get3A_566, %shift_right_arithmetic3A_575 : vector<16xi32>
      %swap3A_577 = arith.constant 32 : index
      %swap3A_578 = tpu.vector_load %arg10[%swap3A_577] {strides = array<i32>} : memref<128xi32, #tpu.memory_space<vmem>>, vector<16xi32>,
      %swap3A_579 = vector.shape_cast %swap3A_578 : vector<16xi32> to vector<16xi32>
      %swap3A_580 = vector.shape_cast %shift_right_arithmetic3A_576 : vector<16xi32> to vector<16xi32>
      tpu.vector_store %arg10[%swap3A_577], %swap3A_580 {strides = array<i32>} : memref<128xi32, #tpu.memory_space<vmem>>, vector<16xi32>,
      %get3A_581 = arith.index_cast %min3A_361 : i32 to index
      %get3A_582 = arith.constant 48 : index
      %get3A_583 = tpu.vector_load %arg6[%get3A_581, %get3A_582] {strides = array<i32>} : memref<160x128xi32, #tpu.memory_space<vmem>>, vector<1x16xi32>,
      %get3A_584 = vector.shape_cast %get3A_583 : vector<1x16xi32> to vector<16xi32>
      %and3A_585 = arith.constant 16383 : i32
      %and3A_586 = vector.broadcast %and3A_585 : i32 to vector<16xi32>
      %and3A_587 = arith.andi %get3A_584, %and3A_586 : vector<16xi32>
      %swap3A_588 = arith.constant 48 : index
      %swap3A_589 = tpu.vector_load %arg9[%swap3A_588] {strides = array<i32>} : memref<128xi32, #tpu.memory_space<vmem>>, vector<16xi32>,
      %swap3A_590 = vector.shape_cast %swap3A_589 : vector<16xi32> to vector<16xi32>
      %swap3A_591 = vector.shape_cast %and3A_587 : vector<16xi32> to vector<16xi32>
      tpu.vector_store %arg9[%swap3A_588], %swap3A_591 {strides = array<i32>} : memref<128xi32, #tpu.memory_space<vmem>>, vector<16xi32>,
      %shift_right_arithmetic3A_592 = arith.constant 14 : i32
      %shift_right_arithmetic3A_593 = vector.broadcast %shift_right_arithmetic3A_592 : i32 to vector<16xi32>
      %shift_right_arithmetic3A_594 = arith.shrsi %get3A_584, %shift_right_arithmetic3A_593 : vector<16xi32>
      %swap3A_595 = arith.constant 48 : index
      %swap3A_596 = tpu.vector_load %arg10[%swap3A_595] {strides = array<i32>} : memref<128xi32, #tpu.memory_space<vmem>>, vector<16xi32>,
      %swap3A_597 = vector.shape_cast %swap3A_596 : vector<16xi32> to vector<16xi32>
      %swap3A_598 = vector.shape_cast %shift_right_arithmetic3A_594 : vector<16xi32> to vector<16xi32>
      tpu.vector_store %arg10[%swap3A_595], %swap3A_598 {strides = array<i32>} : memref<128xi32, #tpu.memory_space<vmem>>, vector<16xi32>,
      %get3A_599 = arith.index_cast %min3A_361 : i32 to index
      %get3A_600 = arith.constant 64 : index
      %get3A_601 = tpu.vector_load %arg6[%get3A_599, %get3A_600] {strides = array<i32>} : memref<160x128xi32, #tpu.memory_space<vmem>>, vector<1x16xi32>,
      %get3A_602 = vector.shape_cast %get3A_601 : vector<1x16xi32> to vector<16xi32>
      %and3A_603 = arith.constant 16383 : i32
      %and3A_604 = vector.broadcast %and3A_603 : i32 to vector<16xi32>
      %and3A_605 = arith.andi %get3A_602, %and3A_604 : vector<16xi32>
      %swap3A_606 = arith.constant 64 : index
      %swap3A_607 = tpu.vector_load %arg9[%swap3A_606] {strides = array<i32>} : memref<128xi32, #tpu.memory_space<vmem>>, vector<16xi32>,
      %swap3A_608 = vector.shape_cast %swap3A_607 : vector<16xi32> to vector<16xi32>
      %swap3A_609 = vector.shape_cast %and3A_605 : vector<16xi32> to vector<16xi32>
      tpu.vector_store %arg9[%swap3A_606], %swap3A_609 {strides = array<i32>} : memref<128xi32, #tpu.memory_space<vmem>>, vector<16xi32>,
      %shift_right_arithmetic3A_610 = arith.constant 14 : i32
      %shift_right_arithmetic3A_611 = vector.broadcast %shift_right_arithmetic3A_610 : i32 to vector<16xi32>
      %shift_right_arithmetic3A_612 = arith.shrsi %get3A_602, %shift_right_arithmetic3A_611 : vector<16xi32>
      %swap3A_613 = arith.constant 64 : index
      %swap3A_614 = tpu.vector_load %arg10[%swap3A_613] {strides = array<i32>} : memref<128xi32, #tpu.memory_space<vmem>>, vector<16xi32>,
      %swap3A_615 = vector.shape_cast %swap3A_614 : vector<16xi32> to vector<16xi32>
      %swap3A_616 = vector.shape_cast %shift_right_arithmetic3A_612 : vector<16xi32> to vector<16xi32>
      tpu.vector_store %arg10[%swap3A_613], %swap3A_616 {strides = array<i32>} : memref<128xi32, #tpu.memory_space<vmem>>, vector<16xi32>,
      %get3A_617 = arith.index_cast %min3A_361 : i32 to index
      %get3A_618 = arith.constant 80 : index
      %get3A_619 = tpu.vector_load %arg6[%get3A_617, %get3A_618] {strides = array<i32>} : memref<160x128xi32, #tpu.memory_space<vmem>>, vector<1x16xi32>,
      %get3A_620 = vector.shape_cast %get3A_619 : vector<1x16xi32> to vector<16xi32>
      %and3A_621 = arith.constant 16383 : i32
      %and3A_622 = vector.broadcast %and3A_621 : i32 to vector<16xi32>
      %and3A_623 = arith.andi %get3A_620, %and3A_622 : vector<16xi32>
      %swap3A_624 = arith.constant 80 : index
      %swap3A_625 = tpu.vector_load %arg9[%swap3A_624] {strides = array<i32>} : memref<128xi32, #tpu.memory_space<vmem>>, vector<16xi32>,
      %swap3A_626 = vector.shape_cast %swap3A_625 : vector<16xi32> to vector<16xi32>
      %swap3A_627 = vector.shape_cast %and3A_623 : vector<16xi32> to vector<16xi32>
      tpu.vector_store %arg9[%swap3A_624], %swap3A_627 {strides = array<i32>} : memref<128xi32, #tpu.memory_space<vmem>>, vector<16xi32>,
      %shift_right_arithmetic3A_628 = arith.constant 14 : i32
      %shift_right_arithmetic3A_629 = vector.broadcast %shift_right_arithmetic3A_628 : i32 to vector<16xi32>
      %shift_right_arithmetic3A_630 = arith.shrsi %get3A_620, %shift_right_arithmetic3A_629 : vector<16xi32>
      %swap3A_631 = arith.constant 80 : index
      %swap3A_632 = tpu.vector_load %arg10[%swap3A_631] {strides = array<i32>} : memref<128xi32, #tpu.memory_space<vmem>>, vector<16xi32>,
      %swap3A_633 = vector.shape_cast %swap3A_632 : vector<16xi32> to vector<16xi32>
      %swap3A_634 = vector.shape_cast %shift_right_arithmetic3A_630 : vector<16xi32> to vector<16xi32>
      tpu.vector_store %arg10[%swap3A_631], %swap3A_634 {strides = array<i32>} : memref<128xi32, #tpu.memory_space<vmem>>, vector<16xi32>,
      %get3A_635 = arith.index_cast %min3A_361 : i32 to index
      %get3A_636 = arith.constant 96 : index
      %get3A_637 = tpu.vector_load %arg6[%get3A_635, %get3A_636] {strides = array<i32>} : memref<160x128xi32, #tpu.memory_space<vmem>>, vector<1x16xi32>,
      %get3A_638 = vector.shape_cast %get3A_637 : vector<1x16xi32> to vector<16xi32>
      %and3A_639 = arith.constant 16383 : i32
      %and3A_640 = vector.broadcast %and3A_639 : i32 to vector<16xi32>
      %and3A_641 = arith.andi %get3A_638, %and3A_640 : vector<16xi32>
      %swap3A_642 = arith.constant 96 : index
      %swap3A_643 = tpu.vector_load %arg9[%swap3A_642] {strides = array<i32>} : memref<128xi32, #tpu.memory_space<vmem>>, vector<16xi32>,
      %swap3A_644 = vector.shape_cast %swap3A_643 : vector<16xi32> to vector<16xi32>
      %swap3A_645 = vector.shape_cast %and3A_641 : vector<16xi32> to vector<16xi32>
      tpu.vector_store %arg9[%swap3A_642], %swap3A_645 {strides = array<i32>} : memref<128xi32, #tpu.memory_space<vmem>>, vector<16xi32>,
      %shift_right_arithmetic3A_646 = arith.constant 14 : i32
      %shift_right_arithmetic3A_647 = vector.broadcast %shift_right_arithmetic3A_646 : i32 to vector<16xi32>
      %shift_right_arithmetic3A_648 = arith.shrsi %get3A_638, %shift_right_arithmetic3A_647 : vector<16xi32>
      %swap3A_649 = arith.constant 96 : index
      %swap3A_650 = tpu.vector_load %arg10[%swap3A_649] {strides = array<i32>} : memref<128xi32, #tpu.memory_space<vmem>>, vector<16xi32>,
      %swap3A_651 = vector.shape_cast %swap3A_650 : vector<16xi32> to vector<16xi32>
      %swap3A_652 = vector.shape_cast %shift_right_arithmetic3A_648 : vector<16xi32> to vector<16xi32>
      tpu.vector_store %arg10[%swap3A_649], %swap3A_652 {strides = array<i32>} : memref<128xi32, #tpu.memory_space<vmem>>, vector<16xi32>,
      %get3A_653 = arith.index_cast %min3A_361 : i32 to index
      %get3A_654 = arith.constant 112 : index
      %get3A_655 = tpu.vector_load %arg6[%get3A_653, %get3A_654] {strides = array<i32>} : memref<160x128xi32, #tpu.memory_space<vmem>>, vector<1x16xi32>,
      %get3A_656 = vector.shape_cast %get3A_655 : vector<1x16xi32> to vector<16xi32>
      %and3A_657 = arith.constant 16383 : i32
      %and3A_658 = vector.broadcast %and3A_657 : i32 to vector<16xi32>
      %and3A_659 = arith.andi %get3A_656, %and3A_658 : vector<16xi32>
      %swap3A_660 = arith.constant 112 : index
      %swap3A_661 = tpu.vector_load %arg9[%swap3A_660] {strides = array<i32>} : memref<128xi32, #tpu.memory_space<vmem>>, vector<16xi32>,
      %swap3A_662 = vector.shape_cast %swap3A_661 : vector<16xi32> to vector<16xi32>
      %swap3A_663 = vector.shape_cast %and3A_659 : vector<16xi32> to vector<16xi32>
      tpu.vector_store %arg9[%swap3A_660], %swap3A_663 {strides = array<i32>} : memref<128xi32, #tpu.memory_space<vmem>>, vector<16xi32>,
      %shift_right_arithmetic3A_664 = arith.constant 14 : i32
      %shift_right_arithmetic3A_665 = vector.broadcast %shift_right_arithmetic3A_664 : i32 to vector<16xi32>
      %shift_right_arithmetic3A_666 = arith.shrsi %get3A_656, %shift_right_arithmetic3A_665 : vector<16xi32>
      %swap3A_667 = arith.constant 112 : index
      %swap3A_668 = tpu.vector_load %arg10[%swap3A_667] {strides = array<i32>} : memref<128xi32, #tpu.memory_space<vmem>>, vector<16xi32>,
      %swap3A_669 = vector.shape_cast %swap3A_668 : vector<16xi32> to vector<16xi32>
      %swap3A_670 = vector.shape_cast %shift_right_arithmetic3A_666 : vector<16xi32> to vector<16xi32>
      tpu.vector_store %arg10[%swap3A_667], %swap3A_670 {strides = array<i32>} : memref<128xi32, #tpu.memory_space<vmem>>, vector<16xi32>,
      %dma_start3A_671 = arith.constant 0 : i32
      %dma_start3A_672 = arith.constant 0 : i32
      %dma_start3A_673 = tpu.memref_slice %arg13[%dma_start3A_671, %dma_start3A_672] : memref<10240x64xf32, #tpu.memory_space<vmem_shared>> -> memref<10240x64xf32, #tpu.memory_space<vmem_shared>>
      tpu.enqueue_indirect_dma source(%dma_start3A_673 : memref<10240x64xf32, #tpu.memory_space<vmem_shared>>) target(%arg12 : memref<128x64xf32, #tpu.memory_space<vmem>>) offsets(%arg9 : memref<128xi32, #tpu.memory_space<vmem>>) semaphore(%arg16 : memref<!tpu.dma_semaphore, #tpu.memory_space<semaphore_mem>>)
    }
    %scan3A_343 = arith.constant 80 : i32
    %dma_wait3A_344 = arith.constant 0 : i32
    %dma_wait3A_345 = arith.constant 0 : i32
    %dma_wait3A_346 = tpu.memref_slice %arg13[%dma_wait3A_344, %dma_wait3A_345] : memref<10240x64xf32, #tpu.memory_space<vmem_shared>> -> memref<10240x64xf32, #tpu.memory_space<vmem_shared>>
    tpu.wait_indirect_dma semaphore(%arg15 : memref<!tpu.dma_semaphore, #tpu.memory_space<semaphore_mem>>) src(%dma_wait3A_346 : memref<10240x64xf32, #tpu.memory_space<vmem_shared>>) dst(%arg11 : memref<128x64xf32, #tpu.memory_space<vmem>>)
    %dma_wait3A_347 = arith.constant 0 : i32
    %dma_wait3A_348 = arith.constant 0 : i32
    %dma_wait3A_349 = tpu.memref_slice %arg13[%dma_wait3A_347, %dma_wait3A_348] : memref<10240x64xf32, #tpu.memory_space<vmem_shared>> -> memref<10240x64xf32, #tpu.memory_space<vmem_shared>>
    tpu.wait_indirect_dma semaphore(%arg16 : memref<!tpu.dma_semaphore, #tpu.memory_space<semaphore_mem>>) src(%dma_wait3A_349 : memref<10240x64xf32, #tpu.memory_space<vmem_shared>>) dst(%arg12 : memref<128x64xf32, #tpu.memory_space<vmem>>)
    %barrier3A_350 = arith.constant 0 : index
    tpu.barrier barrier_id(%barrier3A_350)
    "tpu.region"() ({
      %run_scoped3A = tpu.sem_alloc : memref<!tpu.dma_semaphore, #tpu.memory_space<semaphore_mem>>
      %dma_start3A_351 = arith.constant 0 : i32
      %dma_start3A_352 = tpu.memref_slice %arg5[%arg0, %mul3A_0, %dma_start3A_351] : memref<2x10240x64xf32, #tpu.memory_space<hbm>> -> memref<1x640x64xf32, #tpu.memory_space<hbm>>
      %dma_start3A_353 = tpu.memref_squeeze %dma_start3A_352 : memref<1x640x64xf32, #tpu.memory_space<hbm>> -> memref<640x64xf32, #tpu.memory_space<hbm>>
      %dma_start3A_354 = arith.constant 0 : i32
      %dma_start3A_355 = tpu.memref_slice %arg14[%mul3A_0, %dma_start3A_354] : memref<10240x64xf32, #tpu.memory_space<vmem_shared>> -> memref<640x64xf32, #tpu.memory_space<vmem_shared>>
      tpu.enqueue_dma source(%dma_start3A_355 : memref<640x64xf32, #tpu.memory_space<vmem_shared>>) target(%dma_start3A_353 : memref<640x64xf32, #tpu.memory_space<hbm>>) target_semaphore(%run_scoped3A : memref<!tpu.dma_semaphore, #tpu.memory_space<semaphore_mem>>)
      %dma_wait3A_356 = arith.constant 0 : i32
      %dma_wait3A_357 = tpu.memref_slice %arg5[%arg0, %mul3A_0, %dma_wait3A_356] : memref<2x10240x64xf32, #tpu.memory_space<hbm>> -> memref<1x640x64xf32, #tpu.memory_space<hbm>>
      %dma_wait3A_358 = tpu.memref_squeeze %dma_wait3A_357 : memref<1x640x64xf32, #tpu.memory_space<hbm>> -> memref<640x64xf32, #tpu.memory_space<hbm>>
      %dma_wait3A_359 = arith.constant 0 : i32
      %dma_wait3A_360 = tpu.memref_slice %arg14[%mul3A_0, %dma_wait3A_359] : memref<10240x64xf32, #tpu.memory_space<vmem_shared>> -> memref<640x64xf32, #tpu.memory_space<vmem_shared>>
      tpu.wait_dma2 semaphore(%run_scoped3A : memref<!tpu.dma_semaphore, #tpu.memory_space<semaphore_mem>>) src(%dma_wait3A_360 : memref<640x64xf32, #tpu.memory_space<vmem_shared>>) dst(%dma_wait3A_358 : memref<640x64xf32, #tpu.memory_space<hbm>>)
      tpu.yield
    }) : () -> ()
    return
  }
}

#map = affine_map<(d0, d1) -> (0, 0, 0)>
#map1 = affine_map<(d0, d1) -> (0, 0)>
module attributes {stable_mosaic.version = 14 : i64} {
  func.func @_agg_col(%arg0: i32, %arg1: i32, %arg2: memref<2x10240x64xf32, #tpu.memory_space<hbm>>, %arg3: memref<16x160x128xi32, #tpu.memory_space<hbm>>, %arg4: memref<10240x64xf32, #tpu.memory_space<hbm>>, %arg5: memref<2x10240x64xf32, #tpu.memory_space<hbm>>, %arg6: memref<160x128xi32, #tpu.memory_space<vmem>>, %arg7: memref<128xi32, #tpu.memory_space<vmem>>, %arg8: memref<128xi32, #tpu.memory_space<vmem>>, %arg9: memref<128xi32, #tpu.memory_space<vmem>>, %arg10: memref<128xi32, #tpu.memory_space<vmem>>, %arg11: memref<128x64xf32, #tpu.memory_space<vmem>>, %arg12: memref<128x64xf32, #tpu.memory_space<vmem>>, %arg13: memref<10240x64xf32, #tpu.memory_space<vmem_shared>>, %arg14: memref<10240x64xf32, #tpu.memory_space<vmem_shared>>, %arg15: memref<!tpu.dma_semaphore, #tpu.memory_space<semaphore_mem>>, %arg16: memref<!tpu.dma_semaphore, #tpu.memory_space<semaphore_mem>>, %arg17: memref<!tpu.dma_semaphore, #tpu.memory_space<semaphore_mem>>, %arg18: memref<!tpu.dma_semaphore, #tpu.memory_space<semaphore_mem>>) attributes {dimension_semantics = [#tpu.dimension_semantics<core_parallel>, #tpu.dimension_semantics<subcore_parallel>], iteration_bounds = array<i64: 2, 16>, scalar_prefetch = 0 : i64, scratch_operands = 13 : i64, tpu.core_type = #tpu.core_type<sc_vector_subcore>, window_params = [{transform_indices = #map}, {transform_indices = #map}, {transform_indices = #map1}, {transform_indices = #map}]} {
    %mul3A = arith.constant 640 : i32
    %mul3A_0 = arith.muli %arg1, %mul3A : i32
    %dma_start3A = arith.constant 0 : i32
    %dma_start3A_1 = tpu.memref_slice %arg14[%mul3A_0, %dma_start3A] : memref<10240x64xf32, #tpu.memory_space<vmem_shared>> -> memref<640x64xf32, #tpu.memory_space<vmem_shared>>
    %dma_start3A_2 = arith.constant 0 : i32
    %dma_start3A_3 = tpu.memref_slice %arg4[%mul3A_0, %dma_start3A_2] : memref<10240x64xf32, #tpu.memory_space<hbm>> -> memref<640x64xf32, #tpu.memory_space<hbm>>
    tpu.enqueue_dma source(%dma_start3A_3 : memref<640x64xf32, #tpu.memory_space<hbm>>) target(%dma_start3A_1 : memref<640x64xf32, #tpu.memory_space<vmem_shared>>) target_semaphore(%arg15 : memref<!tpu.dma_semaphore, #tpu.memory_space<semaphore_mem>>)
    %dma_start3A_4 = arith.constant 0 : i32
    %dma_start3A_5 = tpu.memref_slice %arg13[%mul3A_0, %dma_start3A_4] : memref<10240x64xf32, #tpu.memory_space<vmem_shared>> -> memref<640x64xf32, #tpu.memory_space<vmem_shared>>
    %dma_start3A_6 = arith.constant 0 : i32
    %dma_start3A_7 = tpu.memref_slice %arg2[%arg0, %mul3A_0, %dma_start3A_6] : memref<2x10240x64xf32, #tpu.memory_space<hbm>> -> memref<1x640x64xf32, #tpu.memory_space<hbm>>
    %dma_start3A_8 = tpu.memref_squeeze %dma_start3A_7 : memref<1x640x64xf32, #tpu.memory_space<hbm>> -> memref<640x64xf32, #tpu.memory_space<hbm>>
    tpu.enqueue_dma source(%dma_start3A_8 : memref<640x64xf32, #tpu.memory_space<hbm>>) target(%dma_start3A_5 : memref<640x64xf32, #tpu.memory_space<vmem_shared>>) target_semaphore(%arg16 : memref<!tpu.dma_semaphore, #tpu.memory_space<semaphore_mem>>)
    %dma_start3A_9 = arith.constant 0 : i32
    %dma_start3A_10 = arith.constant 0 : i32
    %dma_start3A_11 = tpu.memref_slice %arg3[%arg1, %dma_start3A_9, %dma_start3A_10] : memref<16x160x128xi32, #tpu.memory_space<hbm>> -> memref<1x160x128xi32, #tpu.memory_space<hbm>>
    %dma_start3A_12 = tpu.memref_squeeze %dma_start3A_11 : memref<1x160x128xi32, #tpu.memory_space<hbm>> -> memref<160x128xi32, #tpu.memory_space<hbm>>
    %dma_start3A_13 = arith.constant 0 : i32
    %dma_start3A_14 = arith.constant 0 : i32
    %dma_start3A_15 = tpu.memref_slice %arg3[%arg1, %dma_start3A_13, %dma_start3A_14] : memref<16x160x128xi32, #tpu.memory_space<hbm>> -> memref<1x160x128xi32, #tpu.memory_space<hbm>>
    %dma_start3A_16 = tpu.memref_squeeze %dma_start3A_15 : memref<1x160x128xi32, #tpu.memory_space<hbm>> -> memref<160x128xi32, #tpu.memory_space<hbm>>
    tpu.enqueue_dma source(%dma_start3A_16 : memref<160x128xi32, #tpu.memory_space<hbm>>) target(%arg6 : memref<160x128xi32, #tpu.memory_space<vmem>>) target_semaphore(%arg17 : memref<!tpu.dma_semaphore, #tpu.memory_space<semaphore_mem>>)
    %dma_wait3A = arith.constant 0 : i32
    %dma_wait3A_17 = tpu.memref_slice %arg14[%mul3A_0, %dma_wait3A] : memref<10240x64xf32, #tpu.memory_space<vmem_shared>> -> memref<640x64xf32, #tpu.memory_space<vmem_shared>>
    %dma_wait3A_18 = arith.constant 0 : i32
    %dma_wait3A_19 = tpu.memref_slice %arg4[%mul3A_0, %dma_wait3A_18] : memref<10240x64xf32, #tpu.memory_space<hbm>> -> memref<640x64xf32, #tpu.memory_space<hbm>>
    tpu.wait_dma2 semaphore(%arg15 : memref<!tpu.dma_semaphore, #tpu.memory_space<semaphore_mem>>) src(%dma_wait3A_19 : memref<640x64xf32, #tpu.memory_space<hbm>>) dst(%dma_wait3A_17 : memref<640x64xf32, #tpu.memory_space<vmem_shared>>)
    %dma_wait3A_20 = arith.constant 0 : i32
    %dma_wait3A_21 = tpu.memref_slice %arg13[%mul3A_0, %dma_wait3A_20] : memref<10240x64xf32, #tpu.memory_space<vmem_shared>> -> memref<640x64xf32, #tpu.memory_space<vmem_shared>>
    %dma_wait3A_22 = arith.constant 0 : i32
    %dma_wait3A_23 = tpu.memref_slice %arg2[%arg0, %mul3A_0, %dma_wait3A_22] : memref<2x10240x64xf32, #tpu.memory_space<hbm>> -> memref<1x640x64xf32, #tpu.memory_space<hbm>>
    %dma_wait3A_24 = tpu.memref_squeeze %dma_wait3A_23 : memref<1x640x64xf32, #tpu.memory_space<hbm>> -> memref<640x64xf32, #tpu.memory_space<hbm>>
    tpu.wait_dma2 semaphore(%arg16 : memref<!tpu.dma_semaphore, #tpu.memory_space<semaphore_mem>>) src(%dma_wait3A_24 : memref<640x64xf32, #tpu.memory_space<hbm>>) dst(%dma_wait3A_21 : memref<640x64xf32, #tpu.memory_space<vmem_shared>>)
    %dma_wait3A_25 = arith.constant 0 : i32
    %dma_wait3A_26 = arith.constant 0 : i32
    %dma_wait3A_27 = tpu.memref_slice %arg3[%arg1, %dma_wait3A_25, %dma_wait3A_26] : memref<16x160x128xi32, #tpu.memory_space<hbm>> -> memref<1x160x128xi32, #tpu.memory_space<hbm>>
    %dma_wait3A_28 = tpu.memref_squeeze %dma_wait3A_27 : memref<1x160x128xi32, #tpu.memory_space<hbm>> -> memref<160x128xi32, #tpu.memory_space<hbm>>
    %dma_wait3A_29 = arith.constant 0 : i32
    %dma_wait3A_30 = arith.constant 0 : i32
    %dma_wait3A_31 = tpu.memref_slice %arg3[%arg1, %dma_wait3A_29, %dma_wait3A_30] : memref<16x160x128xi32, #tpu.memory_space<hbm>> -> memref<1x160x128xi32, #tpu.memory_space<hbm>>
    %dma_wait3A_32 = tpu.memref_squeeze %dma_wait3A_31 : memref<1x160x128xi32, #tpu.memory_space<hbm>> -> memref<160x128xi32, #tpu.memory_space<hbm>>
    tpu.wait_dma2 semaphore(%arg17 : memref<!tpu.dma_semaphore, #tpu.memory_space<semaphore_mem>>) src(%dma_wait3A_32 : memref<160x128xi32, #tpu.memory_space<hbm>>) dst(%arg6 : memref<160x128xi32, #tpu.memory_space<vmem>>)
    %barrier3A = arith.constant 0 : index
    tpu.barrier barrier_id(%barrier3A)
    %get3A = arith.constant 0 : i32
    %get3A_33 = arith.index_cast %get3A : i32 to index
    %get3A_34 = arith.constant 0 : index
    %get3A_35 = tpu.vector_load %arg6[%get3A_33, %get3A_34] {strides = array<i32>} : memref<160x128xi32, #tpu.memory_space<vmem>>, vector<1x16xi32>,
    %get3A_36 = vector.shape_cast %get3A_35 : vector<1x16xi32> to vector<16xi32>
    %and3A = arith.constant 16383 : i32
    %and3A_37 = vector.broadcast %and3A : i32 to vector<16xi32>
    %and3A_38 = arith.andi %get3A_36, %and3A_37 : vector<16xi32>
    %swap3A = arith.constant 0 : index
    %swap3A_39 = tpu.vector_load %arg7[%swap3A] {strides = array<i32>} : memref<128xi32, #tpu.memory_space<vmem>>, vector<16xi32>,
    %swap3A_40 = vector.shape_cast %swap3A_39 : vector<16xi32> to vector<16xi32>
    %swap3A_41 = vector.shape_cast %and3A_38 : vector<16xi32> to vector<16xi32>
    tpu.vector_store %arg7[%swap3A], %swap3A_41 {strides = array<i32>} : memref<128xi32, #tpu.memory_space<vmem>>, vector<16xi32>,
    %shift_right_arithmetic3A = arith.constant 14 : i32
    %shift_right_arithmetic3A_42 = vector.broadcast %shift_right_arithmetic3A : i32 to vector<16xi32>
    %shift_right_arithmetic3A_43 = arith.shrsi %get3A_36, %shift_right_arithmetic3A_42 : vector<16xi32>
    %swap3A_44 = arith.constant 0 : index
    %swap3A_45 = tpu.vector_load %arg8[%swap3A_44] {strides = array<i32>} : memref<128xi32, #tpu.memory_space<vmem>>, vector<16xi32>,
    %swap3A_46 = vector.shape_cast %swap3A_45 : vector<16xi32> to vector<16xi32>
    %swap3A_47 = vector.shape_cast %shift_right_arithmetic3A_43 : vector<16xi32> to vector<16xi32>
    tpu.vector_store %arg8[%swap3A_44], %swap3A_47 {strides = array<i32>} : memref<128xi32, #tpu.memory_space<vmem>>, vector<16xi32>,
    %get3A_48 = arith.constant 0 : i32
    %get3A_49 = arith.index_cast %get3A_48 : i32 to index
    %get3A_50 = arith.constant 16 : index
    %get3A_51 = tpu.vector_load %arg6[%get3A_49, %get3A_50] {strides = array<i32>} : memref<160x128xi32, #tpu.memory_space<vmem>>, vector<1x16xi32>,
    %get3A_52 = vector.shape_cast %get3A_51 : vector<1x16xi32> to vector<16xi32>
    %and3A_53 = arith.constant 16383 : i32
    %and3A_54 = vector.broadcast %and3A_53 : i32 to vector<16xi32>
    %and3A_55 = arith.andi %get3A_52, %and3A_54 : vector<16xi32>
    %swap3A_56 = arith.constant 16 : index
    %swap3A_57 = tpu.vector_load %arg7[%swap3A_56] {strides = array<i32>} : memref<128xi32, #tpu.memory_space<vmem>>, vector<16xi32>,
    %swap3A_58 = vector.shape_cast %swap3A_57 : vector<16xi32> to vector<16xi32>
    %swap3A_59 = vector.shape_cast %and3A_55 : vector<16xi32> to vector<16xi32>
    tpu.vector_store %arg7[%swap3A_56], %swap3A_59 {strides = array<i32>} : memref<128xi32, #tpu.memory_space<vmem>>, vector<16xi32>,
    %shift_right_arithmetic3A_60 = arith.constant 14 : i32
    %shift_right_arithmetic3A_61 = vector.broadcast %shift_right_arithmetic3A_60 : i32 to vector<16xi32>
    %shift_right_arithmetic3A_62 = arith.shrsi %get3A_52, %shift_right_arithmetic3A_61 : vector<16xi32>
    %swap3A_63 = arith.constant 16 : index
    %swap3A_64 = tpu.vector_load %arg8[%swap3A_63] {strides = array<i32>} : memref<128xi32, #tpu.memory_space<vmem>>, vector<16xi32>,
    %swap3A_65 = vector.shape_cast %swap3A_64 : vector<16xi32> to vector<16xi32>
    %swap3A_66 = vector.shape_cast %shift_right_arithmetic3A_62 : vector<16xi32> to vector<16xi32>
    tpu.vector_store %arg8[%swap3A_63], %swap3A_66 {strides = array<i32>} : memref<128xi32, #tpu.memory_space<vmem>>, vector<16xi32>,
    %get3A_67 = arith.constant 0 : i32
    %get3A_68 = arith.index_cast %get3A_67 : i32 to index
    %get3A_69 = arith.constant 32 : index
    %get3A_70 = tpu.vector_load %arg6[%get3A_68, %get3A_69] {strides = array<i32>} : memref<160x128xi32, #tpu.memory_space<vmem>>, vector<1x16xi32>,
    %get3A_71 = vector.shape_cast %get3A_70 : vector<1x16xi32> to vector<16xi32>
    %and3A_72 = arith.constant 16383 : i32
    %and3A_73 = vector.broadcast %and3A_72 : i32 to vector<16xi32>
    %and3A_74 = arith.andi %get3A_71, %and3A_73 : vector<16xi32>
    %swap3A_75 = arith.constant 32 : index
    %swap3A_76 = tpu.vector_load %arg7[%swap3A_75] {strides = array<i32>} : memref<128xi32, #tpu.memory_space<vmem>>, vector<16xi32>,
    %swap3A_77 = vector.shape_cast %swap3A_76 : vector<16xi32> to vector<16xi32>
    %swap3A_78 = vector.shape_cast %and3A_74 : vector<16xi32> to vector<16xi32>
    tpu.vector_store %arg7[%swap3A_75], %swap3A_78 {strides = array<i32>} : memref<128xi32, #tpu.memory_space<vmem>>, vector<16xi32>,
    %shift_right_arithmetic3A_79 = arith.constant 14 : i32
    %shift_right_arithmetic3A_80 = vector.broadcast %shift_right_arithmetic3A_79 : i32 to vector<16xi32>
    %shift_right_arithmetic3A_81 = arith.shrsi %get3A_71, %shift_right_arithmetic3A_80 : vector<16xi32>
    %swap3A_82 = arith.constant 32 : index
    %swap3A_83 = tpu.vector_load %arg8[%swap3A_82] {strides = array<i32>} : memref<128xi32, #tpu.memory_space<vmem>>, vector<16xi32>,
    %swap3A_84 = vector.shape_cast %swap3A_83 : vector<16xi32> to vector<16xi32>
    %swap3A_85 = vector.shape_cast %shift_right_arithmetic3A_81 : vector<16xi32> to vector<16xi32>
    tpu.vector_store %arg8[%swap3A_82], %swap3A_85 {strides = array<i32>} : memref<128xi32, #tpu.memory_space<vmem>>, vector<16xi32>,
    %get3A_86 = arith.constant 0 : i32
    %get3A_87 = arith.index_cast %get3A_86 : i32 to index
    %get3A_88 = arith.constant 48 : index
    %get3A_89 = tpu.vector_load %arg6[%get3A_87, %get3A_88] {strides = array<i32>} : memref<160x128xi32, #tpu.memory_space<vmem>>, vector<1x16xi32>,
    %get3A_90 = vector.shape_cast %get3A_89 : vector<1x16xi32> to vector<16xi32>
    %and3A_91 = arith.constant 16383 : i32
    %and3A_92 = vector.broadcast %and3A_91 : i32 to vector<16xi32>
    %and3A_93 = arith.andi %get3A_90, %and3A_92 : vector<16xi32>
    %swap3A_94 = arith.constant 48 : index
    %swap3A_95 = tpu.vector_load %arg7[%swap3A_94] {strides = array<i32>} : memref<128xi32, #tpu.memory_space<vmem>>, vector<16xi32>,
    %swap3A_96 = vector.shape_cast %swap3A_95 : vector<16xi32> to vector<16xi32>
    %swap3A_97 = vector.shape_cast %and3A_93 : vector<16xi32> to vector<16xi32>
    tpu.vector_store %arg7[%swap3A_94], %swap3A_97 {strides = array<i32>} : memref<128xi32, #tpu.memory_space<vmem>>, vector<16xi32>,
    %shift_right_arithmetic3A_98 = arith.constant 14 : i32
    %shift_right_arithmetic3A_99 = vector.broadcast %shift_right_arithmetic3A_98 : i32 to vector<16xi32>
    %shift_right_arithmetic3A_100 = arith.shrsi %get3A_90, %shift_right_arithmetic3A_99 : vector<16xi32>
    %swap3A_101 = arith.constant 48 : index
    %swap3A_102 = tpu.vector_load %arg8[%swap3A_101] {strides = array<i32>} : memref<128xi32, #tpu.memory_space<vmem>>, vector<16xi32>,
    %swap3A_103 = vector.shape_cast %swap3A_102 : vector<16xi32> to vector<16xi32>
    %swap3A_104 = vector.shape_cast %shift_right_arithmetic3A_100 : vector<16xi32> to vector<16xi32>
    tpu.vector_store %arg8[%swap3A_101], %swap3A_104 {strides = array<i32>} : memref<128xi32, #tpu.memory_space<vmem>>, vector<16xi32>,
    %get3A_105 = arith.constant 0 : i32
    %get3A_106 = arith.index_cast %get3A_105 : i32 to index
    %get3A_107 = arith.constant 64 : index
    %get3A_108 = tpu.vector_load %arg6[%get3A_106, %get3A_107] {strides = array<i32>} : memref<160x128xi32, #tpu.memory_space<vmem>>, vector<1x16xi32>,
    %get3A_109 = vector.shape_cast %get3A_108 : vector<1x16xi32> to vector<16xi32>
    %and3A_110 = arith.constant 16383 : i32
    %and3A_111 = vector.broadcast %and3A_110 : i32 to vector<16xi32>
    %and3A_112 = arith.andi %get3A_109, %and3A_111 : vector<16xi32>
    %swap3A_113 = arith.constant 64 : index
    %swap3A_114 = tpu.vector_load %arg7[%swap3A_113] {strides = array<i32>} : memref<128xi32, #tpu.memory_space<vmem>>, vector<16xi32>,
    %swap3A_115 = vector.shape_cast %swap3A_114 : vector<16xi32> to vector<16xi32>
    %swap3A_116 = vector.shape_cast %and3A_112 : vector<16xi32> to vector<16xi32>
    tpu.vector_store %arg7[%swap3A_113], %swap3A_116 {strides = array<i32>} : memref<128xi32, #tpu.memory_space<vmem>>, vector<16xi32>,
    %shift_right_arithmetic3A_117 = arith.constant 14 : i32
    %shift_right_arithmetic3A_118 = vector.broadcast %shift_right_arithmetic3A_117 : i32 to vector<16xi32>
    %shift_right_arithmetic3A_119 = arith.shrsi %get3A_109, %shift_right_arithmetic3A_118 : vector<16xi32>
    %swap3A_120 = arith.constant 64 : index
    %swap3A_121 = tpu.vector_load %arg8[%swap3A_120] {strides = array<i32>} : memref<128xi32, #tpu.memory_space<vmem>>, vector<16xi32>,
    %swap3A_122 = vector.shape_cast %swap3A_121 : vector<16xi32> to vector<16xi32>
    %swap3A_123 = vector.shape_cast %shift_right_arithmetic3A_119 : vector<16xi32> to vector<16xi32>
    tpu.vector_store %arg8[%swap3A_120], %swap3A_123 {strides = array<i32>} : memref<128xi32, #tpu.memory_space<vmem>>, vector<16xi32>,
    %get3A_124 = arith.constant 0 : i32
    %get3A_125 = arith.index_cast %get3A_124 : i32 to index
    %get3A_126 = arith.constant 80 : index
    %get3A_127 = tpu.vector_load %arg6[%get3A_125, %get3A_126] {strides = array<i32>} : memref<160x128xi32, #tpu.memory_space<vmem>>, vector<1x16xi32>,
    %get3A_128 = vector.shape_cast %get3A_127 : vector<1x16xi32> to vector<16xi32>
    %and3A_129 = arith.constant 16383 : i32
    %and3A_130 = vector.broadcast %and3A_129 : i32 to vector<16xi32>
    %and3A_131 = arith.andi %get3A_128, %and3A_130 : vector<16xi32>
    %swap3A_132 = arith.constant 80 : index
    %swap3A_133 = tpu.vector_load %arg7[%swap3A_132] {strides = array<i32>} : memref<128xi32, #tpu.memory_space<vmem>>, vector<16xi32>,
    %swap3A_134 = vector.shape_cast %swap3A_133 : vector<16xi32> to vector<16xi32>
    %swap3A_135 = vector.shape_cast %and3A_131 : vector<16xi32> to vector<16xi32>
    tpu.vector_store %arg7[%swap3A_132], %swap3A_135 {strides = array<i32>} : memref<128xi32, #tpu.memory_space<vmem>>, vector<16xi32>,
    %shift_right_arithmetic3A_136 = arith.constant 14 : i32
    %shift_right_arithmetic3A_137 = vector.broadcast %shift_right_arithmetic3A_136 : i32 to vector<16xi32>
    %shift_right_arithmetic3A_138 = arith.shrsi %get3A_128, %shift_right_arithmetic3A_137 : vector<16xi32>
    %swap3A_139 = arith.constant 80 : index
    %swap3A_140 = tpu.vector_load %arg8[%swap3A_139] {strides = array<i32>} : memref<128xi32, #tpu.memory_space<vmem>>, vector<16xi32>,
    %swap3A_141 = vector.shape_cast %swap3A_140 : vector<16xi32> to vector<16xi32>
    %swap3A_142 = vector.shape_cast %shift_right_arithmetic3A_138 : vector<16xi32> to vector<16xi32>
    tpu.vector_store %arg8[%swap3A_139], %swap3A_142 {strides = array<i32>} : memref<128xi32, #tpu.memory_space<vmem>>, vector<16xi32>,
    %get3A_143 = arith.constant 0 : i32
    %get3A_144 = arith.index_cast %get3A_143 : i32 to index
    %get3A_145 = arith.constant 96 : index
    %get3A_146 = tpu.vector_load %arg6[%get3A_144, %get3A_145] {strides = array<i32>} : memref<160x128xi32, #tpu.memory_space<vmem>>, vector<1x16xi32>,
    %get3A_147 = vector.shape_cast %get3A_146 : vector<1x16xi32> to vector<16xi32>
    %and3A_148 = arith.constant 16383 : i32
    %and3A_149 = vector.broadcast %and3A_148 : i32 to vector<16xi32>
    %and3A_150 = arith.andi %get3A_147, %and3A_149 : vector<16xi32>
    %swap3A_151 = arith.constant 96 : index
    %swap3A_152 = tpu.vector_load %arg7[%swap3A_151] {strides = array<i32>} : memref<128xi32, #tpu.memory_space<vmem>>, vector<16xi32>,
    %swap3A_153 = vector.shape_cast %swap3A_152 : vector<16xi32> to vector<16xi32>
    %swap3A_154 = vector.shape_cast %and3A_150 : vector<16xi32> to vector<16xi32>
    tpu.vector_store %arg7[%swap3A_151], %swap3A_154 {strides = array<i32>} : memref<128xi32, #tpu.memory_space<vmem>>, vector<16xi32>,
    %shift_right_arithmetic3A_155 = arith.constant 14 : i32
    %shift_right_arithmetic3A_156 = vector.broadcast %shift_right_arithmetic3A_155 : i32 to vector<16xi32>
    %shift_right_arithmetic3A_157 = arith.shrsi %get3A_147, %shift_right_arithmetic3A_156 : vector<16xi32>
    %swap3A_158 = arith.constant 96 : index
    %swap3A_159 = tpu.vector_load %arg8[%swap3A_158] {strides = array<i32>} : memref<128xi32, #tpu.memory_space<vmem>>, vector<16xi32>,
    %swap3A_160 = vector.shape_cast %swap3A_159 : vector<16xi32> to vector<16xi32>
    %swap3A_161 = vector.shape_cast %shift_right_arithmetic3A_157 : vector<16xi32> to vector<16xi32>
    tpu.vector_store %arg8[%swap3A_158], %swap3A_161 {strides = array<i32>} : memref<128xi32, #tpu.memory_space<vmem>>, vector<16xi32>,
    %get3A_162 = arith.constant 0 : i32
    %get3A_163 = arith.index_cast %get3A_162 : i32 to index
    %get3A_164 = arith.constant 112 : index
    %get3A_165 = tpu.vector_load %arg6[%get3A_163, %get3A_164] {strides = array<i32>} : memref<160x128xi32, #tpu.memory_space<vmem>>, vector<1x16xi32>,
    %get3A_166 = vector.shape_cast %get3A_165 : vector<1x16xi32> to vector<16xi32>
    %and3A_167 = arith.constant 16383 : i32
    %and3A_168 = vector.broadcast %and3A_167 : i32 to vector<16xi32>
    %and3A_169 = arith.andi %get3A_166, %and3A_168 : vector<16xi32>
    %swap3A_170 = arith.constant 112 : index
    %swap3A_171 = tpu.vector_load %arg7[%swap3A_170] {strides = array<i32>} : memref<128xi32, #tpu.memory_space<vmem>>, vector<16xi32>,
    %swap3A_172 = vector.shape_cast %swap3A_171 : vector<16xi32> to vector<16xi32>
    %swap3A_173 = vector.shape_cast %and3A_169 : vector<16xi32> to vector<16xi32>
    tpu.vector_store %arg7[%swap3A_170], %swap3A_173 {strides = array<i32>} : memref<128xi32, #tpu.memory_space<vmem>>, vector<16xi32>,
    %shift_right_arithmetic3A_174 = arith.constant 14 : i32
    %shift_right_arithmetic3A_175 = vector.broadcast %shift_right_arithmetic3A_174 : i32 to vector<16xi32>
    %shift_right_arithmetic3A_176 = arith.shrsi %get3A_166, %shift_right_arithmetic3A_175 : vector<16xi32>
    %swap3A_177 = arith.constant 112 : index
    %swap3A_178 = tpu.vector_load %arg8[%swap3A_177] {strides = array<i32>} : memref<128xi32, #tpu.memory_space<vmem>>, vector<16xi32>,
    %swap3A_179 = vector.shape_cast %swap3A_178 : vector<16xi32> to vector<16xi32>
    %swap3A_180 = vector.shape_cast %shift_right_arithmetic3A_176 : vector<16xi32> to vector<16xi32>
    tpu.vector_store %arg8[%swap3A_177], %swap3A_180 {strides = array<i32>} : memref<128xi32, #tpu.memory_space<vmem>>, vector<16xi32>,
    %get3A_181 = arith.constant 1 : i32
    %get3A_182 = arith.index_cast %get3A_181 : i32 to index
    %get3A_183 = arith.constant 0 : index
    %get3A_184 = tpu.vector_load %arg6[%get3A_182, %get3A_183] {strides = array<i32>} : memref<160x128xi32, #tpu.memory_space<vmem>>, vector<1x16xi32>,
    %get3A_185 = vector.shape_cast %get3A_184 : vector<1x16xi32> to vector<16xi32>
    %and3A_186 = arith.constant 16383 : i32
    %and3A_187 = vector.broadcast %and3A_186 : i32 to vector<16xi32>
    %and3A_188 = arith.andi %get3A_185, %and3A_187 : vector<16xi32>
    %swap3A_189 = arith.constant 0 : index
    %swap3A_190 = tpu.vector_load %arg9[%swap3A_189] {strides = array<i32>} : memref<128xi32, #tpu.memory_space<vmem>>, vector<16xi32>,
    %swap3A_191 = vector.shape_cast %swap3A_190 : vector<16xi32> to vector<16xi32>
    %swap3A_192 = vector.shape_cast %and3A_188 : vector<16xi32> to vector<16xi32>
    tpu.vector_store %arg9[%swap3A_189], %swap3A_192 {strides = array<i32>} : memref<128xi32, #tpu.memory_space<vmem>>, vector<16xi32>,
    %shift_right_arithmetic3A_193 = arith.constant 14 : i32
    %shift_right_arithmetic3A_194 = vector.broadcast %shift_right_arithmetic3A_193 : i32 to vector<16xi32>
    %shift_right_arithmetic3A_195 = arith.shrsi %get3A_185, %shift_right_arithmetic3A_194 : vector<16xi32>
    %swap3A_196 = arith.constant 0 : index
    %swap3A_197 = tpu.vector_load %arg10[%swap3A_196] {strides = array<i32>} : memref<128xi32, #tpu.memory_space<vmem>>, vector<16xi32>,
    %swap3A_198 = vector.shape_cast %swap3A_197 : vector<16xi32> to vector<16xi32>
    %swap3A_199 = vector.shape_cast %shift_right_arithmetic3A_195 : vector<16xi32> to vector<16xi32>
    tpu.vector_store %arg10[%swap3A_196], %swap3A_199 {strides = array<i32>} : memref<128xi32, #tpu.memory_space<vmem>>, vector<16xi32>,
    %get3A_200 = arith.constant 1 : i32
    %get3A_201 = arith.index_cast %get3A_200 : i32 to index
    %get3A_202 = arith.constant 16 : index
    %get3A_203 = tpu.vector_load %arg6[%get3A_201, %get3A_202] {strides = array<i32>} : memref<160x128xi32, #tpu.memory_space<vmem>>, vector<1x16xi32>,
    %get3A_204 = vector.shape_cast %get3A_203 : vector<1x16xi32> to vector<16xi32>
    %and3A_205 = arith.constant 16383 : i32
    %and3A_206 = vector.broadcast %and3A_205 : i32 to vector<16xi32>
    %and3A_207 = arith.andi %get3A_204, %and3A_206 : vector<16xi32>
    %swap3A_208 = arith.constant 16 : index
    %swap3A_209 = tpu.vector_load %arg9[%swap3A_208] {strides = array<i32>} : memref<128xi32, #tpu.memory_space<vmem>>, vector<16xi32>,
    %swap3A_210 = vector.shape_cast %swap3A_209 : vector<16xi32> to vector<16xi32>
    %swap3A_211 = vector.shape_cast %and3A_207 : vector<16xi32> to vector<16xi32>
    tpu.vector_store %arg9[%swap3A_208], %swap3A_211 {strides = array<i32>} : memref<128xi32, #tpu.memory_space<vmem>>, vector<16xi32>,
    %shift_right_arithmetic3A_212 = arith.constant 14 : i32
    %shift_right_arithmetic3A_213 = vector.broadcast %shift_right_arithmetic3A_212 : i32 to vector<16xi32>
    %shift_right_arithmetic3A_214 = arith.shrsi %get3A_204, %shift_right_arithmetic3A_213 : vector<16xi32>
    %swap3A_215 = arith.constant 16 : index
    %swap3A_216 = tpu.vector_load %arg10[%swap3A_215] {strides = array<i32>} : memref<128xi32, #tpu.memory_space<vmem>>, vector<16xi32>,
    %swap3A_217 = vector.shape_cast %swap3A_216 : vector<16xi32> to vector<16xi32>
    %swap3A_218 = vector.shape_cast %shift_right_arithmetic3A_214 : vector<16xi32> to vector<16xi32>
    tpu.vector_store %arg10[%swap3A_215], %swap3A_218 {strides = array<i32>} : memref<128xi32, #tpu.memory_space<vmem>>, vector<16xi32>,
    %get3A_219 = arith.constant 1 : i32
    %get3A_220 = arith.index_cast %get3A_219 : i32 to index
    %get3A_221 = arith.constant 32 : index
    %get3A_222 = tpu.vector_load %arg6[%get3A_220, %get3A_221] {strides = array<i32>} : memref<160x128xi32, #tpu.memory_space<vmem>>, vector<1x16xi32>,
    %get3A_223 = vector.shape_cast %get3A_222 : vector<1x16xi32> to vector<16xi32>
    %and3A_224 = arith.constant 16383 : i32
    %and3A_225 = vector.broadcast %and3A_224 : i32 to vector<16xi32>
    %and3A_226 = arith.andi %get3A_223, %and3A_225 : vector<16xi32>
    %swap3A_227 = arith.constant 32 : index
    %swap3A_228 = tpu.vector_load %arg9[%swap3A_227] {strides = array<i32>} : memref<128xi32, #tpu.memory_space<vmem>>, vector<16xi32>,
    %swap3A_229 = vector.shape_cast %swap3A_228 : vector<16xi32> to vector<16xi32>
    %swap3A_230 = vector.shape_cast %and3A_226 : vector<16xi32> to vector<16xi32>
    tpu.vector_store %arg9[%swap3A_227], %swap3A_230 {strides = array<i32>} : memref<128xi32, #tpu.memory_space<vmem>>, vector<16xi32>,
    %shift_right_arithmetic3A_231 = arith.constant 14 : i32
    %shift_right_arithmetic3A_232 = vector.broadcast %shift_right_arithmetic3A_231 : i32 to vector<16xi32>
    %shift_right_arithmetic3A_233 = arith.shrsi %get3A_223, %shift_right_arithmetic3A_232 : vector<16xi32>
    %swap3A_234 = arith.constant 32 : index
    %swap3A_235 = tpu.vector_load %arg10[%swap3A_234] {strides = array<i32>} : memref<128xi32, #tpu.memory_space<vmem>>, vector<16xi32>,
    %swap3A_236 = vector.shape_cast %swap3A_235 : vector<16xi32> to vector<16xi32>
    %swap3A_237 = vector.shape_cast %shift_right_arithmetic3A_233 : vector<16xi32> to vector<16xi32>
    tpu.vector_store %arg10[%swap3A_234], %swap3A_237 {strides = array<i32>} : memref<128xi32, #tpu.memory_space<vmem>>, vector<16xi32>,
    %get3A_238 = arith.constant 1 : i32
    %get3A_239 = arith.index_cast %get3A_238 : i32 to index
    %get3A_240 = arith.constant 48 : index
    %get3A_241 = tpu.vector_load %arg6[%get3A_239, %get3A_240] {strides = array<i32>} : memref<160x128xi32, #tpu.memory_space<vmem>>, vector<1x16xi32>,
    %get3A_242 = vector.shape_cast %get3A_241 : vector<1x16xi32> to vector<16xi32>
    %and3A_243 = arith.constant 16383 : i32
    %and3A_244 = vector.broadcast %and3A_243 : i32 to vector<16xi32>
    %and3A_245 = arith.andi %get3A_242, %and3A_244 : vector<16xi32>
    %swap3A_246 = arith.constant 48 : index
    %swap3A_247 = tpu.vector_load %arg9[%swap3A_246] {strides = array<i32>} : memref<128xi32, #tpu.memory_space<vmem>>, vector<16xi32>,
    %swap3A_248 = vector.shape_cast %swap3A_247 : vector<16xi32> to vector<16xi32>
    %swap3A_249 = vector.shape_cast %and3A_245 : vector<16xi32> to vector<16xi32>
    tpu.vector_store %arg9[%swap3A_246], %swap3A_249 {strides = array<i32>} : memref<128xi32, #tpu.memory_space<vmem>>, vector<16xi32>,
    %shift_right_arithmetic3A_250 = arith.constant 14 : i32
    %shift_right_arithmetic3A_251 = vector.broadcast %shift_right_arithmetic3A_250 : i32 to vector<16xi32>
    %shift_right_arithmetic3A_252 = arith.shrsi %get3A_242, %shift_right_arithmetic3A_251 : vector<16xi32>
    %swap3A_253 = arith.constant 48 : index
    %swap3A_254 = tpu.vector_load %arg10[%swap3A_253] {strides = array<i32>} : memref<128xi32, #tpu.memory_space<vmem>>, vector<16xi32>,
    %swap3A_255 = vector.shape_cast %swap3A_254 : vector<16xi32> to vector<16xi32>
    %swap3A_256 = vector.shape_cast %shift_right_arithmetic3A_252 : vector<16xi32> to vector<16xi32>
    tpu.vector_store %arg10[%swap3A_253], %swap3A_256 {strides = array<i32>} : memref<128xi32, #tpu.memory_space<vmem>>, vector<16xi32>,
    %get3A_257 = arith.constant 1 : i32
    %get3A_258 = arith.index_cast %get3A_257 : i32 to index
    %get3A_259 = arith.constant 64 : index
    %get3A_260 = tpu.vector_load %arg6[%get3A_258, %get3A_259] {strides = array<i32>} : memref<160x128xi32, #tpu.memory_space<vmem>>, vector<1x16xi32>,
    %get3A_261 = vector.shape_cast %get3A_260 : vector<1x16xi32> to vector<16xi32>
    %and3A_262 = arith.constant 16383 : i32
    %and3A_263 = vector.broadcast %and3A_262 : i32 to vector<16xi32>
    %and3A_264 = arith.andi %get3A_261, %and3A_263 : vector<16xi32>
    %swap3A_265 = arith.constant 64 : index
    %swap3A_266 = tpu.vector_load %arg9[%swap3A_265] {strides = array<i32>} : memref<128xi32, #tpu.memory_space<vmem>>, vector<16xi32>,
    %swap3A_267 = vector.shape_cast %swap3A_266 : vector<16xi32> to vector<16xi32>
    %swap3A_268 = vector.shape_cast %and3A_264 : vector<16xi32> to vector<16xi32>
    tpu.vector_store %arg9[%swap3A_265], %swap3A_268 {strides = array<i32>} : memref<128xi32, #tpu.memory_space<vmem>>, vector<16xi32>,
    %shift_right_arithmetic3A_269 = arith.constant 14 : i32
    %shift_right_arithmetic3A_270 = vector.broadcast %shift_right_arithmetic3A_269 : i32 to vector<16xi32>
    %shift_right_arithmetic3A_271 = arith.shrsi %get3A_261, %shift_right_arithmetic3A_270 : vector<16xi32>
    %swap3A_272 = arith.constant 64 : index
    %swap3A_273 = tpu.vector_load %arg10[%swap3A_272] {strides = array<i32>} : memref<128xi32, #tpu.memory_space<vmem>>, vector<16xi32>,
    %swap3A_274 = vector.shape_cast %swap3A_273 : vector<16xi32> to vector<16xi32>
    %swap3A_275 = vector.shape_cast %shift_right_arithmetic3A_271 : vector<16xi32> to vector<16xi32>
    tpu.vector_store %arg10[%swap3A_272], %swap3A_275 {strides = array<i32>} : memref<128xi32, #tpu.memory_space<vmem>>, vector<16xi32>,
    %get3A_276 = arith.constant 1 : i32
    %get3A_277 = arith.index_cast %get3A_276 : i32 to index
    %get3A_278 = arith.constant 80 : index
    %get3A_279 = tpu.vector_load %arg6[%get3A_277, %get3A_278] {strides = array<i32>} : memref<160x128xi32, #tpu.memory_space<vmem>>, vector<1x16xi32>,
    %get3A_280 = vector.shape_cast %get3A_279 : vector<1x16xi32> to vector<16xi32>
    %and3A_281 = arith.constant 16383 : i32
    %and3A_282 = vector.broadcast %and3A_281 : i32 to vector<16xi32>
    %and3A_283 = arith.andi %get3A_280, %and3A_282 : vector<16xi32>
    %swap3A_284 = arith.constant 80 : index
    %swap3A_285 = tpu.vector_load %arg9[%swap3A_284] {strides = array<i32>} : memref<128xi32, #tpu.memory_space<vmem>>, vector<16xi32>,
    %swap3A_286 = vector.shape_cast %swap3A_285 : vector<16xi32> to vector<16xi32>
    %swap3A_287 = vector.shape_cast %and3A_283 : vector<16xi32> to vector<16xi32>
    tpu.vector_store %arg9[%swap3A_284], %swap3A_287 {strides = array<i32>} : memref<128xi32, #tpu.memory_space<vmem>>, vector<16xi32>,
    %shift_right_arithmetic3A_288 = arith.constant 14 : i32
    %shift_right_arithmetic3A_289 = vector.broadcast %shift_right_arithmetic3A_288 : i32 to vector<16xi32>
    %shift_right_arithmetic3A_290 = arith.shrsi %get3A_280, %shift_right_arithmetic3A_289 : vector<16xi32>
    %swap3A_291 = arith.constant 80 : index
    %swap3A_292 = tpu.vector_load %arg10[%swap3A_291] {strides = array<i32>} : memref<128xi32, #tpu.memory_space<vmem>>, vector<16xi32>,
    %swap3A_293 = vector.shape_cast %swap3A_292 : vector<16xi32> to vector<16xi32>
    %swap3A_294 = vector.shape_cast %shift_right_arithmetic3A_290 : vector<16xi32> to vector<16xi32>
    tpu.vector_store %arg10[%swap3A_291], %swap3A_294 {strides = array<i32>} : memref<128xi32, #tpu.memory_space<vmem>>, vector<16xi32>,
    %get3A_295 = arith.constant 1 : i32
    %get3A_296 = arith.index_cast %get3A_295 : i32 to index
    %get3A_297 = arith.constant 96 : index
    %get3A_298 = tpu.vector_load %arg6[%get3A_296, %get3A_297] {strides = array<i32>} : memref<160x128xi32, #tpu.memory_space<vmem>>, vector<1x16xi32>,
    %get3A_299 = vector.shape_cast %get3A_298 : vector<1x16xi32> to vector<16xi32>
    %and3A_300 = arith.constant 16383 : i32
    %and3A_301 = vector.broadcast %and3A_300 : i32 to vector<16xi32>
    %and3A_302 = arith.andi %get3A_299, %and3A_301 : vector<16xi32>
    %swap3A_303 = arith.constant 96 : index
    %swap3A_304 = tpu.vector_load %arg9[%swap3A_303] {strides = array<i32>} : memref<128xi32, #tpu.memory_space<vmem>>, vector<16xi32>,
    %swap3A_305 = vector.shape_cast %swap3A_304 : vector<16xi32> to vector<16xi32>
    %swap3A_306 = vector.shape_cast %and3A_302 : vector<16xi32> to vector<16xi32>
    tpu.vector_store %arg9[%swap3A_303], %swap3A_306 {strides = array<i32>} : memref<128xi32, #tpu.memory_space<vmem>>, vector<16xi32>,
    %shift_right_arithmetic3A_307 = arith.constant 14 : i32
    %shift_right_arithmetic3A_308 = vector.broadcast %shift_right_arithmetic3A_307 : i32 to vector<16xi32>
    %shift_right_arithmetic3A_309 = arith.shrsi %get3A_299, %shift_right_arithmetic3A_308 : vector<16xi32>
    %swap3A_310 = arith.constant 96 : index
    %swap3A_311 = tpu.vector_load %arg10[%swap3A_310] {strides = array<i32>} : memref<128xi32, #tpu.memory_space<vmem>>, vector<16xi32>,
    %swap3A_312 = vector.shape_cast %swap3A_311 : vector<16xi32> to vector<16xi32>
    %swap3A_313 = vector.shape_cast %shift_right_arithmetic3A_309 : vector<16xi32> to vector<16xi32>
    tpu.vector_store %arg10[%swap3A_310], %swap3A_313 {strides = array<i32>} : memref<128xi32, #tpu.memory_space<vmem>>, vector<16xi32>,
    %get3A_314 = arith.constant 1 : i32
    %get3A_315 = arith.index_cast %get3A_314 : i32 to index
    %get3A_316 = arith.constant 112 : index
    %get3A_317 = tpu.vector_load %arg6[%get3A_315, %get3A_316] {strides = array<i32>} : memref<160x128xi32, #tpu.memory_space<vmem>>, vector<1x16xi32>,
    %get3A_318 = vector.shape_cast %get3A_317 : vector<1x16xi32> to vector<16xi32>
    %and3A_319 = arith.constant 16383 : i32
    %and3A_320 = vector.broadcast %and3A_319 : i32 to vector<16xi32>
    %and3A_321 = arith.andi %get3A_318, %and3A_320 : vector<16xi32>
    %swap3A_322 = arith.constant 112 : index
    %swap3A_323 = tpu.vector_load %arg9[%swap3A_322] {strides = array<i32>} : memref<128xi32, #tpu.memory_space<vmem>>, vector<16xi32>,
    %swap3A_324 = vector.shape_cast %swap3A_323 : vector<16xi32> to vector<16xi32>
    %swap3A_325 = vector.shape_cast %and3A_321 : vector<16xi32> to vector<16xi32>
    tpu.vector_store %arg9[%swap3A_322], %swap3A_325 {strides = array<i32>} : memref<128xi32, #tpu.memory_space<vmem>>, vector<16xi32>,
    %shift_right_arithmetic3A_326 = arith.constant 14 : i32
    %shift_right_arithmetic3A_327 = vector.broadcast %shift_right_arithmetic3A_326 : i32 to vector<16xi32>
    %shift_right_arithmetic3A_328 = arith.shrsi %get3A_318, %shift_right_arithmetic3A_327 : vector<16xi32>
    %swap3A_329 = arith.constant 112 : index
    %swap3A_330 = tpu.vector_load %arg10[%swap3A_329] {strides = array<i32>} : memref<128xi32, #tpu.memory_space<vmem>>, vector<16xi32>,
    %swap3A_331 = vector.shape_cast %swap3A_330 : vector<16xi32> to vector<16xi32>
    %swap3A_332 = vector.shape_cast %shift_right_arithmetic3A_328 : vector<16xi32> to vector<16xi32>
    tpu.vector_store %arg10[%swap3A_329], %swap3A_332 {strides = array<i32>} : memref<128xi32, #tpu.memory_space<vmem>>, vector<16xi32>,
    %dma_start3A_333 = arith.constant 0 : i32
    %dma_start3A_334 = arith.constant 0 : i32
    %dma_start3A_335 = tpu.memref_slice %arg13[%dma_start3A_333, %dma_start3A_334] : memref<10240x64xf32, #tpu.memory_space<vmem_shared>> -> memref<10240x64xf32, #tpu.memory_space<vmem_shared>>
    tpu.enqueue_indirect_dma source(%dma_start3A_335 : memref<10240x64xf32, #tpu.memory_space<vmem_shared>>) target(%arg11 : memref<128x64xf32, #tpu.memory_space<vmem>>) offsets(%arg7 : memref<128xi32, #tpu.memory_space<vmem>>) semaphore(%arg15 : memref<!tpu.dma_semaphore, #tpu.memory_space<semaphore_mem>>)
    %dma_start3A_336 = arith.constant 0 : i32
    %dma_start3A_337 = arith.constant 0 : i32
    %dma_start3A_338 = tpu.memref_slice %arg13[%dma_start3A_336, %dma_start3A_337] : memref<10240x64xf32, #tpu.memory_space<vmem_shared>> -> memref<10240x64xf32, #tpu.memory_space<vmem_shared>>
    tpu.enqueue_indirect_dma source(%dma_start3A_338 : memref<10240x64xf32, #tpu.memory_space<vmem_shared>>) target(%arg12 : memref<128x64xf32, #tpu.memory_space<vmem>>) offsets(%arg9 : memref<128xi32, #tpu.memory_space<vmem>>) semaphore(%arg16 : memref<!tpu.dma_semaphore, #tpu.memory_space<semaphore_mem>>)
    %scan3A = arith.constant 0 : i32
    %scan3A_339 = arith.constant 0 : i32
    %scan3A_340 = arith.constant 80 : i32
    %scan3A_341 = arith.addi %scan3A_339, %scan3A_340 : i32
    %scan3A_342 = arith.constant 1 : i32
    scf.for %scan3A_351 = %scan3A_339 to %scan3A_341 step %scan3A_342  : i32 {
      %mul3A_352 = arith.constant 2 : i32
      %mul3A_353 = arith.muli %mul3A_352, %scan3A_351 : i32
      %add3A = arith.constant 2 : i32
      %add3A_354 = arith.addi %mul3A_353, %add3A : i32
      %min3A = arith.constant 159 : i32
      %min3A_355 = arith.minsi %add3A_354, %min3A : i32
      %mul3A_356 = arith.constant 2 : i32
      %mul3A_357 = arith.muli %mul3A_356, %scan3A_351 : i32
      %add3A_358 = arith.constant 3 : i32
      %add3A_359 = arith.addi %mul3A_357, %add3A_358 : i32
      %min3A_360 = arith.constant 159 : i32
      %min3A_361 = arith.minsi %add3A_359, %min3A_360 : i32
      %dma_wait3A_362 = arith.constant 0 : i32
      %dma_wait3A_363 = arith.constant 0 : i32
      %dma_wait3A_364 = tpu.memref_slice %arg13[%dma_wait3A_362, %dma_wait3A_363] : memref<10240x64xf32, #tpu.memory_space<vmem_shared>> -> memref<10240x64xf32, #tpu.memory_space<vmem_shared>>
      tpu.wait_indirect_dma semaphore(%arg15 : memref<!tpu.dma_semaphore, #tpu.memory_space<semaphore_mem>>) src(%dma_wait3A_364 : memref<10240x64xf32, #tpu.memory_space<vmem_shared>>) dst(%arg11 : memref<128x64xf32, #tpu.memory_space<vmem>>)
      %dma_start3A_365 = arith.constant 0 : i32
      %dma_start3A_366 = arith.constant 0 : i32
      %dma_start3A_367 = tpu.memref_slice %arg14[%dma_start3A_365, %dma_start3A_366] : memref<10240x64xf32, #tpu.memory_space<vmem_shared>> -> memref<10240x64xf32, #tpu.memory_space<vmem_shared>>
      tpu.enqueue_indirect_dma source(%arg11 : memref<128x64xf32, #tpu.memory_space<vmem>>) target(%dma_start3A_367 : memref<10240x64xf32, #tpu.memory_space<vmem_shared>>) offsets(%arg8 : memref<128xi32, #tpu.memory_space<vmem>>) semaphore(%arg17 : memref<!tpu.dma_semaphore, #tpu.memory_space<semaphore_mem>>) {add = true}
      %dma_wait3A_368 = arith.constant 0 : i32
      %dma_wait3A_369 = arith.constant 0 : i32
      %dma_wait3A_370 = tpu.memref_slice %arg13[%dma_wait3A_368, %dma_wait3A_369] : memref<10240x64xf32, #tpu.memory_space<vmem_shared>> -> memref<10240x64xf32, #tpu.memory_space<vmem_shared>>
      tpu.wait_indirect_dma semaphore(%arg16 : memref<!tpu.dma_semaphore, #tpu.memory_space<semaphore_mem>>) src(%dma_wait3A_370 : memref<10240x64xf32, #tpu.memory_space<vmem_shared>>) dst(%arg12 : memref<128x64xf32, #tpu.memory_space<vmem>>)
      %dma_wait3A_371 = arith.constant 0 : i32
      %dma_wait3A_372 = arith.constant 0 : i32
      %dma_wait3A_373 = tpu.memref_slice %arg14[%dma_wait3A_371, %dma_wait3A_372] : memref<10240x64xf32, #tpu.memory_space<vmem_shared>> -> memref<10240x64xf32, #tpu.memory_space<vmem_shared>>
      tpu.wait_indirect_dma semaphore(%arg17 : memref<!tpu.dma_semaphore, #tpu.memory_space<semaphore_mem>>) src(%arg11 : memref<128x64xf32, #tpu.memory_space<vmem>>) dst(%dma_wait3A_373 : memref<10240x64xf32, #tpu.memory_space<vmem_shared>>)
      %get3A_374 = arith.index_cast %min3A_355 : i32 to index
      %get3A_375 = arith.constant 0 : index
      %get3A_376 = tpu.vector_load %arg6[%get3A_374, %get3A_375] {strides = array<i32>} : memref<160x128xi32, #tpu.memory_space<vmem>>, vector<1x16xi32>,
      %get3A_377 = vector.shape_cast %get3A_376 : vector<1x16xi32> to vector<16xi32>
      %and3A_378 = arith.constant 16383 : i32
      %and3A_379 = vector.broadcast %and3A_378 : i32 to vector<16xi32>
      %and3A_380 = arith.andi %get3A_377, %and3A_379 : vector<16xi32>
      %swap3A_381 = arith.constant 0 : index
      %swap3A_382 = tpu.vector_load %arg7[%swap3A_381] {strides = array<i32>} : memref<128xi32, #tpu.memory_space<vmem>>, vector<16xi32>,
      %swap3A_383 = vector.shape_cast %swap3A_382 : vector<16xi32> to vector<16xi32>
      %swap3A_384 = vector.shape_cast %and3A_380 : vector<16xi32> to vector<16xi32>
      tpu.vector_store %arg7[%swap3A_381], %swap3A_384 {strides = array<i32>} : memref<128xi32, #tpu.memory_space<vmem>>, vector<16xi32>,
      %shift_right_arithmetic3A_385 = arith.constant 14 : i32
      %shift_right_arithmetic3A_386 = vector.broadcast %shift_right_arithmetic3A_385 : i32 to vector<16xi32>
      %shift_right_arithmetic3A_387 = arith.shrsi %get3A_377, %shift_right_arithmetic3A_386 : vector<16xi32>
      %swap3A_388 = arith.constant 0 : index
      %swap3A_389 = tpu.vector_load %arg8[%swap3A_388] {strides = array<i32>} : memref<128xi32, #tpu.memory_space<vmem>>, vector<16xi32>,
      %swap3A_390 = vector.shape_cast %swap3A_389 : vector<16xi32> to vector<16xi32>
      %swap3A_391 = vector.shape_cast %shift_right_arithmetic3A_387 : vector<16xi32> to vector<16xi32>
      tpu.vector_store %arg8[%swap3A_388], %swap3A_391 {strides = array<i32>} : memref<128xi32, #tpu.memory_space<vmem>>, vector<16xi32>,
      %get3A_392 = arith.index_cast %min3A_355 : i32 to index
      %get3A_393 = arith.constant 16 : index
      %get3A_394 = tpu.vector_load %arg6[%get3A_392, %get3A_393] {strides = array<i32>} : memref<160x128xi32, #tpu.memory_space<vmem>>, vector<1x16xi32>,
      %get3A_395 = vector.shape_cast %get3A_394 : vector<1x16xi32> to vector<16xi32>
      %and3A_396 = arith.constant 16383 : i32
      %and3A_397 = vector.broadcast %and3A_396 : i32 to vector<16xi32>
      %and3A_398 = arith.andi %get3A_395, %and3A_397 : vector<16xi32>
      %swap3A_399 = arith.constant 16 : index
      %swap3A_400 = tpu.vector_load %arg7[%swap3A_399] {strides = array<i32>} : memref<128xi32, #tpu.memory_space<vmem>>, vector<16xi32>,
      %swap3A_401 = vector.shape_cast %swap3A_400 : vector<16xi32> to vector<16xi32>
      %swap3A_402 = vector.shape_cast %and3A_398 : vector<16xi32> to vector<16xi32>
      tpu.vector_store %arg7[%swap3A_399], %swap3A_402 {strides = array<i32>} : memref<128xi32, #tpu.memory_space<vmem>>, vector<16xi32>,
      %shift_right_arithmetic3A_403 = arith.constant 14 : i32
      %shift_right_arithmetic3A_404 = vector.broadcast %shift_right_arithmetic3A_403 : i32 to vector<16xi32>
      %shift_right_arithmetic3A_405 = arith.shrsi %get3A_395, %shift_right_arithmetic3A_404 : vector<16xi32>
      %swap3A_406 = arith.constant 16 : index
      %swap3A_407 = tpu.vector_load %arg8[%swap3A_406] {strides = array<i32>} : memref<128xi32, #tpu.memory_space<vmem>>, vector<16xi32>,
      %swap3A_408 = vector.shape_cast %swap3A_407 : vector<16xi32> to vector<16xi32>
      %swap3A_409 = vector.shape_cast %shift_right_arithmetic3A_405 : vector<16xi32> to vector<16xi32>
      tpu.vector_store %arg8[%swap3A_406], %swap3A_409 {strides = array<i32>} : memref<128xi32, #tpu.memory_space<vmem>>, vector<16xi32>,
      %get3A_410 = arith.index_cast %min3A_355 : i32 to index
      %get3A_411 = arith.constant 32 : index
      %get3A_412 = tpu.vector_load %arg6[%get3A_410, %get3A_411] {strides = array<i32>} : memref<160x128xi32, #tpu.memory_space<vmem>>, vector<1x16xi32>,
      %get3A_413 = vector.shape_cast %get3A_412 : vector<1x16xi32> to vector<16xi32>
      %and3A_414 = arith.constant 16383 : i32
      %and3A_415 = vector.broadcast %and3A_414 : i32 to vector<16xi32>
      %and3A_416 = arith.andi %get3A_413, %and3A_415 : vector<16xi32>
      %swap3A_417 = arith.constant 32 : index
      %swap3A_418 = tpu.vector_load %arg7[%swap3A_417] {strides = array<i32>} : memref<128xi32, #tpu.memory_space<vmem>>, vector<16xi32>,
      %swap3A_419 = vector.shape_cast %swap3A_418 : vector<16xi32> to vector<16xi32>
      %swap3A_420 = vector.shape_cast %and3A_416 : vector<16xi32> to vector<16xi32>
      tpu.vector_store %arg7[%swap3A_417], %swap3A_420 {strides = array<i32>} : memref<128xi32, #tpu.memory_space<vmem>>, vector<16xi32>,
      %shift_right_arithmetic3A_421 = arith.constant 14 : i32
      %shift_right_arithmetic3A_422 = vector.broadcast %shift_right_arithmetic3A_421 : i32 to vector<16xi32>
      %shift_right_arithmetic3A_423 = arith.shrsi %get3A_413, %shift_right_arithmetic3A_422 : vector<16xi32>
      %swap3A_424 = arith.constant 32 : index
      %swap3A_425 = tpu.vector_load %arg8[%swap3A_424] {strides = array<i32>} : memref<128xi32, #tpu.memory_space<vmem>>, vector<16xi32>,
      %swap3A_426 = vector.shape_cast %swap3A_425 : vector<16xi32> to vector<16xi32>
      %swap3A_427 = vector.shape_cast %shift_right_arithmetic3A_423 : vector<16xi32> to vector<16xi32>
      tpu.vector_store %arg8[%swap3A_424], %swap3A_427 {strides = array<i32>} : memref<128xi32, #tpu.memory_space<vmem>>, vector<16xi32>,
      %get3A_428 = arith.index_cast %min3A_355 : i32 to index
      %get3A_429 = arith.constant 48 : index
      %get3A_430 = tpu.vector_load %arg6[%get3A_428, %get3A_429] {strides = array<i32>} : memref<160x128xi32, #tpu.memory_space<vmem>>, vector<1x16xi32>,
      %get3A_431 = vector.shape_cast %get3A_430 : vector<1x16xi32> to vector<16xi32>
      %and3A_432 = arith.constant 16383 : i32
      %and3A_433 = vector.broadcast %and3A_432 : i32 to vector<16xi32>
      %and3A_434 = arith.andi %get3A_431, %and3A_433 : vector<16xi32>
      %swap3A_435 = arith.constant 48 : index
      %swap3A_436 = tpu.vector_load %arg7[%swap3A_435] {strides = array<i32>} : memref<128xi32, #tpu.memory_space<vmem>>, vector<16xi32>,
      %swap3A_437 = vector.shape_cast %swap3A_436 : vector<16xi32> to vector<16xi32>
      %swap3A_438 = vector.shape_cast %and3A_434 : vector<16xi32> to vector<16xi32>
      tpu.vector_store %arg7[%swap3A_435], %swap3A_438 {strides = array<i32>} : memref<128xi32, #tpu.memory_space<vmem>>, vector<16xi32>,
      %shift_right_arithmetic3A_439 = arith.constant 14 : i32
      %shift_right_arithmetic3A_440 = vector.broadcast %shift_right_arithmetic3A_439 : i32 to vector<16xi32>
      %shift_right_arithmetic3A_441 = arith.shrsi %get3A_431, %shift_right_arithmetic3A_440 : vector<16xi32>
      %swap3A_442 = arith.constant 48 : index
      %swap3A_443 = tpu.vector_load %arg8[%swap3A_442] {strides = array<i32>} : memref<128xi32, #tpu.memory_space<vmem>>, vector<16xi32>,
      %swap3A_444 = vector.shape_cast %swap3A_443 : vector<16xi32> to vector<16xi32>
      %swap3A_445 = vector.shape_cast %shift_right_arithmetic3A_441 : vector<16xi32> to vector<16xi32>
      tpu.vector_store %arg8[%swap3A_442], %swap3A_445 {strides = array<i32>} : memref<128xi32, #tpu.memory_space<vmem>>, vector<16xi32>,
      %get3A_446 = arith.index_cast %min3A_355 : i32 to index
      %get3A_447 = arith.constant 64 : index
      %get3A_448 = tpu.vector_load %arg6[%get3A_446, %get3A_447] {strides = array<i32>} : memref<160x128xi32, #tpu.memory_space<vmem>>, vector<1x16xi32>,
      %get3A_449 = vector.shape_cast %get3A_448 : vector<1x16xi32> to vector<16xi32>
      %and3A_450 = arith.constant 16383 : i32
      %and3A_451 = vector.broadcast %and3A_450 : i32 to vector<16xi32>
      %and3A_452 = arith.andi %get3A_449, %and3A_451 : vector<16xi32>
      %swap3A_453 = arith.constant 64 : index
      %swap3A_454 = tpu.vector_load %arg7[%swap3A_453] {strides = array<i32>} : memref<128xi32, #tpu.memory_space<vmem>>, vector<16xi32>,
      %swap3A_455 = vector.shape_cast %swap3A_454 : vector<16xi32> to vector<16xi32>
      %swap3A_456 = vector.shape_cast %and3A_452 : vector<16xi32> to vector<16xi32>
      tpu.vector_store %arg7[%swap3A_453], %swap3A_456 {strides = array<i32>} : memref<128xi32, #tpu.memory_space<vmem>>, vector<16xi32>,
      %shift_right_arithmetic3A_457 = arith.constant 14 : i32
      %shift_right_arithmetic3A_458 = vector.broadcast %shift_right_arithmetic3A_457 : i32 to vector<16xi32>
      %shift_right_arithmetic3A_459 = arith.shrsi %get3A_449, %shift_right_arithmetic3A_458 : vector<16xi32>
      %swap3A_460 = arith.constant 64 : index
      %swap3A_461 = tpu.vector_load %arg8[%swap3A_460] {strides = array<i32>} : memref<128xi32, #tpu.memory_space<vmem>>, vector<16xi32>,
      %swap3A_462 = vector.shape_cast %swap3A_461 : vector<16xi32> to vector<16xi32>
      %swap3A_463 = vector.shape_cast %shift_right_arithmetic3A_459 : vector<16xi32> to vector<16xi32>
      tpu.vector_store %arg8[%swap3A_460], %swap3A_463 {strides = array<i32>} : memref<128xi32, #tpu.memory_space<vmem>>, vector<16xi32>,
      %get3A_464 = arith.index_cast %min3A_355 : i32 to index
      %get3A_465 = arith.constant 80 : index
      %get3A_466 = tpu.vector_load %arg6[%get3A_464, %get3A_465] {strides = array<i32>} : memref<160x128xi32, #tpu.memory_space<vmem>>, vector<1x16xi32>,
      %get3A_467 = vector.shape_cast %get3A_466 : vector<1x16xi32> to vector<16xi32>
      %and3A_468 = arith.constant 16383 : i32
      %and3A_469 = vector.broadcast %and3A_468 : i32 to vector<16xi32>
      %and3A_470 = arith.andi %get3A_467, %and3A_469 : vector<16xi32>
      %swap3A_471 = arith.constant 80 : index
      %swap3A_472 = tpu.vector_load %arg7[%swap3A_471] {strides = array<i32>} : memref<128xi32, #tpu.memory_space<vmem>>, vector<16xi32>,
      %swap3A_473 = vector.shape_cast %swap3A_472 : vector<16xi32> to vector<16xi32>
      %swap3A_474 = vector.shape_cast %and3A_470 : vector<16xi32> to vector<16xi32>
      tpu.vector_store %arg7[%swap3A_471], %swap3A_474 {strides = array<i32>} : memref<128xi32, #tpu.memory_space<vmem>>, vector<16xi32>,
      %shift_right_arithmetic3A_475 = arith.constant 14 : i32
      %shift_right_arithmetic3A_476 = vector.broadcast %shift_right_arithmetic3A_475 : i32 to vector<16xi32>
      %shift_right_arithmetic3A_477 = arith.shrsi %get3A_467, %shift_right_arithmetic3A_476 : vector<16xi32>
      %swap3A_478 = arith.constant 80 : index
      %swap3A_479 = tpu.vector_load %arg8[%swap3A_478] {strides = array<i32>} : memref<128xi32, #tpu.memory_space<vmem>>, vector<16xi32>,
      %swap3A_480 = vector.shape_cast %swap3A_479 : vector<16xi32> to vector<16xi32>
      %swap3A_481 = vector.shape_cast %shift_right_arithmetic3A_477 : vector<16xi32> to vector<16xi32>
      tpu.vector_store %arg8[%swap3A_478], %swap3A_481 {strides = array<i32>} : memref<128xi32, #tpu.memory_space<vmem>>, vector<16xi32>,
      %get3A_482 = arith.index_cast %min3A_355 : i32 to index
      %get3A_483 = arith.constant 96 : index
      %get3A_484 = tpu.vector_load %arg6[%get3A_482, %get3A_483] {strides = array<i32>} : memref<160x128xi32, #tpu.memory_space<vmem>>, vector<1x16xi32>,
      %get3A_485 = vector.shape_cast %get3A_484 : vector<1x16xi32> to vector<16xi32>
      %and3A_486 = arith.constant 16383 : i32
      %and3A_487 = vector.broadcast %and3A_486 : i32 to vector<16xi32>
      %and3A_488 = arith.andi %get3A_485, %and3A_487 : vector<16xi32>
      %swap3A_489 = arith.constant 96 : index
      %swap3A_490 = tpu.vector_load %arg7[%swap3A_489] {strides = array<i32>} : memref<128xi32, #tpu.memory_space<vmem>>, vector<16xi32>,
      %swap3A_491 = vector.shape_cast %swap3A_490 : vector<16xi32> to vector<16xi32>
      %swap3A_492 = vector.shape_cast %and3A_488 : vector<16xi32> to vector<16xi32>
      tpu.vector_store %arg7[%swap3A_489], %swap3A_492 {strides = array<i32>} : memref<128xi32, #tpu.memory_space<vmem>>, vector<16xi32>,
      %shift_right_arithmetic3A_493 = arith.constant 14 : i32
      %shift_right_arithmetic3A_494 = vector.broadcast %shift_right_arithmetic3A_493 : i32 to vector<16xi32>
      %shift_right_arithmetic3A_495 = arith.shrsi %get3A_485, %shift_right_arithmetic3A_494 : vector<16xi32>
      %swap3A_496 = arith.constant 96 : index
      %swap3A_497 = tpu.vector_load %arg8[%swap3A_496] {strides = array<i32>} : memref<128xi32, #tpu.memory_space<vmem>>, vector<16xi32>,
      %swap3A_498 = vector.shape_cast %swap3A_497 : vector<16xi32> to vector<16xi32>
      %swap3A_499 = vector.shape_cast %shift_right_arithmetic3A_495 : vector<16xi32> to vector<16xi32>
      tpu.vector_store %arg8[%swap3A_496], %swap3A_499 {strides = array<i32>} : memref<128xi32, #tpu.memory_space<vmem>>, vector<16xi32>,
      %get3A_500 = arith.index_cast %min3A_355 : i32 to index
      %get3A_501 = arith.constant 112 : index
      %get3A_502 = tpu.vector_load %arg6[%get3A_500, %get3A_501] {strides = array<i32>} : memref<160x128xi32, #tpu.memory_space<vmem>>, vector<1x16xi32>,
      %get3A_503 = vector.shape_cast %get3A_502 : vector<1x16xi32> to vector<16xi32>
      %and3A_504 = arith.constant 16383 : i32
      %and3A_505 = vector.broadcast %and3A_504 : i32 to vector<16xi32>
      %and3A_506 = arith.andi %get3A_503, %and3A_505 : vector<16xi32>
      %swap3A_507 = arith.constant 112 : index
      %swap3A_508 = tpu.vector_load %arg7[%swap3A_507] {strides = array<i32>} : memref<128xi32, #tpu.memory_space<vmem>>, vector<16xi32>,
      %swap3A_509 = vector.shape_cast %swap3A_508 : vector<16xi32> to vector<16xi32>
      %swap3A_510 = vector.shape_cast %and3A_506 : vector<16xi32> to vector<16xi32>
      tpu.vector_store %arg7[%swap3A_507], %swap3A_510 {strides = array<i32>} : memref<128xi32, #tpu.memory_space<vmem>>, vector<16xi32>,
      %shift_right_arithmetic3A_511 = arith.constant 14 : i32
      %shift_right_arithmetic3A_512 = vector.broadcast %shift_right_arithmetic3A_511 : i32 to vector<16xi32>
      %shift_right_arithmetic3A_513 = arith.shrsi %get3A_503, %shift_right_arithmetic3A_512 : vector<16xi32>
      %swap3A_514 = arith.constant 112 : index
      %swap3A_515 = tpu.vector_load %arg8[%swap3A_514] {strides = array<i32>} : memref<128xi32, #tpu.memory_space<vmem>>, vector<16xi32>,
      %swap3A_516 = vector.shape_cast %swap3A_515 : vector<16xi32> to vector<16xi32>
      %swap3A_517 = vector.shape_cast %shift_right_arithmetic3A_513 : vector<16xi32> to vector<16xi32>
      tpu.vector_store %arg8[%swap3A_514], %swap3A_517 {strides = array<i32>} : memref<128xi32, #tpu.memory_space<vmem>>, vector<16xi32>,
      %dma_start3A_518 = arith.constant 0 : i32
      %dma_start3A_519 = arith.constant 0 : i32
      %dma_start3A_520 = tpu.memref_slice %arg13[%dma_start3A_518, %dma_start3A_519] : memref<10240x64xf32, #tpu.memory_space<vmem_shared>> -> memref<10240x64xf32, #tpu.memory_space<vmem_shared>>
      tpu.enqueue_indirect_dma source(%dma_start3A_520 : memref<10240x64xf32, #tpu.memory_space<vmem_shared>>) target(%arg11 : memref<128x64xf32, #tpu.memory_space<vmem>>) offsets(%arg7 : memref<128xi32, #tpu.memory_space<vmem>>) semaphore(%arg15 : memref<!tpu.dma_semaphore, #tpu.memory_space<semaphore_mem>>)
      %dma_start3A_521 = arith.constant 0 : i32
      %dma_start3A_522 = arith.constant 0 : i32
      %dma_start3A_523 = tpu.memref_slice %arg14[%dma_start3A_521, %dma_start3A_522] : memref<10240x64xf32, #tpu.memory_space<vmem_shared>> -> memref<10240x64xf32, #tpu.memory_space<vmem_shared>>
      tpu.enqueue_indirect_dma source(%arg12 : memref<128x64xf32, #tpu.memory_space<vmem>>) target(%dma_start3A_523 : memref<10240x64xf32, #tpu.memory_space<vmem_shared>>) offsets(%arg10 : memref<128xi32, #tpu.memory_space<vmem>>) semaphore(%arg18 : memref<!tpu.dma_semaphore, #tpu.memory_space<semaphore_mem>>) {add = true}
      %dma_wait3A_524 = arith.constant 0 : i32
      %dma_wait3A_525 = arith.constant 0 : i32
      %dma_wait3A_526 = tpu.memref_slice %arg14[%dma_wait3A_524, %dma_wait3A_525] : memref<10240x64xf32, #tpu.memory_space<vmem_shared>> -> memref<10240x64xf32, #tpu.memory_space<vmem_shared>>
      tpu.wait_indirect_dma semaphore(%arg18 : memref<!tpu.dma_semaphore, #tpu.memory_space<semaphore_mem>>) src(%arg12 : memref<128x64xf32, #tpu.memory_space<vmem>>) dst(%dma_wait3A_526 : memref<10240x64xf32, #tpu.memory_space<vmem_shared>>)
      %get3A_527 = arith.index_cast %min3A_361 : i32 to index
      %get3A_528 = arith.constant 0 : index
      %get3A_529 = tpu.vector_load %arg6[%get3A_527, %get3A_528] {strides = array<i32>} : memref<160x128xi32, #tpu.memory_space<vmem>>, vector<1x16xi32>,
      %get3A_530 = vector.shape_cast %get3A_529 : vector<1x16xi32> to vector<16xi32>
      %and3A_531 = arith.constant 16383 : i32
      %and3A_532 = vector.broadcast %and3A_531 : i32 to vector<16xi32>
      %and3A_533 = arith.andi %get3A_530, %and3A_532 : vector<16xi32>
      %swap3A_534 = arith.constant 0 : index
      %swap3A_535 = tpu.vector_load %arg9[%swap3A_534] {strides = array<i32>} : memref<128xi32, #tpu.memory_space<vmem>>, vector<16xi32>,
      %swap3A_536 = vector.shape_cast %swap3A_535 : vector<16xi32> to vector<16xi32>
      %swap3A_537 = vector.shape_cast %and3A_533 : vector<16xi32> to vector<16xi32>
      tpu.vector_store %arg9[%swap3A_534], %swap3A_537 {strides = array<i32>} : memref<128xi32, #tpu.memory_space<vmem>>, vector<16xi32>,
      %shift_right_arithmetic3A_538 = arith.constant 14 : i32
      %shift_right_arithmetic3A_539 = vector.broadcast %shift_right_arithmetic3A_538 : i32 to vector<16xi32>
      %shift_right_arithmetic3A_540 = arith.shrsi %get3A_530, %shift_right_arithmetic3A_539 : vector<16xi32>
      %swap3A_541 = arith.constant 0 : index
      %swap3A_542 = tpu.vector_load %arg10[%swap3A_541] {strides = array<i32>} : memref<128xi32, #tpu.memory_space<vmem>>, vector<16xi32>,
      %swap3A_543 = vector.shape_cast %swap3A_542 : vector<16xi32> to vector<16xi32>
      %swap3A_544 = vector.shape_cast %shift_right_arithmetic3A_540 : vector<16xi32> to vector<16xi32>
      tpu.vector_store %arg10[%swap3A_541], %swap3A_544 {strides = array<i32>} : memref<128xi32, #tpu.memory_space<vmem>>, vector<16xi32>,
      %get3A_545 = arith.index_cast %min3A_361 : i32 to index
      %get3A_546 = arith.constant 16 : index
      %get3A_547 = tpu.vector_load %arg6[%get3A_545, %get3A_546] {strides = array<i32>} : memref<160x128xi32, #tpu.memory_space<vmem>>, vector<1x16xi32>,
      %get3A_548 = vector.shape_cast %get3A_547 : vector<1x16xi32> to vector<16xi32>
      %and3A_549 = arith.constant 16383 : i32
      %and3A_550 = vector.broadcast %and3A_549 : i32 to vector<16xi32>
      %and3A_551 = arith.andi %get3A_548, %and3A_550 : vector<16xi32>
      %swap3A_552 = arith.constant 16 : index
      %swap3A_553 = tpu.vector_load %arg9[%swap3A_552] {strides = array<i32>} : memref<128xi32, #tpu.memory_space<vmem>>, vector<16xi32>,
      %swap3A_554 = vector.shape_cast %swap3A_553 : vector<16xi32> to vector<16xi32>
      %swap3A_555 = vector.shape_cast %and3A_551 : vector<16xi32> to vector<16xi32>
      tpu.vector_store %arg9[%swap3A_552], %swap3A_555 {strides = array<i32>} : memref<128xi32, #tpu.memory_space<vmem>>, vector<16xi32>,
      %shift_right_arithmetic3A_556 = arith.constant 14 : i32
      %shift_right_arithmetic3A_557 = vector.broadcast %shift_right_arithmetic3A_556 : i32 to vector<16xi32>
      %shift_right_arithmetic3A_558 = arith.shrsi %get3A_548, %shift_right_arithmetic3A_557 : vector<16xi32>
      %swap3A_559 = arith.constant 16 : index
      %swap3A_560 = tpu.vector_load %arg10[%swap3A_559] {strides = array<i32>} : memref<128xi32, #tpu.memory_space<vmem>>, vector<16xi32>,
      %swap3A_561 = vector.shape_cast %swap3A_560 : vector<16xi32> to vector<16xi32>
      %swap3A_562 = vector.shape_cast %shift_right_arithmetic3A_558 : vector<16xi32> to vector<16xi32>
      tpu.vector_store %arg10[%swap3A_559], %swap3A_562 {strides = array<i32>} : memref<128xi32, #tpu.memory_space<vmem>>, vector<16xi32>,
      %get3A_563 = arith.index_cast %min3A_361 : i32 to index
      %get3A_564 = arith.constant 32 : index
      %get3A_565 = tpu.vector_load %arg6[%get3A_563, %get3A_564] {strides = array<i32>} : memref<160x128xi32, #tpu.memory_space<vmem>>, vector<1x16xi32>,
      %get3A_566 = vector.shape_cast %get3A_565 : vector<1x16xi32> to vector<16xi32>
      %and3A_567 = arith.constant 16383 : i32
      %and3A_568 = vector.broadcast %and3A_567 : i32 to vector<16xi32>
      %and3A_569 = arith.andi %get3A_566, %and3A_568 : vector<16xi32>
      %swap3A_570 = arith.constant 32 : index
      %swap3A_571 = tpu.vector_load %arg9[%swap3A_570] {strides = array<i32>} : memref<128xi32, #tpu.memory_space<vmem>>, vector<16xi32>,
      %swap3A_572 = vector.shape_cast %swap3A_571 : vector<16xi32> to vector<16xi32>
      %swap3A_573 = vector.shape_cast %and3A_569 : vector<16xi32> to vector<16xi32>
      tpu.vector_store %arg9[%swap3A_570], %swap3A_573 {strides = array<i32>} : memref<128xi32, #tpu.memory_space<vmem>>, vector<16xi32>,
      %shift_right_arithmetic3A_574 = arith.constant 14 : i32
      %shift_right_arithmetic3A_575 = vector.broadcast %shift_right_arithmetic3A_574 : i32 to vector<16xi32>
      %shift_right_arithmetic3A_576 = arith.shrsi %get3A_566, %shift_right_arithmetic3A_575 : vector<16xi32>
      %swap3A_577 = arith.constant 32 : index
      %swap3A_578 = tpu.vector_load %arg10[%swap3A_577] {strides = array<i32>} : memref<128xi32, #tpu.memory_space<vmem>>, vector<16xi32>,
      %swap3A_579 = vector.shape_cast %swap3A_578 : vector<16xi32> to vector<16xi32>
      %swap3A_580 = vector.shape_cast %shift_right_arithmetic3A_576 : vector<16xi32> to vector<16xi32>
      tpu.vector_store %arg10[%swap3A_577], %swap3A_580 {strides = array<i32>} : memref<128xi32, #tpu.memory_space<vmem>>, vector<16xi32>,
      %get3A_581 = arith.index_cast %min3A_361 : i32 to index
      %get3A_582 = arith.constant 48 : index
      %get3A_583 = tpu.vector_load %arg6[%get3A_581, %get3A_582] {strides = array<i32>} : memref<160x128xi32, #tpu.memory_space<vmem>>, vector<1x16xi32>,
      %get3A_584 = vector.shape_cast %get3A_583 : vector<1x16xi32> to vector<16xi32>
      %and3A_585 = arith.constant 16383 : i32
      %and3A_586 = vector.broadcast %and3A_585 : i32 to vector<16xi32>
      %and3A_587 = arith.andi %get3A_584, %and3A_586 : vector<16xi32>
      %swap3A_588 = arith.constant 48 : index
      %swap3A_589 = tpu.vector_load %arg9[%swap3A_588] {strides = array<i32>} : memref<128xi32, #tpu.memory_space<vmem>>, vector<16xi32>,
      %swap3A_590 = vector.shape_cast %swap3A_589 : vector<16xi32> to vector<16xi32>
      %swap3A_591 = vector.shape_cast %and3A_587 : vector<16xi32> to vector<16xi32>
      tpu.vector_store %arg9[%swap3A_588], %swap3A_591 {strides = array<i32>} : memref<128xi32, #tpu.memory_space<vmem>>, vector<16xi32>,
      %shift_right_arithmetic3A_592 = arith.constant 14 : i32
      %shift_right_arithmetic3A_593 = vector.broadcast %shift_right_arithmetic3A_592 : i32 to vector<16xi32>
      %shift_right_arithmetic3A_594 = arith.shrsi %get3A_584, %shift_right_arithmetic3A_593 : vector<16xi32>
      %swap3A_595 = arith.constant 48 : index
      %swap3A_596 = tpu.vector_load %arg10[%swap3A_595] {strides = array<i32>} : memref<128xi32, #tpu.memory_space<vmem>>, vector<16xi32>,
      %swap3A_597 = vector.shape_cast %swap3A_596 : vector<16xi32> to vector<16xi32>
      %swap3A_598 = vector.shape_cast %shift_right_arithmetic3A_594 : vector<16xi32> to vector<16xi32>
      tpu.vector_store %arg10[%swap3A_595], %swap3A_598 {strides = array<i32>} : memref<128xi32, #tpu.memory_space<vmem>>, vector<16xi32>,
      %get3A_599 = arith.index_cast %min3A_361 : i32 to index
      %get3A_600 = arith.constant 64 : index
      %get3A_601 = tpu.vector_load %arg6[%get3A_599, %get3A_600] {strides = array<i32>} : memref<160x128xi32, #tpu.memory_space<vmem>>, vector<1x16xi32>,
      %get3A_602 = vector.shape_cast %get3A_601 : vector<1x16xi32> to vector<16xi32>
      %and3A_603 = arith.constant 16383 : i32
      %and3A_604 = vector.broadcast %and3A_603 : i32 to vector<16xi32>
      %and3A_605 = arith.andi %get3A_602, %and3A_604 : vector<16xi32>
      %swap3A_606 = arith.constant 64 : index
      %swap3A_607 = tpu.vector_load %arg9[%swap3A_606] {strides = array<i32>} : memref<128xi32, #tpu.memory_space<vmem>>, vector<16xi32>,
      %swap3A_608 = vector.shape_cast %swap3A_607 : vector<16xi32> to vector<16xi32>
      %swap3A_609 = vector.shape_cast %and3A_605 : vector<16xi32> to vector<16xi32>
      tpu.vector_store %arg9[%swap3A_606], %swap3A_609 {strides = array<i32>} : memref<128xi32, #tpu.memory_space<vmem>>, vector<16xi32>,
      %shift_right_arithmetic3A_610 = arith.constant 14 : i32
      %shift_right_arithmetic3A_611 = vector.broadcast %shift_right_arithmetic3A_610 : i32 to vector<16xi32>
      %shift_right_arithmetic3A_612 = arith.shrsi %get3A_602, %shift_right_arithmetic3A_611 : vector<16xi32>
      %swap3A_613 = arith.constant 64 : index
      %swap3A_614 = tpu.vector_load %arg10[%swap3A_613] {strides = array<i32>} : memref<128xi32, #tpu.memory_space<vmem>>, vector<16xi32>,
      %swap3A_615 = vector.shape_cast %swap3A_614 : vector<16xi32> to vector<16xi32>
      %swap3A_616 = vector.shape_cast %shift_right_arithmetic3A_612 : vector<16xi32> to vector<16xi32>
      tpu.vector_store %arg10[%swap3A_613], %swap3A_616 {strides = array<i32>} : memref<128xi32, #tpu.memory_space<vmem>>, vector<16xi32>,
      %get3A_617 = arith.index_cast %min3A_361 : i32 to index
      %get3A_618 = arith.constant 80 : index
      %get3A_619 = tpu.vector_load %arg6[%get3A_617, %get3A_618] {strides = array<i32>} : memref<160x128xi32, #tpu.memory_space<vmem>>, vector<1x16xi32>,
      %get3A_620 = vector.shape_cast %get3A_619 : vector<1x16xi32> to vector<16xi32>
      %and3A_621 = arith.constant 16383 : i32
      %and3A_622 = vector.broadcast %and3A_621 : i32 to vector<16xi32>
      %and3A_623 = arith.andi %get3A_620, %and3A_622 : vector<16xi32>
      %swap3A_624 = arith.constant 80 : index
      %swap3A_625 = tpu.vector_load %arg9[%swap3A_624] {strides = array<i32>} : memref<128xi32, #tpu.memory_space<vmem>>, vector<16xi32>,
      %swap3A_626 = vector.shape_cast %swap3A_625 : vector<16xi32> to vector<16xi32>
      %swap3A_627 = vector.shape_cast %and3A_623 : vector<16xi32> to vector<16xi32>
      tpu.vector_store %arg9[%swap3A_624], %swap3A_627 {strides = array<i32>} : memref<128xi32, #tpu.memory_space<vmem>>, vector<16xi32>,
      %shift_right_arithmetic3A_628 = arith.constant 14 : i32
      %shift_right_arithmetic3A_629 = vector.broadcast %shift_right_arithmetic3A_628 : i32 to vector<16xi32>
      %shift_right_arithmetic3A_630 = arith.shrsi %get3A_620, %shift_right_arithmetic3A_629 : vector<16xi32>
      %swap3A_631 = arith.constant 80 : index
      %swap3A_632 = tpu.vector_load %arg10[%swap3A_631] {strides = array<i32>} : memref<128xi32, #tpu.memory_space<vmem>>, vector<16xi32>,
      %swap3A_633 = vector.shape_cast %swap3A_632 : vector<16xi32> to vector<16xi32>
      %swap3A_634 = vector.shape_cast %shift_right_arithmetic3A_630 : vector<16xi32> to vector<16xi32>
      tpu.vector_store %arg10[%swap3A_631], %swap3A_634 {strides = array<i32>} : memref<128xi32, #tpu.memory_space<vmem>>, vector<16xi32>,
      %get3A_635 = arith.index_cast %min3A_361 : i32 to index
      %get3A_636 = arith.constant 96 : index
      %get3A_637 = tpu.vector_load %arg6[%get3A_635, %get3A_636] {strides = array<i32>} : memref<160x128xi32, #tpu.memory_space<vmem>>, vector<1x16xi32>,
      %get3A_638 = vector.shape_cast %get3A_637 : vector<1x16xi32> to vector<16xi32>
      %and3A_639 = arith.constant 16383 : i32
      %and3A_640 = vector.broadcast %and3A_639 : i32 to vector<16xi32>
      %and3A_641 = arith.andi %get3A_638, %and3A_640 : vector<16xi32>
      %swap3A_642 = arith.constant 96 : index
      %swap3A_643 = tpu.vector_load %arg9[%swap3A_642] {strides = array<i32>} : memref<128xi32, #tpu.memory_space<vmem>>, vector<16xi32>,
      %swap3A_644 = vector.shape_cast %swap3A_643 : vector<16xi32> to vector<16xi32>
      %swap3A_645 = vector.shape_cast %and3A_641 : vector<16xi32> to vector<16xi32>
      tpu.vector_store %arg9[%swap3A_642], %swap3A_645 {strides = array<i32>} : memref<128xi32, #tpu.memory_space<vmem>>, vector<16xi32>,
      %shift_right_arithmetic3A_646 = arith.constant 14 : i32
      %shift_right_arithmetic3A_647 = vector.broadcast %shift_right_arithmetic3A_646 : i32 to vector<16xi32>
      %shift_right_arithmetic3A_648 = arith.shrsi %get3A_638, %shift_right_arithmetic3A_647 : vector<16xi32>
      %swap3A_649 = arith.constant 96 : index
      %swap3A_650 = tpu.vector_load %arg10[%swap3A_649] {strides = array<i32>} : memref<128xi32, #tpu.memory_space<vmem>>, vector<16xi32>,
      %swap3A_651 = vector.shape_cast %swap3A_650 : vector<16xi32> to vector<16xi32>
      %swap3A_652 = vector.shape_cast %shift_right_arithmetic3A_648 : vector<16xi32> to vector<16xi32>
      tpu.vector_store %arg10[%swap3A_649], %swap3A_652 {strides = array<i32>} : memref<128xi32, #tpu.memory_space<vmem>>, vector<16xi32>,
      %get3A_653 = arith.index_cast %min3A_361 : i32 to index
      %get3A_654 = arith.constant 112 : index
      %get3A_655 = tpu.vector_load %arg6[%get3A_653, %get3A_654] {strides = array<i32>} : memref<160x128xi32, #tpu.memory_space<vmem>>, vector<1x16xi32>,
      %get3A_656 = vector.shape_cast %get3A_655 : vector<1x16xi32> to vector<16xi32>
      %and3A_657 = arith.constant 16383 : i32
      %and3A_658 = vector.broadcast %and3A_657 : i32 to vector<16xi32>
      %and3A_659 = arith.andi %get3A_656, %and3A_658 : vector<16xi32>
      %swap3A_660 = arith.constant 112 : index
      %swap3A_661 = tpu.vector_load %arg9[%swap3A_660] {strides = array<i32>} : memref<128xi32, #tpu.memory_space<vmem>>, vector<16xi32>,
      %swap3A_662 = vector.shape_cast %swap3A_661 : vector<16xi32> to vector<16xi32>
      %swap3A_663 = vector.shape_cast %and3A_659 : vector<16xi32> to vector<16xi32>
      tpu.vector_store %arg9[%swap3A_660], %swap3A_663 {strides = array<i32>} : memref<128xi32, #tpu.memory_space<vmem>>, vector<16xi32>,
      %shift_right_arithmetic3A_664 = arith.constant 14 : i32
      %shift_right_arithmetic3A_665 = vector.broadcast %shift_right_arithmetic3A_664 : i32 to vector<16xi32>
      %shift_right_arithmetic3A_666 = arith.shrsi %get3A_656, %shift_right_arithmetic3A_665 : vector<16xi32>
      %swap3A_667 = arith.constant 112 : index
      %swap3A_668 = tpu.vector_load %arg10[%swap3A_667] {strides = array<i32>} : memref<128xi32, #tpu.memory_space<vmem>>, vector<16xi32>,
      %swap3A_669 = vector.shape_cast %swap3A_668 : vector<16xi32> to vector<16xi32>
      %swap3A_670 = vector.shape_cast %shift_right_arithmetic3A_666 : vector<16xi32> to vector<16xi32>
      tpu.vector_store %arg10[%swap3A_667], %swap3A_670 {strides = array<i32>} : memref<128xi32, #tpu.memory_space<vmem>>, vector<16xi32>,
      %dma_start3A_671 = arith.constant 0 : i32
      %dma_start3A_672 = arith.constant 0 : i32
      %dma_start3A_673 = tpu.memref_slice %arg13[%dma_start3A_671, %dma_start3A_672] : memref<10240x64xf32, #tpu.memory_space<vmem_shared>> -> memref<10240x64xf32, #tpu.memory_space<vmem_shared>>
      tpu.enqueue_indirect_dma source(%dma_start3A_673 : memref<10240x64xf32, #tpu.memory_space<vmem_shared>>) target(%arg12 : memref<128x64xf32, #tpu.memory_space<vmem>>) offsets(%arg9 : memref<128xi32, #tpu.memory_space<vmem>>) semaphore(%arg16 : memref<!tpu.dma_semaphore, #tpu.memory_space<semaphore_mem>>)
    }
    %scan3A_343 = arith.constant 80 : i32
    %dma_wait3A_344 = arith.constant 0 : i32
    %dma_wait3A_345 = arith.constant 0 : i32
    %dma_wait3A_346 = tpu.memref_slice %arg13[%dma_wait3A_344, %dma_wait3A_345] : memref<10240x64xf32, #tpu.memory_space<vmem_shared>> -> memref<10240x64xf32, #tpu.memory_space<vmem_shared>>
    tpu.wait_indirect_dma semaphore(%arg15 : memref<!tpu.dma_semaphore, #tpu.memory_space<semaphore_mem>>) src(%dma_wait3A_346 : memref<10240x64xf32, #tpu.memory_space<vmem_shared>>) dst(%arg11 : memref<128x64xf32, #tpu.memory_space<vmem>>)
    %dma_wait3A_347 = arith.constant 0 : i32
    %dma_wait3A_348 = arith.constant 0 : i32
    %dma_wait3A_349 = tpu.memref_slice %arg13[%dma_wait3A_347, %dma_wait3A_348] : memref<10240x64xf32, #tpu.memory_space<vmem_shared>> -> memref<10240x64xf32, #tpu.memory_space<vmem_shared>>
    tpu.wait_indirect_dma semaphore(%arg16 : memref<!tpu.dma_semaphore, #tpu.memory_space<semaphore_mem>>) src(%dma_wait3A_349 : memref<10240x64xf32, #tpu.memory_space<vmem_shared>>) dst(%arg12 : memref<128x64xf32, #tpu.memory_space<vmem>>)
    %barrier3A_350 = arith.constant 0 : index
    tpu.barrier barrier_id(%barrier3A_350)
    "tpu.region"() ({
      %run_scoped3A = tpu.sem_alloc : memref<!tpu.dma_semaphore, #tpu.memory_space<semaphore_mem>>
      %dma_start3A_351 = arith.constant 0 : i32
      %dma_start3A_352 = tpu.memref_slice %arg5[%arg0, %mul3A_0, %dma_start3A_351] : memref<2x10240x64xf32, #tpu.memory_space<hbm>> -> memref<1x640x64xf32, #tpu.memory_space<hbm>>
      %dma_start3A_353 = tpu.memref_squeeze %dma_start3A_352 : memref<1x640x64xf32, #tpu.memory_space<hbm>> -> memref<640x64xf32, #tpu.memory_space<hbm>>
      %dma_start3A_354 = arith.constant 0 : i32
      %dma_start3A_355 = tpu.memref_slice %arg14[%mul3A_0, %dma_start3A_354] : memref<10240x64xf32, #tpu.memory_space<vmem_shared>> -> memref<640x64xf32, #tpu.memory_space<vmem_shared>>
      tpu.enqueue_dma source(%dma_start3A_355 : memref<640x64xf32, #tpu.memory_space<vmem_shared>>) target(%dma_start3A_353 : memref<640x64xf32, #tpu.memory_space<hbm>>) target_semaphore(%run_scoped3A : memref<!tpu.dma_semaphore, #tpu.memory_space<semaphore_mem>>)
      %dma_wait3A_356 = arith.constant 0 : i32
      %dma_wait3A_357 = tpu.memref_slice %arg5[%arg0, %mul3A_0, %dma_wait3A_356] : memref<2x10240x64xf32, #tpu.memory_space<hbm>> -> memref<1x640x64xf32, #tpu.memory_space<hbm>>
      %dma_wait3A_358 = tpu.memref_squeeze %dma_wait3A_357 : memref<1x640x64xf32, #tpu.memory_space<hbm>> -> memref<640x64xf32, #tpu.memory_space<hbm>>
      %dma_wait3A_359 = arith.constant 0 : i32
      %dma_wait3A_360 = tpu.memref_slice %arg14[%mul3A_0, %dma_wait3A_359] : memref<10240x64xf32, #tpu.memory_space<vmem_shared>> -> memref<640x64xf32, #tpu.memory_space<vmem_shared>>
      tpu.wait_dma2 semaphore(%run_scoped3A : memref<!tpu.dma_semaphore, #tpu.memory_space<semaphore_mem>>) src(%dma_wait3A_360 : memref<640x64xf32, #tpu.memory_space<vmem_shared>>) dst(%dma_wait3A_358 : memref<640x64xf32, #tpu.memory_space<hbm>>)
      tpu.yield
    }) : () -> ()
    return
  }
}

#map = affine_map<(d0, d1) -> (0, 0)>
#map1 = affine_map<(d0, d1) -> (0, 0, 0)>
module attributes {stable_mosaic.version = 14 : i64} {
  func.func @_AGG16(%arg0: i32, %arg1: i32, %arg2: memref<10240x16xf32, #tpu.memory_space<hbm>>, %arg3: memref<32x80x128xi32, #tpu.memory_space<hbm>>, %arg4: memref<10240x16xf32, #tpu.memory_space<hbm>>, %arg5: memref<2x10240x16xf32, #tpu.memory_space<hbm>>, %arg6: memref<80x128xi32, #tpu.memory_space<vmem>>, %arg7: memref<128xi32, #tpu.memory_space<vmem>>, %arg8: memref<128xi32, #tpu.memory_space<vmem>>, %arg9: memref<128xi32, #tpu.memory_space<vmem>>, %arg10: memref<128xi32, #tpu.memory_space<vmem>>, %arg11: memref<128x16xf32, #tpu.memory_space<vmem>>, %arg12: memref<128x16xf32, #tpu.memory_space<vmem>>, %arg13: memref<10240x16xf32, #tpu.memory_space<vmem_shared>>, %arg14: memref<10240x16xf32, #tpu.memory_space<vmem_shared>>, %arg15: memref<!tpu.dma_semaphore, #tpu.memory_space<semaphore_mem>>, %arg16: memref<!tpu.dma_semaphore, #tpu.memory_space<semaphore_mem>>, %arg17: memref<!tpu.dma_semaphore, #tpu.memory_space<semaphore_mem>>, %arg18: memref<!tpu.dma_semaphore, #tpu.memory_space<semaphore_mem>>) attributes {dimension_semantics = [#tpu.dimension_semantics<core_parallel>, #tpu.dimension_semantics<subcore_parallel>], iteration_bounds = array<i64: 2, 16>, scalar_prefetch = 0 : i64, scratch_operands = 13 : i64, tpu.core_type = #tpu.core_type<sc_vector_subcore>, window_params = [{transform_indices = #map}, {transform_indices = #map1}, {transform_indices = #map}, {transform_indices = #map1}]} {
    %mul3A = arith.constant 2 : i32
    %mul3A_0 = arith.muli %arg1, %mul3A : i32
    %add3A = arith.addi %mul3A_0, %arg0 : i32
    %mul3A_1 = arith.constant 640 : i32
    %mul3A_2 = arith.muli %arg1, %mul3A_1 : i32
    %dma_start3A = arith.constant 0 : i32
    %dma_start3A_3 = tpu.memref_slice %arg14[%mul3A_2, %dma_start3A] : memref<10240x16xf32, #tpu.memory_space<vmem_shared>> -> memref<640x16xf32, #tpu.memory_space<vmem_shared>>
    %dma_start3A_4 = arith.constant 0 : i32
    %dma_start3A_5 = tpu.memref_slice %arg4[%mul3A_2, %dma_start3A_4] : memref<10240x16xf32, #tpu.memory_space<hbm>> -> memref<640x16xf32, #tpu.memory_space<hbm>>
    tpu.enqueue_dma source(%dma_start3A_5 : memref<640x16xf32, #tpu.memory_space<hbm>>) target(%dma_start3A_3 : memref<640x16xf32, #tpu.memory_space<vmem_shared>>) target_semaphore(%arg15 : memref<!tpu.dma_semaphore, #tpu.memory_space<semaphore_mem>>)
    %dma_start3A_6 = arith.constant 0 : i32
    %dma_start3A_7 = tpu.memref_slice %arg13[%mul3A_2, %dma_start3A_6] : memref<10240x16xf32, #tpu.memory_space<vmem_shared>> -> memref<640x16xf32, #tpu.memory_space<vmem_shared>>
    %dma_start3A_8 = arith.constant 0 : i32
    %dma_start3A_9 = tpu.memref_slice %arg2[%mul3A_2, %dma_start3A_8] : memref<10240x16xf32, #tpu.memory_space<hbm>> -> memref<640x16xf32, #tpu.memory_space<hbm>>
    tpu.enqueue_dma source(%dma_start3A_9 : memref<640x16xf32, #tpu.memory_space<hbm>>) target(%dma_start3A_7 : memref<640x16xf32, #tpu.memory_space<vmem_shared>>) target_semaphore(%arg16 : memref<!tpu.dma_semaphore, #tpu.memory_space<semaphore_mem>>)
    %dma_start3A_10 = arith.constant 0 : i32
    %dma_start3A_11 = arith.constant 0 : i32
    %dma_start3A_12 = tpu.memref_slice %arg3[%add3A, %dma_start3A_10, %dma_start3A_11] : memref<32x80x128xi32, #tpu.memory_space<hbm>> -> memref<1x80x128xi32, #tpu.memory_space<hbm>>
    %dma_start3A_13 = tpu.memref_squeeze %dma_start3A_12 : memref<1x80x128xi32, #tpu.memory_space<hbm>> -> memref<80x128xi32, #tpu.memory_space<hbm>>
    %dma_start3A_14 = arith.constant 0 : i32
    %dma_start3A_15 = arith.constant 0 : i32
    %dma_start3A_16 = tpu.memref_slice %arg3[%add3A, %dma_start3A_14, %dma_start3A_15] : memref<32x80x128xi32, #tpu.memory_space<hbm>> -> memref<1x80x128xi32, #tpu.memory_space<hbm>>
    %dma_start3A_17 = tpu.memref_squeeze %dma_start3A_16 : memref<1x80x128xi32, #tpu.memory_space<hbm>> -> memref<80x128xi32, #tpu.memory_space<hbm>>
    tpu.enqueue_dma source(%dma_start3A_17 : memref<80x128xi32, #tpu.memory_space<hbm>>) target(%arg6 : memref<80x128xi32, #tpu.memory_space<vmem>>) target_semaphore(%arg17 : memref<!tpu.dma_semaphore, #tpu.memory_space<semaphore_mem>>)
    %dma_wait3A = arith.constant 0 : i32
    %dma_wait3A_18 = tpu.memref_slice %arg14[%mul3A_2, %dma_wait3A] : memref<10240x16xf32, #tpu.memory_space<vmem_shared>> -> memref<640x16xf32, #tpu.memory_space<vmem_shared>>
    %dma_wait3A_19 = arith.constant 0 : i32
    %dma_wait3A_20 = tpu.memref_slice %arg4[%mul3A_2, %dma_wait3A_19] : memref<10240x16xf32, #tpu.memory_space<hbm>> -> memref<640x16xf32, #tpu.memory_space<hbm>>
    tpu.wait_dma2 semaphore(%arg15 : memref<!tpu.dma_semaphore, #tpu.memory_space<semaphore_mem>>) src(%dma_wait3A_20 : memref<640x16xf32, #tpu.memory_space<hbm>>) dst(%dma_wait3A_18 : memref<640x16xf32, #tpu.memory_space<vmem_shared>>)
    %dma_wait3A_21 = arith.constant 0 : i32
    %dma_wait3A_22 = tpu.memref_slice %arg13[%mul3A_2, %dma_wait3A_21] : memref<10240x16xf32, #tpu.memory_space<vmem_shared>> -> memref<640x16xf32, #tpu.memory_space<vmem_shared>>
    %dma_wait3A_23 = arith.constant 0 : i32
    %dma_wait3A_24 = tpu.memref_slice %arg2[%mul3A_2, %dma_wait3A_23] : memref<10240x16xf32, #tpu.memory_space<hbm>> -> memref<640x16xf32, #tpu.memory_space<hbm>>
    tpu.wait_dma2 semaphore(%arg16 : memref<!tpu.dma_semaphore, #tpu.memory_space<semaphore_mem>>) src(%dma_wait3A_24 : memref<640x16xf32, #tpu.memory_space<hbm>>) dst(%dma_wait3A_22 : memref<640x16xf32, #tpu.memory_space<vmem_shared>>)
    %dma_wait3A_25 = arith.constant 0 : i32
    %dma_wait3A_26 = arith.constant 0 : i32
    %dma_wait3A_27 = tpu.memref_slice %arg3[%add3A, %dma_wait3A_25, %dma_wait3A_26] : memref<32x80x128xi32, #tpu.memory_space<hbm>> -> memref<1x80x128xi32, #tpu.memory_space<hbm>>
    %dma_wait3A_28 = tpu.memref_squeeze %dma_wait3A_27 : memref<1x80x128xi32, #tpu.memory_space<hbm>> -> memref<80x128xi32, #tpu.memory_space<hbm>>
    %dma_wait3A_29 = arith.constant 0 : i32
    %dma_wait3A_30 = arith.constant 0 : i32
    %dma_wait3A_31 = tpu.memref_slice %arg3[%add3A, %dma_wait3A_29, %dma_wait3A_30] : memref<32x80x128xi32, #tpu.memory_space<hbm>> -> memref<1x80x128xi32, #tpu.memory_space<hbm>>
    %dma_wait3A_32 = tpu.memref_squeeze %dma_wait3A_31 : memref<1x80x128xi32, #tpu.memory_space<hbm>> -> memref<80x128xi32, #tpu.memory_space<hbm>>
    tpu.wait_dma2 semaphore(%arg17 : memref<!tpu.dma_semaphore, #tpu.memory_space<semaphore_mem>>) src(%dma_wait3A_32 : memref<80x128xi32, #tpu.memory_space<hbm>>) dst(%arg6 : memref<80x128xi32, #tpu.memory_space<vmem>>)
    %barrier3A = arith.constant 0 : index
    tpu.barrier barrier_id(%barrier3A)
    %get3A = arith.constant 0 : i32
    %get3A_33 = arith.index_cast %get3A : i32 to index
    %get3A_34 = arith.constant 0 : index
    %get3A_35 = tpu.vector_load %arg6[%get3A_33, %get3A_34] {strides = array<i32>} : memref<80x128xi32, #tpu.memory_space<vmem>>, vector<1x16xi32>,
    %get3A_36 = vector.shape_cast %get3A_35 : vector<1x16xi32> to vector<16xi32>
    %and3A = arith.constant 16383 : i32
    %and3A_37 = vector.broadcast %and3A : i32 to vector<16xi32>
    %and3A_38 = arith.andi %get3A_36, %and3A_37 : vector<16xi32>
    %swap3A = arith.constant 0 : index
    %swap3A_39 = tpu.vector_load %arg7[%swap3A] {strides = array<i32>} : memref<128xi32, #tpu.memory_space<vmem>>, vector<16xi32>,
    %swap3A_40 = vector.shape_cast %swap3A_39 : vector<16xi32> to vector<16xi32>
    %swap3A_41 = vector.shape_cast %and3A_38 : vector<16xi32> to vector<16xi32>
    tpu.vector_store %arg7[%swap3A], %swap3A_41 {strides = array<i32>} : memref<128xi32, #tpu.memory_space<vmem>>, vector<16xi32>,
    %shift_right_arithmetic3A = arith.constant 14 : i32
    %shift_right_arithmetic3A_42 = vector.broadcast %shift_right_arithmetic3A : i32 to vector<16xi32>
    %shift_right_arithmetic3A_43 = arith.shrsi %get3A_36, %shift_right_arithmetic3A_42 : vector<16xi32>
    %swap3A_44 = arith.constant 0 : index
    %swap3A_45 = tpu.vector_load %arg8[%swap3A_44] {strides = array<i32>} : memref<128xi32, #tpu.memory_space<vmem>>, vector<16xi32>,
    %swap3A_46 = vector.shape_cast %swap3A_45 : vector<16xi32> to vector<16xi32>
    %swap3A_47 = vector.shape_cast %shift_right_arithmetic3A_43 : vector<16xi32> to vector<16xi32>
    tpu.vector_store %arg8[%swap3A_44], %swap3A_47 {strides = array<i32>} : memref<128xi32, #tpu.memory_space<vmem>>, vector<16xi32>,
    %get3A_48 = arith.constant 0 : i32
    %get3A_49 = arith.index_cast %get3A_48 : i32 to index
    %get3A_50 = arith.constant 16 : index
    %get3A_51 = tpu.vector_load %arg6[%get3A_49, %get3A_50] {strides = array<i32>} : memref<80x128xi32, #tpu.memory_space<vmem>>, vector<1x16xi32>,
    %get3A_52 = vector.shape_cast %get3A_51 : vector<1x16xi32> to vector<16xi32>
    %and3A_53 = arith.constant 16383 : i32
    %and3A_54 = vector.broadcast %and3A_53 : i32 to vector<16xi32>
    %and3A_55 = arith.andi %get3A_52, %and3A_54 : vector<16xi32>
    %swap3A_56 = arith.constant 16 : index
    %swap3A_57 = tpu.vector_load %arg7[%swap3A_56] {strides = array<i32>} : memref<128xi32, #tpu.memory_space<vmem>>, vector<16xi32>,
    %swap3A_58 = vector.shape_cast %swap3A_57 : vector<16xi32> to vector<16xi32>
    %swap3A_59 = vector.shape_cast %and3A_55 : vector<16xi32> to vector<16xi32>
    tpu.vector_store %arg7[%swap3A_56], %swap3A_59 {strides = array<i32>} : memref<128xi32, #tpu.memory_space<vmem>>, vector<16xi32>,
    %shift_right_arithmetic3A_60 = arith.constant 14 : i32
    %shift_right_arithmetic3A_61 = vector.broadcast %shift_right_arithmetic3A_60 : i32 to vector<16xi32>
    %shift_right_arithmetic3A_62 = arith.shrsi %get3A_52, %shift_right_arithmetic3A_61 : vector<16xi32>
    %swap3A_63 = arith.constant 16 : index
    %swap3A_64 = tpu.vector_load %arg8[%swap3A_63] {strides = array<i32>} : memref<128xi32, #tpu.memory_space<vmem>>, vector<16xi32>,
    %swap3A_65 = vector.shape_cast %swap3A_64 : vector<16xi32> to vector<16xi32>
    %swap3A_66 = vector.shape_cast %shift_right_arithmetic3A_62 : vector<16xi32> to vector<16xi32>
    tpu.vector_store %arg8[%swap3A_63], %swap3A_66 {strides = array<i32>} : memref<128xi32, #tpu.memory_space<vmem>>, vector<16xi32>,
    %get3A_67 = arith.constant 0 : i32
    %get3A_68 = arith.index_cast %get3A_67 : i32 to index
    %get3A_69 = arith.constant 32 : index
    %get3A_70 = tpu.vector_load %arg6[%get3A_68, %get3A_69] {strides = array<i32>} : memref<80x128xi32, #tpu.memory_space<vmem>>, vector<1x16xi32>,
    %get3A_71 = vector.shape_cast %get3A_70 : vector<1x16xi32> to vector<16xi32>
    %and3A_72 = arith.constant 16383 : i32
    %and3A_73 = vector.broadcast %and3A_72 : i32 to vector<16xi32>
    %and3A_74 = arith.andi %get3A_71, %and3A_73 : vector<16xi32>
    %swap3A_75 = arith.constant 32 : index
    %swap3A_76 = tpu.vector_load %arg7[%swap3A_75] {strides = array<i32>} : memref<128xi32, #tpu.memory_space<vmem>>, vector<16xi32>,
    %swap3A_77 = vector.shape_cast %swap3A_76 : vector<16xi32> to vector<16xi32>
    %swap3A_78 = vector.shape_cast %and3A_74 : vector<16xi32> to vector<16xi32>
    tpu.vector_store %arg7[%swap3A_75], %swap3A_78 {strides = array<i32>} : memref<128xi32, #tpu.memory_space<vmem>>, vector<16xi32>,
    %shift_right_arithmetic3A_79 = arith.constant 14 : i32
    %shift_right_arithmetic3A_80 = vector.broadcast %shift_right_arithmetic3A_79 : i32 to vector<16xi32>
    %shift_right_arithmetic3A_81 = arith.shrsi %get3A_71, %shift_right_arithmetic3A_80 : vector<16xi32>
    %swap3A_82 = arith.constant 32 : index
    %swap3A_83 = tpu.vector_load %arg8[%swap3A_82] {strides = array<i32>} : memref<128xi32, #tpu.memory_space<vmem>>, vector<16xi32>,
    %swap3A_84 = vector.shape_cast %swap3A_83 : vector<16xi32> to vector<16xi32>
    %swap3A_85 = vector.shape_cast %shift_right_arithmetic3A_81 : vector<16xi32> to vector<16xi32>
    tpu.vector_store %arg8[%swap3A_82], %swap3A_85 {strides = array<i32>} : memref<128xi32, #tpu.memory_space<vmem>>, vector<16xi32>,
    %get3A_86 = arith.constant 0 : i32
    %get3A_87 = arith.index_cast %get3A_86 : i32 to index
    %get3A_88 = arith.constant 48 : index
    %get3A_89 = tpu.vector_load %arg6[%get3A_87, %get3A_88] {strides = array<i32>} : memref<80x128xi32, #tpu.memory_space<vmem>>, vector<1x16xi32>,
    %get3A_90 = vector.shape_cast %get3A_89 : vector<1x16xi32> to vector<16xi32>
    %and3A_91 = arith.constant 16383 : i32
    %and3A_92 = vector.broadcast %and3A_91 : i32 to vector<16xi32>
    %and3A_93 = arith.andi %get3A_90, %and3A_92 : vector<16xi32>
    %swap3A_94 = arith.constant 48 : index
    %swap3A_95 = tpu.vector_load %arg7[%swap3A_94] {strides = array<i32>} : memref<128xi32, #tpu.memory_space<vmem>>, vector<16xi32>,
    %swap3A_96 = vector.shape_cast %swap3A_95 : vector<16xi32> to vector<16xi32>
    %swap3A_97 = vector.shape_cast %and3A_93 : vector<16xi32> to vector<16xi32>
    tpu.vector_store %arg7[%swap3A_94], %swap3A_97 {strides = array<i32>} : memref<128xi32, #tpu.memory_space<vmem>>, vector<16xi32>,
    %shift_right_arithmetic3A_98 = arith.constant 14 : i32
    %shift_right_arithmetic3A_99 = vector.broadcast %shift_right_arithmetic3A_98 : i32 to vector<16xi32>
    %shift_right_arithmetic3A_100 = arith.shrsi %get3A_90, %shift_right_arithmetic3A_99 : vector<16xi32>
    %swap3A_101 = arith.constant 48 : index
    %swap3A_102 = tpu.vector_load %arg8[%swap3A_101] {strides = array<i32>} : memref<128xi32, #tpu.memory_space<vmem>>, vector<16xi32>,
    %swap3A_103 = vector.shape_cast %swap3A_102 : vector<16xi32> to vector<16xi32>
    %swap3A_104 = vector.shape_cast %shift_right_arithmetic3A_100 : vector<16xi32> to vector<16xi32>
    tpu.vector_store %arg8[%swap3A_101], %swap3A_104 {strides = array<i32>} : memref<128xi32, #tpu.memory_space<vmem>>, vector<16xi32>,
    %get3A_105 = arith.constant 0 : i32
    %get3A_106 = arith.index_cast %get3A_105 : i32 to index
    %get3A_107 = arith.constant 64 : index
    %get3A_108 = tpu.vector_load %arg6[%get3A_106, %get3A_107] {strides = array<i32>} : memref<80x128xi32, #tpu.memory_space<vmem>>, vector<1x16xi32>,
    %get3A_109 = vector.shape_cast %get3A_108 : vector<1x16xi32> to vector<16xi32>
    %and3A_110 = arith.constant 16383 : i32
    %and3A_111 = vector.broadcast %and3A_110 : i32 to vector<16xi32>
    %and3A_112 = arith.andi %get3A_109, %and3A_111 : vector<16xi32>
    %swap3A_113 = arith.constant 64 : index
    %swap3A_114 = tpu.vector_load %arg7[%swap3A_113] {strides = array<i32>} : memref<128xi32, #tpu.memory_space<vmem>>, vector<16xi32>,
    %swap3A_115 = vector.shape_cast %swap3A_114 : vector<16xi32> to vector<16xi32>
    %swap3A_116 = vector.shape_cast %and3A_112 : vector<16xi32> to vector<16xi32>
    tpu.vector_store %arg7[%swap3A_113], %swap3A_116 {strides = array<i32>} : memref<128xi32, #tpu.memory_space<vmem>>, vector<16xi32>,
    %shift_right_arithmetic3A_117 = arith.constant 14 : i32
    %shift_right_arithmetic3A_118 = vector.broadcast %shift_right_arithmetic3A_117 : i32 to vector<16xi32>
    %shift_right_arithmetic3A_119 = arith.shrsi %get3A_109, %shift_right_arithmetic3A_118 : vector<16xi32>
    %swap3A_120 = arith.constant 64 : index
    %swap3A_121 = tpu.vector_load %arg8[%swap3A_120] {strides = array<i32>} : memref<128xi32, #tpu.memory_space<vmem>>, vector<16xi32>,
    %swap3A_122 = vector.shape_cast %swap3A_121 : vector<16xi32> to vector<16xi32>
    %swap3A_123 = vector.shape_cast %shift_right_arithmetic3A_119 : vector<16xi32> to vector<16xi32>
    tpu.vector_store %arg8[%swap3A_120], %swap3A_123 {strides = array<i32>} : memref<128xi32, #tpu.memory_space<vmem>>, vector<16xi32>,
    %get3A_124 = arith.constant 0 : i32
    %get3A_125 = arith.index_cast %get3A_124 : i32 to index
    %get3A_126 = arith.constant 80 : index
    %get3A_127 = tpu.vector_load %arg6[%get3A_125, %get3A_126] {strides = array<i32>} : memref<80x128xi32, #tpu.memory_space<vmem>>, vector<1x16xi32>,
    %get3A_128 = vector.shape_cast %get3A_127 : vector<1x16xi32> to vector<16xi32>
    %and3A_129 = arith.constant 16383 : i32
    %and3A_130 = vector.broadcast %and3A_129 : i32 to vector<16xi32>
    %and3A_131 = arith.andi %get3A_128, %and3A_130 : vector<16xi32>
    %swap3A_132 = arith.constant 80 : index
    %swap3A_133 = tpu.vector_load %arg7[%swap3A_132] {strides = array<i32>} : memref<128xi32, #tpu.memory_space<vmem>>, vector<16xi32>,
    %swap3A_134 = vector.shape_cast %swap3A_133 : vector<16xi32> to vector<16xi32>
    %swap3A_135 = vector.shape_cast %and3A_131 : vector<16xi32> to vector<16xi32>
    tpu.vector_store %arg7[%swap3A_132], %swap3A_135 {strides = array<i32>} : memref<128xi32, #tpu.memory_space<vmem>>, vector<16xi32>,
    %shift_right_arithmetic3A_136 = arith.constant 14 : i32
    %shift_right_arithmetic3A_137 = vector.broadcast %shift_right_arithmetic3A_136 : i32 to vector<16xi32>
    %shift_right_arithmetic3A_138 = arith.shrsi %get3A_128, %shift_right_arithmetic3A_137 : vector<16xi32>
    %swap3A_139 = arith.constant 80 : index
    %swap3A_140 = tpu.vector_load %arg8[%swap3A_139] {strides = array<i32>} : memref<128xi32, #tpu.memory_space<vmem>>, vector<16xi32>,
    %swap3A_141 = vector.shape_cast %swap3A_140 : vector<16xi32> to vector<16xi32>
    %swap3A_142 = vector.shape_cast %shift_right_arithmetic3A_138 : vector<16xi32> to vector<16xi32>
    tpu.vector_store %arg8[%swap3A_139], %swap3A_142 {strides = array<i32>} : memref<128xi32, #tpu.memory_space<vmem>>, vector<16xi32>,
    %get3A_143 = arith.constant 0 : i32
    %get3A_144 = arith.index_cast %get3A_143 : i32 to index
    %get3A_145 = arith.constant 96 : index
    %get3A_146 = tpu.vector_load %arg6[%get3A_144, %get3A_145] {strides = array<i32>} : memref<80x128xi32, #tpu.memory_space<vmem>>, vector<1x16xi32>,
    %get3A_147 = vector.shape_cast %get3A_146 : vector<1x16xi32> to vector<16xi32>
    %and3A_148 = arith.constant 16383 : i32
    %and3A_149 = vector.broadcast %and3A_148 : i32 to vector<16xi32>
    %and3A_150 = arith.andi %get3A_147, %and3A_149 : vector<16xi32>
    %swap3A_151 = arith.constant 96 : index
    %swap3A_152 = tpu.vector_load %arg7[%swap3A_151] {strides = array<i32>} : memref<128xi32, #tpu.memory_space<vmem>>, vector<16xi32>,
    %swap3A_153 = vector.shape_cast %swap3A_152 : vector<16xi32> to vector<16xi32>
    %swap3A_154 = vector.shape_cast %and3A_150 : vector<16xi32> to vector<16xi32>
    tpu.vector_store %arg7[%swap3A_151], %swap3A_154 {strides = array<i32>} : memref<128xi32, #tpu.memory_space<vmem>>, vector<16xi32>,
    %shift_right_arithmetic3A_155 = arith.constant 14 : i32
    %shift_right_arithmetic3A_156 = vector.broadcast %shift_right_arithmetic3A_155 : i32 to vector<16xi32>
    %shift_right_arithmetic3A_157 = arith.shrsi %get3A_147, %shift_right_arithmetic3A_156 : vector<16xi32>
    %swap3A_158 = arith.constant 96 : index
    %swap3A_159 = tpu.vector_load %arg8[%swap3A_158] {strides = array<i32>} : memref<128xi32, #tpu.memory_space<vmem>>, vector<16xi32>,
    %swap3A_160 = vector.shape_cast %swap3A_159 : vector<16xi32> to vector<16xi32>
    %swap3A_161 = vector.shape_cast %shift_right_arithmetic3A_157 : vector<16xi32> to vector<16xi32>
    tpu.vector_store %arg8[%swap3A_158], %swap3A_161 {strides = array<i32>} : memref<128xi32, #tpu.memory_space<vmem>>, vector<16xi32>,
    %get3A_162 = arith.constant 0 : i32
    %get3A_163 = arith.index_cast %get3A_162 : i32 to index
    %get3A_164 = arith.constant 112 : index
    %get3A_165 = tpu.vector_load %arg6[%get3A_163, %get3A_164] {strides = array<i32>} : memref<80x128xi32, #tpu.memory_space<vmem>>, vector<1x16xi32>,
    %get3A_166 = vector.shape_cast %get3A_165 : vector<1x16xi32> to vector<16xi32>
    %and3A_167 = arith.constant 16383 : i32
    %and3A_168 = vector.broadcast %and3A_167 : i32 to vector<16xi32>
    %and3A_169 = arith.andi %get3A_166, %and3A_168 : vector<16xi32>
    %swap3A_170 = arith.constant 112 : index
    %swap3A_171 = tpu.vector_load %arg7[%swap3A_170] {strides = array<i32>} : memref<128xi32, #tpu.memory_space<vmem>>, vector<16xi32>,
    %swap3A_172 = vector.shape_cast %swap3A_171 : vector<16xi32> to vector<16xi32>
    %swap3A_173 = vector.shape_cast %and3A_169 : vector<16xi32> to vector<16xi32>
    tpu.vector_store %arg7[%swap3A_170], %swap3A_173 {strides = array<i32>} : memref<128xi32, #tpu.memory_space<vmem>>, vector<16xi32>,
    %shift_right_arithmetic3A_174 = arith.constant 14 : i32
    %shift_right_arithmetic3A_175 = vector.broadcast %shift_right_arithmetic3A_174 : i32 to vector<16xi32>
    %shift_right_arithmetic3A_176 = arith.shrsi %get3A_166, %shift_right_arithmetic3A_175 : vector<16xi32>
    %swap3A_177 = arith.constant 112 : index
    %swap3A_178 = tpu.vector_load %arg8[%swap3A_177] {strides = array<i32>} : memref<128xi32, #tpu.memory_space<vmem>>, vector<16xi32>,
    %swap3A_179 = vector.shape_cast %swap3A_178 : vector<16xi32> to vector<16xi32>
    %swap3A_180 = vector.shape_cast %shift_right_arithmetic3A_176 : vector<16xi32> to vector<16xi32>
    tpu.vector_store %arg8[%swap3A_177], %swap3A_180 {strides = array<i32>} : memref<128xi32, #tpu.memory_space<vmem>>, vector<16xi32>,
    %get3A_181 = arith.constant 1 : i32
    %get3A_182 = arith.index_cast %get3A_181 : i32 to index
    %get3A_183 = arith.constant 0 : index
    %get3A_184 = tpu.vector_load %arg6[%get3A_182, %get3A_183] {strides = array<i32>} : memref<80x128xi32, #tpu.memory_space<vmem>>, vector<1x16xi32>,
    %get3A_185 = vector.shape_cast %get3A_184 : vector<1x16xi32> to vector<16xi32>
    %and3A_186 = arith.constant 16383 : i32
    %and3A_187 = vector.broadcast %and3A_186 : i32 to vector<16xi32>
    %and3A_188 = arith.andi %get3A_185, %and3A_187 : vector<16xi32>
    %swap3A_189 = arith.constant 0 : index
    %swap3A_190 = tpu.vector_load %arg9[%swap3A_189] {strides = array<i32>} : memref<128xi32, #tpu.memory_space<vmem>>, vector<16xi32>,
    %swap3A_191 = vector.shape_cast %swap3A_190 : vector<16xi32> to vector<16xi32>
    %swap3A_192 = vector.shape_cast %and3A_188 : vector<16xi32> to vector<16xi32>
    tpu.vector_store %arg9[%swap3A_189], %swap3A_192 {strides = array<i32>} : memref<128xi32, #tpu.memory_space<vmem>>, vector<16xi32>,
    %shift_right_arithmetic3A_193 = arith.constant 14 : i32
    %shift_right_arithmetic3A_194 = vector.broadcast %shift_right_arithmetic3A_193 : i32 to vector<16xi32>
    %shift_right_arithmetic3A_195 = arith.shrsi %get3A_185, %shift_right_arithmetic3A_194 : vector<16xi32>
    %swap3A_196 = arith.constant 0 : index
    %swap3A_197 = tpu.vector_load %arg10[%swap3A_196] {strides = array<i32>} : memref<128xi32, #tpu.memory_space<vmem>>, vector<16xi32>,
    %swap3A_198 = vector.shape_cast %swap3A_197 : vector<16xi32> to vector<16xi32>
    %swap3A_199 = vector.shape_cast %shift_right_arithmetic3A_195 : vector<16xi32> to vector<16xi32>
    tpu.vector_store %arg10[%swap3A_196], %swap3A_199 {strides = array<i32>} : memref<128xi32, #tpu.memory_space<vmem>>, vector<16xi32>,
    %get3A_200 = arith.constant 1 : i32
    %get3A_201 = arith.index_cast %get3A_200 : i32 to index
    %get3A_202 = arith.constant 16 : index
    %get3A_203 = tpu.vector_load %arg6[%get3A_201, %get3A_202] {strides = array<i32>} : memref<80x128xi32, #tpu.memory_space<vmem>>, vector<1x16xi32>,
    %get3A_204 = vector.shape_cast %get3A_203 : vector<1x16xi32> to vector<16xi32>
    %and3A_205 = arith.constant 16383 : i32
    %and3A_206 = vector.broadcast %and3A_205 : i32 to vector<16xi32>
    %and3A_207 = arith.andi %get3A_204, %and3A_206 : vector<16xi32>
    %swap3A_208 = arith.constant 16 : index
    %swap3A_209 = tpu.vector_load %arg9[%swap3A_208] {strides = array<i32>} : memref<128xi32, #tpu.memory_space<vmem>>, vector<16xi32>,
    %swap3A_210 = vector.shape_cast %swap3A_209 : vector<16xi32> to vector<16xi32>
    %swap3A_211 = vector.shape_cast %and3A_207 : vector<16xi32> to vector<16xi32>
    tpu.vector_store %arg9[%swap3A_208], %swap3A_211 {strides = array<i32>} : memref<128xi32, #tpu.memory_space<vmem>>, vector<16xi32>,
    %shift_right_arithmetic3A_212 = arith.constant 14 : i32
    %shift_right_arithmetic3A_213 = vector.broadcast %shift_right_arithmetic3A_212 : i32 to vector<16xi32>
    %shift_right_arithmetic3A_214 = arith.shrsi %get3A_204, %shift_right_arithmetic3A_213 : vector<16xi32>
    %swap3A_215 = arith.constant 16 : index
    %swap3A_216 = tpu.vector_load %arg10[%swap3A_215] {strides = array<i32>} : memref<128xi32, #tpu.memory_space<vmem>>, vector<16xi32>,
    %swap3A_217 = vector.shape_cast %swap3A_216 : vector<16xi32> to vector<16xi32>
    %swap3A_218 = vector.shape_cast %shift_right_arithmetic3A_214 : vector<16xi32> to vector<16xi32>
    tpu.vector_store %arg10[%swap3A_215], %swap3A_218 {strides = array<i32>} : memref<128xi32, #tpu.memory_space<vmem>>, vector<16xi32>,
    %get3A_219 = arith.constant 1 : i32
    %get3A_220 = arith.index_cast %get3A_219 : i32 to index
    %get3A_221 = arith.constant 32 : index
    %get3A_222 = tpu.vector_load %arg6[%get3A_220, %get3A_221] {strides = array<i32>} : memref<80x128xi32, #tpu.memory_space<vmem>>, vector<1x16xi32>,
    %get3A_223 = vector.shape_cast %get3A_222 : vector<1x16xi32> to vector<16xi32>
    %and3A_224 = arith.constant 16383 : i32
    %and3A_225 = vector.broadcast %and3A_224 : i32 to vector<16xi32>
    %and3A_226 = arith.andi %get3A_223, %and3A_225 : vector<16xi32>
    %swap3A_227 = arith.constant 32 : index
    %swap3A_228 = tpu.vector_load %arg9[%swap3A_227] {strides = array<i32>} : memref<128xi32, #tpu.memory_space<vmem>>, vector<16xi32>,
    %swap3A_229 = vector.shape_cast %swap3A_228 : vector<16xi32> to vector<16xi32>
    %swap3A_230 = vector.shape_cast %and3A_226 : vector<16xi32> to vector<16xi32>
    tpu.vector_store %arg9[%swap3A_227], %swap3A_230 {strides = array<i32>} : memref<128xi32, #tpu.memory_space<vmem>>, vector<16xi32>,
    %shift_right_arithmetic3A_231 = arith.constant 14 : i32
    %shift_right_arithmetic3A_232 = vector.broadcast %shift_right_arithmetic3A_231 : i32 to vector<16xi32>
    %shift_right_arithmetic3A_233 = arith.shrsi %get3A_223, %shift_right_arithmetic3A_232 : vector<16xi32>
    %swap3A_234 = arith.constant 32 : index
    %swap3A_235 = tpu.vector_load %arg10[%swap3A_234] {strides = array<i32>} : memref<128xi32, #tpu.memory_space<vmem>>, vector<16xi32>,
    %swap3A_236 = vector.shape_cast %swap3A_235 : vector<16xi32> to vector<16xi32>
    %swap3A_237 = vector.shape_cast %shift_right_arithmetic3A_233 : vector<16xi32> to vector<16xi32>
    tpu.vector_store %arg10[%swap3A_234], %swap3A_237 {strides = array<i32>} : memref<128xi32, #tpu.memory_space<vmem>>, vector<16xi32>,
    %get3A_238 = arith.constant 1 : i32
    %get3A_239 = arith.index_cast %get3A_238 : i32 to index
    %get3A_240 = arith.constant 48 : index
    %get3A_241 = tpu.vector_load %arg6[%get3A_239, %get3A_240] {strides = array<i32>} : memref<80x128xi32, #tpu.memory_space<vmem>>, vector<1x16xi32>,
    %get3A_242 = vector.shape_cast %get3A_241 : vector<1x16xi32> to vector<16xi32>
    %and3A_243 = arith.constant 16383 : i32
    %and3A_244 = vector.broadcast %and3A_243 : i32 to vector<16xi32>
    %and3A_245 = arith.andi %get3A_242, %and3A_244 : vector<16xi32>
    %swap3A_246 = arith.constant 48 : index
    %swap3A_247 = tpu.vector_load %arg9[%swap3A_246] {strides = array<i32>} : memref<128xi32, #tpu.memory_space<vmem>>, vector<16xi32>,
    %swap3A_248 = vector.shape_cast %swap3A_247 : vector<16xi32> to vector<16xi32>
    %swap3A_249 = vector.shape_cast %and3A_245 : vector<16xi32> to vector<16xi32>
    tpu.vector_store %arg9[%swap3A_246], %swap3A_249 {strides = array<i32>} : memref<128xi32, #tpu.memory_space<vmem>>, vector<16xi32>,
    %shift_right_arithmetic3A_250 = arith.constant 14 : i32
    %shift_right_arithmetic3A_251 = vector.broadcast %shift_right_arithmetic3A_250 : i32 to vector<16xi32>
    %shift_right_arithmetic3A_252 = arith.shrsi %get3A_242, %shift_right_arithmetic3A_251 : vector<16xi32>
    %swap3A_253 = arith.constant 48 : index
    %swap3A_254 = tpu.vector_load %arg10[%swap3A_253] {strides = array<i32>} : memref<128xi32, #tpu.memory_space<vmem>>, vector<16xi32>,
    %swap3A_255 = vector.shape_cast %swap3A_254 : vector<16xi32> to vector<16xi32>
    %swap3A_256 = vector.shape_cast %shift_right_arithmetic3A_252 : vector<16xi32> to vector<16xi32>
    tpu.vector_store %arg10[%swap3A_253], %swap3A_256 {strides = array<i32>} : memref<128xi32, #tpu.memory_space<vmem>>, vector<16xi32>,
    %get3A_257 = arith.constant 1 : i32
    %get3A_258 = arith.index_cast %get3A_257 : i32 to index
    %get3A_259 = arith.constant 64 : index
    %get3A_260 = tpu.vector_load %arg6[%get3A_258, %get3A_259] {strides = array<i32>} : memref<80x128xi32, #tpu.memory_space<vmem>>, vector<1x16xi32>,
    %get3A_261 = vector.shape_cast %get3A_260 : vector<1x16xi32> to vector<16xi32>
    %and3A_262 = arith.constant 16383 : i32
    %and3A_263 = vector.broadcast %and3A_262 : i32 to vector<16xi32>
    %and3A_264 = arith.andi %get3A_261, %and3A_263 : vector<16xi32>
    %swap3A_265 = arith.constant 64 : index
    %swap3A_266 = tpu.vector_load %arg9[%swap3A_265] {strides = array<i32>} : memref<128xi32, #tpu.memory_space<vmem>>, vector<16xi32>,
    %swap3A_267 = vector.shape_cast %swap3A_266 : vector<16xi32> to vector<16xi32>
    %swap3A_268 = vector.shape_cast %and3A_264 : vector<16xi32> to vector<16xi32>
    tpu.vector_store %arg9[%swap3A_265], %swap3A_268 {strides = array<i32>} : memref<128xi32, #tpu.memory_space<vmem>>, vector<16xi32>,
    %shift_right_arithmetic3A_269 = arith.constant 14 : i32
    %shift_right_arithmetic3A_270 = vector.broadcast %shift_right_arithmetic3A_269 : i32 to vector<16xi32>
    %shift_right_arithmetic3A_271 = arith.shrsi %get3A_261, %shift_right_arithmetic3A_270 : vector<16xi32>
    %swap3A_272 = arith.constant 64 : index
    %swap3A_273 = tpu.vector_load %arg10[%swap3A_272] {strides = array<i32>} : memref<128xi32, #tpu.memory_space<vmem>>, vector<16xi32>,
    %swap3A_274 = vector.shape_cast %swap3A_273 : vector<16xi32> to vector<16xi32>
    %swap3A_275 = vector.shape_cast %shift_right_arithmetic3A_271 : vector<16xi32> to vector<16xi32>
    tpu.vector_store %arg10[%swap3A_272], %swap3A_275 {strides = array<i32>} : memref<128xi32, #tpu.memory_space<vmem>>, vector<16xi32>,
    %get3A_276 = arith.constant 1 : i32
    %get3A_277 = arith.index_cast %get3A_276 : i32 to index
    %get3A_278 = arith.constant 80 : index
    %get3A_279 = tpu.vector_load %arg6[%get3A_277, %get3A_278] {strides = array<i32>} : memref<80x128xi32, #tpu.memory_space<vmem>>, vector<1x16xi32>,
    %get3A_280 = vector.shape_cast %get3A_279 : vector<1x16xi32> to vector<16xi32>
    %and3A_281 = arith.constant 16383 : i32
    %and3A_282 = vector.broadcast %and3A_281 : i32 to vector<16xi32>
    %and3A_283 = arith.andi %get3A_280, %and3A_282 : vector<16xi32>
    %swap3A_284 = arith.constant 80 : index
    %swap3A_285 = tpu.vector_load %arg9[%swap3A_284] {strides = array<i32>} : memref<128xi32, #tpu.memory_space<vmem>>, vector<16xi32>,
    %swap3A_286 = vector.shape_cast %swap3A_285 : vector<16xi32> to vector<16xi32>
    %swap3A_287 = vector.shape_cast %and3A_283 : vector<16xi32> to vector<16xi32>
    tpu.vector_store %arg9[%swap3A_284], %swap3A_287 {strides = array<i32>} : memref<128xi32, #tpu.memory_space<vmem>>, vector<16xi32>,
    %shift_right_arithmetic3A_288 = arith.constant 14 : i32
    %shift_right_arithmetic3A_289 = vector.broadcast %shift_right_arithmetic3A_288 : i32 to vector<16xi32>
    %shift_right_arithmetic3A_290 = arith.shrsi %get3A_280, %shift_right_arithmetic3A_289 : vector<16xi32>
    %swap3A_291 = arith.constant 80 : index
    %swap3A_292 = tpu.vector_load %arg10[%swap3A_291] {strides = array<i32>} : memref<128xi32, #tpu.memory_space<vmem>>, vector<16xi32>,
    %swap3A_293 = vector.shape_cast %swap3A_292 : vector<16xi32> to vector<16xi32>
    %swap3A_294 = vector.shape_cast %shift_right_arithmetic3A_290 : vector<16xi32> to vector<16xi32>
    tpu.vector_store %arg10[%swap3A_291], %swap3A_294 {strides = array<i32>} : memref<128xi32, #tpu.memory_space<vmem>>, vector<16xi32>,
    %get3A_295 = arith.constant 1 : i32
    %get3A_296 = arith.index_cast %get3A_295 : i32 to index
    %get3A_297 = arith.constant 96 : index
    %get3A_298 = tpu.vector_load %arg6[%get3A_296, %get3A_297] {strides = array<i32>} : memref<80x128xi32, #tpu.memory_space<vmem>>, vector<1x16xi32>,
    %get3A_299 = vector.shape_cast %get3A_298 : vector<1x16xi32> to vector<16xi32>
    %and3A_300 = arith.constant 16383 : i32
    %and3A_301 = vector.broadcast %and3A_300 : i32 to vector<16xi32>
    %and3A_302 = arith.andi %get3A_299, %and3A_301 : vector<16xi32>
    %swap3A_303 = arith.constant 96 : index
    %swap3A_304 = tpu.vector_load %arg9[%swap3A_303] {strides = array<i32>} : memref<128xi32, #tpu.memory_space<vmem>>, vector<16xi32>,
    %swap3A_305 = vector.shape_cast %swap3A_304 : vector<16xi32> to vector<16xi32>
    %swap3A_306 = vector.shape_cast %and3A_302 : vector<16xi32> to vector<16xi32>
    tpu.vector_store %arg9[%swap3A_303], %swap3A_306 {strides = array<i32>} : memref<128xi32, #tpu.memory_space<vmem>>, vector<16xi32>,
    %shift_right_arithmetic3A_307 = arith.constant 14 : i32
    %shift_right_arithmetic3A_308 = vector.broadcast %shift_right_arithmetic3A_307 : i32 to vector<16xi32>
    %shift_right_arithmetic3A_309 = arith.shrsi %get3A_299, %shift_right_arithmetic3A_308 : vector<16xi32>
    %swap3A_310 = arith.constant 96 : index
    %swap3A_311 = tpu.vector_load %arg10[%swap3A_310] {strides = array<i32>} : memref<128xi32, #tpu.memory_space<vmem>>, vector<16xi32>,
    %swap3A_312 = vector.shape_cast %swap3A_311 : vector<16xi32> to vector<16xi32>
    %swap3A_313 = vector.shape_cast %shift_right_arithmetic3A_309 : vector<16xi32> to vector<16xi32>
    tpu.vector_store %arg10[%swap3A_310], %swap3A_313 {strides = array<i32>} : memref<128xi32, #tpu.memory_space<vmem>>, vector<16xi32>,
    %get3A_314 = arith.constant 1 : i32
    %get3A_315 = arith.index_cast %get3A_314 : i32 to index
    %get3A_316 = arith.constant 112 : index
    %get3A_317 = tpu.vector_load %arg6[%get3A_315, %get3A_316] {strides = array<i32>} : memref<80x128xi32, #tpu.memory_space<vmem>>, vector<1x16xi32>,
    %get3A_318 = vector.shape_cast %get3A_317 : vector<1x16xi32> to vector<16xi32>
    %and3A_319 = arith.constant 16383 : i32
    %and3A_320 = vector.broadcast %and3A_319 : i32 to vector<16xi32>
    %and3A_321 = arith.andi %get3A_318, %and3A_320 : vector<16xi32>
    %swap3A_322 = arith.constant 112 : index
    %swap3A_323 = tpu.vector_load %arg9[%swap3A_322] {strides = array<i32>} : memref<128xi32, #tpu.memory_space<vmem>>, vector<16xi32>,
    %swap3A_324 = vector.shape_cast %swap3A_323 : vector<16xi32> to vector<16xi32>
    %swap3A_325 = vector.shape_cast %and3A_321 : vector<16xi32> to vector<16xi32>
    tpu.vector_store %arg9[%swap3A_322], %swap3A_325 {strides = array<i32>} : memref<128xi32, #tpu.memory_space<vmem>>, vector<16xi32>,
    %shift_right_arithmetic3A_326 = arith.constant 14 : i32
    %shift_right_arithmetic3A_327 = vector.broadcast %shift_right_arithmetic3A_326 : i32 to vector<16xi32>
    %shift_right_arithmetic3A_328 = arith.shrsi %get3A_318, %shift_right_arithmetic3A_327 : vector<16xi32>
    %swap3A_329 = arith.constant 112 : index
    %swap3A_330 = tpu.vector_load %arg10[%swap3A_329] {strides = array<i32>} : memref<128xi32, #tpu.memory_space<vmem>>, vector<16xi32>,
    %swap3A_331 = vector.shape_cast %swap3A_330 : vector<16xi32> to vector<16xi32>
    %swap3A_332 = vector.shape_cast %shift_right_arithmetic3A_328 : vector<16xi32> to vector<16xi32>
    tpu.vector_store %arg10[%swap3A_329], %swap3A_332 {strides = array<i32>} : memref<128xi32, #tpu.memory_space<vmem>>, vector<16xi32>,
    %dma_start3A_333 = arith.constant 0 : i32
    %dma_start3A_334 = arith.constant 0 : i32
    %dma_start3A_335 = tpu.memref_slice %arg13[%dma_start3A_333, %dma_start3A_334] : memref<10240x16xf32, #tpu.memory_space<vmem_shared>> -> memref<10240x16xf32, #tpu.memory_space<vmem_shared>>
    tpu.enqueue_indirect_dma source(%dma_start3A_335 : memref<10240x16xf32, #tpu.memory_space<vmem_shared>>) target(%arg11 : memref<128x16xf32, #tpu.memory_space<vmem>>) offsets(%arg7 : memref<128xi32, #tpu.memory_space<vmem>>) semaphore(%arg15 : memref<!tpu.dma_semaphore, #tpu.memory_space<semaphore_mem>>)
    %dma_start3A_336 = arith.constant 0 : i32
    %dma_start3A_337 = arith.constant 0 : i32
    %dma_start3A_338 = tpu.memref_slice %arg13[%dma_start3A_336, %dma_start3A_337] : memref<10240x16xf32, #tpu.memory_space<vmem_shared>> -> memref<10240x16xf32, #tpu.memory_space<vmem_shared>>
    tpu.enqueue_indirect_dma source(%dma_start3A_338 : memref<10240x16xf32, #tpu.memory_space<vmem_shared>>) target(%arg12 : memref<128x16xf32, #tpu.memory_space<vmem>>) offsets(%arg9 : memref<128xi32, #tpu.memory_space<vmem>>) semaphore(%arg16 : memref<!tpu.dma_semaphore, #tpu.memory_space<semaphore_mem>>)
    %scan3A = arith.constant 0 : i32
    %scan3A_339 = arith.constant 0 : i32
    %scan3A_340 = arith.constant 40 : i32
    %scan3A_341 = arith.addi %scan3A_339, %scan3A_340 : i32
    %scan3A_342 = arith.constant 1 : i32
    scf.for %scan3A_351 = %scan3A_339 to %scan3A_341 step %scan3A_342  : i32 {
      %mul3A_352 = arith.constant 2 : i32
      %mul3A_353 = arith.muli %mul3A_352, %scan3A_351 : i32
      %add3A_354 = arith.constant 2 : i32
      %add3A_355 = arith.addi %mul3A_353, %add3A_354 : i32
      %min3A = arith.constant 79 : i32
      %min3A_356 = arith.minsi %add3A_355, %min3A : i32
      %mul3A_357 = arith.constant 2 : i32
      %mul3A_358 = arith.muli %mul3A_357, %scan3A_351 : i32
      %add3A_359 = arith.constant 3 : i32
      %add3A_360 = arith.addi %mul3A_358, %add3A_359 : i32
      %min3A_361 = arith.constant 79 : i32
      %min3A_362 = arith.minsi %add3A_360, %min3A_361 : i32
      %dma_wait3A_363 = arith.constant 0 : i32
      %dma_wait3A_364 = arith.constant 0 : i32
      %dma_wait3A_365 = tpu.memref_slice %arg13[%dma_wait3A_363, %dma_wait3A_364] : memref<10240x16xf32, #tpu.memory_space<vmem_shared>> -> memref<10240x16xf32, #tpu.memory_space<vmem_shared>>
      tpu.wait_indirect_dma semaphore(%arg15 : memref<!tpu.dma_semaphore, #tpu.memory_space<semaphore_mem>>) src(%dma_wait3A_365 : memref<10240x16xf32, #tpu.memory_space<vmem_shared>>) dst(%arg11 : memref<128x16xf32, #tpu.memory_space<vmem>>)
      %dma_start3A_366 = arith.constant 0 : i32
      %dma_start3A_367 = arith.constant 0 : i32
      %dma_start3A_368 = tpu.memref_slice %arg14[%dma_start3A_366, %dma_start3A_367] : memref<10240x16xf32, #tpu.memory_space<vmem_shared>> -> memref<10240x16xf32, #tpu.memory_space<vmem_shared>>
      tpu.enqueue_indirect_dma source(%arg11 : memref<128x16xf32, #tpu.memory_space<vmem>>) target(%dma_start3A_368 : memref<10240x16xf32, #tpu.memory_space<vmem_shared>>) offsets(%arg8 : memref<128xi32, #tpu.memory_space<vmem>>) semaphore(%arg17 : memref<!tpu.dma_semaphore, #tpu.memory_space<semaphore_mem>>) {add = true}
      %dma_wait3A_369 = arith.constant 0 : i32
      %dma_wait3A_370 = arith.constant 0 : i32
      %dma_wait3A_371 = tpu.memref_slice %arg13[%dma_wait3A_369, %dma_wait3A_370] : memref<10240x16xf32, #tpu.memory_space<vmem_shared>> -> memref<10240x16xf32, #tpu.memory_space<vmem_shared>>
      tpu.wait_indirect_dma semaphore(%arg16 : memref<!tpu.dma_semaphore, #tpu.memory_space<semaphore_mem>>) src(%dma_wait3A_371 : memref<10240x16xf32, #tpu.memory_space<vmem_shared>>) dst(%arg12 : memref<128x16xf32, #tpu.memory_space<vmem>>)
      %dma_wait3A_372 = arith.constant 0 : i32
      %dma_wait3A_373 = arith.constant 0 : i32
      %dma_wait3A_374 = tpu.memref_slice %arg14[%dma_wait3A_372, %dma_wait3A_373] : memref<10240x16xf32, #tpu.memory_space<vmem_shared>> -> memref<10240x16xf32, #tpu.memory_space<vmem_shared>>
      tpu.wait_indirect_dma semaphore(%arg17 : memref<!tpu.dma_semaphore, #tpu.memory_space<semaphore_mem>>) src(%arg11 : memref<128x16xf32, #tpu.memory_space<vmem>>) dst(%dma_wait3A_374 : memref<10240x16xf32, #tpu.memory_space<vmem_shared>>)
      %get3A_375 = arith.index_cast %min3A_356 : i32 to index
      %get3A_376 = arith.constant 0 : index
      %get3A_377 = tpu.vector_load %arg6[%get3A_375, %get3A_376] {strides = array<i32>} : memref<80x128xi32, #tpu.memory_space<vmem>>, vector<1x16xi32>,
      %get3A_378 = vector.shape_cast %get3A_377 : vector<1x16xi32> to vector<16xi32>
      %and3A_379 = arith.constant 16383 : i32
      %and3A_380 = vector.broadcast %and3A_379 : i32 to vector<16xi32>
      %and3A_381 = arith.andi %get3A_378, %and3A_380 : vector<16xi32>
      %swap3A_382 = arith.constant 0 : index
      %swap3A_383 = tpu.vector_load %arg7[%swap3A_382] {strides = array<i32>} : memref<128xi32, #tpu.memory_space<vmem>>, vector<16xi32>,
      %swap3A_384 = vector.shape_cast %swap3A_383 : vector<16xi32> to vector<16xi32>
      %swap3A_385 = vector.shape_cast %and3A_381 : vector<16xi32> to vector<16xi32>
      tpu.vector_store %arg7[%swap3A_382], %swap3A_385 {strides = array<i32>} : memref<128xi32, #tpu.memory_space<vmem>>, vector<16xi32>,
      %shift_right_arithmetic3A_386 = arith.constant 14 : i32
      %shift_right_arithmetic3A_387 = vector.broadcast %shift_right_arithmetic3A_386 : i32 to vector<16xi32>
      %shift_right_arithmetic3A_388 = arith.shrsi %get3A_378, %shift_right_arithmetic3A_387 : vector<16xi32>
      %swap3A_389 = arith.constant 0 : index
      %swap3A_390 = tpu.vector_load %arg8[%swap3A_389] {strides = array<i32>} : memref<128xi32, #tpu.memory_space<vmem>>, vector<16xi32>,
      %swap3A_391 = vector.shape_cast %swap3A_390 : vector<16xi32> to vector<16xi32>
      %swap3A_392 = vector.shape_cast %shift_right_arithmetic3A_388 : vector<16xi32> to vector<16xi32>
      tpu.vector_store %arg8[%swap3A_389], %swap3A_392 {strides = array<i32>} : memref<128xi32, #tpu.memory_space<vmem>>, vector<16xi32>,
      %get3A_393 = arith.index_cast %min3A_356 : i32 to index
      %get3A_394 = arith.constant 16 : index
      %get3A_395 = tpu.vector_load %arg6[%get3A_393, %get3A_394] {strides = array<i32>} : memref<80x128xi32, #tpu.memory_space<vmem>>, vector<1x16xi32>,
      %get3A_396 = vector.shape_cast %get3A_395 : vector<1x16xi32> to vector<16xi32>
      %and3A_397 = arith.constant 16383 : i32
      %and3A_398 = vector.broadcast %and3A_397 : i32 to vector<16xi32>
      %and3A_399 = arith.andi %get3A_396, %and3A_398 : vector<16xi32>
      %swap3A_400 = arith.constant 16 : index
      %swap3A_401 = tpu.vector_load %arg7[%swap3A_400] {strides = array<i32>} : memref<128xi32, #tpu.memory_space<vmem>>, vector<16xi32>,
      %swap3A_402 = vector.shape_cast %swap3A_401 : vector<16xi32> to vector<16xi32>
      %swap3A_403 = vector.shape_cast %and3A_399 : vector<16xi32> to vector<16xi32>
      tpu.vector_store %arg7[%swap3A_400], %swap3A_403 {strides = array<i32>} : memref<128xi32, #tpu.memory_space<vmem>>, vector<16xi32>,
      %shift_right_arithmetic3A_404 = arith.constant 14 : i32
      %shift_right_arithmetic3A_405 = vector.broadcast %shift_right_arithmetic3A_404 : i32 to vector<16xi32>
      %shift_right_arithmetic3A_406 = arith.shrsi %get3A_396, %shift_right_arithmetic3A_405 : vector<16xi32>
      %swap3A_407 = arith.constant 16 : index
      %swap3A_408 = tpu.vector_load %arg8[%swap3A_407] {strides = array<i32>} : memref<128xi32, #tpu.memory_space<vmem>>, vector<16xi32>,
      %swap3A_409 = vector.shape_cast %swap3A_408 : vector<16xi32> to vector<16xi32>
      %swap3A_410 = vector.shape_cast %shift_right_arithmetic3A_406 : vector<16xi32> to vector<16xi32>
      tpu.vector_store %arg8[%swap3A_407], %swap3A_410 {strides = array<i32>} : memref<128xi32, #tpu.memory_space<vmem>>, vector<16xi32>,
      %get3A_411 = arith.index_cast %min3A_356 : i32 to index
      %get3A_412 = arith.constant 32 : index
      %get3A_413 = tpu.vector_load %arg6[%get3A_411, %get3A_412] {strides = array<i32>} : memref<80x128xi32, #tpu.memory_space<vmem>>, vector<1x16xi32>,
      %get3A_414 = vector.shape_cast %get3A_413 : vector<1x16xi32> to vector<16xi32>
      %and3A_415 = arith.constant 16383 : i32
      %and3A_416 = vector.broadcast %and3A_415 : i32 to vector<16xi32>
      %and3A_417 = arith.andi %get3A_414, %and3A_416 : vector<16xi32>
      %swap3A_418 = arith.constant 32 : index
      %swap3A_419 = tpu.vector_load %arg7[%swap3A_418] {strides = array<i32>} : memref<128xi32, #tpu.memory_space<vmem>>, vector<16xi32>,
      %swap3A_420 = vector.shape_cast %swap3A_419 : vector<16xi32> to vector<16xi32>
      %swap3A_421 = vector.shape_cast %and3A_417 : vector<16xi32> to vector<16xi32>
      tpu.vector_store %arg7[%swap3A_418], %swap3A_421 {strides = array<i32>} : memref<128xi32, #tpu.memory_space<vmem>>, vector<16xi32>,
      %shift_right_arithmetic3A_422 = arith.constant 14 : i32
      %shift_right_arithmetic3A_423 = vector.broadcast %shift_right_arithmetic3A_422 : i32 to vector<16xi32>
      %shift_right_arithmetic3A_424 = arith.shrsi %get3A_414, %shift_right_arithmetic3A_423 : vector<16xi32>
      %swap3A_425 = arith.constant 32 : index
      %swap3A_426 = tpu.vector_load %arg8[%swap3A_425] {strides = array<i32>} : memref<128xi32, #tpu.memory_space<vmem>>, vector<16xi32>,
      %swap3A_427 = vector.shape_cast %swap3A_426 : vector<16xi32> to vector<16xi32>
      %swap3A_428 = vector.shape_cast %shift_right_arithmetic3A_424 : vector<16xi32> to vector<16xi32>
      tpu.vector_store %arg8[%swap3A_425], %swap3A_428 {strides = array<i32>} : memref<128xi32, #tpu.memory_space<vmem>>, vector<16xi32>,
      %get3A_429 = arith.index_cast %min3A_356 : i32 to index
      %get3A_430 = arith.constant 48 : index
      %get3A_431 = tpu.vector_load %arg6[%get3A_429, %get3A_430] {strides = array<i32>} : memref<80x128xi32, #tpu.memory_space<vmem>>, vector<1x16xi32>,
      %get3A_432 = vector.shape_cast %get3A_431 : vector<1x16xi32> to vector<16xi32>
      %and3A_433 = arith.constant 16383 : i32
      %and3A_434 = vector.broadcast %and3A_433 : i32 to vector<16xi32>
      %and3A_435 = arith.andi %get3A_432, %and3A_434 : vector<16xi32>
      %swap3A_436 = arith.constant 48 : index
      %swap3A_437 = tpu.vector_load %arg7[%swap3A_436] {strides = array<i32>} : memref<128xi32, #tpu.memory_space<vmem>>, vector<16xi32>,
      %swap3A_438 = vector.shape_cast %swap3A_437 : vector<16xi32> to vector<16xi32>
      %swap3A_439 = vector.shape_cast %and3A_435 : vector<16xi32> to vector<16xi32>
      tpu.vector_store %arg7[%swap3A_436], %swap3A_439 {strides = array<i32>} : memref<128xi32, #tpu.memory_space<vmem>>, vector<16xi32>,
      %shift_right_arithmetic3A_440 = arith.constant 14 : i32
      %shift_right_arithmetic3A_441 = vector.broadcast %shift_right_arithmetic3A_440 : i32 to vector<16xi32>
      %shift_right_arithmetic3A_442 = arith.shrsi %get3A_432, %shift_right_arithmetic3A_441 : vector<16xi32>
      %swap3A_443 = arith.constant 48 : index
      %swap3A_444 = tpu.vector_load %arg8[%swap3A_443] {strides = array<i32>} : memref<128xi32, #tpu.memory_space<vmem>>, vector<16xi32>,
      %swap3A_445 = vector.shape_cast %swap3A_444 : vector<16xi32> to vector<16xi32>
      %swap3A_446 = vector.shape_cast %shift_right_arithmetic3A_442 : vector<16xi32> to vector<16xi32>
      tpu.vector_store %arg8[%swap3A_443], %swap3A_446 {strides = array<i32>} : memref<128xi32, #tpu.memory_space<vmem>>, vector<16xi32>,
      %get3A_447 = arith.index_cast %min3A_356 : i32 to index
      %get3A_448 = arith.constant 64 : index
      %get3A_449 = tpu.vector_load %arg6[%get3A_447, %get3A_448] {strides = array<i32>} : memref<80x128xi32, #tpu.memory_space<vmem>>, vector<1x16xi32>,
      %get3A_450 = vector.shape_cast %get3A_449 : vector<1x16xi32> to vector<16xi32>
      %and3A_451 = arith.constant 16383 : i32
      %and3A_452 = vector.broadcast %and3A_451 : i32 to vector<16xi32>
      %and3A_453 = arith.andi %get3A_450, %and3A_452 : vector<16xi32>
      %swap3A_454 = arith.constant 64 : index
      %swap3A_455 = tpu.vector_load %arg7[%swap3A_454] {strides = array<i32>} : memref<128xi32, #tpu.memory_space<vmem>>, vector<16xi32>,
      %swap3A_456 = vector.shape_cast %swap3A_455 : vector<16xi32> to vector<16xi32>
      %swap3A_457 = vector.shape_cast %and3A_453 : vector<16xi32> to vector<16xi32>
      tpu.vector_store %arg7[%swap3A_454], %swap3A_457 {strides = array<i32>} : memref<128xi32, #tpu.memory_space<vmem>>, vector<16xi32>,
      %shift_right_arithmetic3A_458 = arith.constant 14 : i32
      %shift_right_arithmetic3A_459 = vector.broadcast %shift_right_arithmetic3A_458 : i32 to vector<16xi32>
      %shift_right_arithmetic3A_460 = arith.shrsi %get3A_450, %shift_right_arithmetic3A_459 : vector<16xi32>
      %swap3A_461 = arith.constant 64 : index
      %swap3A_462 = tpu.vector_load %arg8[%swap3A_461] {strides = array<i32>} : memref<128xi32, #tpu.memory_space<vmem>>, vector<16xi32>,
      %swap3A_463 = vector.shape_cast %swap3A_462 : vector<16xi32> to vector<16xi32>
      %swap3A_464 = vector.shape_cast %shift_right_arithmetic3A_460 : vector<16xi32> to vector<16xi32>
      tpu.vector_store %arg8[%swap3A_461], %swap3A_464 {strides = array<i32>} : memref<128xi32, #tpu.memory_space<vmem>>, vector<16xi32>,
      %get3A_465 = arith.index_cast %min3A_356 : i32 to index
      %get3A_466 = arith.constant 80 : index
      %get3A_467 = tpu.vector_load %arg6[%get3A_465, %get3A_466] {strides = array<i32>} : memref<80x128xi32, #tpu.memory_space<vmem>>, vector<1x16xi32>,
      %get3A_468 = vector.shape_cast %get3A_467 : vector<1x16xi32> to vector<16xi32>
      %and3A_469 = arith.constant 16383 : i32
      %and3A_470 = vector.broadcast %and3A_469 : i32 to vector<16xi32>
      %and3A_471 = arith.andi %get3A_468, %and3A_470 : vector<16xi32>
      %swap3A_472 = arith.constant 80 : index
      %swap3A_473 = tpu.vector_load %arg7[%swap3A_472] {strides = array<i32>} : memref<128xi32, #tpu.memory_space<vmem>>, vector<16xi32>,
      %swap3A_474 = vector.shape_cast %swap3A_473 : vector<16xi32> to vector<16xi32>
      %swap3A_475 = vector.shape_cast %and3A_471 : vector<16xi32> to vector<16xi32>
      tpu.vector_store %arg7[%swap3A_472], %swap3A_475 {strides = array<i32>} : memref<128xi32, #tpu.memory_space<vmem>>, vector<16xi32>,
      %shift_right_arithmetic3A_476 = arith.constant 14 : i32
      %shift_right_arithmetic3A_477 = vector.broadcast %shift_right_arithmetic3A_476 : i32 to vector<16xi32>
      %shift_right_arithmetic3A_478 = arith.shrsi %get3A_468, %shift_right_arithmetic3A_477 : vector<16xi32>
      %swap3A_479 = arith.constant 80 : index
      %swap3A_480 = tpu.vector_load %arg8[%swap3A_479] {strides = array<i32>} : memref<128xi32, #tpu.memory_space<vmem>>, vector<16xi32>,
      %swap3A_481 = vector.shape_cast %swap3A_480 : vector<16xi32> to vector<16xi32>
      %swap3A_482 = vector.shape_cast %shift_right_arithmetic3A_478 : vector<16xi32> to vector<16xi32>
      tpu.vector_store %arg8[%swap3A_479], %swap3A_482 {strides = array<i32>} : memref<128xi32, #tpu.memory_space<vmem>>, vector<16xi32>,
      %get3A_483 = arith.index_cast %min3A_356 : i32 to index
      %get3A_484 = arith.constant 96 : index
      %get3A_485 = tpu.vector_load %arg6[%get3A_483, %get3A_484] {strides = array<i32>} : memref<80x128xi32, #tpu.memory_space<vmem>>, vector<1x16xi32>,
      %get3A_486 = vector.shape_cast %get3A_485 : vector<1x16xi32> to vector<16xi32>
      %and3A_487 = arith.constant 16383 : i32
      %and3A_488 = vector.broadcast %and3A_487 : i32 to vector<16xi32>
      %and3A_489 = arith.andi %get3A_486, %and3A_488 : vector<16xi32>
      %swap3A_490 = arith.constant 96 : index
      %swap3A_491 = tpu.vector_load %arg7[%swap3A_490] {strides = array<i32>} : memref<128xi32, #tpu.memory_space<vmem>>, vector<16xi32>,
      %swap3A_492 = vector.shape_cast %swap3A_491 : vector<16xi32> to vector<16xi32>
      %swap3A_493 = vector.shape_cast %and3A_489 : vector<16xi32> to vector<16xi32>
      tpu.vector_store %arg7[%swap3A_490], %swap3A_493 {strides = array<i32>} : memref<128xi32, #tpu.memory_space<vmem>>, vector<16xi32>,
      %shift_right_arithmetic3A_494 = arith.constant 14 : i32
      %shift_right_arithmetic3A_495 = vector.broadcast %shift_right_arithmetic3A_494 : i32 to vector<16xi32>
      %shift_right_arithmetic3A_496 = arith.shrsi %get3A_486, %shift_right_arithmetic3A_495 : vector<16xi32>
      %swap3A_497 = arith.constant 96 : index
      %swap3A_498 = tpu.vector_load %arg8[%swap3A_497] {strides = array<i32>} : memref<128xi32, #tpu.memory_space<vmem>>, vector<16xi32>,
      %swap3A_499 = vector.shape_cast %swap3A_498 : vector<16xi32> to vector<16xi32>
      %swap3A_500 = vector.shape_cast %shift_right_arithmetic3A_496 : vector<16xi32> to vector<16xi32>
      tpu.vector_store %arg8[%swap3A_497], %swap3A_500 {strides = array<i32>} : memref<128xi32, #tpu.memory_space<vmem>>, vector<16xi32>,
      %get3A_501 = arith.index_cast %min3A_356 : i32 to index
      %get3A_502 = arith.constant 112 : index
      %get3A_503 = tpu.vector_load %arg6[%get3A_501, %get3A_502] {strides = array<i32>} : memref<80x128xi32, #tpu.memory_space<vmem>>, vector<1x16xi32>,
      %get3A_504 = vector.shape_cast %get3A_503 : vector<1x16xi32> to vector<16xi32>
      %and3A_505 = arith.constant 16383 : i32
      %and3A_506 = vector.broadcast %and3A_505 : i32 to vector<16xi32>
      %and3A_507 = arith.andi %get3A_504, %and3A_506 : vector<16xi32>
      %swap3A_508 = arith.constant 112 : index
      %swap3A_509 = tpu.vector_load %arg7[%swap3A_508] {strides = array<i32>} : memref<128xi32, #tpu.memory_space<vmem>>, vector<16xi32>,
      %swap3A_510 = vector.shape_cast %swap3A_509 : vector<16xi32> to vector<16xi32>
      %swap3A_511 = vector.shape_cast %and3A_507 : vector<16xi32> to vector<16xi32>
      tpu.vector_store %arg7[%swap3A_508], %swap3A_511 {strides = array<i32>} : memref<128xi32, #tpu.memory_space<vmem>>, vector<16xi32>,
      %shift_right_arithmetic3A_512 = arith.constant 14 : i32
      %shift_right_arithmetic3A_513 = vector.broadcast %shift_right_arithmetic3A_512 : i32 to vector<16xi32>
      %shift_right_arithmetic3A_514 = arith.shrsi %get3A_504, %shift_right_arithmetic3A_513 : vector<16xi32>
      %swap3A_515 = arith.constant 112 : index
      %swap3A_516 = tpu.vector_load %arg8[%swap3A_515] {strides = array<i32>} : memref<128xi32, #tpu.memory_space<vmem>>, vector<16xi32>,
      %swap3A_517 = vector.shape_cast %swap3A_516 : vector<16xi32> to vector<16xi32>
      %swap3A_518 = vector.shape_cast %shift_right_arithmetic3A_514 : vector<16xi32> to vector<16xi32>
      tpu.vector_store %arg8[%swap3A_515], %swap3A_518 {strides = array<i32>} : memref<128xi32, #tpu.memory_space<vmem>>, vector<16xi32>,
      %dma_start3A_519 = arith.constant 0 : i32
      %dma_start3A_520 = arith.constant 0 : i32
      %dma_start3A_521 = tpu.memref_slice %arg13[%dma_start3A_519, %dma_start3A_520] : memref<10240x16xf32, #tpu.memory_space<vmem_shared>> -> memref<10240x16xf32, #tpu.memory_space<vmem_shared>>
      tpu.enqueue_indirect_dma source(%dma_start3A_521 : memref<10240x16xf32, #tpu.memory_space<vmem_shared>>) target(%arg11 : memref<128x16xf32, #tpu.memory_space<vmem>>) offsets(%arg7 : memref<128xi32, #tpu.memory_space<vmem>>) semaphore(%arg15 : memref<!tpu.dma_semaphore, #tpu.memory_space<semaphore_mem>>)
      %dma_start3A_522 = arith.constant 0 : i32
      %dma_start3A_523 = arith.constant 0 : i32
      %dma_start3A_524 = tpu.memref_slice %arg14[%dma_start3A_522, %dma_start3A_523] : memref<10240x16xf32, #tpu.memory_space<vmem_shared>> -> memref<10240x16xf32, #tpu.memory_space<vmem_shared>>
      tpu.enqueue_indirect_dma source(%arg12 : memref<128x16xf32, #tpu.memory_space<vmem>>) target(%dma_start3A_524 : memref<10240x16xf32, #tpu.memory_space<vmem_shared>>) offsets(%arg10 : memref<128xi32, #tpu.memory_space<vmem>>) semaphore(%arg18 : memref<!tpu.dma_semaphore, #tpu.memory_space<semaphore_mem>>) {add = true}
      %dma_wait3A_525 = arith.constant 0 : i32
      %dma_wait3A_526 = arith.constant 0 : i32
      %dma_wait3A_527 = tpu.memref_slice %arg14[%dma_wait3A_525, %dma_wait3A_526] : memref<10240x16xf32, #tpu.memory_space<vmem_shared>> -> memref<10240x16xf32, #tpu.memory_space<vmem_shared>>
      tpu.wait_indirect_dma semaphore(%arg18 : memref<!tpu.dma_semaphore, #tpu.memory_space<semaphore_mem>>) src(%arg12 : memref<128x16xf32, #tpu.memory_space<vmem>>) dst(%dma_wait3A_527 : memref<10240x16xf32, #tpu.memory_space<vmem_shared>>)
      %get3A_528 = arith.index_cast %min3A_362 : i32 to index
      %get3A_529 = arith.constant 0 : index
      %get3A_530 = tpu.vector_load %arg6[%get3A_528, %get3A_529] {strides = array<i32>} : memref<80x128xi32, #tpu.memory_space<vmem>>, vector<1x16xi32>,
      %get3A_531 = vector.shape_cast %get3A_530 : vector<1x16xi32> to vector<16xi32>
      %and3A_532 = arith.constant 16383 : i32
      %and3A_533 = vector.broadcast %and3A_532 : i32 to vector<16xi32>
      %and3A_534 = arith.andi %get3A_531, %and3A_533 : vector<16xi32>
      %swap3A_535 = arith.constant 0 : index
      %swap3A_536 = tpu.vector_load %arg9[%swap3A_535] {strides = array<i32>} : memref<128xi32, #tpu.memory_space<vmem>>, vector<16xi32>,
      %swap3A_537 = vector.shape_cast %swap3A_536 : vector<16xi32> to vector<16xi32>
      %swap3A_538 = vector.shape_cast %and3A_534 : vector<16xi32> to vector<16xi32>
      tpu.vector_store %arg9[%swap3A_535], %swap3A_538 {strides = array<i32>} : memref<128xi32, #tpu.memory_space<vmem>>, vector<16xi32>,
      %shift_right_arithmetic3A_539 = arith.constant 14 : i32
      %shift_right_arithmetic3A_540 = vector.broadcast %shift_right_arithmetic3A_539 : i32 to vector<16xi32>
      %shift_right_arithmetic3A_541 = arith.shrsi %get3A_531, %shift_right_arithmetic3A_540 : vector<16xi32>
      %swap3A_542 = arith.constant 0 : index
      %swap3A_543 = tpu.vector_load %arg10[%swap3A_542] {strides = array<i32>} : memref<128xi32, #tpu.memory_space<vmem>>, vector<16xi32>,
      %swap3A_544 = vector.shape_cast %swap3A_543 : vector<16xi32> to vector<16xi32>
      %swap3A_545 = vector.shape_cast %shift_right_arithmetic3A_541 : vector<16xi32> to vector<16xi32>
      tpu.vector_store %arg10[%swap3A_542], %swap3A_545 {strides = array<i32>} : memref<128xi32, #tpu.memory_space<vmem>>, vector<16xi32>,
      %get3A_546 = arith.index_cast %min3A_362 : i32 to index
      %get3A_547 = arith.constant 16 : index
      %get3A_548 = tpu.vector_load %arg6[%get3A_546, %get3A_547] {strides = array<i32>} : memref<80x128xi32, #tpu.memory_space<vmem>>, vector<1x16xi32>,
      %get3A_549 = vector.shape_cast %get3A_548 : vector<1x16xi32> to vector<16xi32>
      %and3A_550 = arith.constant 16383 : i32
      %and3A_551 = vector.broadcast %and3A_550 : i32 to vector<16xi32>
      %and3A_552 = arith.andi %get3A_549, %and3A_551 : vector<16xi32>
      %swap3A_553 = arith.constant 16 : index
      %swap3A_554 = tpu.vector_load %arg9[%swap3A_553] {strides = array<i32>} : memref<128xi32, #tpu.memory_space<vmem>>, vector<16xi32>,
      %swap3A_555 = vector.shape_cast %swap3A_554 : vector<16xi32> to vector<16xi32>
      %swap3A_556 = vector.shape_cast %and3A_552 : vector<16xi32> to vector<16xi32>
      tpu.vector_store %arg9[%swap3A_553], %swap3A_556 {strides = array<i32>} : memref<128xi32, #tpu.memory_space<vmem>>, vector<16xi32>,
      %shift_right_arithmetic3A_557 = arith.constant 14 : i32
      %shift_right_arithmetic3A_558 = vector.broadcast %shift_right_arithmetic3A_557 : i32 to vector<16xi32>
      %shift_right_arithmetic3A_559 = arith.shrsi %get3A_549, %shift_right_arithmetic3A_558 : vector<16xi32>
      %swap3A_560 = arith.constant 16 : index
      %swap3A_561 = tpu.vector_load %arg10[%swap3A_560] {strides = array<i32>} : memref<128xi32, #tpu.memory_space<vmem>>, vector<16xi32>,
      %swap3A_562 = vector.shape_cast %swap3A_561 : vector<16xi32> to vector<16xi32>
      %swap3A_563 = vector.shape_cast %shift_right_arithmetic3A_559 : vector<16xi32> to vector<16xi32>
      tpu.vector_store %arg10[%swap3A_560], %swap3A_563 {strides = array<i32>} : memref<128xi32, #tpu.memory_space<vmem>>, vector<16xi32>,
      %get3A_564 = arith.index_cast %min3A_362 : i32 to index
      %get3A_565 = arith.constant 32 : index
      %get3A_566 = tpu.vector_load %arg6[%get3A_564, %get3A_565] {strides = array<i32>} : memref<80x128xi32, #tpu.memory_space<vmem>>, vector<1x16xi32>,
      %get3A_567 = vector.shape_cast %get3A_566 : vector<1x16xi32> to vector<16xi32>
      %and3A_568 = arith.constant 16383 : i32
      %and3A_569 = vector.broadcast %and3A_568 : i32 to vector<16xi32>
      %and3A_570 = arith.andi %get3A_567, %and3A_569 : vector<16xi32>
      %swap3A_571 = arith.constant 32 : index
      %swap3A_572 = tpu.vector_load %arg9[%swap3A_571] {strides = array<i32>} : memref<128xi32, #tpu.memory_space<vmem>>, vector<16xi32>,
      %swap3A_573 = vector.shape_cast %swap3A_572 : vector<16xi32> to vector<16xi32>
      %swap3A_574 = vector.shape_cast %and3A_570 : vector<16xi32> to vector<16xi32>
      tpu.vector_store %arg9[%swap3A_571], %swap3A_574 {strides = array<i32>} : memref<128xi32, #tpu.memory_space<vmem>>, vector<16xi32>,
      %shift_right_arithmetic3A_575 = arith.constant 14 : i32
      %shift_right_arithmetic3A_576 = vector.broadcast %shift_right_arithmetic3A_575 : i32 to vector<16xi32>
      %shift_right_arithmetic3A_577 = arith.shrsi %get3A_567, %shift_right_arithmetic3A_576 : vector<16xi32>
      %swap3A_578 = arith.constant 32 : index
      %swap3A_579 = tpu.vector_load %arg10[%swap3A_578] {strides = array<i32>} : memref<128xi32, #tpu.memory_space<vmem>>, vector<16xi32>,
      %swap3A_580 = vector.shape_cast %swap3A_579 : vector<16xi32> to vector<16xi32>
      %swap3A_581 = vector.shape_cast %shift_right_arithmetic3A_577 : vector<16xi32> to vector<16xi32>
      tpu.vector_store %arg10[%swap3A_578], %swap3A_581 {strides = array<i32>} : memref<128xi32, #tpu.memory_space<vmem>>, vector<16xi32>,
      %get3A_582 = arith.index_cast %min3A_362 : i32 to index
      %get3A_583 = arith.constant 48 : index
      %get3A_584 = tpu.vector_load %arg6[%get3A_582, %get3A_583] {strides = array<i32>} : memref<80x128xi32, #tpu.memory_space<vmem>>, vector<1x16xi32>,
      %get3A_585 = vector.shape_cast %get3A_584 : vector<1x16xi32> to vector<16xi32>
      %and3A_586 = arith.constant 16383 : i32
      %and3A_587 = vector.broadcast %and3A_586 : i32 to vector<16xi32>
      %and3A_588 = arith.andi %get3A_585, %and3A_587 : vector<16xi32>
      %swap3A_589 = arith.constant 48 : index
      %swap3A_590 = tpu.vector_load %arg9[%swap3A_589] {strides = array<i32>} : memref<128xi32, #tpu.memory_space<vmem>>, vector<16xi32>,
      %swap3A_591 = vector.shape_cast %swap3A_590 : vector<16xi32> to vector<16xi32>
      %swap3A_592 = vector.shape_cast %and3A_588 : vector<16xi32> to vector<16xi32>
      tpu.vector_store %arg9[%swap3A_589], %swap3A_592 {strides = array<i32>} : memref<128xi32, #tpu.memory_space<vmem>>, vector<16xi32>,
      %shift_right_arithmetic3A_593 = arith.constant 14 : i32
      %shift_right_arithmetic3A_594 = vector.broadcast %shift_right_arithmetic3A_593 : i32 to vector<16xi32>
      %shift_right_arithmetic3A_595 = arith.shrsi %get3A_585, %shift_right_arithmetic3A_594 : vector<16xi32>
      %swap3A_596 = arith.constant 48 : index
      %swap3A_597 = tpu.vector_load %arg10[%swap3A_596] {strides = array<i32>} : memref<128xi32, #tpu.memory_space<vmem>>, vector<16xi32>,
      %swap3A_598 = vector.shape_cast %swap3A_597 : vector<16xi32> to vector<16xi32>
      %swap3A_599 = vector.shape_cast %shift_right_arithmetic3A_595 : vector<16xi32> to vector<16xi32>
      tpu.vector_store %arg10[%swap3A_596], %swap3A_599 {strides = array<i32>} : memref<128xi32, #tpu.memory_space<vmem>>, vector<16xi32>,
      %get3A_600 = arith.index_cast %min3A_362 : i32 to index
      %get3A_601 = arith.constant 64 : index
      %get3A_602 = tpu.vector_load %arg6[%get3A_600, %get3A_601] {strides = array<i32>} : memref<80x128xi32, #tpu.memory_space<vmem>>, vector<1x16xi32>,
      %get3A_603 = vector.shape_cast %get3A_602 : vector<1x16xi32> to vector<16xi32>
      %and3A_604 = arith.constant 16383 : i32
      %and3A_605 = vector.broadcast %and3A_604 : i32 to vector<16xi32>
      %and3A_606 = arith.andi %get3A_603, %and3A_605 : vector<16xi32>
      %swap3A_607 = arith.constant 64 : index
      %swap3A_608 = tpu.vector_load %arg9[%swap3A_607] {strides = array<i32>} : memref<128xi32, #tpu.memory_space<vmem>>, vector<16xi32>,
      %swap3A_609 = vector.shape_cast %swap3A_608 : vector<16xi32> to vector<16xi32>
      %swap3A_610 = vector.shape_cast %and3A_606 : vector<16xi32> to vector<16xi32>
      tpu.vector_store %arg9[%swap3A_607], %swap3A_610 {strides = array<i32>} : memref<128xi32, #tpu.memory_space<vmem>>, vector<16xi32>,
      %shift_right_arithmetic3A_611 = arith.constant 14 : i32
      %shift_right_arithmetic3A_612 = vector.broadcast %shift_right_arithmetic3A_611 : i32 to vector<16xi32>
      %shift_right_arithmetic3A_613 = arith.shrsi %get3A_603, %shift_right_arithmetic3A_612 : vector<16xi32>
      %swap3A_614 = arith.constant 64 : index
      %swap3A_615 = tpu.vector_load %arg10[%swap3A_614] {strides = array<i32>} : memref<128xi32, #tpu.memory_space<vmem>>, vector<16xi32>,
      %swap3A_616 = vector.shape_cast %swap3A_615 : vector<16xi32> to vector<16xi32>
      %swap3A_617 = vector.shape_cast %shift_right_arithmetic3A_613 : vector<16xi32> to vector<16xi32>
      tpu.vector_store %arg10[%swap3A_614], %swap3A_617 {strides = array<i32>} : memref<128xi32, #tpu.memory_space<vmem>>, vector<16xi32>,
      %get3A_618 = arith.index_cast %min3A_362 : i32 to index
      %get3A_619 = arith.constant 80 : index
      %get3A_620 = tpu.vector_load %arg6[%get3A_618, %get3A_619] {strides = array<i32>} : memref<80x128xi32, #tpu.memory_space<vmem>>, vector<1x16xi32>,
      %get3A_621 = vector.shape_cast %get3A_620 : vector<1x16xi32> to vector<16xi32>
      %and3A_622 = arith.constant 16383 : i32
      %and3A_623 = vector.broadcast %and3A_622 : i32 to vector<16xi32>
      %and3A_624 = arith.andi %get3A_621, %and3A_623 : vector<16xi32>
      %swap3A_625 = arith.constant 80 : index
      %swap3A_626 = tpu.vector_load %arg9[%swap3A_625] {strides = array<i32>} : memref<128xi32, #tpu.memory_space<vmem>>, vector<16xi32>,
      %swap3A_627 = vector.shape_cast %swap3A_626 : vector<16xi32> to vector<16xi32>
      %swap3A_628 = vector.shape_cast %and3A_624 : vector<16xi32> to vector<16xi32>
      tpu.vector_store %arg9[%swap3A_625], %swap3A_628 {strides = array<i32>} : memref<128xi32, #tpu.memory_space<vmem>>, vector<16xi32>,
      %shift_right_arithmetic3A_629 = arith.constant 14 : i32
      %shift_right_arithmetic3A_630 = vector.broadcast %shift_right_arithmetic3A_629 : i32 to vector<16xi32>
      %shift_right_arithmetic3A_631 = arith.shrsi %get3A_621, %shift_right_arithmetic3A_630 : vector<16xi32>
      %swap3A_632 = arith.constant 80 : index
      %swap3A_633 = tpu.vector_load %arg10[%swap3A_632] {strides = array<i32>} : memref<128xi32, #tpu.memory_space<vmem>>, vector<16xi32>,
      %swap3A_634 = vector.shape_cast %swap3A_633 : vector<16xi32> to vector<16xi32>
      %swap3A_635 = vector.shape_cast %shift_right_arithmetic3A_631 : vector<16xi32> to vector<16xi32>
      tpu.vector_store %arg10[%swap3A_632], %swap3A_635 {strides = array<i32>} : memref<128xi32, #tpu.memory_space<vmem>>, vector<16xi32>,
      %get3A_636 = arith.index_cast %min3A_362 : i32 to index
      %get3A_637 = arith.constant 96 : index
      %get3A_638 = tpu.vector_load %arg6[%get3A_636, %get3A_637] {strides = array<i32>} : memref<80x128xi32, #tpu.memory_space<vmem>>, vector<1x16xi32>,
      %get3A_639 = vector.shape_cast %get3A_638 : vector<1x16xi32> to vector<16xi32>
      %and3A_640 = arith.constant 16383 : i32
      %and3A_641 = vector.broadcast %and3A_640 : i32 to vector<16xi32>
      %and3A_642 = arith.andi %get3A_639, %and3A_641 : vector<16xi32>
      %swap3A_643 = arith.constant 96 : index
      %swap3A_644 = tpu.vector_load %arg9[%swap3A_643] {strides = array<i32>} : memref<128xi32, #tpu.memory_space<vmem>>, vector<16xi32>,
      %swap3A_645 = vector.shape_cast %swap3A_644 : vector<16xi32> to vector<16xi32>
      %swap3A_646 = vector.shape_cast %and3A_642 : vector<16xi32> to vector<16xi32>
      tpu.vector_store %arg9[%swap3A_643], %swap3A_646 {strides = array<i32>} : memref<128xi32, #tpu.memory_space<vmem>>, vector<16xi32>,
      %shift_right_arithmetic3A_647 = arith.constant 14 : i32
      %shift_right_arithmetic3A_648 = vector.broadcast %shift_right_arithmetic3A_647 : i32 to vector<16xi32>
      %shift_right_arithmetic3A_649 = arith.shrsi %get3A_639, %shift_right_arithmetic3A_648 : vector<16xi32>
      %swap3A_650 = arith.constant 96 : index
      %swap3A_651 = tpu.vector_load %arg10[%swap3A_650] {strides = array<i32>} : memref<128xi32, #tpu.memory_space<vmem>>, vector<16xi32>,
      %swap3A_652 = vector.shape_cast %swap3A_651 : vector<16xi32> to vector<16xi32>
      %swap3A_653 = vector.shape_cast %shift_right_arithmetic3A_649 : vector<16xi32> to vector<16xi32>
      tpu.vector_store %arg10[%swap3A_650], %swap3A_653 {strides = array<i32>} : memref<128xi32, #tpu.memory_space<vmem>>, vector<16xi32>,
      %get3A_654 = arith.index_cast %min3A_362 : i32 to index
      %get3A_655 = arith.constant 112 : index
      %get3A_656 = tpu.vector_load %arg6[%get3A_654, %get3A_655] {strides = array<i32>} : memref<80x128xi32, #tpu.memory_space<vmem>>, vector<1x16xi32>,
      %get3A_657 = vector.shape_cast %get3A_656 : vector<1x16xi32> to vector<16xi32>
      %and3A_658 = arith.constant 16383 : i32
      %and3A_659 = vector.broadcast %and3A_658 : i32 to vector<16xi32>
      %and3A_660 = arith.andi %get3A_657, %and3A_659 : vector<16xi32>
      %swap3A_661 = arith.constant 112 : index
      %swap3A_662 = tpu.vector_load %arg9[%swap3A_661] {strides = array<i32>} : memref<128xi32, #tpu.memory_space<vmem>>, vector<16xi32>,
      %swap3A_663 = vector.shape_cast %swap3A_662 : vector<16xi32> to vector<16xi32>
      %swap3A_664 = vector.shape_cast %and3A_660 : vector<16xi32> to vector<16xi32>
      tpu.vector_store %arg9[%swap3A_661], %swap3A_664 {strides = array<i32>} : memref<128xi32, #tpu.memory_space<vmem>>, vector<16xi32>,
      %shift_right_arithmetic3A_665 = arith.constant 14 : i32
      %shift_right_arithmetic3A_666 = vector.broadcast %shift_right_arithmetic3A_665 : i32 to vector<16xi32>
      %shift_right_arithmetic3A_667 = arith.shrsi %get3A_657, %shift_right_arithmetic3A_666 : vector<16xi32>
      %swap3A_668 = arith.constant 112 : index
      %swap3A_669 = tpu.vector_load %arg10[%swap3A_668] {strides = array<i32>} : memref<128xi32, #tpu.memory_space<vmem>>, vector<16xi32>,
      %swap3A_670 = vector.shape_cast %swap3A_669 : vector<16xi32> to vector<16xi32>
      %swap3A_671 = vector.shape_cast %shift_right_arithmetic3A_667 : vector<16xi32> to vector<16xi32>
      tpu.vector_store %arg10[%swap3A_668], %swap3A_671 {strides = array<i32>} : memref<128xi32, #tpu.memory_space<vmem>>, vector<16xi32>,
      %dma_start3A_672 = arith.constant 0 : i32
      %dma_start3A_673 = arith.constant 0 : i32
      %dma_start3A_674 = tpu.memref_slice %arg13[%dma_start3A_672, %dma_start3A_673] : memref<10240x16xf32, #tpu.memory_space<vmem_shared>> -> memref<10240x16xf32, #tpu.memory_space<vmem_shared>>
      tpu.enqueue_indirect_dma source(%dma_start3A_674 : memref<10240x16xf32, #tpu.memory_space<vmem_shared>>) target(%arg12 : memref<128x16xf32, #tpu.memory_space<vmem>>) offsets(%arg9 : memref<128xi32, #tpu.memory_space<vmem>>) semaphore(%arg16 : memref<!tpu.dma_semaphore, #tpu.memory_space<semaphore_mem>>)
    }
    %scan3A_343 = arith.constant 40 : i32
    %dma_wait3A_344 = arith.constant 0 : i32
    %dma_wait3A_345 = arith.constant 0 : i32
    %dma_wait3A_346 = tpu.memref_slice %arg13[%dma_wait3A_344, %dma_wait3A_345] : memref<10240x16xf32, #tpu.memory_space<vmem_shared>> -> memref<10240x16xf32, #tpu.memory_space<vmem_shared>>
    tpu.wait_indirect_dma semaphore(%arg15 : memref<!tpu.dma_semaphore, #tpu.memory_space<semaphore_mem>>) src(%dma_wait3A_346 : memref<10240x16xf32, #tpu.memory_space<vmem_shared>>) dst(%arg11 : memref<128x16xf32, #tpu.memory_space<vmem>>)
    %dma_wait3A_347 = arith.constant 0 : i32
    %dma_wait3A_348 = arith.constant 0 : i32
    %dma_wait3A_349 = tpu.memref_slice %arg13[%dma_wait3A_347, %dma_wait3A_348] : memref<10240x16xf32, #tpu.memory_space<vmem_shared>> -> memref<10240x16xf32, #tpu.memory_space<vmem_shared>>
    tpu.wait_indirect_dma semaphore(%arg16 : memref<!tpu.dma_semaphore, #tpu.memory_space<semaphore_mem>>) src(%dma_wait3A_349 : memref<10240x16xf32, #tpu.memory_space<vmem_shared>>) dst(%arg12 : memref<128x16xf32, #tpu.memory_space<vmem>>)
    %barrier3A_350 = arith.constant 0 : index
    tpu.barrier barrier_id(%barrier3A_350)
    "tpu.region"() ({
      %run_scoped3A = tpu.sem_alloc : memref<!tpu.dma_semaphore, #tpu.memory_space<semaphore_mem>>
      %dma_start3A_351 = arith.constant 0 : i32
      %dma_start3A_352 = tpu.memref_slice %arg5[%arg0, %mul3A_2, %dma_start3A_351] : memref<2x10240x16xf32, #tpu.memory_space<hbm>> -> memref<1x640x16xf32, #tpu.memory_space<hbm>>
      %dma_start3A_353 = tpu.memref_squeeze %dma_start3A_352 : memref<1x640x16xf32, #tpu.memory_space<hbm>> -> memref<640x16xf32, #tpu.memory_space<hbm>>
      %dma_start3A_354 = arith.constant 0 : i32
      %dma_start3A_355 = tpu.memref_slice %arg14[%mul3A_2, %dma_start3A_354] : memref<10240x16xf32, #tpu.memory_space<vmem_shared>> -> memref<640x16xf32, #tpu.memory_space<vmem_shared>>
      tpu.enqueue_dma source(%dma_start3A_355 : memref<640x16xf32, #tpu.memory_space<vmem_shared>>) target(%dma_start3A_353 : memref<640x16xf32, #tpu.memory_space<hbm>>) target_semaphore(%run_scoped3A : memref<!tpu.dma_semaphore, #tpu.memory_space<semaphore_mem>>)
      %dma_wait3A_356 = arith.constant 0 : i32
      %dma_wait3A_357 = tpu.memref_slice %arg5[%arg0, %mul3A_2, %dma_wait3A_356] : memref<2x10240x16xf32, #tpu.memory_space<hbm>> -> memref<1x640x16xf32, #tpu.memory_space<hbm>>
      %dma_wait3A_358 = tpu.memref_squeeze %dma_wait3A_357 : memref<1x640x16xf32, #tpu.memory_space<hbm>> -> memref<640x16xf32, #tpu.memory_space<hbm>>
      %dma_wait3A_359 = arith.constant 0 : i32
      %dma_wait3A_360 = tpu.memref_slice %arg14[%mul3A_2, %dma_wait3A_359] : memref<10240x16xf32, #tpu.memory_space<vmem_shared>> -> memref<640x16xf32, #tpu.memory_space<vmem_shared>>
      tpu.wait_dma2 semaphore(%run_scoped3A : memref<!tpu.dma_semaphore, #tpu.memory_space<semaphore_mem>>) src(%dma_wait3A_360 : memref<640x16xf32, #tpu.memory_space<vmem_shared>>) dst(%dma_wait3A_358 : memref<640x16xf32, #tpu.memory_space<hbm>>)
      tpu.yield
    }) : () -> ()
    return
  }
}

module attributes {stable_mosaic.version = 14 : i64} {
  func.func @body(%arg0: i32, %arg1: memref<512x128xf32, #tpu.memory_space<vmem>>, %arg2: memref<128x128xf32, #tpu.memory_space<vmem>>, %arg3: memref<512x128xf32, #tpu.memory_space<vmem>>) attributes {dimension_semantics = [#tpu.dimension_semantics<arbitrary>], iteration_bounds = array<i64: 20>, scalar_prefetch = 0 : i64, scratch_operands = 0 : i64, tpu.core_type = #tpu.core_type<tc>, window_params = [{transform_indices = @transform_0, window_bounds = array<i64: 512, 128>}, {pipeline_mode = #tpu.pipeline_mode<synchronous>, transform_indices = @transform_1, window_bounds = array<i64: 128, 128>}, {transform_indices = @transform_2, window_bounds = array<i64: 512, 128>}]} {
    %get3A = arith.constant 0 : index
    %get3A_0 = arith.constant 0 : index
    %get3A_1 = vector.load %arg1[%get3A, %get3A_0] : memref<512x128xf32, #tpu.memory_space<vmem>>, vector<512x128xf32>
    %get3A_2 = arith.constant 0 : index
    %get3A_3 = arith.constant 0 : index
    %get3A_4 = vector.load %arg2[%get3A_2, %get3A_3] : memref<128x128xf32, #tpu.memory_space<vmem>>, vector<128x128xf32>
    %dot_general3A = arith.constant dense<0.000000e+00> : vector<512x128xf32>
    %dot_general3A_5 = tpu.matmul %get3A_1, %get3A_4, %dot_general3A {dimension_numbers = #tpu.dot_dimension_numbers<[1], [1], [0], [0], [0, 0, 1, 0], [], []>, transpose_lhs_hint = false} : vector<512x128xf32>, vector<128x128xf32>, vector<512x128xf32> -> vector<512x128xf32>
    %swap3A = arith.constant 0 : index
    %swap3A_6 = arith.constant 0 : index
    %swap3A_7 = vector.load %arg3[%swap3A, %swap3A_6] : memref<512x128xf32, #tpu.memory_space<vmem>>, vector<512x128xf32>
    tpu.vector_store %arg3[%swap3A, %swap3A_6], %dot_general3A_5 {strides = array<i32>} : memref<512x128xf32, #tpu.memory_space<vmem>>, vector<512x128xf32>,
    return
  }
  func.func @transform_0(%arg0: i32) -> (i32, i32) {
    %c0_i32 = arith.constant 0 : i32
    %c0_i32_0 = arith.constant 0 : i32
    return %arg0, %c0_i32 : i32, i32
  }
  func.func @transform_1(%arg0: i32) -> (i32, i32) {
    %c0_i32 = arith.constant 0 : i32
    %c0_i32_0 = arith.constant 0 : i32
    %c0_i32_1 = arith.constant 0 : i32
    return %c0_i32, %c0_i32_0 : i32, i32
  }
  func.func @transform_2(%arg0: i32) -> (i32, i32) {
    %c0_i32 = arith.constant 0 : i32
    %c0_i32_0 = arith.constant 0 : i32
    return %arg0, %c0_i32 : i32, i32
  }
}

module attributes {stable_mosaic.version = 14 : i64} {
  func.func @body(%arg0: i32, %arg1: memref<512x128xf32, #tpu.memory_space<vmem>>, %arg2: memref<512x1xf32, #tpu.memory_space<vmem>>, %arg3: memref<512x1xf32, #tpu.memory_space<vmem>>, %arg4: memref<2x512x64xf32, #tpu.memory_space<vmem>>, %arg5: memref<512x1xf32, #tpu.memory_space<vmem>>) attributes {dimension_semantics = [#tpu.dimension_semantics<arbitrary>], iteration_bounds = array<i64: 20>, scalar_prefetch = 0 : i64, scratch_operands = 0 : i64, tpu.core_type = #tpu.core_type<tc>, window_params = [{transform_indices = @transform_0, window_bounds = array<i64: 512, 128>}, {transform_indices = @transform_1, window_bounds = array<i64: 512, 1>}, {transform_indices = @transform_2, window_bounds = array<i64: 512, 1>}, {transform_indices = @transform_3, window_bounds = array<i64: 2, 512, 64>}, {transform_indices = @transform_4, window_bounds = array<i64: 512, 1>}]} {
    %get3A = arith.constant 0 : index
    %get3A_0 = arith.constant 0 : index
    %get3A_1 = vector.load %arg2[%get3A, %get3A_0] : memref<512x1xf32, #tpu.memory_space<vmem>>, vector<512x1xf32>
    %add3A = arith.constant 1.000000e+00 : f32
    %add3A_2 = vector.broadcast %add3A : f32 to vector<512x1xf32>
    %add3A_3 = arith.addf %add3A_2, %get3A_1 : vector<512x1xf32>
    %get3A_4 = arith.constant 0 : index
    %get3A_5 = arith.constant 0 : index
    %get3A_6 = vector.load %arg3[%get3A_4, %get3A_5] : memref<512x1xf32, #tpu.memory_space<vmem>>, vector<512x1xf32>
    %add3A_7 = arith.addf %add3A_3, %get3A_6 : vector<512x1xf32>
    %rsqrt3A = math.rsqrt %add3A_7 : vector<512x1xf32>
    %get3A_8 = arith.constant 0 : index
    %get3A_9 = arith.constant 0 : index
    %get3A_10 = vector.load %arg1[%get3A_8, %get3A_9] : memref<512x128xf32, #tpu.memory_space<vmem>>, vector<512x128xf32>
    %mul3A = vector.broadcast %rsqrt3A : vector<512x1xf32> to vector<512x128xf32>
    %mul3A_11 = arith.mulf %get3A_10, %mul3A : vector<512x128xf32>
    %slice3A = vector.extract_strided_slice %mul3A_11 {offsets = [0, 0], sizes = [512, 64], strides = [1, 1]} : vector<512x128xf32> to vector<512x64xf32>
    %slice3A_12 = vector.extract_strided_slice %mul3A_11 {offsets = [0, 64], sizes = [512, 64], strides = [1, 1]} : vector<512x128xf32> to vector<512x64xf32>
    %stack3A = vector.shape_cast %slice3A : vector<512x64xf32> to vector<1x512x64xf32>
    %stack3A_13 = vector.shape_cast %slice3A_12 : vector<512x64xf32> to vector<1x512x64xf32>
    %stack3A_14 = tpu.concatenate %stack3A, %stack3A_13 in 0 : vector<1x512x64xf32>, vector<1x512x64xf32> -> vector<2x512x64xf32>
    %swap3A = arith.constant 0 : index
    %swap3A_15 = arith.constant 0 : index
    %swap3A_16 = arith.constant 0 : index
    %swap3A_17 = vector.load %arg4[%swap3A, %swap3A_15, %swap3A_16] : memref<2x512x64xf32, #tpu.memory_space<vmem>>, vector<2x512x64xf32>
    tpu.vector_store %arg4[%swap3A, %swap3A_15, %swap3A_16], %stack3A_14 {strides = array<i32>} : memref<2x512x64xf32, #tpu.memory_space<vmem>>, vector<2x512x64xf32>,
    %swap3A_18 = arith.constant 0 : index
    %swap3A_19 = arith.constant 0 : index
    %swap3A_20 = vector.load %arg5[%swap3A_18, %swap3A_19] : memref<512x1xf32, #tpu.memory_space<vmem>>, vector<512x1xf32>
    tpu.vector_store %arg5[%swap3A_18, %swap3A_19], %rsqrt3A {strides = array<i32>} : memref<512x1xf32, #tpu.memory_space<vmem>>, vector<512x1xf32>,
    return
  }
  func.func @transform_0(%arg0: i32) -> (i32, i32) {
    %c0_i32 = arith.constant 0 : i32
    %c0_i32_0 = arith.constant 0 : i32
    return %arg0, %c0_i32 : i32, i32
  }
  func.func @transform_1(%arg0: i32) -> (i32, i32) {
    %c0_i32 = arith.constant 0 : i32
    %c0_i32_0 = arith.constant 0 : i32
    return %arg0, %c0_i32 : i32, i32
  }
  func.func @transform_2(%arg0: i32) -> (i32, i32) {
    %c0_i32 = arith.constant 0 : i32
    %c0_i32_0 = arith.constant 0 : i32
    return %arg0, %c0_i32 : i32, i32
  }
  func.func @transform_3(%arg0: i32) -> (i32, i32, i32) {
    %c0_i32 = arith.constant 0 : i32
    %c0_i32_0 = arith.constant 0 : i32
    %c0_i32_1 = arith.constant 0 : i32
    return %c0_i32, %arg0, %c0_i32_0 : i32, i32, i32
  }
  func.func @transform_4(%arg0: i32) -> (i32, i32) {
    %c0_i32 = arith.constant 0 : i32
    %c0_i32_0 = arith.constant 0 : i32
    return %arg0, %c0_i32 : i32, i32
  }
}

module attributes {stable_mosaic.version = 14 : i64} {
  func.func @body(%arg0: i32, %arg1: memref<512x64xf32, #tpu.memory_space<vmem>>, %arg2: memref<512x64xf32, #tpu.memory_space<vmem>>, %arg3: memref<512x64xf32, #tpu.memory_space<vmem>>, %arg4: memref<512x64xf32, #tpu.memory_space<vmem>>, %arg5: memref<512x1xf32, #tpu.memory_space<vmem>>, %arg6: memref<1x128xf32, #tpu.memory_space<vmem>>, %arg7: memref<128x128xf32, #tpu.memory_space<vmem>>, %arg8: memref<2x512x64xf32, #tpu.memory_space<vmem>>) attributes {dimension_semantics = [#tpu.dimension_semantics<arbitrary>], iteration_bounds = array<i64: 20>, scalar_prefetch = 0 : i64, scratch_operands = 0 : i64, tpu.core_type = #tpu.core_type<tc>, window_params = [{transform_indices = @transform_0, window_bounds = array<i64: 512, 64>}, {transform_indices = @transform_1, window_bounds = array<i64: 512, 64>}, {transform_indices = @transform_2, window_bounds = array<i64: 512, 64>}, {transform_indices = @transform_3, window_bounds = array<i64: 512, 64>}, {transform_indices = @transform_4, window_bounds = array<i64: 512, 1>}, {pipeline_mode = #tpu.pipeline_mode<synchronous>, transform_indices = @transform_5, window_bounds = array<i64: 1, 128>}, {pipeline_mode = #tpu.pipeline_mode<synchronous>, transform_indices = @transform_6, window_bounds = array<i64: 128, 128>}, {transform_indices = @transform_7, window_bounds = array<i64: 2, 512, 64>}]} {
    %get3A = arith.constant 0 : index
    %get3A_0 = arith.constant 0 : index
    %get3A_1 = vector.load %arg5[%get3A, %get3A_0] : memref<512x1xf32, #tpu.memory_space<vmem>>, vector<512x1xf32>
    %get3A_2 = arith.constant 0 : index
    %get3A_3 = arith.constant 0 : index
    %get3A_4 = vector.load %arg1[%get3A_2, %get3A_3] : memref<512x64xf32, #tpu.memory_space<vmem>>, vector<512x64xf32>
    %get3A_5 = arith.constant 0 : index
    %get3A_6 = arith.constant 0 : index
    %get3A_7 = vector.load %arg3[%get3A_5, %get3A_6] : memref<512x64xf32, #tpu.memory_space<vmem>>, vector<512x64xf32>
    %add3A = arith.addf %get3A_4, %get3A_7 : vector<512x64xf32>
    %get3A_8 = arith.constant 0 : index
    %get3A_9 = arith.constant 0 : index
    %get3A_10 = vector.load %arg2[%get3A_8, %get3A_9] : memref<512x64xf32, #tpu.memory_space<vmem>>, vector<512x64xf32>
    %get3A_11 = arith.constant 0 : index
    %get3A_12 = arith.constant 0 : index
    %get3A_13 = vector.load %arg4[%get3A_11, %get3A_12] : memref<512x64xf32, #tpu.memory_space<vmem>>, vector<512x64xf32>
    %add3A_14 = arith.addf %get3A_10, %get3A_13 : vector<512x64xf32>
    %concatenate3A = tpu.concatenate %add3A, %add3A_14 in 1 : vector<512x64xf32>, vector<512x64xf32> -> vector<512x128xf32>
    %mul3A = vector.broadcast %get3A_1 : vector<512x1xf32> to vector<512x128xf32>
    %mul3A_15 = arith.mulf %mul3A, %concatenate3A : vector<512x128xf32>
    %get3A_16 = arith.constant 0 : index
    %get3A_17 = arith.constant 0 : index
    %get3A_18 = vector.load %arg6[%get3A_16, %get3A_17] : memref<1x128xf32, #tpu.memory_space<vmem>>, vector<1x128xf32>
    %add3A_19 = vector.broadcast %get3A_18 : vector<1x128xf32> to vector<512x128xf32>
    %add3A_20 = arith.addf %mul3A_15, %add3A_19 : vector<512x128xf32>
    %max3A = arith.constant 0.000000e+00 : f32
    %max3A_21 = vector.broadcast %max3A : f32 to vector<512x128xf32>
    %max3A_22 = arith.maximumf %add3A_20, %max3A_21 : vector<512x128xf32>
    %get3A_23 = arith.constant 0 : index
    %get3A_24 = arith.constant 0 : index
    %get3A_25 = vector.load %arg7[%get3A_23, %get3A_24] : memref<128x128xf32, #tpu.memory_space<vmem>>, vector<128x128xf32>
    %dot_general3A = arith.constant dense<0.000000e+00> : vector<512x128xf32>
    %dot_general3A_26 = tpu.matmul %max3A_22, %get3A_25, %dot_general3A {dimension_numbers = #tpu.dot_dimension_numbers<[1], [1], [0], [0], [0, 0, 1, 0], [], []>, transpose_lhs_hint = false} : vector<512x128xf32>, vector<128x128xf32>, vector<512x128xf32> -> vector<512x128xf32>
    %mul3A_27 = vector.broadcast %get3A_1 : vector<512x1xf32> to vector<512x128xf32>
    %mul3A_28 = arith.mulf %dot_general3A_26, %mul3A_27 : vector<512x128xf32>
    %slice3A = vector.extract_strided_slice %mul3A_28 {offsets = [0, 0], sizes = [512, 64], strides = [1, 1]} : vector<512x128xf32> to vector<512x64xf32>
    %slice3A_29 = vector.extract_strided_slice %mul3A_28 {offsets = [0, 64], sizes = [512, 64], strides = [1, 1]} : vector<512x128xf32> to vector<512x64xf32>
    %stack3A = vector.shape_cast %slice3A : vector<512x64xf32> to vector<1x512x64xf32>
    %stack3A_30 = vector.shape_cast %slice3A_29 : vector<512x64xf32> to vector<1x512x64xf32>
    %stack3A_31 = tpu.concatenate %stack3A, %stack3A_30 in 0 : vector<1x512x64xf32>, vector<1x512x64xf32> -> vector<2x512x64xf32>
    %swap3A = arith.constant 0 : index
    %swap3A_32 = arith.constant 0 : index
    %swap3A_33 = arith.constant 0 : index
    %swap3A_34 = vector.load %arg8[%swap3A, %swap3A_32, %swap3A_33] : memref<2x512x64xf32, #tpu.memory_space<vmem>>, vector<2x512x64xf32>
    tpu.vector_store %arg8[%swap3A, %swap3A_32, %swap3A_33], %stack3A_31 {strides = array<i32>} : memref<2x512x64xf32, #tpu.memory_space<vmem>>, vector<2x512x64xf32>,
    return
  }
  func.func @transform_0(%arg0: i32) -> (i32, i32) {
    %c0_i32 = arith.constant 0 : i32
    %c0_i32_0 = arith.constant 0 : i32
    return %arg0, %c0_i32 : i32, i32
  }
  func.func @transform_1(%arg0: i32) -> (i32, i32) {
    %c0_i32 = arith.constant 0 : i32
    %c0_i32_0 = arith.constant 0 : i32
    return %arg0, %c0_i32 : i32, i32
  }
  func.func @transform_2(%arg0: i32) -> (i32, i32) {
    %c0_i32 = arith.constant 0 : i32
    %c0_i32_0 = arith.constant 0 : i32
    return %arg0, %c0_i32 : i32, i32
  }
  func.func @transform_3(%arg0: i32) -> (i32, i32) {
    %c0_i32 = arith.constant 0 : i32
    %c0_i32_0 = arith.constant 0 : i32
    return %arg0, %c0_i32 : i32, i32
  }
  func.func @transform_4(%arg0: i32) -> (i32, i32) {
    %c0_i32 = arith.constant 0 : i32
    %c0_i32_0 = arith.constant 0 : i32
    return %arg0, %c0_i32 : i32, i32
  }
  func.func @transform_5(%arg0: i32) -> (i32, i32) {
    %c0_i32 = arith.constant 0 : i32
    %c0_i32_0 = arith.constant 0 : i32
    %c0_i32_1 = arith.constant 0 : i32
    return %c0_i32, %c0_i32_0 : i32, i32
  }
  func.func @transform_6(%arg0: i32) -> (i32, i32) {
    %c0_i32 = arith.constant 0 : i32
    %c0_i32_0 = arith.constant 0 : i32
    %c0_i32_1 = arith.constant 0 : i32
    return %c0_i32, %c0_i32_0 : i32, i32
  }
  func.func @transform_7(%arg0: i32) -> (i32, i32, i32) {
    %c0_i32 = arith.constant 0 : i32
    %c0_i32_0 = arith.constant 0 : i32
    %c0_i32_1 = arith.constant 0 : i32
    return %c0_i32, %arg0, %c0_i32_0 : i32, i32, i32
  }
}

module attributes {stable_mosaic.version = 14 : i64} {
  func.func @body(%arg0: i32, %arg1: memref<512x64xf32, #tpu.memory_space<vmem>>, %arg2: memref<512x64xf32, #tpu.memory_space<vmem>>, %arg3: memref<512x64xf32, #tpu.memory_space<vmem>>, %arg4: memref<512x64xf32, #tpu.memory_space<vmem>>, %arg5: memref<512x1xf32, #tpu.memory_space<vmem>>, %arg6: memref<1x128xf32, #tpu.memory_space<vmem>>, %arg7: memref<16x128xf32, #tpu.memory_space<vmem>>, %arg8: memref<512x16xf32, #tpu.memory_space<vmem>>) attributes {dimension_semantics = [#tpu.dimension_semantics<arbitrary>], iteration_bounds = array<i64: 20>, scalar_prefetch = 0 : i64, scratch_operands = 0 : i64, tpu.core_type = #tpu.core_type<tc>, window_params = [{transform_indices = @transform_0, window_bounds = array<i64: 512, 64>}, {transform_indices = @transform_1, window_bounds = array<i64: 512, 64>}, {transform_indices = @transform_2, window_bounds = array<i64: 512, 64>}, {transform_indices = @transform_3, window_bounds = array<i64: 512, 64>}, {transform_indices = @transform_4, window_bounds = array<i64: 512, 1>}, {pipeline_mode = #tpu.pipeline_mode<synchronous>, transform_indices = @transform_5, window_bounds = array<i64: 1, 128>}, {pipeline_mode = #tpu.pipeline_mode<synchronous>, transform_indices = @transform_6, window_bounds = array<i64: 16, 128>}, {transform_indices = @transform_7, window_bounds = array<i64: 512, 16>}]} {
    %get3A = arith.constant 0 : index
    %get3A_0 = arith.constant 0 : index
    %get3A_1 = vector.load %arg5[%get3A, %get3A_0] : memref<512x1xf32, #tpu.memory_space<vmem>>, vector<512x1xf32>
    %get3A_2 = arith.constant 0 : index
    %get3A_3 = arith.constant 0 : index
    %get3A_4 = vector.load %arg1[%get3A_2, %get3A_3] : memref<512x64xf32, #tpu.memory_space<vmem>>, vector<512x64xf32>
    %get3A_5 = arith.constant 0 : index
    %get3A_6 = arith.constant 0 : index
    %get3A_7 = vector.load %arg3[%get3A_5, %get3A_6] : memref<512x64xf32, #tpu.memory_space<vmem>>, vector<512x64xf32>
    %add3A = arith.addf %get3A_4, %get3A_7 : vector<512x64xf32>
    %get3A_8 = arith.constant 0 : index
    %get3A_9 = arith.constant 0 : index
    %get3A_10 = vector.load %arg2[%get3A_8, %get3A_9] : memref<512x64xf32, #tpu.memory_space<vmem>>, vector<512x64xf32>
    %get3A_11 = arith.constant 0 : index
    %get3A_12 = arith.constant 0 : index
    %get3A_13 = vector.load %arg4[%get3A_11, %get3A_12] : memref<512x64xf32, #tpu.memory_space<vmem>>, vector<512x64xf32>
    %add3A_14 = arith.addf %get3A_10, %get3A_13 : vector<512x64xf32>
    %concatenate3A = tpu.concatenate %add3A, %add3A_14 in 1 : vector<512x64xf32>, vector<512x64xf32> -> vector<512x128xf32>
    %mul3A = vector.broadcast %get3A_1 : vector<512x1xf32> to vector<512x128xf32>
    %mul3A_15 = arith.mulf %mul3A, %concatenate3A : vector<512x128xf32>
    %get3A_16 = arith.constant 0 : index
    %get3A_17 = arith.constant 0 : index
    %get3A_18 = vector.load %arg6[%get3A_16, %get3A_17] : memref<1x128xf32, #tpu.memory_space<vmem>>, vector<1x128xf32>
    %add3A_19 = vector.broadcast %get3A_18 : vector<1x128xf32> to vector<512x128xf32>
    %add3A_20 = arith.addf %mul3A_15, %add3A_19 : vector<512x128xf32>
    %max3A = arith.constant 0.000000e+00 : f32
    %max3A_21 = vector.broadcast %max3A : f32 to vector<512x128xf32>
    %max3A_22 = arith.maximumf %add3A_20, %max3A_21 : vector<512x128xf32>
    %get3A_23 = arith.constant 0 : index
    %get3A_24 = arith.constant 0 : index
    %get3A_25 = vector.load %arg7[%get3A_23, %get3A_24] : memref<16x128xf32, #tpu.memory_space<vmem>>, vector<16x128xf32>
    %dot_general3A = arith.constant dense<0.000000e+00> : vector<512x16xf32>
    %dot_general3A_26 = tpu.matmul %max3A_22, %get3A_25, %dot_general3A {dimension_numbers = #tpu.dot_dimension_numbers<[1], [1], [0], [0], [0, 0, 1, 0], [], []>, transpose_lhs_hint = false} : vector<512x128xf32>, vector<16x128xf32>, vector<512x16xf32> -> vector<512x16xf32>
    %mul3A_27 = vector.broadcast %get3A_1 : vector<512x1xf32> to vector<512x16xf32>
    %mul3A_28 = arith.mulf %dot_general3A_26, %mul3A_27 : vector<512x16xf32>
    %swap3A = arith.constant 0 : index
    %swap3A_29 = arith.constant 0 : index
    %swap3A_30 = vector.load %arg8[%swap3A, %swap3A_29] : memref<512x16xf32, #tpu.memory_space<vmem>>, vector<512x16xf32>
    tpu.vector_store %arg8[%swap3A, %swap3A_29], %mul3A_28 {strides = array<i32>} : memref<512x16xf32, #tpu.memory_space<vmem>>, vector<512x16xf32>,
    return
  }
  func.func @transform_0(%arg0: i32) -> (i32, i32) {
    %c0_i32 = arith.constant 0 : i32
    %c0_i32_0 = arith.constant 0 : i32
    return %arg0, %c0_i32 : i32, i32
  }
  func.func @transform_1(%arg0: i32) -> (i32, i32) {
    %c0_i32 = arith.constant 0 : i32
    %c0_i32_0 = arith.constant 0 : i32
    return %arg0, %c0_i32 : i32, i32
  }
  func.func @transform_2(%arg0: i32) -> (i32, i32) {
    %c0_i32 = arith.constant 0 : i32
    %c0_i32_0 = arith.constant 0 : i32
    return %arg0, %c0_i32 : i32, i32
  }
  func.func @transform_3(%arg0: i32) -> (i32, i32) {
    %c0_i32 = arith.constant 0 : i32
    %c0_i32_0 = arith.constant 0 : i32
    return %arg0, %c0_i32 : i32, i32
  }
  func.func @transform_4(%arg0: i32) -> (i32, i32) {
    %c0_i32 = arith.constant 0 : i32
    %c0_i32_0 = arith.constant 0 : i32
    return %arg0, %c0_i32 : i32, i32
  }
  func.func @transform_5(%arg0: i32) -> (i32, i32) {
    %c0_i32 = arith.constant 0 : i32
    %c0_i32_0 = arith.constant 0 : i32
    %c0_i32_1 = arith.constant 0 : i32
    return %c0_i32, %c0_i32_0 : i32, i32
  }
  func.func @transform_6(%arg0: i32) -> (i32, i32) {
    %c0_i32 = arith.constant 0 : i32
    %c0_i32_0 = arith.constant 0 : i32
    %c0_i32_1 = arith.constant 0 : i32
    return %c0_i32, %c0_i32_0 : i32, i32
  }
  func.func @transform_7(%arg0: i32) -> (i32, i32) {
    %c0_i32 = arith.constant 0 : i32
    %c0_i32_0 = arith.constant 0 : i32
    return %arg0, %c0_i32 : i32, i32
  }
}

module attributes {stable_mosaic.version = 14 : i64} {
  func.func @body(%arg0: i32, %arg1: memref<512x16xf32, #tpu.memory_space<vmem>>, %arg2: memref<512x16xf32, #tpu.memory_space<vmem>>, %arg3: memref<512x16xf32, #tpu.memory_space<vmem>>, %arg4: memref<512x1xf32, #tpu.memory_space<vmem>>, %arg5: memref<1x16xf32, #tpu.memory_space<vmem>>, %arg6: memref<512x16xf32, #tpu.memory_space<vmem>>) attributes {dimension_semantics = [#tpu.dimension_semantics<arbitrary>], iteration_bounds = array<i64: 20>, scalar_prefetch = 0 : i64, scratch_operands = 0 : i64, tpu.core_type = #tpu.core_type<tc>, window_params = [{transform_indices = @transform_0, window_bounds = array<i64: 512, 16>}, {transform_indices = @transform_1, window_bounds = array<i64: 512, 16>}, {transform_indices = @transform_2, window_bounds = array<i64: 512, 16>}, {transform_indices = @transform_3, window_bounds = array<i64: 512, 1>}, {pipeline_mode = #tpu.pipeline_mode<synchronous>, transform_indices = @transform_4, window_bounds = array<i64: 1, 16>}, {transform_indices = @transform_5, window_bounds = array<i64: 512, 16>}]} {
    %get3A = arith.constant 0 : index
    %get3A_0 = arith.constant 0 : index
    %get3A_1 = vector.load %arg4[%get3A, %get3A_0] : memref<512x1xf32, #tpu.memory_space<vmem>>, vector<512x1xf32>
    %get3A_2 = arith.constant 0 : index
    %get3A_3 = arith.constant 0 : index
    %get3A_4 = vector.load %arg1[%get3A_2, %get3A_3] : memref<512x16xf32, #tpu.memory_space<vmem>>, vector<512x16xf32>
    %get3A_5 = arith.constant 0 : index
    %get3A_6 = arith.constant 0 : index
    %get3A_7 = vector.load %arg2[%get3A_5, %get3A_6] : memref<512x16xf32, #tpu.memory_space<vmem>>, vector<512x16xf32>
    %add3A = arith.addf %get3A_4, %get3A_7 : vector<512x16xf32>
    %get3A_8 = arith.constant 0 : index
    %get3A_9 = arith.constant 0 : index
    %get3A_10 = vector.load %arg3[%get3A_8, %get3A_9] : memref<512x16xf32, #tpu.memory_space<vmem>>, vector<512x16xf32>
    %add3A_11 = arith.addf %add3A, %get3A_10 : vector<512x16xf32>
    %mul3A = vector.broadcast %get3A_1 : vector<512x1xf32> to vector<512x16xf32>
    %mul3A_12 = arith.mulf %mul3A, %add3A_11 : vector<512x16xf32>
    %get3A_13 = arith.constant 0 : index
    %get3A_14 = arith.constant 0 : index
    %get3A_15 = vector.load %arg5[%get3A_13, %get3A_14] : memref<1x16xf32, #tpu.memory_space<vmem>>, vector<1x16xf32>
    %add3A_16 = vector.broadcast %get3A_15 : vector<1x16xf32> to vector<512x16xf32>
    %add3A_17 = arith.addf %mul3A_12, %add3A_16 : vector<512x16xf32>
    %swap3A = arith.constant 0 : index
    %swap3A_18 = arith.constant 0 : index
    %swap3A_19 = vector.load %arg6[%swap3A, %swap3A_18] : memref<512x16xf32, #tpu.memory_space<vmem>>, vector<512x16xf32>
    tpu.vector_store %arg6[%swap3A, %swap3A_18], %add3A_17 {strides = array<i32>} : memref<512x16xf32, #tpu.memory_space<vmem>>, vector<512x16xf32>,
    return
  }
  func.func @transform_0(%arg0: i32) -> (i32, i32) {
    %c0_i32 = arith.constant 0 : i32
    %c0_i32_0 = arith.constant 0 : i32
    return %arg0, %c0_i32 : i32, i32
  }
  func.func @transform_1(%arg0: i32) -> (i32, i32) {
    %c0_i32 = arith.constant 0 : i32
    %c0_i32_0 = arith.constant 0 : i32
    return %arg0, %c0_i32 : i32, i32
  }
  func.func @transform_2(%arg0: i32) -> (i32, i32) {
    %c0_i32 = arith.constant 0 : i32
    %c0_i32_0 = arith.constant 0 : i32
    return %arg0, %c0_i32 : i32, i32
  }
  func.func @transform_3(%arg0: i32) -> (i32, i32) {
    %c0_i32 = arith.constant 0 : i32
    %c0_i32_0 = arith.constant 0 : i32
    return %arg0, %c0_i32 : i32, i32
  }
  func.func @transform_4(%arg0: i32) -> (i32, i32) {
    %c0_i32 = arith.constant 0 : i32
    %c0_i32_0 = arith.constant 0 : i32
    %c0_i32_1 = arith.constant 0 : i32
    return %c0_i32, %c0_i32_0 : i32, i32
  }
  func.func @transform_5(%arg0: i32) -> (i32, i32) {
    %c0_i32 = arith.constant 0 : i32
    %c0_i32_0 = arith.constant 0 : i32
    return %arg0, %c0_i32 : i32, i32
  }
}

</mosaic_0001>

<sc_bundles>
// kernel: kernel.11.cloned.1.call-start
scs
__scs_entry_jumppad:
0x0: {  	(pc) =	sbr.rel $0x88, $3  }
0x1: {  	(tag) =	ssettag $0x0;
	lr =	simm.s32 $0x1  }
0x2: {  	[smem:$0x3F99] =	sst lr;
	_ =	strace $0xD0000000  }
0x3: {  	_ = 	snop  }
0x4: {  	_ = 	snop  }
0x5: {  	_ = 	snop  }
0x6: {  	_ = 	snop  }
0x7: {  	_ = 	snop  }
__scs_overlays_trampoline_lowered:
0x8: {  	[smem:$0x3FA8] =	sst s0  }
0x9: {  	[smem:$0x3FA9] =	sst s1  }
0xa: {  	[smem:$0x3FAA] =	sst s2  }
0xb: {  	[smem:$0x3FAB] =	sst s3  }
0xc: {  	[smem:$0x3FAC] =	sst s4  }
0xd: {  	[smem:$0x3FAD] =	sst s5  }
0xe: {  	[smem:$0x3FAE] =	sst s6  }
0xf: {  	[smem:$0x3FAF] =	sst s7  }
0x10: {  	[smem:$0x3FB0] =	sst s8  }
0x11: {  	[smem:$0x3FB1] =	sst s9;
	s0 =	simm.s32 @!p0 $0x0  }
0x12: {  	s1 =	sld [smem:$0x3F97];
	s0 =	simm.s32 @p0 $0x1  }
0x13: {  	[smem:$0x3FB2] =	sst s0;
	s0 =	simm.s32 @!p1 $0x0  }
0x14: {  	s2 =	sld [smem:$0x3F96];
	s0 =	simm.s32 @p1 $0x1  }
0x15: {  	[smem:$0x3FB3] =	sst s0;
	s0 =	simm.s32 @!p2 $0x0  }
0x16: {  	s3 =	sld [smem:$0x3FDB];
	s0 =	simm.s32 @p2 $0x1  }
0x17: {  	s4 =	simm.s32 $0x1BF5;
	[smem:$0x3FB5] =	sst s0  }
0x18: {  	s0 =	sld [smem:$0x3F98];
	_ =	swait.ge [sflag:s4], $0x0  }
0x19: {  	s7 =	sld [smem:$0x3F99]  }
0x1a: {  	s8 =	sadd.s32 $0xFFFFE003, lr  }
0x1b: {  	s9 =	sadd.s32 $0xFFFFFEF7, lr;
	s5 =	simm.s32 $0xFFFFFFFF;
	p2 =	slt.u32 s8, $0xFFFFF086  }
0x1c: {  	p1 =	slt.u32 s9, $0xF7A;
	s5 =	simm.s32 @!p2 $0x0  }
0x1d: {  	s5 =	simm.s32 @p1 $0x1;
	p0 =	seq.s32 s7, s2  }
0x1e: {  	s7 =	smul.u32 @!p0 $0xF7A, s2;
	p2 =	seq.s32 @!p0 s5, $0x0  }
0x1f: {  	s9 =	smul.u32 $0xF7A, s1;
	s8 =	simm.s32 @!p0 $0x1BF5;
	p2 =	por !p2, p0  }
0x20: {  	[sflag:s8] =	ssyncset.s32 @!p0 $0xFFFFF086;
	s6 =	sadd.s32 @!p0 s3, s7;
	s7 =	simm.s32 @!p0 $0x108  }
0x21: {  	s3 =	sadd.s32 s3, s9;
	s6 =	sadd.s32 @!p0 $0x88, s6;
	s7 =	simm.s32 @p2 $0x1082  }
0x22: {  	[simem:s7], [sflag:s8] =	dma.local @!p0 [hbm:s6], $0xF7A  }
0x23: {  	s9 =	sor.u32 $0xD0000000, s2;
	s6 =	simm.s32 $0x108;
	_ =	swait.ge @!p0 [sflag:s8], $0x0  }
0x24: {  	s3 =	sadd.s32 $0x88, s3;
	s6 =	simm.s32 @!p1 $0x1082;
	[sflag:s4] =	ssyncset.s32 $0xFFFFF086  }
0x25: {  	[simem:s6], [sflag:s4] =	dma.local [hbm:s3], $0xF7A  }
0x26: {  	[smem:$0x3F99] =	sst s1;
	(tag) =	ssettag s2;
	_ =	strace s9  }
0x27: {  	s1 =	sld [smem:$0x3FA9]  }
0x28: {  	s2 =	sld [smem:$0x3FAA]  }
0x29: {  	s4 =	sld [smem:$0x3FAC]  }
0x2a: {  	p0 =	seq.s32 s5, $0x0;
	s5 =	sld [smem:$0x3FAD]  }
0x2b: {  	s6 =	sld [smem:$0x3FAE]  }
0x2c: {  	s7 =	sld [smem:$0x3FAF]  }
0x2d: {  	s3 =	simm.s32 $0x108;
	s8 =	sld [smem:$0x3FB0]  }
0x2e: {  	s3 =	simm.s32 @!p0 $0x1082;
	s9 =	sld [smem:$0x3FB1]  }
0x2f: {  	lr =	sadd.s32 s0, s3;
	s0 =	sld [smem:$0x3FA8]  }
0x30: {  	s3 =	sld [smem:$0x3FAB]  }
0x31: {  	[smem:$0x3FB4] =	sst s10  }
0x32: {  	s10 =	sld [smem:$0x3FB2];
	_ =	sdelay $0x3  }
0x33: {  	p0 =	seq.s32 s10, $0x1;
	s10 =	sld [smem:$0x3FB4];
	_ =	sdelay $0x3  }
0x34: {  	[smem:$0x3FB4] =	sst s10  }
0x35: {  	s10 =	sld [smem:$0x3FB3];
	_ =	sdelay $0x3  }
0x36: {  	p1 =	seq.s32 s10, $0x1;
	s10 =	sld [smem:$0x3FB4];
	_ =	sdelay $0x3  }
0x37: {  	[smem:$0x3FB4] =	sst s10  }
0x38: {  	s10 =	sld [smem:$0x3FB5]  }
0x39: {  	_ = 	snop;
	(pc) =	sbr.ind lr, $3  }
0x3a: {  	_ = 	snop  }
0x3b: {  	_ = 	snop  }
0x3c: {  	p2 =	seq.s32 s10, $0x1;
	s10 =	sld [smem:$0x3FB4]  }
0x3d: {  	_ =	shalt  }
0x3e: {  	_ =	shalt  }
0x3f: {  	_ =	shalt  }
0x40: {  	_ =	shalt  }
0x41: {  	_ =	shalt  }
0x42: {  	_ =	shalt  }
0x43: {  	_ =	shalt  }
0x44: {  	_ =	shalt  }
0x45: {  	_ =	shalt  }
0x46: {  	_ =	shalt  }
0x47: {  	_ =	shalt  }
0x48: {  	_ =	shalt  }
0x49: {  	_ =	shalt  }
0x4a: {  	_ =	shalt  }
0x4b: {  	_ =	shalt  }
0x4c: {  	_ =	shalt  }
0x4d: {  	_ =	shalt  }
0x4e: {  	_ =	shalt  }
0x4f: {  	_ =	shalt  }
0x50: {  	_ =	shalt  }
0x51: {  	_ =	shalt  }
0x52: {  	_ =	shalt  }
0x53: {  	_ =	shalt  }
0x54: {  	_ =	shalt  }
0x55: {  	_ =	shalt  }
0x56: {  	_ =	shalt  }
0x57: {  	_ =	shalt  }
0x58: {  	_ =	shalt  }
0x59: {  	_ =	shalt  }
0x5a: {  	_ =	shalt  }
0x5b: {  	_ =	shalt  }
0x5c: {  	_ =	shalt  }
0x5d: {  	_ =	shalt  }
0x5e: {  	_ =	shalt  }
0x5f: {  	_ =	shalt  }
0x60: {  	_ =	shalt  }
0x61: {  	_ =	shalt  }
0x62: {  	_ =	shalt  }
0x63: {  	_ =	shalt  }
0x64: {  	_ =	shalt  }
0x65: {  	_ =	shalt  }
0x66: {  	_ =	shalt  }
0x67: {  	_ =	shalt  }
0x68: {  	_ =	shalt  }
0x69: {  	_ =	shalt  }
0x6a: {  	_ =	shalt  }
0x6b: {  	_ =	shalt  }
0x6c: {  	_ =	shalt  }
0x6d: {  	_ =	shalt  }
0x6e: {  	_ =	shalt  }
0x6f: {  	_ =	shalt  }
0x70: {  	_ =	shalt  }
0x71: {  	_ =	shalt  }
0x72: {  	_ =	shalt  }
0x73: {  	_ =	shalt  }
0x74: {  	_ =	shalt  }
0x75: {  	_ =	shalt  }
0x76: {  	_ =	shalt  }
0x77: {  	_ =	shalt  }
0x78: {  	_ =	shalt  }
0x79: {  	_ =	shalt  }
0x7a: {  	_ =	shalt  }
0x7b: {  	_ =	shalt  }
0x7c: {  	_ =	shalt  }
0x7d: {  	_ =	shalt  }
0x7e: {  	_ =	shalt  }
0x7f: {  	_ =	shalt  }
0x80: {  	_ =	shalt  }
0x81: {  	_ =	shalt  }
0x82: {  	_ =	shalt  }
0x83: {  	_ =	shalt  }
0x84: {  	_ =	shalt  }
0x85: {  	_ =	shalt  }
0x86: {  	_ =	shalt  }
0x87: {  	_ =	shalt  }
.Lfunc_end0:
.L_simem_size_0:
called_computation_lowered:
.L_overlay_start_0:
0x88: {  	s2 =	sld [smem:$0x3FD9]  }
0x89: {  	s3 =	sld [smem:$0x3FFE];
	_ =	sdelay $0x1  }
0x8a: {  	s1 =	srdreg.scid  }
0x8b: {  	s0 =	sand.u32 $0x1, s1  }
0x8c: {  	s17 =	sshll.u32 s0, $0xA;
	s2 =	sadd.s32 s3, s2  }
0x8d: {  	s2 =	sadd.s32 s2, s17  }
0x8e: {  	[smem:$0x3FC0] =	sst s2  }
0x8f: {  	_ = 	snop  }
0x90: {  	s2 =	sld [smem:$0x3FD0];
	(tm) =	ssettm $0x1  }
0x91: {  	s18 =	sld [smem:$0x3FFB];
	_ =	sdelay $0x3  }
0x92: {  	_ =	strace s18  }
0x93: {  	s3 =	sld [smem:$0x3FFC];
	_ =	sdelay $0x3  }
0x94: {  	_ =	strace s3  }
0x95: {  	s3 =	sld [smem:$0x3FFD];
	_ =	sdelay $0x3  }
0x96: {  	_ =	strace s3  }
0x97: {  	_ =	strace $0x8FFFFFFF  }
0x98: {  	s19 =	sld [smem:$0x3FDB];
	_ =	sdelay $0x1  }
0x99: {  	s4 =	simm.s32 $_scs_section_size  }
0x9a: {  	s5 =	simm.s32 $_size__tile_overlayer_lowered;
	s6 =	simm.s32 $_tile_overlayer_lowered  }
0x9b: {  	s22 =	simm.s32 $0x1BFF;
	s21 =	sshll.u32 s6, $0x1;
	s3 =	sadd.s32 s4, s19  }
0x9c: {  	s7 =	simm.s32 $0x0;
	s20 =	sshll.u32 s5, $0x1;
	s5 =	sadd.s32 s21, s3  }
0x9d: {  	[timem:s7], [sflag:s22] =	dma.local [hbm:s5], s20  }
0x9e: {  	_ =	swait.ge [sflag:s22], s20  }
0x9f: {  	s4 =	ssub.s32 $0x0, s20;
	[sflag:s22] =	ssyncset.done $0x0  }
0xa0: {  	[sflag:s22] =	ssyncadd.s32 s4;
	_ =	sdelay $0x1  }
0xa1: {  	s23 =	simm.s32 $0x1B8B  }
0xa2: {  	_ =	swait.ge [sflag:s23], $0x1  }
0xa3: {  	[sflag:s23] =	ssyncset.done $0x0  }
0xa4: {  	s25 =	simm.s32 $0x1B8E;
	s24 =	sld [smem:$0x3FFE];
	[sflag:s23] =	ssyncadd.s32 $0xFFFFFFFF  }
0xa5: {  	s26 =	simm.s32 $execute0_lowered;
	[smem:$0x3FD2] =	sst s25  }
0xa6: {  	s5 =	sshll.u32 s26, $0x1;
	_ =	strace $0x80000046;
	[dreg:$0x1] =	wrdreg $0xFFFFFFFF  }
0xa7: {  	s28 =	simm.s32 $_size_execute0_lowered;
	s3 =	sadd.s32 s3, s5;
	[dreg:$0x0] =	wrdreg $0x0  }
0xa8: {  	s5 =	sshll.u32 s28, $0x1;
	[dreg:$0x2] =	wrdreg s3  }
0xa9: {  	[dreg:$0x3] =	wrdreg s5  }
0xaa: {  	[dreg:$0x4] =	wrdreg $0xC0  }
0xab: {  	_ =	task [dreg:s7], $0x5FFFF  }
0xac: {  	[dreg:$0x1] =	wrdreg $0xFFFFFFFF  }
0xad: {  	[dreg:$0x0] =	wrdreg $0x60  }
0xae: {  	[dreg:$0x2] =	wrdreg s24  }
0xaf: {  	[dreg:$0x3] =	wrdreg s2  }
0xb0: {  	[dreg:$0x4] =	wrdreg $0x30000  }
0xb1: {  	[dreg:$0x5] =	wrdreg $0x9  }
0xb2: {  	_ =	task.clear_ibuf [dreg:s7], $0x6FFFF;
	_ =	strace $0x90000046  }
0xb3: {  	s29 =	simm.s32 $0x9;
	_ =	strace $0x80000048  }
0xb4: {  	_ =	swait.ge [sflag:s29], $0x1  }
0xb5: {  	[sflag:s29] =	ssyncadd.s32 $0xFFFFFFFF  }
0xb6: {  	_ =	strace $0x90000048  }
0xb7: {  	_ =	sfence  }
0xb8: {  	s30 =	sld [smem:$0x0];
	_ =	sdelay $0x2  }
0xb9: {  	s31 =	sshll.u32 s1, $0xD;
	s1 =	sshrl.u32 s1, $0x2  }
0xba: {  	s3 =	sand.u32 $0x4000, s31;
	s1 =	sadd.s32 s1, s30  }
0xbb: {  	s0 =	sor.u32 s3, s0;
	s1 =	sshll.u32 s1, $0x11  }
0xbc: {  	s0 =	sor.u32 s1, s0  }
0xbd: {  	s0 =	sadd.s32 $0x8F2B, s0  }
0xbe: {  	[sflag:s0] =	ssyncadd.remote.s32 $0x1  }
0xbf: {  	_ =	sfence.sel $0xFFFF  }
0xc0: {  	[dreg:$0x0] =	wrdreg $0xFFFFFFFF;
	(pc) =	sbr.abs _section_cstart, $3  }
0xc1: {  	[dreg:$0x1] =	wrdreg $0xFFFFFFFF  }
0xc2: {  	_ =	task.clear_ibuf [dreg:s7], $0x2FFFF;
	_ =	strace $0x9FFFFFFF  }
0xc3: {  	(tm) =	ssettm $0x7FFFFFFF  }
tec
execute0_lowered:
.L_overlay_start_1:
0x0: {  	(tag) =	ssettag $0x1  }
0x1: {  	s1 =	srdreg.scid;
	s5 =	rddreg [dreg:$0x0]  }
0x2: {  	s0 =	stileid.u32;
	s2 =	rddreg [dreg:$0x1]  }
0x3: {  	s3 =	rddreg [dreg:$0x2];
	s4 =	simm.s32 $0x0;
	s13 =	simm.s32 $0x80  }
0x4: {  	s14 =	simm.s32 $0x1;
	s15 =	simm.s32 $0x0;
	s6 =	sand.u32 $0x1, s1  }
0x5: {  	s30 =	sshll.u32 s0, $0x1;
	s8 =	smul.u32 $0x2800, s0;
	[smem:$0x7FF] =	sst s4  }
0x6: {  	s31 =	sshll.u32 s0, $0x6;
	s1 =	sor.u32 s6, s30;
	s9 =	smul.u32 $0x28000, s6  }
0x7: {  	s6 =	ssub.s32 $0x2, s6;
	s7 =	smul.u32 $0x500, s1;
	s1 =	rddreg [dreg:$0x3]  }
0x8: {  	_ =	strace $0x80000047;
	s10 =	sshrl.u32 s8, $0x3;
	s11 =	sshrl.u32 s6, $0x1  }
0x9: {  	s12 =	sadd.s32 s8, s3;
	s9 =	sadd.s32 s8, s9;
	s10 =	sadd.s32 s10, s5  }
0xa: {  	s11 =	ssub.s32 s6, s11;
	s6 =	sor.u32 $0x1C02, s31;
	s9 =	sshrl.u32 s9, $0x3  }
0xb: {  	s7 =	sadd.s32 s7, s5;
	s9 =	sadd.s32 s9, s5;
	s5 =	sadd.s32 $0x18400, s10  }
0xc: {  	s7 =	sadd.s32 $0x4400, s7;
	s10 =	sshrl.u32 s12, $0x3;
	s12 =	simm.s32 $0x2800  }
0xd: {  	s8 =	sadd.s32 $0x1D400, s9;
	s9 =	smax.u32 s11, $0x1;
	s11 =	simm.s32 $0x2  }
.LBB2_1:
0xe: {  	[spmem:s10], [sflag:s6] =	dma.local [hbm:s5], $0x500  }
0xf: {  	_ =	swait.ge [sflag:s11], $0x500  }
0x10: {  	[sflag:s11] =	ssyncset.done $0x0  }
0x11: {  	[sflag:s11] =	ssyncadd.s32 $0xFFFFFB00  }
0x12: {  	[tilespmem:s12], [sflag:$0x2] =	stream.linear.gather [hbm4b:s2+s4], $0x800, $0x38;
	[tilespmem:$0x5800] =	vst v63  }
0x13: {  	_ =	swait.ge [sflag:s11], $0x800  }
0x14: {  	[sflag:s11] =	ssyncset.done $0x0  }
0x15: {  	[sflag:s11] =	ssyncadd.s32 $0xFFFFF800  }
0x16: {  	[tilespmem:s4], [sflag:$0x2] =	stream.linear.gather [hbm4b:s7+s4], $0x2800, $0x38;
	[tilespmem:$0x5800] =	vst v63  }
0x17: {  	_ =	swait.ge [sflag:s11], $0x2800  }
0x18: {  	[sflag:s11] =	ssyncset.done $0x0  }
0x19: {  	[sflag:s11] =	ssyncadd.s32 $0xFFFFD800  }
0x1a: {  	s16 =	simm.s32 $0x0;
	[bflag:$0x0] =	sbarrier.arrive $0xFFFF  }
0x1b: {  	[spmem:s3] =	stream.indirect.scatter.add.f32 [tilespmem:s12], [sflag:$0x1], $0x10, s16, s13, $0xb8;
	[tilespmem:$0x5800] =	vst v63  }
0x1c: {  	s24 =	simm.s32 $0x80  }
0x1d: {  	[spmem:s3] =	stream.indirect.scatter.add.f32 [tilespmem:s12], [sflag:$0x1], $0x10, s24, s13, $0xb8;
	[tilespmem:$0x5800] =	vst v63  }
0x1e: {  	s25 =	simm.s32 $0x100  }
0x1f: {  	[spmem:s3] =	stream.indirect.scatter.add.f32 [tilespmem:s12], [sflag:$0x1], $0x10, s25, s13, $0xb8;
	[tilespmem:$0x5800] =	vst v63  }
0x20: {  	s26 =	simm.s32 $0x180  }
0x21: {  	[spmem:s3] =	stream.indirect.scatter.add.f32 [tilespmem:s12], [sflag:$0x1], $0x10, s26, s13, $0xb8;
	[tilespmem:$0x5800] =	vst v63  }
0x22: {  	s28 =	simm.s32 $0x200  }
0x23: {  	[spmem:s3] =	stream.indirect.scatter.add.f32 [tilespmem:s12], [sflag:$0x1], $0x10, s28, s13, $0xb8;
	[tilespmem:$0x5800] =	vst v63  }
0x24: {  	s29 =	simm.s32 $0x280  }
0x25: {  	[spmem:s3] =	stream.indirect.scatter.add.f32 [tilespmem:s12], [sflag:$0x1], $0x10, s29, s13, $0xb8;
	[tilespmem:$0x5800] =	vst v63  }
0x26: {  	s30 =	simm.s32 $0x300  }
0x27: {  	[spmem:s3] =	stream.indirect.scatter.add.f32 [tilespmem:s12], [sflag:$0x1], $0x10, s30, s13, $0xb8;
	[tilespmem:$0x5800] =	vst v63  }
0x28: {  	s31 =	simm.s32 $0x380  }
0x29: {  	[spmem:s3] =	stream.indirect.scatter.add.f32 [tilespmem:s12], [sflag:$0x1], $0x10, s31, s13, $0xb8;
	[tilespmem:$0x5800] =	vst v63  }
0x2a: {  	_ =	swait.ge [sflag:s14], $0x800  }
0x2b: {  	[sflag:s14] =	ssyncset.done $0x0  }
0x2c: {  	[sflag:s14] =	ssyncadd.s32 $0xFFFFF800  }
0x2d: {  	_ =	swait.ge [sflag:s14], $0x800  }
0x2e: {  	[sflag:s14] =	ssyncset.done $0x0  }
0x2f: {  	[sflag:s14] =	ssyncadd.s32 $0xFFFFF800  }
0x30: {  	_ =	swait.ge [sflag:s14], $0x800  }
0x31: {  	[sflag:s14] =	ssyncset.done $0x0  }
0x32: {  	[sflag:s14] =	ssyncadd.s32 $0xFFFFF800  }
0x33: {  	_ =	swait.ge [sflag:s14], $0x800  }
0x34: {  	[sflag:s14] =	ssyncset.done $0x0  }
0x35: {  	[sflag:s14] =	ssyncadd.s32 $0xFFFFF800  }
0x36: {  	_ =	swait.ge [sflag:s14], $0x800  }
0x37: {  	[sflag:s14] =	ssyncset.done $0x0  }
0x38: {  	[sflag:s14] =	ssyncadd.s32 $0xFFFFF800  }
0x39: {  	_ =	swait.ge [sflag:s14], $0x800  }
0x3a: {  	[sflag:s14] =	ssyncset.done $0x0  }
0x3b: {  	[sflag:s14] =	ssyncadd.s32 $0xFFFFF800  }
0x3c: {  	_ =	swait.ge [sflag:s14], $0x800  }
0x3d: {  	[sflag:s14] =	ssyncset.done $0x0  }
0x3e: {  	[sflag:s14] =	ssyncadd.s32 $0xFFFFF800  }
0x3f: {  	_ =	swait.ge [sflag:s14], $0x800  }
0x40: {  	s18 =	simm.s32 $0x2000;
	s16 =	simm.s32 $0x1000;
	[sflag:s14] =	ssyncset.done $0x0  }
.LBB2_2:
0x41: {  	s19 =	sshra.s32 s16, $0x2  }
0x42: {  	[sflag:s14] =	ssyncadd.s32 $0xFFFFF800;
	s16 =	smov.u32 s18;
	s17 =	sadd.s32 $0x1000, s18  }
0x43: {  	[spmem:s3] =	stream.indirect.scatter.add.f32 [tilespmem:s12], [sflag:$0x1], $0x10, s19, s13, $0xb8;
	[tilespmem:$0x5800] =	vst v63  }
0x44: {  	p0 =	sne.s32 s18, $0x9000;
	s18 =	sadd.s32 $0x80, s19  }
0x45: {  	[spmem:s3] =	stream.indirect.scatter.add.f32 [tilespmem:s12], [sflag:$0x1], $0x10, s18, s13, $0xb8;
	[tilespmem:$0x5800] =	vst v63  }
0x46: {  	s18 =	sadd.s32 $0x100, s19  }
0x47: {  	[spmem:s3] =	stream.indirect.scatter.add.f32 [tilespmem:s12], [sflag:$0x1], $0x10, s18, s13, $0xb8;
	[tilespmem:$0x5800] =	vst v63  }
0x48: {  	s18 =	sadd.s32 $0x180, s19  }
0x49: {  	[spmem:s3] =	stream.indirect.scatter.add.f32 [tilespmem:s12], [sflag:$0x1], $0x10, s18, s13, $0xb8;
	[tilespmem:$0x5800] =	vst v63  }
0x4a: {  	s18 =	sadd.s32 $0x200, s19  }
0x4b: {  	[spmem:s3] =	stream.indirect.scatter.add.f32 [tilespmem:s12], [sflag:$0x1], $0x10, s18, s13, $0xb8;
	[tilespmem:$0x5800] =	vst v63  }
0x4c: {  	s18 =	sadd.s32 $0x280, s19  }
0x4d: {  	[spmem:s3] =	stream.indirect.scatter.add.f32 [tilespmem:s12], [sflag:$0x1], $0x10, s18, s13, $0xb8;
	[tilespmem:$0x5800] =	vst v63  }
0x4e: {  	s18 =	sadd.s32 $0x300, s19  }
0x4f: {  	[spmem:s3] =	stream.indirect.scatter.add.f32 [tilespmem:s12], [sflag:$0x1], $0x10, s18, s13, $0xb8;
	[tilespmem:$0x5800] =	vst v63  }
0x50: {  	s18 =	sadd.s32 $0x380, s19  }
0x51: {  	[spmem:s3] =	stream.indirect.scatter.add.f32 [tilespmem:s12], [sflag:$0x1], $0x10, s18, s13, $0xb8;
	[tilespmem:$0x5800] =	vst v63  }
0x52: {  	_ =	swait.ge [sflag:s14], $0x800  }
0x53: {  	[sflag:s14] =	ssyncset.done $0x0  }
0x54: {  	[sflag:s14] =	ssyncadd.s32 $0xFFFFF800  }
0x55: {  	_ =	swait.ge [sflag:s14], $0x800  }
0x56: {  	[sflag:s14] =	ssyncset.done $0x0  }
0x57: {  	[sflag:s14] =	ssyncadd.s32 $0xFFFFF800  }
0x58: {  	_ =	swait.ge [sflag:s14], $0x800  }
0x59: {  	[sflag:s14] =	ssyncset.done $0x0  }
0x5a: {  	[sflag:s14] =	ssyncadd.s32 $0xFFFFF800  }
0x5b: {  	_ =	swait.ge [sflag:s14], $0x800  }
0x5c: {  	[sflag:s14] =	ssyncset.done $0x0  }
0x5d: {  	[sflag:s14] =	ssyncadd.s32 $0xFFFFF800  }
0x5e: {  	_ =	swait.ge [sflag:s14], $0x800  }
0x5f: {  	[sflag:s14] =	ssyncset.done $0x0  }
0x60: {  	[sflag:s14] =	ssyncadd.s32 $0xFFFFF800  }
0x61: {  	_ =	swait.ge [sflag:s14], $0x800  }
0x62: {  	[sflag:s14] =	ssyncset.done $0x0  }
0x63: {  	[sflag:s14] =	ssyncadd.s32 $0xFFFFF800  }
.Ltmp0:
0x64: {  	_ =	swait.ge [sflag:s14], $0x800;
	(pc) =	sbr.rel @p0 .LBB2_2-.Ltmp0, $4  }
0x65: {  	[sflag:s14] =	ssyncset.done $0x0  }
0x66: {  	[sflag:s14] =	ssyncadd.s32 $0xFFFFF800  }
0x67: {  	_ =	swait.ge [sflag:s14], $0x800  }
0x68: {  	s18 =	smov.u32 s17;
	[sflag:s14] =	ssyncset.done $0x0  }
0x69: {  	s16 =	sshra.s32 s16, $0x2;
	[sflag:s14] =	ssyncadd.s32 $0xFFFFF800  }
0x6a: {  	[spmem:s3] =	stream.indirect.scatter.add.f32 [tilespmem:s12], [sflag:$0x1], $0x10, s16, s13, $0xb8;
	[tilespmem:$0x5800] =	vst v63  }
0x6b: {  	s17 =	sadd.s32 $0x80, s16  }
0x6c: {  	[spmem:s3] =	stream.indirect.scatter.add.f32 [tilespmem:s12], [sflag:$0x1], $0x10, s17, s13, $0xb8;
	[tilespmem:$0x5800] =	vst v63  }
0x6d: {  	s26 =	sadd.s32 $0x100, s16  }
0x6e: {  	[spmem:s3] =	stream.indirect.scatter.add.f32 [tilespmem:s12], [sflag:$0x1], $0x10, s26, s13, $0xb8;
	[tilespmem:$0x5800] =	vst v63  }
0x6f: {  	s28 =	sadd.s32 $0x180, s16  }
0x70: {  	[spmem:s3] =	stream.indirect.scatter.add.f32 [tilespmem:s12], [sflag:$0x1], $0x10, s28, s13, $0xb8;
	[tilespmem:$0x5800] =	vst v63  }
0x71: {  	s29 =	sadd.s32 $0x200, s16  }
0x72: {  	[spmem:s3] =	stream.indirect.scatter.add.f32 [tilespmem:s12], [sflag:$0x1], $0x10, s29, s13, $0xb8;
	[tilespmem:$0x5800] =	vst v63  }
0x73: {  	s30 =	sadd.s32 $0x280, s16  }
0x74: {  	[spmem:s3] =	stream.indirect.scatter.add.f32 [tilespmem:s12], [sflag:$0x1], $0x10, s30, s13, $0xb8;
	[tilespmem:$0x5800] =	vst v63  }
0x75: {  	s31 =	sadd.s32 $0x300, s16  }
0x76: {  	[spmem:s3] =	stream.indirect.scatter.add.f32 [tilespmem:s12], [sflag:$0x1], $0x10, s31, s13, $0xb8;
	[tilespmem:$0x5800] =	vst v63  }
0x77: {  	s16 =	sadd.s32 $0x380, s16  }
0x78: {  	[spmem:s3] =	stream.indirect.scatter.add.f32 [tilespmem:s12], [sflag:$0x1], $0x10, s16, s13, $0xb8;
	[tilespmem:$0x5800] =	vst v63  }
0x79: {  	_ =	swait.ge [sflag:s14], $0x800  }
0x7a: {  	[sflag:s14] =	ssyncset.done $0x0  }
0x7b: {  	[sflag:s14] =	ssyncadd.s32 $0xFFFFF800  }
0x7c: {  	_ =	swait.ge [sflag:s14], $0x800  }
0x7d: {  	[sflag:s14] =	ssyncset.done $0x0  }
0x7e: {  	[sflag:s14] =	ssyncadd.s32 $0xFFFFF800  }
0x7f: {  	_ =	swait.ge [sflag:s14], $0x800  }
0x80: {  	[sflag:s14] =	ssyncset.done $0x0  }
0x81: {  	[sflag:s14] =	ssyncadd.s32 $0xFFFFF800  }
0x82: {  	_ =	swait.ge [sflag:s14], $0x800  }
0x83: {  	[sflag:s14] =	ssyncset.done $0x0  }
0x84: {  	[sflag:s14] =	ssyncadd.s32 $0xFFFFF800  }
0x85: {  	_ =	swait.ge [sflag:s14], $0x800  }
0x86: {  	[sflag:s14] =	ssyncset.done $0x0  }
0x87: {  	[sflag:s14] =	ssyncadd.s32 $0xFFFFF800  }
0x88: {  	_ =	swait.ge [sflag:s14], $0x800  }
0x89: {  	[sflag:s14] =	ssyncset.done $0x0  }
0x8a: {  	[sflag:s14] =	ssyncadd.s32 $0xFFFFF800  }
0x8b: {  	_ =	swait.ge [sflag:s14], $0x800  }
0x8c: {  	[sflag:s14] =	ssyncset.done $0x0  }
0x8d: {  	[sflag:s14] =	ssyncadd.s32 $0xFFFFF800  }
0x8e: {  	_ =	swait.ge [sflag:s14], $0x800  }
0x8f: {  	s15 =	sadd.s32 $0x1, s15;
	[sflag:s14] =	ssyncset.done $0x0  }
0x90: {  	p0 =	sne.s32 s15, s9;
	[sflag:s14] =	ssyncadd.s32 $0xFFFFF800  }
.Ltmp1:
0x91: {  	[bflag:$0x0] =	sbarrier.arrive $0xFFFF;
	(pc) =	sbr.rel @p0 .LBB2_1-.Ltmp1, $4  }
0x92: {  	[hbm:s8], [sflag:s6] =	dma.local [spmem:s10], $0x500  }
0x93: {  	_ =	swait.ge [sflag:s11], $0x500  }
0x94: {  	[sflag:s11] =	ssyncset.done $0x0  }
0x95: {  	[sflag:s11] =	ssyncadd.s32 $0xFFFFFB00  }
0x96: {  	_ =	sfence.sel $0x180000  }
0x97: {  	[bflag:$0x0] =	sbarrier.arrive $0xFFFF  }
0x98: {  	p0 =	sne.s32 s0, $0x0;
	_ =	strace $0x90000047  }
0x99: {  	s0 =	sadd.s32 @!p0 $0x100000, s1;
	[bflag:$0x2] =	sbarrier.arrive $0xFFFF  }
0x9a: {  	[sflag:s0] =	ssyncadd.tile.s32 @!p0 $0x1;
	_ =	shalt  }
.Lfunc_end2:
_tile_overlayer_lowered:
.L_overlay_start_2:
0x9b: {  	(tag) =	ssettag $0x2  }
0x9c: {  	s0 =	rddreg [dreg:$0x0];
	s2 =	stileid.u32  }
0x9d: {  	s1 =	rddreg [dreg:$0x1];
	p0 =	sne.s32 s2, $0x0  }
0x9e: {  	s3 =	rddreg [dreg:$0x2];
	[bflag:$0x3] =	sbarrier.arrive $0xFFFF;
	s2 =	simm.s32 @!p0 $0x1C02  }
0x9f: {  	[timem:s3], [sflag:s2] =	dma.local @!p0 [hbm:s0], s1  }
0xa0: {  	s0 =	simm.s32 @!p0 $0x2  }
0xa1: {  	_ =	swait.ge @!p0 [sflag:s0], s1  }
0xa2: {  	s1 =	ssub.s32 @!p0 $0x0, s1;
	[sflag:s0] =	ssyncset.done @!p0 $0x0  }
0xa3: {  	[sflag:s0] =	ssyncadd.s32 @!p0 s1  }
0xa4: {  	[bflag:$0x3] =	sbarrier.arrive $0xFFFF  }
0xa5: {  	_ =	shalt  }

// kernel: kernel.14.cloned.1.call-start
scs
__scs_entry_jumppad:
0x0: {  	(pc) =	sbr.rel $0x88, $3  }
0x1: {  	(tag) =	ssettag $0x0;
	lr =	simm.s32 $0x1  }
0x2: {  	[smem:$0x3F99] =	sst lr;
	_ =	strace $0xD0000000  }
0x3: {  	_ = 	snop  }
0x4: {  	_ = 	snop  }
0x5: {  	_ = 	snop  }
0x6: {  	_ = 	snop  }
0x7: {  	_ = 	snop  }
__scs_overlays_trampoline_lowered:
0x8: {  	[smem:$0x3FA8] =	sst s0  }
0x9: {  	[smem:$0x3FA9] =	sst s1  }
0xa: {  	[smem:$0x3FAA] =	sst s2  }
0xb: {  	[smem:$0x3FAB] =	sst s3  }
0xc: {  	[smem:$0x3FAC] =	sst s4  }
0xd: {  	[smem:$0x3FAD] =	sst s5  }
0xe: {  	[smem:$0x3FAE] =	sst s6  }
0xf: {  	[smem:$0x3FAF] =	sst s7  }
0x10: {  	[smem:$0x3FB0] =	sst s8  }
0x11: {  	[smem:$0x3FB1] =	sst s9;
	s0 =	simm.s32 @!p0 $0x0  }
0x12: {  	s1 =	sld [smem:$0x3F97];
	s0 =	simm.s32 @p0 $0x1  }
0x13: {  	[smem:$0x3FB2] =	sst s0;
	s0 =	simm.s32 @!p1 $0x0  }
0x14: {  	s2 =	sld [smem:$0x3F96];
	s0 =	simm.s32 @p1 $0x1  }
0x15: {  	[smem:$0x3FB3] =	sst s0;
	s0 =	simm.s32 @!p2 $0x0  }
0x16: {  	s3 =	sld [smem:$0x3FDB];
	s0 =	simm.s32 @p2 $0x1  }
0x17: {  	s4 =	simm.s32 $0x1BF5;
	[smem:$0x3FB5] =	sst s0  }
0x18: {  	s0 =	sld [smem:$0x3F98];
	_ =	swait.ge [sflag:s4], $0x0  }
0x19: {  	s7 =	sld [smem:$0x3F99]  }
0x1a: {  	s8 =	sadd.s32 $0xFFFFE003, lr  }
0x1b: {  	s9 =	sadd.s32 $0xFFFFFEF7, lr;
	s5 =	simm.s32 $0xFFFFFFFF;
	p2 =	slt.u32 s8, $0xFFFFF086  }
0x1c: {  	p1 =	slt.u32 s9, $0xF7A;
	s5 =	simm.s32 @!p2 $0x0  }
0x1d: {  	s5 =	simm.s32 @p1 $0x1;
	p0 =	seq.s32 s7, s2  }
0x1e: {  	s7 =	smul.u32 @!p0 $0xF7A, s2;
	p2 =	seq.s32 @!p0 s5, $0x0  }
0x1f: {  	s9 =	smul.u32 $0xF7A, s1;
	s8 =	simm.s32 @!p0 $0x1BF5;
	p2 =	por !p2, p0  }
0x20: {  	[sflag:s8] =	ssyncset.s32 @!p0 $0xFFFFF086;
	s6 =	sadd.s32 @!p0 s3, s7;
	s7 =	simm.s32 @!p0 $0x108  }
0x21: {  	s3 =	sadd.s32 s3, s9;
	s6 =	sadd.s32 @!p0 $0x88, s6;
	s7 =	simm.s32 @p2 $0x1082  }
0x22: {  	[simem:s7], [sflag:s8] =	dma.local @!p0 [hbm:s6], $0xF7A  }
0x23: {  	s9 =	sor.u32 $0xD0000000, s2;
	s6 =	simm.s32 $0x108;
	_ =	swait.ge @!p0 [sflag:s8], $0x0  }
0x24: {  	s3 =	sadd.s32 $0x88, s3;
	s6 =	simm.s32 @!p1 $0x1082;
	[sflag:s4] =	ssyncset.s32 $0xFFFFF086  }
0x25: {  	[simem:s6], [sflag:s4] =	dma.local [hbm:s3], $0xF7A  }
0x26: {  	[smem:$0x3F99] =	sst s1;
	(tag) =	ssettag s2;
	_ =	strace s9  }
0x27: {  	s1 =	sld [smem:$0x3FA9]  }
0x28: {  	s2 =	sld [smem:$0x3FAA]  }
0x29: {  	s4 =	sld [smem:$0x3FAC]  }
0x2a: {  	p0 =	seq.s32 s5, $0x0;
	s5 =	sld [smem:$0x3FAD]  }
0x2b: {  	s6 =	sld [smem:$0x3FAE]  }
0x2c: {  	s7 =	sld [smem:$0x3FAF]  }
0x2d: {  	s3 =	simm.s32 $0x108;
	s8 =	sld [smem:$0x3FB0]  }
0x2e: {  	s3 =	simm.s32 @!p0 $0x1082;
	s9 =	sld [smem:$0x3FB1]  }
0x2f: {  	lr =	sadd.s32 s0, s3;
	s0 =	sld [smem:$0x3FA8]  }
0x30: {  	s3 =	sld [smem:$0x3FAB]  }
0x31: {  	[smem:$0x3FB4] =	sst s10  }
0x32: {  	s10 =	sld [smem:$0x3FB2];
	_ =	sdelay $0x3  }
0x33: {  	p0 =	seq.s32 s10, $0x1;
	s10 =	sld [smem:$0x3FB4];
	_ =	sdelay $0x3  }
0x34: {  	[smem:$0x3FB4] =	sst s10  }
0x35: {  	s10 =	sld [smem:$0x3FB3];
	_ =	sdelay $0x3  }
0x36: {  	p1 =	seq.s32 s10, $0x1;
	s10 =	sld [smem:$0x3FB4];
	_ =	sdelay $0x3  }
0x37: {  	[smem:$0x3FB4] =	sst s10  }
0x38: {  	s10 =	sld [smem:$0x3FB5]  }
0x39: {  	_ = 	snop;
	(pc) =	sbr.ind lr, $3  }
0x3a: {  	_ = 	snop  }
0x3b: {  	_ = 	snop  }
0x3c: {  	p2 =	seq.s32 s10, $0x1;
	s10 =	sld [smem:$0x3FB4]  }
0x3d: {  	_ =	shalt  }
0x3e: {  	_ =	shalt  }
0x3f: {  	_ =	shalt  }
0x40: {  	_ =	shalt  }
0x41: {  	_ =	shalt  }
0x42: {  	_ =	shalt  }
0x43: {  	_ =	shalt  }
0x44: {  	_ =	shalt  }
0x45: {  	_ =	shalt  }
0x46: {  	_ =	shalt  }
0x47: {  	_ =	shalt  }
0x48: {  	_ =	shalt  }
0x49: {  	_ =	shalt  }
0x4a: {  	_ =	shalt  }
0x4b: {  	_ =	shalt  }
0x4c: {  	_ =	shalt  }
0x4d: {  	_ =	shalt  }
0x4e: {  	_ =	shalt  }
0x4f: {  	_ =	shalt  }
0x50: {  	_ =	shalt  }
0x51: {  	_ =	shalt  }
0x52: {  	_ =	shalt  }
0x53: {  	_ =	shalt  }
0x54: {  	_ =	shalt  }
0x55: {  	_ =	shalt  }
0x56: {  	_ =	shalt  }
0x57: {  	_ =	shalt  }
0x58: {  	_ =	shalt  }
0x59: {  	_ =	shalt  }
0x5a: {  	_ =	shalt  }
0x5b: {  	_ =	shalt  }
0x5c: {  	_ =	shalt  }
0x5d: {  	_ =	shalt  }
0x5e: {  	_ =	shalt  }
0x5f: {  	_ =	shalt  }
0x60: {  	_ =	shalt  }
0x61: {  	_ =	shalt  }
0x62: {  	_ =	shalt  }
0x63: {  	_ =	shalt  }
0x64: {  	_ =	shalt  }
0x65: {  	_ =	shalt  }
0x66: {  	_ =	shalt  }
0x67: {  	_ =	shalt  }
0x68: {  	_ =	shalt  }
0x69: {  	_ =	shalt  }
0x6a: {  	_ =	shalt  }
0x6b: {  	_ =	shalt  }
0x6c: {  	_ =	shalt  }
0x6d: {  	_ =	shalt  }
0x6e: {  	_ =	shalt  }
0x6f: {  	_ =	shalt  }
0x70: {  	_ =	shalt  }
0x71: {  	_ =	shalt  }
0x72: {  	_ =	shalt  }
0x73: {  	_ =	shalt  }
0x74: {  	_ =	shalt  }
0x75: {  	_ =	shalt  }
0x76: {  	_ =	shalt  }
0x77: {  	_ =	shalt  }
0x78: {  	_ =	shalt  }
0x79: {  	_ =	shalt  }
0x7a: {  	_ =	shalt  }
0x7b: {  	_ =	shalt  }
0x7c: {  	_ =	shalt  }
0x7d: {  	_ =	shalt  }
0x7e: {  	_ =	shalt  }
0x7f: {  	_ =	shalt  }
0x80: {  	_ =	shalt  }
0x81: {  	_ =	shalt  }
0x82: {  	_ =	shalt  }
0x83: {  	_ =	shalt  }
0x84: {  	_ =	shalt  }
0x85: {  	_ =	shalt  }
0x86: {  	_ =	shalt  }
0x87: {  	_ =	shalt  }
.Lfunc_end0:
.L_simem_size_0:
called_computation.1_lowered:
.L_overlay_start_0:
0x88: {  	s2 =	sld [smem:$0x3FD9]  }
0x89: {  	s3 =	sld [smem:$0x3FFE];
	_ =	sdelay $0x1  }
0x8a: {  	s1 =	srdreg.scid  }
0x8b: {  	s0 =	sand.u32 $0x1, s1  }
0x8c: {  	s16 =	sshll.u32 s0, $0xA;
	s2 =	sadd.s32 s3, s2  }
0x8d: {  	s2 =	sadd.s32 s2, s16  }
0x8e: {  	[smem:$0x3FC0] =	sst s2  }
0x8f: {  	_ = 	snop  }
0x90: {  	(tm) =	ssettm $0x1  }
0x91: {  	s17 =	sld [smem:$0x3FFB];
	_ =	sdelay $0x3  }
0x92: {  	_ =	strace s17  }
0x93: {  	s2 =	sld [smem:$0x3FFC];
	_ =	sdelay $0x3  }
0x94: {  	_ =	strace s2  }
0x95: {  	s2 =	sld [smem:$0x3FFD];
	_ =	sdelay $0x3  }
0x96: {  	_ =	strace s2  }
0x97: {  	_ =	strace $0x8FFFFFFF  }
0x98: {  	s18 =	sld [smem:$0x3FDB];
	_ =	sdelay $0x1  }
0x99: {  	s19 =	simm.s32 $_scs_section_size  }
0x9a: {  	s4 =	simm.s32 $_size__tile_overlayer_lowered;
	s5 =	simm.s32 $_tile_overlayer_lowered  }
0x9b: {  	s22 =	simm.s32 $0x1BFF;
	s21 =	sshll.u32 s5, $0x1;
	s2 =	sadd.s32 s19, s18  }
0x9c: {  	s6 =	simm.s32 $0x0;
	s20 =	sshll.u32 s4, $0x1;
	s4 =	sadd.s32 s21, s2  }
0x9d: {  	[timem:s6], [sflag:s22] =	dma.local [hbm:s4], s20  }
0x9e: {  	_ =	swait.ge [sflag:s22], s20  }
0x9f: {  	s3 =	ssub.s32 $0x0, s20;
	[sflag:s22] =	ssyncset.done $0x0  }
0xa0: {  	[sflag:s22] =	ssyncadd.s32 s3;
	_ =	sdelay $0x1  }
0xa1: {  	s23 =	simm.s32 $0x1B8B  }
0xa2: {  	_ =	swait.ge [sflag:s23], $0x1  }
0xa3: {  	[sflag:s23] =	ssyncset.done $0x0  }
0xa4: {  	s25 =	simm.s32 $0x1B8E;
	s24 =	sld [smem:$0x3FFE];
	[sflag:s23] =	ssyncadd.s32 $0xFFFFFFFF  }
0xa5: {  	s26 =	simm.s32 $execute0_lowered;
	[smem:$0x3FD2] =	sst s25  }
0xa6: {  	s4 =	sshll.u32 s26, $0x1;
	_ =	strace $0x80000049;
	[dreg:$0x1] =	wrdreg $0xFFFFFFFF  }
0xa7: {  	s28 =	simm.s32 $_size_execute0_lowered;
	s2 =	sadd.s32 s2, s4;
	[dreg:$0x0] =	wrdreg $0x0  }
0xa8: {  	s4 =	sshll.u32 s28, $0x1;
	[dreg:$0x2] =	wrdreg s2  }
0xa9: {  	[dreg:$0x3] =	wrdreg s4  }
0xaa: {  	[dreg:$0x4] =	wrdreg $0xC0  }
0xab: {  	_ =	task [dreg:s6], $0x5FFFF  }
0xac: {  	[dreg:$0x1] =	wrdreg $0xFFFFFFFF  }
0xad: {  	[dreg:$0x0] =	wrdreg $0x60  }
0xae: {  	[dreg:$0x2] =	wrdreg s24  }
0xaf: {  	[dreg:$0x3] =	wrdreg $0x132000  }
0xb0: {  	[dreg:$0x4] =	wrdreg $0x92000  }
0xb1: {  	[dreg:$0x5] =	wrdreg $0x9  }
0xb2: {  	_ =	task.clear_ibuf [dreg:s6], $0x6FFFF;
	_ =	strace $0x90000049  }
0xb3: {  	s29 =	simm.s32 $0x9;
	_ =	strace $0x8000004B  }
0xb4: {  	_ =	swait.ge [sflag:s29], $0x1  }
0xb5: {  	[sflag:s29] =	ssyncadd.s32 $0xFFFFFFFF  }
0xb6: {  	_ =	strace $0x9000004B  }
0xb7: {  	_ =	sfence  }
0xb8: {  	s30 =	sld [smem:$0x0];
	_ =	sdelay $0x2  }
0xb9: {  	s31 =	sshll.u32 s1, $0xD;
	s1 =	sshrl.u32 s1, $0x2  }
0xba: {  	s3 =	sand.u32 $0x4000, s31;
	s1 =	sadd.s32 s1, s30  }
0xbb: {  	s0 =	sor.u32 s3, s0;
	s1 =	sshll.u32 s1, $0x11  }
0xbc: {  	s0 =	sor.u32 s1, s0  }
0xbd: {  	s0 =	sadd.s32 $0x8F2B, s0  }
0xbe: {  	[sflag:s0] =	ssyncadd.remote.s32 $0x1  }
0xbf: {  	_ =	sfence.sel $0xFFFF  }
0xc0: {  	[dreg:$0x0] =	wrdreg $0xFFFFFFFF;
	(pc) =	sbr.abs _section_cstart, $3  }
0xc1: {  	[dreg:$0x1] =	wrdreg $0xFFFFFFFF  }
0xc2: {  	_ =	task.clear_ibuf [dreg:s6], $0x2FFFF;
	_ =	strace $0x9FFFFFFF  }
0xc3: {  	(tm) =	ssettm $0x7FFFFFFF  }
tec
execute0_lowered:
.L_overlay_start_1:
0x0: {  	(tag) =	ssettag $0x1  }
0x1: {  	s5 =	rddreg [dreg:$0x0]  }
0x2: {  	s2 =	rddreg [dreg:$0x1]  }
0x3: {  	s3 =	rddreg [dreg:$0x2]  }
0x4: {  	s0 =	rddreg [dreg:$0x3];
	s1 =	stileid.u32  }
0x5: {  	s7 =	srdreg.scid;
	s4 =	simm.s32 $0x0;
	s15 =	simm.s32 $0x1  }
0x6: {  	s16 =	simm.s32 $0x2;
	s17 =	simm.s32 $0x3;
	s18 =	simm.s32 $0x80  }
0x7: {  	s19 =	simm.s32 $0x5000;
	s20 =	simm.s32 $0x5200;
	s21 =	simm.s32 $0x5100  }
0x8: {  	s22 =	simm.s32 $0x7200;
	s23 =	simm.s32 $0x5080;
	s24 =	simm.s32 $0x5180  }
0x9: {  	s25 =	simm.s32 $0x4;
	s26 =	simm.s32 $0x5;
	s6 =	smul.u32 $0xA00, s1  }
0xa: {  	s8 =	smul.u32 $0xA000, s1;
	s7 =	sand.u32 $0x1, s7;
	[smem:$0x7FF] =	sst s4  }
0xb: {  	s28 =	simm.s32 $0x0;
	s9 =	smul.u32 $0xA0000, s7;
	_ =	strace $0x8000004A  }
0xc: {  	s7 =	ssub.s32 $0x2, s7;
	s10 =	sadd.s32 s6, s5;
	s31 =	sshrl.u32 s8, $0x3  }
0xd: {  	s11 =	sshrl.u32 s7, $0x1;
	s13 =	sadd.s32 s8, s2;
	s14 =	sadd.s32 s8, s3  }
0xe: {  	s9 =	sadd.s32 s8, s9;
	s6 =	sadd.s32 s31, s5;
	s11 =	ssub.s32 s7, s11  }
0xf: {  	s14 =	sshrl.u32 s14, $0x3;
	s9 =	sshrl.u32 s9, $0x3;
	s6 =	sadd.s32 $0xBD400, s6  }
0x10: {  	s11 =	smax.u32 s11, $0x1;
	s12 =	sadd.s32 s9, s5;
	s5 =	sshll.u32 s1, $0x6  }
0x11: {  	s9 =	sadd.s32 $0xE400, s10;
	s7 =	sor.u32 $0x1C01, s5;
	s8 =	sadd.s32 $0x95400, s12  }
0x12: {  	s10 =	sadd.s32 $0xD1400, s12;
	s12 =	sshrl.u32 s13, $0x3;
	s13 =	sor.u32 $0x1C02, s5  }
.LBB2_1:
0x13: {  	[spmem:s12], [sflag:s7] =	dma.local [hbm:s6], $0x1400  }
0x14: {  	[spmem:s14], [sflag:s13] =	dma.local [hbm:s8], $0x1400  }
0x15: {  	[tilespmem:s4], [sflag:$0x3] =	stream.linear.gather [hbm4b:s9+s4], $0x5000, $0x38;
	[tilespmem:$0x1D200] =	vst v63  }
0x16: {  	_ =	swait.ge [sflag:s15], $0x1400  }
0x17: {  	[sflag:s15] =	ssyncset.done $0x0  }
0x18: {  	[sflag:s15] =	ssyncadd.s32 $0xFFFFEC00  }
0x19: {  	_ =	swait.ge [sflag:s16], $0x1400  }
0x1a: {  	[sflag:s16] =	ssyncset.done $0x0  }
0x1b: {  	[sflag:s16] =	ssyncadd.s32 $0xFFFFEC00  }
0x1c: {  	_ =	swait.ge [sflag:s17], $0x5000  }
0x1d: {  	[sflag:s17] =	ssyncset.done $0x0  }
0x1e: {  	[sflag:s17] =	ssyncadd.s32 $0xFFFFB000  }
0x1f: {  	[bflag:$0x0] =	sbarrier.arrive $0xFFFF  }
0x20: {  	v0 =	vld [tilespmem:$0x0];
	_ =	sdelay $0x1  }
0x21: {  	v1 =	vld [tilespmem:$0x10];
	_ =	sdelay $0x1  }
0x22: {  	v2 =	vld [tilespmem:$0x20]  }
0x23: {  	v3 =	vand.u32 $0x3FFF, v0  }
0x24: {  	v63 =	vld [tilespmem:$0x30];
	v0 =	vshra.s32 v0, $0xE;
	[tilespmem:$0x5000] =	vst v3  }
0x25: {  	v6 =	vand.u32 $0x3FFF, v1;
	[tilespmem:$0x5080] =	vst v0  }
0x26: {  	v8 =	vld [tilespmem:$0x40];
	v7 =	vshra.s32 v1, $0xE;
	[tilespmem:$0x5010] =	vst v6  }
0x27: {  	v9 =	vand.u32 $0x3FFF, v2;
	[tilespmem:$0x5090] =	vst v7  }
0x28: {  	v11 =	vld [tilespmem:$0x50];
	v10 =	vshra.s32 v2, $0xE;
	[tilespmem:$0x5020] =	vst v9  }
0x29: {  	v12 =	vand.u32 $0x3FFF, v63;
	[tilespmem:$0x50A0] =	vst v10  }
0x2a: {  	v14 =	vld [tilespmem:$0x60];
	v13 =	vshra.s32 v63, $0xE;
	[tilespmem:$0x5030] =	vst v12  }
0x2b: {  	v15 =	vand.u32 $0x3FFF, v8;
	[tilespmem:$0x50B0] =	vst v13  }
0x2c: {  	v17 =	vld [tilespmem:$0x70];
	v16 =	vshra.s32 v8, $0xE;
	[tilespmem:$0x5040] =	vst v15  }
0x2d: {  	v18 =	vand.u32 $0x3FFF, v11;
	[tilespmem:$0x50C0] =	vst v16  }
0x2e: {  	v20 =	vld [tilespmem:$0x80];
	v19 =	vshra.s32 v11, $0xE;
	[tilespmem:$0x5050] =	vst v18  }
0x2f: {  	v21 =	vand.u32 $0x3FFF, v14;
	[tilespmem:$0x50D0] =	vst v19  }
0x30: {  	v23 =	vld [tilespmem:$0x90];
	v22 =	vshra.s32 v14, $0xE;
	[tilespmem:$0x5060] =	vst v21  }
0x31: {  	v24 =	vand.u32 $0x3FFF, v17;
	[tilespmem:$0x50E0] =	vst v22  }
0x32: {  	v26 =	vld [tilespmem:$0xA0];
	v25 =	vshra.s32 v17, $0xE;
	[tilespmem:$0x5070] =	vst v24  }
0x33: {  	v27 =	vand.u32 $0x3FFF, v20;
	[tilespmem:$0x50F0] =	vst v25  }
0x34: {  	v29 =	vld [tilespmem:$0xB0];
	v28 =	vshra.s32 v20, $0xE;
	[tilespmem:$0x5100] =	vst v27  }
0x35: {  	v30 =	vand.u32 $0x3FFF, v23;
	[tilespmem:$0x5180] =	vst v28  }
0x36: {  	v32 =	vld [tilespmem:$0xC0];
	v31 =	vshra.s32 v23, $0xE;
	[tilespmem:$0x5110] =	vst v30  }
0x37: {  	v33 =	vand.u32 $0x3FFF, v26;
	[tilespmem:$0x5190] =	vst v31  }
0x38: {  	v35 =	vld [tilespmem:$0xD0];
	v34 =	vshra.s32 v26, $0xE;
	[tilespmem:$0x5120] =	vst v33  }
0x39: {  	v36 =	vand.u32 $0x3FFF, v29;
	[tilespmem:$0x51A0] =	vst v34  }
0x3a: {  	v38 =	vld [tilespmem:$0xE0];
	v37 =	vshra.s32 v29, $0xE;
	[tilespmem:$0x5130] =	vst v36  }
0x3b: {  	v39 =	vand.u32 $0x3FFF, v32;
	[tilespmem:$0x51B0] =	vst v37  }
0x3c: {  	v41 =	vld [tilespmem:$0xF0];
	v40 =	vshra.s32 v32, $0xE;
	[tilespmem:$0x5140] =	vst v39  }
0x3d: {  	v42 =	vand.u32 $0x3FFF, v35;
	[tilespmem:$0x51C0] =	vst v40  }
0x3e: {  	v43 =	vshra.s32 v35, $0xE;
	[tilespmem:$0x5150] =	vst v42  }
0x3f: {  	v44 =	vand.u32 $0x3FFF, v38;
	[tilespmem:$0x51D0] =	vst v43  }
0x40: {  	v45 =	vshra.s32 v38, $0xE;
	[tilespmem:$0x5160] =	vst v44  }
0x41: {  	v46 =	vand.u32 $0x3FFF, v41;
	[tilespmem:$0x51E0] =	vst v45  }
0x42: {  	v47 =	vshra.s32 v41, $0xE;
	[tilespmem:$0x5170] =	vst v46  }
0x43: {  	[tilespmem:$0x51F0] =	vst v47  }
0x44: {  	[tilespmem:s20], [sflag:$0x1] =	stream.indirect.gather [spmem:s3], $0x40, s19, s18, $0xb8;
	[tilespmem:$0x1D200] =	vst v63  }
0x45: {  	_ = 	snop  }
0x46: {  	[tilespmem:s22], [sflag:$0x2] =	stream.indirect.gather [spmem:s3], $0x40, s21, s18, $0xb8;
	[tilespmem:$0x1D200] =	vst v63  }
0x47: {  	_ =	swait.ge [sflag:s15], $0x2000  }
0x48: {  	[sflag:s15] =	ssyncset.done $0x0  }
0x49: {  	[sflag:s15] =	ssyncadd.s32 $0xFFFFE000  }
0x4a: {  	[spmem:s2] =	stream.indirect.scatter.add.f32 [tilespmem:s20], [sflag:$0x3], $0x40, s23, s18, $0xb8;
	[tilespmem:$0x1D200] =	vst v63  }
0x4b: {  	_ =	swait.ge [sflag:s16], $0x2000  }
0x4c: {  	[sflag:s16] =	ssyncset.done $0x0  }
0x4d: {  	[sflag:s16] =	ssyncadd.s32 $0xFFFFE000  }
0x4e: {  	_ =	swait.ge [sflag:s17], $0x2000  }
0x4f: {  	s29 =	smin.u32 s4, $0x9D;
	[sflag:s17] =	ssyncset.done $0x0  }
0x50: {  	s29 =	sshll.u32 s29, $0x7;
	[sflag:s17] =	ssyncadd.s32 $0xFFFFE000  }
0x51: {  	v48 =	vld [tilespmem:s29+$0x100];
	_ =	sdelay $0x4  }
0x52: {  	v49 =	vand.u32 $0x3FFF, v48  }
0x53: {  	v0 =	vshra.s32 v48, $0xE;
	[tilespmem:$0x5000] =	vst v49  }
0x54: {  	[tilespmem:$0x5080] =	vst v0  }
0x55: {  	v0 =	vld [tilespmem:s29+$0x110];
	_ =	sdelay $0x4  }
0x56: {  	v50 =	vand.u32 $0x3FFF, v0  }
0x57: {  	v0 =	vshra.s32 v0, $0xE;
	[tilespmem:$0x5010] =	vst v50  }
0x58: {  	[tilespmem:$0x5090] =	vst v0  }
0x59: {  	v0 =	vld [tilespmem:s29+$0x120];
	_ =	sdelay $0x4  }
0x5a: {  	v51 =	vand.u32 $0x3FFF, v0  }
0x5b: {  	v0 =	vshra.s32 v0, $0xE;
	[tilespmem:$0x5020] =	vst v51  }
0x5c: {  	[tilespmem:$0x50A0] =	vst v0  }
0x5d: {  	v0 =	vld [tilespmem:s29+$0x130];
	_ =	sdelay $0x4  }
0x5e: {  	v52 =	vand.u32 $0x3FFF, v0  }
0x5f: {  	v0 =	vshra.s32 v0, $0xE;
	[tilespmem:$0x5030] =	vst v52  }
0x60: {  	[tilespmem:$0x50B0] =	vst v0  }
0x61: {  	v0 =	vld [tilespmem:s29+$0x140];
	_ =	sdelay $0x4  }
0x62: {  	v53 =	vand.u32 $0x3FFF, v0  }
0x63: {  	v0 =	vshra.s32 v0, $0xE;
	[tilespmem:$0x5040] =	vst v53  }
0x64: {  	[tilespmem:$0x50C0] =	vst v0  }
0x65: {  	v0 =	vld [tilespmem:s29+$0x150];
	_ =	sdelay $0x4  }
0x66: {  	v54 =	vand.u32 $0x3FFF, v0  }
0x67: {  	v0 =	vshra.s32 v0, $0xE;
	[tilespmem:$0x5050] =	vst v54  }
0x68: {  	[tilespmem:$0x50D0] =	vst v0  }
0x69: {  	v0 =	vld [tilespmem:s29+$0x160];
	_ =	sdelay $0x4  }
0x6a: {  	v55 =	vand.u32 $0x3FFF, v0  }
0x6b: {  	v0 =	vshra.s32 v0, $0xE;
	[tilespmem:$0x5060] =	vst v55  }
0x6c: {  	[tilespmem:$0x50E0] =	vst v0  }
0x6d: {  	v0 =	vld [tilespmem:s29+$0x170];
	_ =	sdelay $0x4  }
0x6e: {  	v56 =	vand.u32 $0x3FFF, v0  }
0x6f: {  	v0 =	vshra.s32 v0, $0xE;
	[tilespmem:$0x5070] =	vst v56  }
0x70: {  	[tilespmem:$0x50F0] =	vst v0  }
0x71: {  	[tilespmem:s20], [sflag:$0x1] =	stream.indirect.gather [spmem:s3], $0x40, s19, s18, $0xb8;
	[tilespmem:$0x1D200] =	vst v63  }
0x72: {  	_ = 	snop  }
0x73: {  	[spmem:s2] =	stream.indirect.scatter.add.f32 [tilespmem:s22], [sflag:$0x4], $0x40, s24, s18, $0xb8;
	[tilespmem:$0x1D200] =	vst v63  }
0x74: {  	_ =	swait.ge [sflag:s25], $0x2000  }
0x75: {  	s29 =	smin.u32 s4, $0x9C;
	[sflag:s25] =	ssyncset.done $0x0  }
0x76: {  	s30 =	sshll.u32 s29, $0x7;
	[sflag:s25] =	ssyncadd.s32 $0xFFFFE000  }
0x77: {  	v57 =	vld [tilespmem:s30+$0x180];
	_ =	sdelay $0x4  }
0x78: {  	v58 =	vand.u32 $0x3FFF, v57  }
0x79: {  	v0 =	vshra.s32 v57, $0xE;
	[tilespmem:$0x5100] =	vst v58  }
0x7a: {  	[tilespmem:$0x5180] =	vst v0  }
0x7b: {  	v0 =	vld [tilespmem:s30+$0x190];
	_ =	sdelay $0x4  }
0x7c: {  	v59 =	vand.u32 $0x3FFF, v0  }
0x7d: {  	v0 =	vshra.s32 v0, $0xE;
	[tilespmem:$0x5110] =	vst v59  }
0x7e: {  	[tilespmem:$0x5190] =	vst v0  }
0x7f: {  	v0 =	vld [tilespmem:s30+$0x1A0];
	_ =	sdelay $0x4  }
0x80: {  	v60 =	vand.u32 $0x3FFF, v0  }
0x81: {  	v0 =	vshra.s32 v0, $0xE;
	[tilespmem:$0x5120] =	vst v60  }
0x82: {  	[tilespmem:$0x51A0] =	vst v0  }
0x83: {  	v0 =	vld [tilespmem:s30+$0x1B0];
	_ =	sdelay $0x4  }
0x84: {  	v61 =	vand.u32 $0x3FFF, v0  }
0x85: {  	v0 =	vshra.s32 v0, $0xE;
	[tilespmem:$0x5130] =	vst v61  }
0x86: {  	[tilespmem:$0x51B0] =	vst v0  }
0x87: {  	v0 =	vld [tilespmem:s30+$0x1C0];
	_ =	sdelay $0x4  }
0x88: {  	v62 =	vand.u32 $0x3FFF, v0  }
0x89: {  	v0 =	vshra.s32 v0, $0xE;
	[tilespmem:$0x5140] =	vst v62  }
0x8a: {  	[tilespmem:$0x51C0] =	vst v0  }
0x8b: {  	v0 =	vld [tilespmem:s30+$0x1D0];
	_ =	sdelay $0x4  }
0x8c: {  	v63 =	vand.u32 $0x3FFF, v0  }
0x8d: {  	v0 =	vshra.s32 v0, $0xE;
	[tilespmem:$0x5150] =	vst v63  }
0x8e: {  	s29 =	simm.s32 $0x2;
	[tilespmem:$0x51D0] =	vst v0  }
.LBB2_2:
0x8f: {  	p0 =	sne.s32 s29, $0x9E;
	v0 =	vld [tilespmem:s30+$0x1E0];
	s31 =	smov.u32 s29;
	s29 =	sadd.s32 $0x2, s29  }
0x90: {  	_ =	sdelay $0x3  }
0x91: {  	v1 =	vand.u32 $0x3FFF, v0;
	v0 =	vshra.s32 v0, $0xE  }
0x92: {  	[tilespmem:$0x5160] =	vst v1  }
0x93: {  	[tilespmem:$0x51E0] =	vst v0  }
0x94: {  	v0 =	vld [tilespmem:s30+$0x1F0];
	_ =	sdelay $0x4  }
0x95: {  	v1 =	vand.u32 $0x3FFF, v0;
	v0 =	vshra.s32 v0, $0xE  }
0x96: {  	[tilespmem:$0x5170] =	vst v1  }
0x97: {  	[tilespmem:$0x51F0] =	vst v0  }
0x98: {  	[tilespmem:s22], [sflag:$0x2] =	stream.indirect.gather [spmem:s3], $0x40, s21, s18, $0xb8;
	[tilespmem:$0x1D200] =	vst v63  }
0x99: {  	_ =	swait.ge [sflag:s15], $0x2000  }
0x9a: {  	[sflag:s15] =	ssyncset.done $0x0  }
0x9b: {  	[sflag:s15] =	ssyncadd.s32 $0xFFFFE000  }
0x9c: {  	[spmem:s2] =	stream.indirect.scatter.add.f32 [tilespmem:s20], [sflag:$0x3], $0x40, s23, s18, $0xb8;
	[tilespmem:$0x1D200] =	vst v63  }
0x9d: {  	_ =	swait.ge [sflag:s16], $0x2000  }
0x9e: {  	[sflag:s16] =	ssyncset.done $0x0  }
0x9f: {  	[sflag:s16] =	ssyncadd.s32 $0xFFFFE000  }
0xa0: {  	_ =	swait.ge [sflag:s17], $0x2000  }
0xa1: {  	s30 =	smin.u32 s31, $0x9D;
	[sflag:s17] =	ssyncset.done $0x0  }
0xa2: {  	s30 =	sshll.u32 s30, $0x7;
	[sflag:s17] =	ssyncadd.s32 $0xFFFFE000  }
0xa3: {  	v0 =	vld [tilespmem:s30+$0x100];
	_ =	sdelay $0x4  }
0xa4: {  	v1 =	vand.u32 $0x3FFF, v0;
	v0 =	vshra.s32 v0, $0xE  }
0xa5: {  	[tilespmem:$0x5000] =	vst v1  }
0xa6: {  	[tilespmem:$0x5080] =	vst v0  }
0xa7: {  	v0 =	vld [tilespmem:s30+$0x110];
	_ =	sdelay $0x4  }
0xa8: {  	v1 =	vand.u32 $0x3FFF, v0;
	v0 =	vshra.s32 v0, $0xE  }
0xa9: {  	[tilespmem:$0x5010] =	vst v1  }
0xaa: {  	[tilespmem:$0x5090] =	vst v0  }
0xab: {  	v0 =	vld [tilespmem:s30+$0x120];
	_ =	sdelay $0x4  }
0xac: {  	v1 =	vand.u32 $0x3FFF, v0;
	v0 =	vshra.s32 v0, $0xE  }
0xad: {  	[tilespmem:$0x5020] =	vst v1  }
0xae: {  	[tilespmem:$0x50A0] =	vst v0  }
0xaf: {  	v0 =	vld [tilespmem:s30+$0x130];
	_ =	sdelay $0x4  }
0xb0: {  	v1 =	vand.u32 $0x3FFF, v0;
	v0 =	vshra.s32 v0, $0xE  }
0xb1: {  	[tilespmem:$0x5030] =	vst v1  }
0xb2: {  	[tilespmem:$0x50B0] =	vst v0  }
0xb3: {  	v0 =	vld [tilespmem:s30+$0x140];
	_ =	sdelay $0x4  }
0xb4: {  	v1 =	vand.u32 $0x3FFF, v0;
	v0 =	vshra.s32 v0, $0xE  }
0xb5: {  	[tilespmem:$0x5040] =	vst v1  }
0xb6: {  	[tilespmem:$0x50C0] =	vst v0  }
0xb7: {  	v0 =	vld [tilespmem:s30+$0x150];
	_ =	sdelay $0x4  }
0xb8: {  	v1 =	vand.u32 $0x3FFF, v0;
	v0 =	vshra.s32 v0, $0xE  }
0xb9: {  	[tilespmem:$0x5050] =	vst v1  }
0xba: {  	[tilespmem:$0x50D0] =	vst v0  }
0xbb: {  	v0 =	vld [tilespmem:s30+$0x160];
	_ =	sdelay $0x4  }
0xbc: {  	v1 =	vand.u32 $0x3FFF, v0;
	v0 =	vshra.s32 v0, $0xE  }
0xbd: {  	[tilespmem:$0x5060] =	vst v1  }
0xbe: {  	[tilespmem:$0x50E0] =	vst v0  }
0xbf: {  	v0 =	vld [tilespmem:s30+$0x170];
	_ =	sdelay $0x3  }
0xc0: {  	s30 =	smin.u32 s31, $0x9C  }
0xc1: {  	s30 =	sshll.u32 s30, $0x7;
	v1 =	vand.u32 $0x3FFF, v0;
	v0 =	vshra.s32 v0, $0xE  }
0xc2: {  	[tilespmem:$0x5070] =	vst v1  }
0xc3: {  	[tilespmem:$0x50F0] =	vst v0  }
0xc4: {  	[tilespmem:s20], [sflag:$0x1] =	stream.indirect.gather [spmem:s3], $0x40, s19, s18, $0xb8;
	[tilespmem:$0x1D200] =	vst v63  }
0xc5: {  	_ = 	snop  }
0xc6: {  	[spmem:s2] =	stream.indirect.scatter.add.f32 [tilespmem:s22], [sflag:$0x4], $0x40, s24, s18, $0xb8;
	[tilespmem:$0x1D200] =	vst v63  }
0xc7: {  	_ =	swait.ge [sflag:s25], $0x2000  }
0xc8: {  	[sflag:s25] =	ssyncset.done $0x0  }
0xc9: {  	[sflag:s25] =	ssyncadd.s32 $0xFFFFE000  }
0xca: {  	v0 =	vld [tilespmem:s30+$0x180];
	_ =	sdelay $0x4  }
0xcb: {  	v1 =	vand.u32 $0x3FFF, v0;
	v0 =	vshra.s32 v0, $0xE  }
0xcc: {  	[tilespmem:$0x5100] =	vst v1  }
0xcd: {  	[tilespmem:$0x5180] =	vst v0  }
0xce: {  	v0 =	vld [tilespmem:s30+$0x190];
	_ =	sdelay $0x4  }
0xcf: {  	v1 =	vand.u32 $0x3FFF, v0;
	v0 =	vshra.s32 v0, $0xE  }
0xd0: {  	[tilespmem:$0x5110] =	vst v1  }
0xd1: {  	[tilespmem:$0x5190] =	vst v0  }
0xd2: {  	v0 =	vld [tilespmem:s30+$0x1A0];
	_ =	sdelay $0x4  }
0xd3: {  	v1 =	vand.u32 $0x3FFF, v0;
	v0 =	vshra.s32 v0, $0xE  }
0xd4: {  	[tilespmem:$0x5120] =	vst v1  }
0xd5: {  	[tilespmem:$0x51A0] =	vst v0  }
0xd6: {  	v0 =	vld [tilespmem:s30+$0x1B0];
	_ =	sdelay $0x4  }
0xd7: {  	v1 =	vand.u32 $0x3FFF, v0;
	v0 =	vshra.s32 v0, $0xE  }
0xd8: {  	[tilespmem:$0x5130] =	vst v1  }
0xd9: {  	[tilespmem:$0x51B0] =	vst v0  }
0xda: {  	v0 =	vld [tilespmem:s30+$0x1C0];
	_ =	sdelay $0x4  }
0xdb: {  	v1 =	vand.u32 $0x3FFF, v0;
	v0 =	vshra.s32 v0, $0xE  }
0xdc: {  	[tilespmem:$0x5140] =	vst v1  }
0xdd: {  	[tilespmem:$0x51C0] =	vst v0  }
0xde: {  	v0 =	vld [tilespmem:s30+$0x1D0];
	_ =	sdelay $0x2  }
.Ltmp0:
0xdf: {  	(pc) =	sbr.rel @p0 .LBB2_2-.Ltmp0, $4  }
0xe0: {  	_ = 	snop  }
0xe1: {  	v1 =	vand.u32 $0x3FFF, v0;
	v0 =	vshra.s32 v0, $0xE  }
0xe2: {  	[tilespmem:$0x5150] =	vst v1  }
0xe3: {  	[tilespmem:$0x51D0] =	vst v0  }
0xe4: {  	v0 =	vld [tilespmem:s30+$0x1E0];
	_ =	sdelay $0x4  }
0xe5: {  	v1 =	vand.u32 $0x3FFF, v0  }
0xe6: {  	v0 =	vshra.s32 v0, $0xE;
	[tilespmem:$0x5160] =	vst v1  }
0xe7: {  	[tilespmem:$0x51E0] =	vst v0  }
0xe8: {  	v0 =	vld [tilespmem:s30+$0x1F0];
	_ =	sdelay $0x4  }
0xe9: {  	v63 =	vand.u32 $0x3FFF, v0  }
0xea: {  	v0 =	vshra.s32 v0, $0xE;
	[tilespmem:$0x5170] =	vst v63  }
0xeb: {  	[tilespmem:$0x51F0] =	vst v0  }
0xec: {  	[tilespmem:s22], [sflag:$0x2] =	stream.indirect.gather [spmem:s3], $0x40, s21, s18, $0xb8;
	[tilespmem:$0x1D200] =	vst v63  }
0xed: {  	_ =	swait.ge [sflag:s15], $0x2000  }
0xee: {  	[sflag:s15] =	ssyncset.done $0x0  }
0xef: {  	[sflag:s15] =	ssyncadd.s32 $0xFFFFE000  }
0xf0: {  	_ =	swait.ge [sflag:s16], $0x2000  }
0xf1: {  	s28 =	sadd.s32 $0x1, s28;
	[sflag:s16] =	ssyncset.done $0x0  }
0xf2: {  	p0 =	sne.s32 s28, s11;
	[sflag:s16] =	ssyncadd.s32 $0xFFFFE000  }
.Ltmp1:
0xf3: {  	s29 =	sor.u32 $0x1C05, s5;
	[bflag:$0x0] =	sbarrier.arrive $0xFFFF;
	(pc) =	sbr.rel @p0 .LBB2_1-.Ltmp1, $4  }
0xf4: {  	[hbm:s10], [sflag:s29] =	dma.local [spmem:s12], $0x1400  }
0xf5: {  	_ =	swait.ge [sflag:s26], $0x1400  }
0xf6: {  	[sflag:s26] =	ssyncset.done $0x0  }
0xf7: {  	[sflag:s26] =	ssyncadd.s32 $0xFFFFEC00  }
0xf8: {  	_ =	sfence.sel $0x180000  }
0xf9: {  	[bflag:$0x0] =	sbarrier.arrive $0xFFFF  }
0xfa: {  	p0 =	sne.s32 s1, $0x0;
	_ =	strace $0x9000004A  }
0xfb: {  	s0 =	sadd.s32 @!p0 $0x100000, s0;
	[bflag:$0x2] =	sbarrier.arrive $0xFFFF  }
0xfc: {  	[sflag:s0] =	ssyncadd.tile.s32 @!p0 $0x1;
	_ =	shalt  }
.Lfunc_end2:
_tile_overlayer_lowered:
.L_overlay_start_2:
0xfd: {  	(tag) =	ssettag $0x2  }
0xfe: {  	s0 =	rddreg [dreg:$0x0];
	s2 =	stileid.u32  }
0xff: {  	s1 =	rddreg [dreg:$0x1];
	p0 =	sne.s32 s2, $0x0  }
0x100: {  	s3 =	rddreg [dreg:$0x2];
	[bflag:$0x3] =	sbarrier.arrive $0xFFFF;
	s2 =	simm.s32 @!p0 $0x1C05  }
0x101: {  	[timem:s3], [sflag:s2] =	dma.local @!p0 [hbm:s0], s1  }
0x102: {  	s0 =	simm.s32 @!p0 $0x5  }
0x103: {  	_ =	swait.ge @!p0 [sflag:s0], s1  }
0x104: {  	s1 =	ssub.s32 @!p0 $0x0, s1;
	[sflag:s0] =	ssyncset.done @!p0 $0x0  }
0x105: {  	[sflag:s0] =	ssyncadd.s32 @!p0 s1  }
0x106: {  	[bflag:$0x3] =	sbarrier.arrive $0xFFFF  }
0x107: {  	_ =	shalt  }

// kernel: kernel.17.cloned.1.call-start
scs
__scs_entry_jumppad:
0x0: {  	(pc) =	sbr.rel $0x88, $3  }
0x1: {  	(tag) =	ssettag $0x0;
	lr =	simm.s32 $0x1  }
0x2: {  	[smem:$0x3F99] =	sst lr;
	_ =	strace $0xD0000000  }
0x3: {  	_ = 	snop  }
0x4: {  	_ = 	snop  }
0x5: {  	_ = 	snop  }
0x6: {  	_ = 	snop  }
0x7: {  	_ = 	snop  }
__scs_overlays_trampoline_lowered:
0x8: {  	[smem:$0x3FA8] =	sst s0  }
0x9: {  	[smem:$0x3FA9] =	sst s1  }
0xa: {  	[smem:$0x3FAA] =	sst s2  }
0xb: {  	[smem:$0x3FAB] =	sst s3  }
0xc: {  	[smem:$0x3FAC] =	sst s4  }
0xd: {  	[smem:$0x3FAD] =	sst s5  }
0xe: {  	[smem:$0x3FAE] =	sst s6  }
0xf: {  	[smem:$0x3FAF] =	sst s7  }
0x10: {  	[smem:$0x3FB0] =	sst s8  }
0x11: {  	[smem:$0x3FB1] =	sst s9;
	s0 =	simm.s32 @!p0 $0x0  }
0x12: {  	s1 =	sld [smem:$0x3F97];
	s0 =	simm.s32 @p0 $0x1  }
0x13: {  	[smem:$0x3FB2] =	sst s0;
	s0 =	simm.s32 @!p1 $0x0  }
0x14: {  	s2 =	sld [smem:$0x3F96];
	s0 =	simm.s32 @p1 $0x1  }
0x15: {  	[smem:$0x3FB3] =	sst s0;
	s0 =	simm.s32 @!p2 $0x0  }
0x16: {  	s3 =	sld [smem:$0x3FDB];
	s0 =	simm.s32 @p2 $0x1  }
0x17: {  	s4 =	simm.s32 $0x1BF5;
	[smem:$0x3FB5] =	sst s0  }
0x18: {  	s0 =	sld [smem:$0x3F98];
	_ =	swait.ge [sflag:s4], $0x0  }
0x19: {  	s7 =	sld [smem:$0x3F99]  }
0x1a: {  	s8 =	sadd.s32 $0xFFFFE003, lr  }
0x1b: {  	s9 =	sadd.s32 $0xFFFFFEF7, lr;
	s5 =	simm.s32 $0xFFFFFFFF;
	p2 =	slt.u32 s8, $0xFFFFF086  }
0x1c: {  	p1 =	slt.u32 s9, $0xF7A;
	s5 =	simm.s32 @!p2 $0x0  }
0x1d: {  	s5 =	simm.s32 @p1 $0x1;
	p0 =	seq.s32 s7, s2  }
0x1e: {  	s7 =	smul.u32 @!p0 $0xF7A, s2;
	p2 =	seq.s32 @!p0 s5, $0x0  }
0x1f: {  	s9 =	smul.u32 $0xF7A, s1;
	s8 =	simm.s32 @!p0 $0x1BF5;
	p2 =	por !p2, p0  }
0x20: {  	[sflag:s8] =	ssyncset.s32 @!p0 $0xFFFFF086;
	s6 =	sadd.s32 @!p0 s3, s7;
	s7 =	simm.s32 @!p0 $0x108  }
0x21: {  	s3 =	sadd.s32 s3, s9;
	s6 =	sadd.s32 @!p0 $0x88, s6;
	s7 =	simm.s32 @p2 $0x1082  }
0x22: {  	[simem:s7], [sflag:s8] =	dma.local @!p0 [hbm:s6], $0xF7A  }
0x23: {  	s9 =	sor.u32 $0xD0000000, s2;
	s6 =	simm.s32 $0x108;
	_ =	swait.ge @!p0 [sflag:s8], $0x0  }
0x24: {  	s3 =	sadd.s32 $0x88, s3;
	s6 =	simm.s32 @!p1 $0x1082;
	[sflag:s4] =	ssyncset.s32 $0xFFFFF086  }
0x25: {  	[simem:s6], [sflag:s4] =	dma.local [hbm:s3], $0xF7A  }
0x26: {  	[smem:$0x3F99] =	sst s1;
	(tag) =	ssettag s2;
	_ =	strace s9  }
0x27: {  	s1 =	sld [smem:$0x3FA9]  }
0x28: {  	s2 =	sld [smem:$0x3FAA]  }
0x29: {  	s4 =	sld [smem:$0x3FAC]  }
0x2a: {  	p0 =	seq.s32 s5, $0x0;
	s5 =	sld [smem:$0x3FAD]  }
0x2b: {  	s6 =	sld [smem:$0x3FAE]  }
0x2c: {  	s7 =	sld [smem:$0x3FAF]  }
0x2d: {  	s3 =	simm.s32 $0x108;
	s8 =	sld [smem:$0x3FB0]  }
0x2e: {  	s3 =	simm.s32 @!p0 $0x1082;
	s9 =	sld [smem:$0x3FB1]  }
0x2f: {  	lr =	sadd.s32 s0, s3;
	s0 =	sld [smem:$0x3FA8]  }
0x30: {  	s3 =	sld [smem:$0x3FAB]  }
0x31: {  	[smem:$0x3FB4] =	sst s10  }
0x32: {  	s10 =	sld [smem:$0x3FB2];
	_ =	sdelay $0x3  }
0x33: {  	p0 =	seq.s32 s10, $0x1;
	s10 =	sld [smem:$0x3FB4];
	_ =	sdelay $0x3  }
0x34: {  	[smem:$0x3FB4] =	sst s10  }
0x35: {  	s10 =	sld [smem:$0x3FB3];
	_ =	sdelay $0x3  }
0x36: {  	p1 =	seq.s32 s10, $0x1;
	s10 =	sld [smem:$0x3FB4];
	_ =	sdelay $0x3  }
0x37: {  	[smem:$0x3FB4] =	sst s10  }
0x38: {  	s10 =	sld [smem:$0x3FB5]  }
0x39: {  	_ = 	snop;
	(pc) =	sbr.ind lr, $3  }
0x3a: {  	_ = 	snop  }
0x3b: {  	_ = 	snop  }
0x3c: {  	p2 =	seq.s32 s10, $0x1;
	s10 =	sld [smem:$0x3FB4]  }
0x3d: {  	_ =	shalt  }
0x3e: {  	_ =	shalt  }
0x3f: {  	_ =	shalt  }
0x40: {  	_ =	shalt  }
0x41: {  	_ =	shalt  }
0x42: {  	_ =	shalt  }
0x43: {  	_ =	shalt  }
0x44: {  	_ =	shalt  }
0x45: {  	_ =	shalt  }
0x46: {  	_ =	shalt  }
0x47: {  	_ =	shalt  }
0x48: {  	_ =	shalt  }
0x49: {  	_ =	shalt  }
0x4a: {  	_ =	shalt  }
0x4b: {  	_ =	shalt  }
0x4c: {  	_ =	shalt  }
0x4d: {  	_ =	shalt  }
0x4e: {  	_ =	shalt  }
0x4f: {  	_ =	shalt  }
0x50: {  	_ =	shalt  }
0x51: {  	_ =	shalt  }
0x52: {  	_ =	shalt  }
0x53: {  	_ =	shalt  }
0x54: {  	_ =	shalt  }
0x55: {  	_ =	shalt  }
0x56: {  	_ =	shalt  }
0x57: {  	_ =	shalt  }
0x58: {  	_ =	shalt  }
0x59: {  	_ =	shalt  }
0x5a: {  	_ =	shalt  }
0x5b: {  	_ =	shalt  }
0x5c: {  	_ =	shalt  }
0x5d: {  	_ =	shalt  }
0x5e: {  	_ =	shalt  }
0x5f: {  	_ =	shalt  }
0x60: {  	_ =	shalt  }
0x61: {  	_ =	shalt  }
0x62: {  	_ =	shalt  }
0x63: {  	_ =	shalt  }
0x64: {  	_ =	shalt  }
0x65: {  	_ =	shalt  }
0x66: {  	_ =	shalt  }
0x67: {  	_ =	shalt  }
0x68: {  	_ =	shalt  }
0x69: {  	_ =	shalt  }
0x6a: {  	_ =	shalt  }
0x6b: {  	_ =	shalt  }
0x6c: {  	_ =	shalt  }
0x6d: {  	_ =	shalt  }
0x6e: {  	_ =	shalt  }
0x6f: {  	_ =	shalt  }
0x70: {  	_ =	shalt  }
0x71: {  	_ =	shalt  }
0x72: {  	_ =	shalt  }
0x73: {  	_ =	shalt  }
0x74: {  	_ =	shalt  }
0x75: {  	_ =	shalt  }
0x76: {  	_ =	shalt  }
0x77: {  	_ =	shalt  }
0x78: {  	_ =	shalt  }
0x79: {  	_ =	shalt  }
0x7a: {  	_ =	shalt  }
0x7b: {  	_ =	shalt  }
0x7c: {  	_ =	shalt  }
0x7d: {  	_ =	shalt  }
0x7e: {  	_ =	shalt  }
0x7f: {  	_ =	shalt  }
0x80: {  	_ =	shalt  }
0x81: {  	_ =	shalt  }
0x82: {  	_ =	shalt  }
0x83: {  	_ =	shalt  }
0x84: {  	_ =	shalt  }
0x85: {  	_ =	shalt  }
0x86: {  	_ =	shalt  }
0x87: {  	_ =	shalt  }
.Lfunc_end0:
.L_simem_size_0:
called_computation.2_lowered:
.L_overlay_start_0:
0x88: {  	s2 =	sld [smem:$0x3FD9]  }
0x89: {  	s3 =	sld [smem:$0x3FFE];
	_ =	sdelay $0x1  }
0x8a: {  	s1 =	srdreg.scid  }
0x8b: {  	s0 =	sand.u32 $0x1, s1  }
0x8c: {  	s16 =	sshll.u32 s0, $0xA;
	s2 =	sadd.s32 s3, s2  }
0x8d: {  	s2 =	sadd.s32 s2, s16  }
0x8e: {  	[smem:$0x3FC0] =	sst s2  }
0x8f: {  	_ = 	snop  }
0x90: {  	(tm) =	ssettm $0x1  }
0x91: {  	s17 =	sld [smem:$0x3FFB];
	_ =	sdelay $0x3  }
0x92: {  	_ =	strace s17  }
0x93: {  	s2 =	sld [smem:$0x3FFC];
	_ =	sdelay $0x3  }
0x94: {  	_ =	strace s2  }
0x95: {  	s2 =	sld [smem:$0x3FFD];
	_ =	sdelay $0x3  }
0x96: {  	_ =	strace s2  }
0x97: {  	_ =	strace $0x8FFFFFFF  }
0x98: {  	s18 =	sld [smem:$0x3FDB];
	_ =	sdelay $0x1  }
0x99: {  	s19 =	simm.s32 $_scs_section_size  }
0x9a: {  	s4 =	simm.s32 $_size__tile_overlayer_lowered;
	s5 =	simm.s32 $_tile_overlayer_lowered  }
0x9b: {  	s22 =	simm.s32 $0x1BFF;
	s21 =	sshll.u32 s5, $0x1;
	s2 =	sadd.s32 s19, s18  }
0x9c: {  	s6 =	simm.s32 $0x0;
	s20 =	sshll.u32 s4, $0x1;
	s4 =	sadd.s32 s21, s2  }
0x9d: {  	[timem:s6], [sflag:s22] =	dma.local [hbm:s4], s20  }
0x9e: {  	_ =	swait.ge [sflag:s22], s20  }
0x9f: {  	s3 =	ssub.s32 $0x0, s20;
	[sflag:s22] =	ssyncset.done $0x0  }
0xa0: {  	[sflag:s22] =	ssyncadd.s32 s3;
	_ =	sdelay $0x1  }
0xa1: {  	s23 =	simm.s32 $0x1B8B  }
0xa2: {  	_ =	swait.ge [sflag:s23], $0x1  }
0xa3: {  	[sflag:s23] =	ssyncset.done $0x0  }
0xa4: {  	s25 =	simm.s32 $0x1B8E;
	s24 =	sld [smem:$0x3FFE];
	[sflag:s23] =	ssyncadd.s32 $0xFFFFFFFF  }
0xa5: {  	s26 =	simm.s32 $execute0_lowered;
	[smem:$0x3FD2] =	sst s25  }
0xa6: {  	s4 =	sshll.u32 s26, $0x1;
	_ =	strace $0x8000004C;
	[dreg:$0x1] =	wrdreg $0xFFFFFFFF  }
0xa7: {  	s28 =	simm.s32 $_size_execute0_lowered;
	s2 =	sadd.s32 s2, s4;
	[dreg:$0x0] =	wrdreg $0x0  }
0xa8: {  	s4 =	sshll.u32 s28, $0x1;
	[dreg:$0x2] =	wrdreg s2  }
0xa9: {  	[dreg:$0x3] =	wrdreg s4  }
0xaa: {  	[dreg:$0x4] =	wrdreg $0xC0  }
0xab: {  	_ =	task [dreg:s6], $0x5FFFF  }
0xac: {  	[dreg:$0x1] =	wrdreg $0xFFFFFFFF  }
0xad: {  	[dreg:$0x0] =	wrdreg $0x60  }
0xae: {  	[dreg:$0x2] =	wrdreg s24  }
0xaf: {  	[dreg:$0x3] =	wrdreg $0x132000  }
0xb0: {  	[dreg:$0x4] =	wrdreg $0x92000  }
0xb1: {  	[dreg:$0x5] =	wrdreg $0x9  }
0xb2: {  	_ =	task.clear_ibuf [dreg:s6], $0x6FFFF;
	_ =	strace $0x9000004C  }
0xb3: {  	s29 =	simm.s32 $0x9;
	_ =	strace $0x8000004E  }
0xb4: {  	_ =	swait.ge [sflag:s29], $0x1  }
0xb5: {  	[sflag:s29] =	ssyncadd.s32 $0xFFFFFFFF  }
0xb6: {  	_ =	strace $0x9000004E  }
0xb7: {  	_ =	sfence  }
0xb8: {  	s30 =	sld [smem:$0x0];
	_ =	sdelay $0x2  }
0xb9: {  	s31 =	sshll.u32 s1, $0xD;
	s1 =	sshrl.u32 s1, $0x2  }
0xba: {  	s3 =	sand.u32 $0x4000, s31;
	s1 =	sadd.s32 s1, s30  }
0xbb: {  	s0 =	sor.u32 s3, s0;
	s1 =	sshll.u32 s1, $0x11  }
0xbc: {  	s0 =	sor.u32 s1, s0  }
0xbd: {  	s0 =	sadd.s32 $0x8F2B, s0  }
0xbe: {  	[sflag:s0] =	ssyncadd.remote.s32 $0x1  }
0xbf: {  	_ =	sfence.sel $0xFFFF  }
0xc0: {  	[dreg:$0x0] =	wrdreg $0xFFFFFFFF;
	(pc) =	sbr.abs _section_cstart, $3  }
0xc1: {  	[dreg:$0x1] =	wrdreg $0xFFFFFFFF  }
0xc2: {  	_ =	task.clear_ibuf [dreg:s6], $0x2FFFF;
	_ =	strace $0x9FFFFFFF  }
0xc3: {  	(tm) =	ssettm $0x7FFFFFFF  }
tec
execute0_lowered:
.L_overlay_start_1:
0x0: {  	(tag) =	ssettag $0x1  }
0x1: {  	s5 =	rddreg [dreg:$0x0]  }
0x2: {  	s2 =	rddreg [dreg:$0x1]  }
0x3: {  	s3 =	rddreg [dreg:$0x2]  }
0x4: {  	s0 =	rddreg [dreg:$0x3];
	s1 =	stileid.u32  }
0x5: {  	s7 =	srdreg.scid;
	s4 =	simm.s32 $0x0;
	s15 =	simm.s32 $0x1  }
0x6: {  	s16 =	simm.s32 $0x2;
	s17 =	simm.s32 $0x3;
	s18 =	simm.s32 $0x80  }
0x7: {  	s19 =	simm.s32 $0x5000;
	s20 =	simm.s32 $0x5200;
	s21 =	simm.s32 $0x5100  }
0x8: {  	s22 =	simm.s32 $0x7200;
	s23 =	simm.s32 $0x5080;
	s24 =	simm.s32 $0x5180  }
0x9: {  	s25 =	simm.s32 $0x4;
	s26 =	simm.s32 $0x5;
	s6 =	smul.u32 $0xA00, s1  }
0xa: {  	s8 =	smul.u32 $0xA000, s1;
	s7 =	sand.u32 $0x1, s7;
	[smem:$0x7FF] =	sst s4  }
0xb: {  	s28 =	simm.s32 $0x0;
	s9 =	smul.u32 $0xA0000, s7;
	_ =	strace $0x8000004D  }
0xc: {  	s7 =	ssub.s32 $0x2, s7;
	s10 =	sadd.s32 s6, s5;
	s31 =	sshrl.u32 s8, $0x3  }
0xd: {  	s11 =	sshrl.u32 s7, $0x1;
	s13 =	sadd.s32 s8, s2;
	s14 =	sadd.s32 s8, s3  }
0xe: {  	s9 =	sadd.s32 s8, s9;
	s6 =	sadd.s32 s31, s5;
	s11 =	ssub.s32 s7, s11  }
0xf: {  	s14 =	sshrl.u32 s14, $0x3;
	s9 =	sshrl.u32 s9, $0x3;
	s6 =	sadd.s32 $0xBD400, s6  }
0x10: {  	s11 =	smax.u32 s11, $0x1;
	s12 =	sadd.s32 s9, s5;
	s5 =	sshll.u32 s1, $0x6  }
0x11: {  	s9 =	sadd.s32 $0xE400, s10;
	s7 =	sor.u32 $0x1C01, s5;
	s8 =	sadd.s32 $0x95400, s12  }
0x12: {  	s10 =	sadd.s32 $0xD1400, s12;
	s12 =	sshrl.u32 s13, $0x3;
	s13 =	sor.u32 $0x1C02, s5  }
.LBB2_1:
0x13: {  	[spmem:s12], [sflag:s7] =	dma.local [hbm:s6], $0x1400  }
0x14: {  	[spmem:s14], [sflag:s13] =	dma.local [hbm:s8], $0x1400  }
0x15: {  	[tilespmem:s4], [sflag:$0x3] =	stream.linear.gather [hbm4b:s9+s4], $0x5000, $0x38;
	[tilespmem:$0x1D200] =	vst v63  }
0x16: {  	_ =	swait.ge [sflag:s15], $0x1400  }
0x17: {  	[sflag:s15] =	ssyncset.done $0x0  }
0x18: {  	[sflag:s15] =	ssyncadd.s32 $0xFFFFEC00  }
0x19: {  	_ =	swait.ge [sflag:s16], $0x1400  }
0x1a: {  	[sflag:s16] =	ssyncset.done $0x0  }
0x1b: {  	[sflag:s16] =	ssyncadd.s32 $0xFFFFEC00  }
0x1c: {  	_ =	swait.ge [sflag:s17], $0x5000  }
0x1d: {  	[sflag:s17] =	ssyncset.done $0x0  }
0x1e: {  	[sflag:s17] =	ssyncadd.s32 $0xFFFFB000  }
0x1f: {  	[bflag:$0x0] =	sbarrier.arrive $0xFFFF  }
0x20: {  	v0 =	vld [tilespmem:$0x0];
	_ =	sdelay $0x1  }
0x21: {  	v1 =	vld [tilespmem:$0x10];
	_ =	sdelay $0x1  }
0x22: {  	v2 =	vld [tilespmem:$0x20]  }
0x23: {  	v3 =	vand.u32 $0x3FFF, v0  }
0x24: {  	v63 =	vld [tilespmem:$0x30];
	v0 =	vshra.s32 v0, $0xE;
	[tilespmem:$0x5000] =	vst v3  }
0x25: {  	v6 =	vand.u32 $0x3FFF, v1;
	[tilespmem:$0x5080] =	vst v0  }
0x26: {  	v8 =	vld [tilespmem:$0x40];
	v7 =	vshra.s32 v1, $0xE;
	[tilespmem:$0x5010] =	vst v6  }
0x27: {  	v9 =	vand.u32 $0x3FFF, v2;
	[tilespmem:$0x5090] =	vst v7  }
0x28: {  	v11 =	vld [tilespmem:$0x50];
	v10 =	vshra.s32 v2, $0xE;
	[tilespmem:$0x5020] =	vst v9  }
0x29: {  	v12 =	vand.u32 $0x3FFF, v63;
	[tilespmem:$0x50A0] =	vst v10  }
0x2a: {  	v14 =	vld [tilespmem:$0x60];
	v13 =	vshra.s32 v63, $0xE;
	[tilespmem:$0x5030] =	vst v12  }
0x2b: {  	v15 =	vand.u32 $0x3FFF, v8;
	[tilespmem:$0x50B0] =	vst v13  }
0x2c: {  	v17 =	vld [tilespmem:$0x70];
	v16 =	vshra.s32 v8, $0xE;
	[tilespmem:$0x5040] =	vst v15  }
0x2d: {  	v18 =	vand.u32 $0x3FFF, v11;
	[tilespmem:$0x50C0] =	vst v16  }
0x2e: {  	v20 =	vld [tilespmem:$0x80];
	v19 =	vshra.s32 v11, $0xE;
	[tilespmem:$0x5050] =	vst v18  }
0x2f: {  	v21 =	vand.u32 $0x3FFF, v14;
	[tilespmem:$0x50D0] =	vst v19  }
0x30: {  	v23 =	vld [tilespmem:$0x90];
	v22 =	vshra.s32 v14, $0xE;
	[tilespmem:$0x5060] =	vst v21  }
0x31: {  	v24 =	vand.u32 $0x3FFF, v17;
	[tilespmem:$0x50E0] =	vst v22  }
0x32: {  	v26 =	vld [tilespmem:$0xA0];
	v25 =	vshra.s32 v17, $0xE;
	[tilespmem:$0x5070] =	vst v24  }
0x33: {  	v27 =	vand.u32 $0x3FFF, v20;
	[tilespmem:$0x50F0] =	vst v25  }
0x34: {  	v29 =	vld [tilespmem:$0xB0];
	v28 =	vshra.s32 v20, $0xE;
	[tilespmem:$0x5100] =	vst v27  }
0x35: {  	v30 =	vand.u32 $0x3FFF, v23;
	[tilespmem:$0x5180] =	vst v28  }
0x36: {  	v32 =	vld [tilespmem:$0xC0];
	v31 =	vshra.s32 v23, $0xE;
	[tilespmem:$0x5110] =	vst v30  }
0x37: {  	v33 =	vand.u32 $0x3FFF, v26;
	[tilespmem:$0x5190] =	vst v31  }
0x38: {  	v35 =	vld [tilespmem:$0xD0];
	v34 =	vshra.s32 v26, $0xE;
	[tilespmem:$0x5120] =	vst v33  }
0x39: {  	v36 =	vand.u32 $0x3FFF, v29;
	[tilespmem:$0x51A0] =	vst v34  }
0x3a: {  	v38 =	vld [tilespmem:$0xE0];
	v37 =	vshra.s32 v29, $0xE;
	[tilespmem:$0x5130] =	vst v36  }
0x3b: {  	v39 =	vand.u32 $0x3FFF, v32;
	[tilespmem:$0x51B0] =	vst v37  }
0x3c: {  	v41 =	vld [tilespmem:$0xF0];
	v40 =	vshra.s32 v32, $0xE;
	[tilespmem:$0x5140] =	vst v39  }
0x3d: {  	v42 =	vand.u32 $0x3FFF, v35;
	[tilespmem:$0x51C0] =	vst v40  }
0x3e: {  	v43 =	vshra.s32 v35, $0xE;
	[tilespmem:$0x5150] =	vst v42  }
0x3f: {  	v44 =	vand.u32 $0x3FFF, v38;
	[tilespmem:$0x51D0] =	vst v43  }
0x40: {  	v45 =	vshra.s32 v38, $0xE;
	[tilespmem:$0x5160] =	vst v44  }
0x41: {  	v46 =	vand.u32 $0x3FFF, v41;
	[tilespmem:$0x51E0] =	vst v45  }
0x42: {  	v47 =	vshra.s32 v41, $0xE;
	[tilespmem:$0x5170] =	vst v46  }
0x43: {  	[tilespmem:$0x51F0] =	vst v47  }
0x44: {  	[tilespmem:s20], [sflag:$0x1] =	stream.indirect.gather [spmem:s3], $0x40, s19, s18, $0xb8;
	[tilespmem:$0x1D200] =	vst v63  }
0x45: {  	_ = 	snop  }
0x46: {  	[tilespmem:s22], [sflag:$0x2] =	stream.indirect.gather [spmem:s3], $0x40, s21, s18, $0xb8;
	[tilespmem:$0x1D200] =	vst v63  }
0x47: {  	_ =	swait.ge [sflag:s15], $0x2000  }
0x48: {  	[sflag:s15] =	ssyncset.done $0x0  }
0x49: {  	[sflag:s15] =	ssyncadd.s32 $0xFFFFE000  }
0x4a: {  	[spmem:s2] =	stream.indirect.scatter.add.f32 [tilespmem:s20], [sflag:$0x3], $0x40, s23, s18, $0xb8;
	[tilespmem:$0x1D200] =	vst v63  }
0x4b: {  	_ =	swait.ge [sflag:s16], $0x2000  }
0x4c: {  	[sflag:s16] =	ssyncset.done $0x0  }
0x4d: {  	[sflag:s16] =	ssyncadd.s32 $0xFFFFE000  }
0x4e: {  	_ =	swait.ge [sflag:s17], $0x2000  }
0x4f: {  	s29 =	smin.u32 s4, $0x9D;
	[sflag:s17] =	ssyncset.done $0x0  }
0x50: {  	s29 =	sshll.u32 s29, $0x7;
	[sflag:s17] =	ssyncadd.s32 $0xFFFFE000  }
0x51: {  	v48 =	vld [tilespmem:s29+$0x100];
	_ =	sdelay $0x4  }
0x52: {  	v49 =	vand.u32 $0x3FFF, v48  }
0x53: {  	v0 =	vshra.s32 v48, $0xE;
	[tilespmem:$0x5000] =	vst v49  }
0x54: {  	[tilespmem:$0x5080] =	vst v0  }
0x55: {  	v0 =	vld [tilespmem:s29+$0x110];
	_ =	sdelay $0x4  }
0x56: {  	v50 =	vand.u32 $0x3FFF, v0  }
0x57: {  	v0 =	vshra.s32 v0, $0xE;
	[tilespmem:$0x5010] =	vst v50  }
0x58: {  	[tilespmem:$0x5090] =	vst v0  }
0x59: {  	v0 =	vld [tilespmem:s29+$0x120];
	_ =	sdelay $0x4  }
0x5a: {  	v51 =	vand.u32 $0x3FFF, v0  }
0x5b: {  	v0 =	vshra.s32 v0, $0xE;
	[tilespmem:$0x5020] =	vst v51  }
0x5c: {  	[tilespmem:$0x50A0] =	vst v0  }
0x5d: {  	v0 =	vld [tilespmem:s29+$0x130];
	_ =	sdelay $0x4  }
0x5e: {  	v52 =	vand.u32 $0x3FFF, v0  }
0x5f: {  	v0 =	vshra.s32 v0, $0xE;
	[tilespmem:$0x5030] =	vst v52  }
0x60: {  	[tilespmem:$0x50B0] =	vst v0  }
0x61: {  	v0 =	vld [tilespmem:s29+$0x140];
	_ =	sdelay $0x4  }
0x62: {  	v53 =	vand.u32 $0x3FFF, v0  }
0x63: {  	v0 =	vshra.s32 v0, $0xE;
	[tilespmem:$0x5040] =	vst v53  }
0x64: {  	[tilespmem:$0x50C0] =	vst v0  }
0x65: {  	v0 =	vld [tilespmem:s29+$0x150];
	_ =	sdelay $0x4  }
0x66: {  	v54 =	vand.u32 $0x3FFF, v0  }
0x67: {  	v0 =	vshra.s32 v0, $0xE;
	[tilespmem:$0x5050] =	vst v54  }
0x68: {  	[tilespmem:$0x50D0] =	vst v0  }
0x69: {  	v0 =	vld [tilespmem:s29+$0x160];
	_ =	sdelay $0x4  }
0x6a: {  	v55 =	vand.u32 $0x3FFF, v0  }
0x6b: {  	v0 =	vshra.s32 v0, $0xE;
	[tilespmem:$0x5060] =	vst v55  }
0x6c: {  	[tilespmem:$0x50E0] =	vst v0  }
0x6d: {  	v0 =	vld [tilespmem:s29+$0x170];
	_ =	sdelay $0x4  }
0x6e: {  	v56 =	vand.u32 $0x3FFF, v0  }
0x6f: {  	v0 =	vshra.s32 v0, $0xE;
	[tilespmem:$0x5070] =	vst v56  }
0x70: {  	[tilespmem:$0x50F0] =	vst v0  }
0x71: {  	[tilespmem:s20], [sflag:$0x1] =	stream.indirect.gather [spmem:s3], $0x40, s19, s18, $0xb8;
	[tilespmem:$0x1D200] =	vst v63  }
0x72: {  	_ = 	snop  }
0x73: {  	[spmem:s2] =	stream.indirect.scatter.add.f32 [tilespmem:s22], [sflag:$0x4], $0x40, s24, s18, $0xb8;
	[tilespmem:$0x1D200] =	vst v63  }
0x74: {  	_ =	swait.ge [sflag:s25], $0x2000  }
0x75: {  	s29 =	smin.u32 s4, $0x9C;
	[sflag:s25] =	ssyncset.done $0x0  }
0x76: {  	s30 =	sshll.u32 s29, $0x7;
	[sflag:s25] =	ssyncadd.s32 $0xFFFFE000  }
0x77: {  	v57 =	vld [tilespmem:s30+$0x180];
	_ =	sdelay $0x4  }
0x78: {  	v58 =	vand.u32 $0x3FFF, v57  }
0x79: {  	v0 =	vshra.s32 v57, $0xE;
	[tilespmem:$0x5100] =	vst v58  }
0x7a: {  	[tilespmem:$0x5180] =	vst v0  }
0x7b: {  	v0 =	vld [tilespmem:s30+$0x190];
	_ =	sdelay $0x4  }
0x7c: {  	v59 =	vand.u32 $0x3FFF, v0  }
0x7d: {  	v0 =	vshra.s32 v0, $0xE;
	[tilespmem:$0x5110] =	vst v59  }
0x7e: {  	[tilespmem:$0x5190] =	vst v0  }
0x7f: {  	v0 =	vld [tilespmem:s30+$0x1A0];
	_ =	sdelay $0x4  }
0x80: {  	v60 =	vand.u32 $0x3FFF, v0  }
0x81: {  	v0 =	vshra.s32 v0, $0xE;
	[tilespmem:$0x5120] =	vst v60  }
0x82: {  	[tilespmem:$0x51A0] =	vst v0  }
0x83: {  	v0 =	vld [tilespmem:s30+$0x1B0];
	_ =	sdelay $0x4  }
0x84: {  	v61 =	vand.u32 $0x3FFF, v0  }
0x85: {  	v0 =	vshra.s32 v0, $0xE;
	[tilespmem:$0x5130] =	vst v61  }
0x86: {  	[tilespmem:$0x51B0] =	vst v0  }
0x87: {  	v0 =	vld [tilespmem:s30+$0x1C0];
	_ =	sdelay $0x4  }
0x88: {  	v62 =	vand.u32 $0x3FFF, v0  }
0x89: {  	v0 =	vshra.s32 v0, $0xE;
	[tilespmem:$0x5140] =	vst v62  }
0x8a: {  	[tilespmem:$0x51C0] =	vst v0  }
0x8b: {  	v0 =	vld [tilespmem:s30+$0x1D0];
	_ =	sdelay $0x4  }
0x8c: {  	v63 =	vand.u32 $0x3FFF, v0  }
0x8d: {  	v0 =	vshra.s32 v0, $0xE;
	[tilespmem:$0x5150] =	vst v63  }
0x8e: {  	s29 =	simm.s32 $0x2;
	[tilespmem:$0x51D0] =	vst v0  }
.LBB2_2:
0x8f: {  	p0 =	sne.s32 s29, $0x9E;
	v0 =	vld [tilespmem:s30+$0x1E0];
	s31 =	smov.u32 s29;
	s29 =	sadd.s32 $0x2, s29  }
0x90: {  	_ =	sdelay $0x3  }
0x91: {  	v1 =	vand.u32 $0x3FFF, v0;
	v0 =	vshra.s32 v0, $0xE  }
0x92: {  	[tilespmem:$0x5160] =	vst v1  }
0x93: {  	[tilespmem:$0x51E0] =	vst v0  }
0x94: {  	v0 =	vld [tilespmem:s30+$0x1F0];
	_ =	sdelay $0x4  }
0x95: {  	v1 =	vand.u32 $0x3FFF, v0;
	v0 =	vshra.s32 v0, $0xE  }
0x96: {  	[tilespmem:$0x5170] =	vst v1  }
0x97: {  	[tilespmem:$0x51F0] =	vst v0  }
0x98: {  	[tilespmem:s22], [sflag:$0x2] =	stream.indirect.gather [spmem:s3], $0x40, s21, s18, $0xb8;
	[tilespmem:$0x1D200] =	vst v63  }
0x99: {  	_ =	swait.ge [sflag:s15], $0x2000  }
0x9a: {  	[sflag:s15] =	ssyncset.done $0x0  }
0x9b: {  	[sflag:s15] =	ssyncadd.s32 $0xFFFFE000  }
0x9c: {  	[spmem:s2] =	stream.indirect.scatter.add.f32 [tilespmem:s20], [sflag:$0x3], $0x40, s23, s18, $0xb8;
	[tilespmem:$0x1D200] =	vst v63  }
0x9d: {  	_ =	swait.ge [sflag:s16], $0x2000  }
0x9e: {  	[sflag:s16] =	ssyncset.done $0x0  }
0x9f: {  	[sflag:s16] =	ssyncadd.s32 $0xFFFFE000  }
0xa0: {  	_ =	swait.ge [sflag:s17], $0x2000  }
0xa1: {  	s30 =	smin.u32 s31, $0x9D;
	[sflag:s17] =	ssyncset.done $0x0  }
0xa2: {  	s30 =	sshll.u32 s30, $0x7;
	[sflag:s17] =	ssyncadd.s32 $0xFFFFE000  }
0xa3: {  	v0 =	vld [tilespmem:s30+$0x100];
	_ =	sdelay $0x4  }
0xa4: {  	v1 =	vand.u32 $0x3FFF, v0;
	v0 =	vshra.s32 v0, $0xE  }
0xa5: {  	[tilespmem:$0x5000] =	vst v1  }
0xa6: {  	[tilespmem:$0x5080] =	vst v0  }
0xa7: {  	v0 =	vld [tilespmem:s30+$0x110];
	_ =	sdelay $0x4  }
0xa8: {  	v1 =	vand.u32 $0x3FFF, v0;
	v0 =	vshra.s32 v0, $0xE  }
0xa9: {  	[tilespmem:$0x5010] =	vst v1  }
0xaa: {  	[tilespmem:$0x5090] =	vst v0  }
0xab: {  	v0 =	vld [tilespmem:s30+$0x120];
	_ =	sdelay $0x4  }
0xac: {  	v1 =	vand.u32 $0x3FFF, v0;
	v0 =	vshra.s32 v0, $0xE  }
0xad: {  	[tilespmem:$0x5020] =	vst v1  }
0xae: {  	[tilespmem:$0x50A0] =	vst v0  }
0xaf: {  	v0 =	vld [tilespmem:s30+$0x130];
	_ =	sdelay $0x4  }
0xb0: {  	v1 =	vand.u32 $0x3FFF, v0;
	v0 =	vshra.s32 v0, $0xE  }
0xb1: {  	[tilespmem:$0x5030] =	vst v1  }
0xb2: {  	[tilespmem:$0x50B0] =	vst v0  }
0xb3: {  	v0 =	vld [tilespmem:s30+$0x140];
	_ =	sdelay $0x4  }
0xb4: {  	v1 =	vand.u32 $0x3FFF, v0;
	v0 =	vshra.s32 v0, $0xE  }
0xb5: {  	[tilespmem:$0x5040] =	vst v1  }
0xb6: {  	[tilespmem:$0x50C0] =	vst v0  }
0xb7: {  	v0 =	vld [tilespmem:s30+$0x150];
	_ =	sdelay $0x4  }
0xb8: {  	v1 =	vand.u32 $0x3FFF, v0;
	v0 =	vshra.s32 v0, $0xE  }
0xb9: {  	[tilespmem:$0x5050] =	vst v1  }
0xba: {  	[tilespmem:$0x50D0] =	vst v0  }
0xbb: {  	v0 =	vld [tilespmem:s30+$0x160];
	_ =	sdelay $0x4  }
0xbc: {  	v1 =	vand.u32 $0x3FFF, v0;
	v0 =	vshra.s32 v0, $0xE  }
0xbd: {  	[tilespmem:$0x5060] =	vst v1  }
0xbe: {  	[tilespmem:$0x50E0] =	vst v0  }
0xbf: {  	v0 =	vld [tilespmem:s30+$0x170];
	_ =	sdelay $0x3  }
0xc0: {  	s30 =	smin.u32 s31, $0x9C  }
0xc1: {  	s30 =	sshll.u32 s30, $0x7;
	v1 =	vand.u32 $0x3FFF, v0;
	v0 =	vshra.s32 v0, $0xE  }
0xc2: {  	[tilespmem:$0x5070] =	vst v1  }
0xc3: {  	[tilespmem:$0x50F0] =	vst v0  }
0xc4: {  	[tilespmem:s20], [sflag:$0x1] =	stream.indirect.gather [spmem:s3], $0x40, s19, s18, $0xb8;
	[tilespmem:$0x1D200] =	vst v63  }
0xc5: {  	_ = 	snop  }
0xc6: {  	[spmem:s2] =	stream.indirect.scatter.add.f32 [tilespmem:s22], [sflag:$0x4], $0x40, s24, s18, $0xb8;
	[tilespmem:$0x1D200] =	vst v63  }
0xc7: {  	_ =	swait.ge [sflag:s25], $0x2000  }
0xc8: {  	[sflag:s25] =	ssyncset.done $0x0  }
0xc9: {  	[sflag:s25] =	ssyncadd.s32 $0xFFFFE000  }
0xca: {  	v0 =	vld [tilespmem:s30+$0x180];
	_ =	sdelay $0x4  }
0xcb: {  	v1 =	vand.u32 $0x3FFF, v0;
	v0 =	vshra.s32 v0, $0xE  }
0xcc: {  	[tilespmem:$0x5100] =	vst v1  }
0xcd: {  	[tilespmem:$0x5180] =	vst v0  }
0xce: {  	v0 =	vld [tilespmem:s30+$0x190];
	_ =	sdelay $0x4  }
0xcf: {  	v1 =	vand.u32 $0x3FFF, v0;
	v0 =	vshra.s32 v0, $0xE  }
0xd0: {  	[tilespmem:$0x5110] =	vst v1  }
0xd1: {  	[tilespmem:$0x5190] =	vst v0  }
0xd2: {  	v0 =	vld [tilespmem:s30+$0x1A0];
	_ =	sdelay $0x4  }
0xd3: {  	v1 =	vand.u32 $0x3FFF, v0;
	v0 =	vshra.s32 v0, $0xE  }
0xd4: {  	[tilespmem:$0x5120] =	vst v1  }
0xd5: {  	[tilespmem:$0x51A0] =	vst v0  }
0xd6: {  	v0 =	vld [tilespmem:s30+$0x1B0];
	_ =	sdelay $0x4  }
0xd7: {  	v1 =	vand.u32 $0x3FFF, v0;
	v0 =	vshra.s32 v0, $0xE  }
0xd8: {  	[tilespmem:$0x5130] =	vst v1  }
0xd9: {  	[tilespmem:$0x51B0] =	vst v0  }
0xda: {  	v0 =	vld [tilespmem:s30+$0x1C0];
	_ =	sdelay $0x4  }
0xdb: {  	v1 =	vand.u32 $0x3FFF, v0;
	v0 =	vshra.s32 v0, $0xE  }
0xdc: {  	[tilespmem:$0x5140] =	vst v1  }
0xdd: {  	[tilespmem:$0x51C0] =	vst v0  }
0xde: {  	v0 =	vld [tilespmem:s30+$0x1D0];
	_ =	sdelay $0x2  }
.Ltmp0:
0xdf: {  	(pc) =	sbr.rel @p0 .LBB2_2-.Ltmp0, $4  }
0xe0: {  	_ = 	snop  }
0xe1: {  	v1 =	vand.u32 $0x3FFF, v0;
	v0 =	vshra.s32 v0, $0xE  }
0xe2: {  	[tilespmem:$0x5150] =	vst v1  }
0xe3: {  	[tilespmem:$0x51D0] =	vst v0  }
0xe4: {  	v0 =	vld [tilespmem:s30+$0x1E0];
	_ =	sdelay $0x4  }
0xe5: {  	v1 =	vand.u32 $0x3FFF, v0  }
0xe6: {  	v0 =	vshra.s32 v0, $0xE;
	[tilespmem:$0x5160] =	vst v1  }
0xe7: {  	[tilespmem:$0x51E0] =	vst v0  }
0xe8: {  	v0 =	vld [tilespmem:s30+$0x1F0];
	_ =	sdelay $0x4  }
0xe9: {  	v63 =	vand.u32 $0x3FFF, v0  }
0xea: {  	v0 =	vshra.s32 v0, $0xE;
	[tilespmem:$0x5170] =	vst v63  }
0xeb: {  	[tilespmem:$0x51F0] =	vst v0  }
0xec: {  	[tilespmem:s22], [sflag:$0x2] =	stream.indirect.gather [spmem:s3], $0x40, s21, s18, $0xb8;
	[tilespmem:$0x1D200] =	vst v63  }
0xed: {  	_ =	swait.ge [sflag:s15], $0x2000  }
0xee: {  	[sflag:s15] =	ssyncset.done $0x0  }
0xef: {  	[sflag:s15] =	ssyncadd.s32 $0xFFFFE000  }
0xf0: {  	_ =	swait.ge [sflag:s16], $0x2000  }
0xf1: {  	s28 =	sadd.s32 $0x1, s28;
	[sflag:s16] =	ssyncset.done $0x0  }
0xf2: {  	p0 =	sne.s32 s28, s11;
	[sflag:s16] =	ssyncadd.s32 $0xFFFFE000  }
.Ltmp1:
0xf3: {  	s29 =	sor.u32 $0x1C05, s5;
	[bflag:$0x0] =	sbarrier.arrive $0xFFFF;
	(pc) =	sbr.rel @p0 .LBB2_1-.Ltmp1, $4  }
0xf4: {  	[hbm:s10], [sflag:s29] =	dma.local [spmem:s12], $0x1400  }
0xf5: {  	_ =	swait.ge [sflag:s26], $0x1400  }
0xf6: {  	[sflag:s26] =	ssyncset.done $0x0  }
0xf7: {  	[sflag:s26] =	ssyncadd.s32 $0xFFFFEC00  }
0xf8: {  	_ =	sfence.sel $0x180000  }
0xf9: {  	[bflag:$0x0] =	sbarrier.arrive $0xFFFF  }
0xfa: {  	p0 =	sne.s32 s1, $0x0;
	_ =	strace $0x9000004D  }
0xfb: {  	s0 =	sadd.s32 @!p0 $0x100000, s0;
	[bflag:$0x2] =	sbarrier.arrive $0xFFFF  }
0xfc: {  	[sflag:s0] =	ssyncadd.tile.s32 @!p0 $0x1;
	_ =	shalt  }
.Lfunc_end2:
_tile_overlayer_lowered:
.L_overlay_start_2:
0xfd: {  	(tag) =	ssettag $0x2  }
0xfe: {  	s0 =	rddreg [dreg:$0x0];
	s2 =	stileid.u32  }
0xff: {  	s1 =	rddreg [dreg:$0x1];
	p0 =	sne.s32 s2, $0x0  }
0x100: {  	s3 =	rddreg [dreg:$0x2];
	[bflag:$0x3] =	sbarrier.arrive $0xFFFF;
	s2 =	simm.s32 @!p0 $0x1C05  }
0x101: {  	[timem:s3], [sflag:s2] =	dma.local @!p0 [hbm:s0], s1  }
0x102: {  	s0 =	simm.s32 @!p0 $0x5  }
0x103: {  	_ =	swait.ge @!p0 [sflag:s0], s1  }
0x104: {  	s1 =	ssub.s32 @!p0 $0x0, s1;
	[sflag:s0] =	ssyncset.done @!p0 $0x0  }
0x105: {  	[sflag:s0] =	ssyncadd.s32 @!p0 s1  }
0x106: {  	[bflag:$0x3] =	sbarrier.arrive $0xFFFF  }
0x107: {  	_ =	shalt  }

// kernel: kernel.20.cloned.1.call-start
scs
__scs_entry_jumppad:
0x0: {  	(pc) =	sbr.rel $0x88, $3  }
0x1: {  	(tag) =	ssettag $0x0;
	lr =	simm.s32 $0x1  }
0x2: {  	[smem:$0x3F99] =	sst lr;
	_ =	strace $0xD0000000  }
0x3: {  	_ = 	snop  }
0x4: {  	_ = 	snop  }
0x5: {  	_ = 	snop  }
0x6: {  	_ = 	snop  }
0x7: {  	_ = 	snop  }
__scs_overlays_trampoline_lowered:
0x8: {  	[smem:$0x3FA8] =	sst s0  }
0x9: {  	[smem:$0x3FA9] =	sst s1  }
0xa: {  	[smem:$0x3FAA] =	sst s2  }
0xb: {  	[smem:$0x3FAB] =	sst s3  }
0xc: {  	[smem:$0x3FAC] =	sst s4  }
0xd: {  	[smem:$0x3FAD] =	sst s5  }
0xe: {  	[smem:$0x3FAE] =	sst s6  }
0xf: {  	[smem:$0x3FAF] =	sst s7  }
0x10: {  	[smem:$0x3FB0] =	sst s8  }
0x11: {  	[smem:$0x3FB1] =	sst s9;
	s0 =	simm.s32 @!p0 $0x0  }
0x12: {  	s1 =	sld [smem:$0x3F97];
	s0 =	simm.s32 @p0 $0x1  }
0x13: {  	[smem:$0x3FB2] =	sst s0;
	s0 =	simm.s32 @!p1 $0x0  }
0x14: {  	s2 =	sld [smem:$0x3F96];
	s0 =	simm.s32 @p1 $0x1  }
0x15: {  	[smem:$0x3FB3] =	sst s0;
	s0 =	simm.s32 @!p2 $0x0  }
0x16: {  	s3 =	sld [smem:$0x3FDB];
	s0 =	simm.s32 @p2 $0x1  }
0x17: {  	s4 =	simm.s32 $0x1BF5;
	[smem:$0x3FB5] =	sst s0  }
0x18: {  	s0 =	sld [smem:$0x3F98];
	_ =	swait.ge [sflag:s4], $0x0  }
0x19: {  	s7 =	sld [smem:$0x3F99]  }
0x1a: {  	s8 =	sadd.s32 $0xFFFFE003, lr  }
0x1b: {  	s9 =	sadd.s32 $0xFFFFFEF7, lr;
	s5 =	simm.s32 $0xFFFFFFFF;
	p2 =	slt.u32 s8, $0xFFFFF086  }
0x1c: {  	p1 =	slt.u32 s9, $0xF7A;
	s5 =	simm.s32 @!p2 $0x0  }
0x1d: {  	s5 =	simm.s32 @p1 $0x1;
	p0 =	seq.s32 s7, s2  }
0x1e: {  	s7 =	smul.u32 @!p0 $0xF7A, s2;
	p2 =	seq.s32 @!p0 s5, $0x0  }
0x1f: {  	s9 =	smul.u32 $0xF7A, s1;
	s8 =	simm.s32 @!p0 $0x1BF5;
	p2 =	por !p2, p0  }
0x20: {  	[sflag:s8] =	ssyncset.s32 @!p0 $0xFFFFF086;
	s6 =	sadd.s32 @!p0 s3, s7;
	s7 =	simm.s32 @!p0 $0x108  }
0x21: {  	s3 =	sadd.s32 s3, s9;
	s6 =	sadd.s32 @!p0 $0x88, s6;
	s7 =	simm.s32 @p2 $0x1082  }
0x22: {  	[simem:s7], [sflag:s8] =	dma.local @!p0 [hbm:s6], $0xF7A  }
0x23: {  	s9 =	sor.u32 $0xD0000000, s2;
	s6 =	simm.s32 $0x108;
	_ =	swait.ge @!p0 [sflag:s8], $0x0  }
0x24: {  	s3 =	sadd.s32 $0x88, s3;
	s6 =	simm.s32 @!p1 $0x1082;
	[sflag:s4] =	ssyncset.s32 $0xFFFFF086  }
0x25: {  	[simem:s6], [sflag:s4] =	dma.local [hbm:s3], $0xF7A  }
0x26: {  	[smem:$0x3F99] =	sst s1;
	(tag) =	ssettag s2;
	_ =	strace s9  }
0x27: {  	s1 =	sld [smem:$0x3FA9]  }
0x28: {  	s2 =	sld [smem:$0x3FAA]  }
0x29: {  	s4 =	sld [smem:$0x3FAC]  }
0x2a: {  	p0 =	seq.s32 s5, $0x0;
	s5 =	sld [smem:$0x3FAD]  }
0x2b: {  	s6 =	sld [smem:$0x3FAE]  }
0x2c: {  	s7 =	sld [smem:$0x3FAF]  }
0x2d: {  	s3 =	simm.s32 $0x108;
	s8 =	sld [smem:$0x3FB0]  }
0x2e: {  	s3 =	simm.s32 @!p0 $0x1082;
	s9 =	sld [smem:$0x3FB1]  }
0x2f: {  	lr =	sadd.s32 s0, s3;
	s0 =	sld [smem:$0x3FA8]  }
0x30: {  	s3 =	sld [smem:$0x3FAB]  }
0x31: {  	[smem:$0x3FB4] =	sst s10  }
0x32: {  	s10 =	sld [smem:$0x3FB2];
	_ =	sdelay $0x3  }
0x33: {  	p0 =	seq.s32 s10, $0x1;
	s10 =	sld [smem:$0x3FB4];
	_ =	sdelay $0x3  }
0x34: {  	[smem:$0x3FB4] =	sst s10  }
0x35: {  	s10 =	sld [smem:$0x3FB3];
	_ =	sdelay $0x3  }
0x36: {  	p1 =	seq.s32 s10, $0x1;
	s10 =	sld [smem:$0x3FB4];
	_ =	sdelay $0x3  }
0x37: {  	[smem:$0x3FB4] =	sst s10  }
0x38: {  	s10 =	sld [smem:$0x3FB5]  }
0x39: {  	_ = 	snop;
	(pc) =	sbr.ind lr, $3  }
0x3a: {  	_ = 	snop  }
0x3b: {  	_ = 	snop  }
0x3c: {  	p2 =	seq.s32 s10, $0x1;
	s10 =	sld [smem:$0x3FB4]  }
0x3d: {  	_ =	shalt  }
0x3e: {  	_ =	shalt  }
0x3f: {  	_ =	shalt  }
0x40: {  	_ =	shalt  }
0x41: {  	_ =	shalt  }
0x42: {  	_ =	shalt  }
0x43: {  	_ =	shalt  }
0x44: {  	_ =	shalt  }
0x45: {  	_ =	shalt  }
0x46: {  	_ =	shalt  }
0x47: {  	_ =	shalt  }
0x48: {  	_ =	shalt  }
0x49: {  	_ =	shalt  }
0x4a: {  	_ =	shalt  }
0x4b: {  	_ =	shalt  }
0x4c: {  	_ =	shalt  }
0x4d: {  	_ =	shalt  }
0x4e: {  	_ =	shalt  }
0x4f: {  	_ =	shalt  }
0x50: {  	_ =	shalt  }
0x51: {  	_ =	shalt  }
0x52: {  	_ =	shalt  }
0x53: {  	_ =	shalt  }
0x54: {  	_ =	shalt  }
0x55: {  	_ =	shalt  }
0x56: {  	_ =	shalt  }
0x57: {  	_ =	shalt  }
0x58: {  	_ =	shalt  }
0x59: {  	_ =	shalt  }
0x5a: {  	_ =	shalt  }
0x5b: {  	_ =	shalt  }
0x5c: {  	_ =	shalt  }
0x5d: {  	_ =	shalt  }
0x5e: {  	_ =	shalt  }
0x5f: {  	_ =	shalt  }
0x60: {  	_ =	shalt  }
0x61: {  	_ =	shalt  }
0x62: {  	_ =	shalt  }
0x63: {  	_ =	shalt  }
0x64: {  	_ =	shalt  }
0x65: {  	_ =	shalt  }
0x66: {  	_ =	shalt  }
0x67: {  	_ =	shalt  }
0x68: {  	_ =	shalt  }
0x69: {  	_ =	shalt  }
0x6a: {  	_ =	shalt  }
0x6b: {  	_ =	shalt  }
0x6c: {  	_ =	shalt  }
0x6d: {  	_ =	shalt  }
0x6e: {  	_ =	shalt  }
0x6f: {  	_ =	shalt  }
0x70: {  	_ =	shalt  }
0x71: {  	_ =	shalt  }
0x72: {  	_ =	shalt  }
0x73: {  	_ =	shalt  }
0x74: {  	_ =	shalt  }
0x75: {  	_ =	shalt  }
0x76: {  	_ =	shalt  }
0x77: {  	_ =	shalt  }
0x78: {  	_ =	shalt  }
0x79: {  	_ =	shalt  }
0x7a: {  	_ =	shalt  }
0x7b: {  	_ =	shalt  }
0x7c: {  	_ =	shalt  }
0x7d: {  	_ =	shalt  }
0x7e: {  	_ =	shalt  }
0x7f: {  	_ =	shalt  }
0x80: {  	_ =	shalt  }
0x81: {  	_ =	shalt  }
0x82: {  	_ =	shalt  }
0x83: {  	_ =	shalt  }
0x84: {  	_ =	shalt  }
0x85: {  	_ =	shalt  }
0x86: {  	_ =	shalt  }
0x87: {  	_ =	shalt  }
.Lfunc_end0:
.L_simem_size_0:
called_computation.3_lowered:
.L_overlay_start_0:
0x88: {  	s2 =	sld [smem:$0x3FD9]  }
0x89: {  	s3 =	sld [smem:$0x3FFE];
	_ =	sdelay $0x1  }
0x8a: {  	s1 =	srdreg.scid  }
0x8b: {  	s0 =	sand.u32 $0x1, s1  }
0x8c: {  	s16 =	sshll.u32 s0, $0xA;
	s2 =	sadd.s32 s3, s2  }
0x8d: {  	s2 =	sadd.s32 s2, s16  }
0x8e: {  	[smem:$0x3FC0] =	sst s2  }
0x8f: {  	_ = 	snop  }
0x90: {  	(tm) =	ssettm $0x1  }
0x91: {  	s17 =	sld [smem:$0x3FFB];
	_ =	sdelay $0x3  }
0x92: {  	_ =	strace s17  }
0x93: {  	s2 =	sld [smem:$0x3FFC];
	_ =	sdelay $0x3  }
0x94: {  	_ =	strace s2  }
0x95: {  	s2 =	sld [smem:$0x3FFD];
	_ =	sdelay $0x3  }
0x96: {  	_ =	strace s2  }
0x97: {  	_ =	strace $0x8FFFFFFF  }
0x98: {  	s18 =	sld [smem:$0x3FDB];
	_ =	sdelay $0x1  }
0x99: {  	s19 =	simm.s32 $_scs_section_size  }
0x9a: {  	s4 =	simm.s32 $_size__tile_overlayer_lowered;
	s5 =	simm.s32 $_tile_overlayer_lowered  }
0x9b: {  	s22 =	simm.s32 $0x1BFF;
	s21 =	sshll.u32 s5, $0x1;
	s2 =	sadd.s32 s19, s18  }
0x9c: {  	s6 =	simm.s32 $0x0;
	s20 =	sshll.u32 s4, $0x1;
	s4 =	sadd.s32 s21, s2  }
0x9d: {  	[timem:s6], [sflag:s22] =	dma.local [hbm:s4], s20  }
0x9e: {  	_ =	swait.ge [sflag:s22], s20  }
0x9f: {  	s3 =	ssub.s32 $0x0, s20;
	[sflag:s22] =	ssyncset.done $0x0  }
0xa0: {  	[sflag:s22] =	ssyncadd.s32 s3;
	_ =	sdelay $0x1  }
0xa1: {  	s23 =	simm.s32 $0x1B8B  }
0xa2: {  	_ =	swait.ge [sflag:s23], $0x1  }
0xa3: {  	[sflag:s23] =	ssyncset.done $0x0  }
0xa4: {  	s25 =	simm.s32 $0x1B8E;
	s24 =	sld [smem:$0x3FFE];
	[sflag:s23] =	ssyncadd.s32 $0xFFFFFFFF  }
0xa5: {  	s26 =	simm.s32 $execute0_lowered;
	[smem:$0x3FD2] =	sst s25  }
0xa6: {  	s4 =	sshll.u32 s26, $0x1;
	_ =	strace $0x8000004F;
	[dreg:$0x1] =	wrdreg $0xFFFFFFFF  }
0xa7: {  	s28 =	simm.s32 $_size_execute0_lowered;
	s2 =	sadd.s32 s2, s4;
	[dreg:$0x0] =	wrdreg $0x0  }
0xa8: {  	s4 =	sshll.u32 s28, $0x1;
	[dreg:$0x2] =	wrdreg s2  }
0xa9: {  	[dreg:$0x3] =	wrdreg s4  }
0xaa: {  	[dreg:$0x4] =	wrdreg $0xC0  }
0xab: {  	_ =	task [dreg:s6], $0x5FFFF  }
0xac: {  	[dreg:$0x1] =	wrdreg $0xFFFFFFFF  }
0xad: {  	[dreg:$0x0] =	wrdreg $0x60  }
0xae: {  	[dreg:$0x2] =	wrdreg s24  }
0xaf: {  	[dreg:$0x3] =	wrdreg $0x62000  }
0xb0: {  	[dreg:$0x4] =	wrdreg $0x3A000  }
0xb1: {  	[dreg:$0x5] =	wrdreg $0x9  }
0xb2: {  	_ =	task.clear_ibuf [dreg:s6], $0x6FFFF;
	_ =	strace $0x9000004F  }
0xb3: {  	s29 =	simm.s32 $0x9;
	_ =	strace $0x80000051  }
0xb4: {  	_ =	swait.ge [sflag:s29], $0x1  }
0xb5: {  	[sflag:s29] =	ssyncadd.s32 $0xFFFFFFFF  }
0xb6: {  	_ =	strace $0x90000051  }
0xb7: {  	_ =	sfence  }
0xb8: {  	s30 =	sld [smem:$0x0];
	_ =	sdelay $0x2  }
0xb9: {  	s31 =	sshll.u32 s1, $0xD;
	s1 =	sshrl.u32 s1, $0x2  }
0xba: {  	s3 =	sand.u32 $0x4000, s31;
	s1 =	sadd.s32 s1, s30  }
0xbb: {  	s0 =	sor.u32 s3, s0;
	s1 =	sshll.u32 s1, $0x11  }
0xbc: {  	s0 =	sor.u32 s1, s0  }
0xbd: {  	s0 =	sadd.s32 $0x8F2B, s0  }
0xbe: {  	[sflag:s0] =	ssyncadd.remote.s32 $0x1  }
0xbf: {  	_ =	sfence.sel $0xFFFF  }
0xc0: {  	[dreg:$0x0] =	wrdreg $0xFFFFFFFF;
	(pc) =	sbr.abs _section_cstart, $3  }
0xc1: {  	[dreg:$0x1] =	wrdreg $0xFFFFFFFF  }
0xc2: {  	_ =	task.clear_ibuf [dreg:s6], $0x2FFFF;
	_ =	strace $0x9FFFFFFF  }
0xc3: {  	(tm) =	ssettm $0x7FFFFFFF  }
tec
execute0_lowered:
.L_overlay_start_1:
0x0: {  	(tag) =	ssettag $0x1  }
0x1: {  	s5 =	rddreg [dreg:$0x0]  }
0x2: {  	s2 =	rddreg [dreg:$0x1]  }
0x3: {  	s3 =	rddreg [dreg:$0x2]  }
0x4: {  	s0 =	rddreg [dreg:$0x3]  }
0x5: {  	s4 =	simm.s32 $0x0;
	s1 =	stileid.u32;
	s6 =	srdreg.scid  }
0x6: {  	s16 =	simm.s32 $0x2;
	s17 =	simm.s32 $0x3;
	s18 =	simm.s32 $0x80  }
0x7: {  	s19 =	simm.s32 $0x2800;
	s20 =	simm.s32 $0x2A00;
	s21 =	simm.s32 $0x2900  }
0x8: {  	s22 =	simm.s32 $0x3200;
	s23 =	simm.s32 $0x2880;
	s24 =	simm.s32 $0x2980  }
0x9: {  	s25 =	simm.s32 $0x4;
	s26 =	simm.s32 $0x5;
	s28 =	simm.s32 $0x0  }
0xa: {  	s8 =	smul.u32 $0x2800, s1;
	s6 =	sand.u32 $0x1, s6;
	s7 =	sshll.u32 s1, $0x1  }
0xb: {  	[smem:$0x7FF] =	sst s4;
	s7 =	sor.u32 s6, s7;
	s9 =	smul.u32 $0x28000, s6  }
0xc: {  	_ =	strace $0x80000050;
	s6 =	ssub.s32 $0x2, s6;
	s10 =	sshrl.u32 s8, $0x3  }
0xd: {  	s7 =	smul.u32 $0x500, s7;
	s31 =	sshrl.u32 s6, $0x1;
	s14 =	sadd.s32 s8, s2  }
0xe: {  	s15 =	sadd.s32 s8, s3;
	s10 =	sadd.s32 s10, s5;
	s9 =	sadd.s32 s8, s9  }
0xf: {  	s13 =	ssub.s32 s6, s31;
	s11 =	sadd.s32 s7, s5;
	s30 =	sshrl.u32 s9, $0x3  }
0x10: {  	s6 =	sadd.s32 $0x18400, s10;
	s8 =	sadd.s32 $0x4400, s10;
	s12 =	sadd.s32 s30, s5  }
0x11: {  	s5 =	sshll.u32 s1, $0x6;
	s9 =	sadd.s32 $0xE400, s11;
	s11 =	smax.u32 s13, $0x1  }
0x12: {  	s7 =	sor.u32 $0x1C01, s5;
	s10 =	sadd.s32 $0x1D400, s12;
	s12 =	sshrl.u32 s14, $0x3  }
0x13: {  	s13 =	sor.u32 $0x1C02, s5;
	s14 =	sshrl.u32 s15, $0x3;
	s15 =	simm.s32 $0x1  }
.LBB2_1:
0x14: {  	[spmem:s12], [sflag:s7] =	dma.local [hbm:s6], $0x500  }
0x15: {  	[spmem:s14], [sflag:s13] =	dma.local [hbm:s8], $0x500  }
0x16: {  	[tilespmem:s4], [sflag:$0x3] =	stream.linear.gather [hbm4b:s9+s4], $0x2800, $0x38;
	[tilespmem:$0x8A00] =	vst v63  }
0x17: {  	_ =	swait.ge [sflag:s15], $0x500  }
0x18: {  	[sflag:s15] =	ssyncset.done $0x0  }
0x19: {  	[sflag:s15] =	ssyncadd.s32 $0xFFFFFB00  }
0x1a: {  	_ =	swait.ge [sflag:s16], $0x500  }
0x1b: {  	[sflag:s16] =	ssyncset.done $0x0  }
0x1c: {  	[sflag:s16] =	ssyncadd.s32 $0xFFFFFB00  }
0x1d: {  	_ =	swait.ge [sflag:s17], $0x2800  }
0x1e: {  	[sflag:s17] =	ssyncset.done $0x0  }
0x1f: {  	[sflag:s17] =	ssyncadd.s32 $0xFFFFD800  }
0x20: {  	[bflag:$0x0] =	sbarrier.arrive $0xFFFF  }
0x21: {  	v0 =	vld [tilespmem:$0x0];
	_ =	sdelay $0x1  }
0x22: {  	v1 =	vld [tilespmem:$0x10];
	_ =	sdelay $0x1  }
0x23: {  	v2 =	vld [tilespmem:$0x20]  }
0x24: {  	v3 =	vand.u32 $0x3FFF, v0  }
0x25: {  	v63 =	vld [tilespmem:$0x30];
	v0 =	vshra.s32 v0, $0xE;
	[tilespmem:$0x2800] =	vst v3  }
0x26: {  	v6 =	vand.u32 $0x3FFF, v1;
	[tilespmem:$0x2880] =	vst v0  }
0x27: {  	v8 =	vld [tilespmem:$0x40];
	v7 =	vshra.s32 v1, $0xE;
	[tilespmem:$0x2810] =	vst v6  }
0x28: {  	v9 =	vand.u32 $0x3FFF, v2;
	[tilespmem:$0x2890] =	vst v7  }
0x29: {  	v11 =	vld [tilespmem:$0x50];
	v10 =	vshra.s32 v2, $0xE;
	[tilespmem:$0x2820] =	vst v9  }
0x2a: {  	v12 =	vand.u32 $0x3FFF, v63;
	[tilespmem:$0x28A0] =	vst v10  }
0x2b: {  	v14 =	vld [tilespmem:$0x60];
	v13 =	vshra.s32 v63, $0xE;
	[tilespmem:$0x2830] =	vst v12  }
0x2c: {  	v15 =	vand.u32 $0x3FFF, v8;
	[tilespmem:$0x28B0] =	vst v13  }
0x2d: {  	v17 =	vld [tilespmem:$0x70];
	v16 =	vshra.s32 v8, $0xE;
	[tilespmem:$0x2840] =	vst v15  }
0x2e: {  	v18 =	vand.u32 $0x3FFF, v11;
	[tilespmem:$0x28C0] =	vst v16  }
0x2f: {  	v20 =	vld [tilespmem:$0x80];
	v19 =	vshra.s32 v11, $0xE;
	[tilespmem:$0x2850] =	vst v18  }
0x30: {  	v21 =	vand.u32 $0x3FFF, v14;
	[tilespmem:$0x28D0] =	vst v19  }
0x31: {  	v23 =	vld [tilespmem:$0x90];
	v22 =	vshra.s32 v14, $0xE;
	[tilespmem:$0x2860] =	vst v21  }
0x32: {  	v24 =	vand.u32 $0x3FFF, v17;
	[tilespmem:$0x28E0] =	vst v22  }
0x33: {  	v26 =	vld [tilespmem:$0xA0];
	v25 =	vshra.s32 v17, $0xE;
	[tilespmem:$0x2870] =	vst v24  }
0x34: {  	v27 =	vand.u32 $0x3FFF, v20;
	[tilespmem:$0x28F0] =	vst v25  }
0x35: {  	v29 =	vld [tilespmem:$0xB0];
	v28 =	vshra.s32 v20, $0xE;
	[tilespmem:$0x2900] =	vst v27  }
0x36: {  	v30 =	vand.u32 $0x3FFF, v23;
	[tilespmem:$0x2980] =	vst v28  }
0x37: {  	v32 =	vld [tilespmem:$0xC0];
	v31 =	vshra.s32 v23, $0xE;
	[tilespmem:$0x2910] =	vst v30  }
0x38: {  	v33 =	vand.u32 $0x3FFF, v26;
	[tilespmem:$0x2990] =	vst v31  }
0x39: {  	v35 =	vld [tilespmem:$0xD0];
	v34 =	vshra.s32 v26, $0xE;
	[tilespmem:$0x2920] =	vst v33  }
0x3a: {  	v36 =	vand.u32 $0x3FFF, v29;
	[tilespmem:$0x29A0] =	vst v34  }
0x3b: {  	v38 =	vld [tilespmem:$0xE0];
	v37 =	vshra.s32 v29, $0xE;
	[tilespmem:$0x2930] =	vst v36  }
0x3c: {  	v39 =	vand.u32 $0x3FFF, v32;
	[tilespmem:$0x29B0] =	vst v37  }
0x3d: {  	v41 =	vld [tilespmem:$0xF0];
	v40 =	vshra.s32 v32, $0xE;
	[tilespmem:$0x2940] =	vst v39  }
0x3e: {  	v42 =	vand.u32 $0x3FFF, v35;
	[tilespmem:$0x29C0] =	vst v40  }
0x3f: {  	v43 =	vshra.s32 v35, $0xE;
	[tilespmem:$0x2950] =	vst v42  }
0x40: {  	v44 =	vand.u32 $0x3FFF, v38;
	[tilespmem:$0x29D0] =	vst v43  }
0x41: {  	v45 =	vshra.s32 v38, $0xE;
	[tilespmem:$0x2960] =	vst v44  }
0x42: {  	v46 =	vand.u32 $0x3FFF, v41;
	[tilespmem:$0x29E0] =	vst v45  }
0x43: {  	v47 =	vshra.s32 v41, $0xE;
	[tilespmem:$0x2970] =	vst v46  }
0x44: {  	[tilespmem:$0x29F0] =	vst v47  }
0x45: {  	[tilespmem:s20], [sflag:$0x1] =	stream.indirect.gather [spmem:s3], $0x10, s19, s18, $0xb8;
	[tilespmem:$0x8A00] =	vst v63  }
0x46: {  	_ = 	snop  }
0x47: {  	[tilespmem:s22], [sflag:$0x2] =	stream.indirect.gather [spmem:s3], $0x10, s21, s18, $0xb8;
	[tilespmem:$0x8A00] =	vst v63  }
0x48: {  	_ =	swait.ge [sflag:s15], $0x800  }
0x49: {  	[sflag:s15] =	ssyncset.done $0x0  }
0x4a: {  	[sflag:s15] =	ssyncadd.s32 $0xFFFFF800  }
0x4b: {  	[spmem:s2] =	stream.indirect.scatter.add.f32 [tilespmem:s20], [sflag:$0x3], $0x10, s23, s18, $0xb8;
	[tilespmem:$0x8A00] =	vst v63  }
0x4c: {  	_ =	swait.ge [sflag:s16], $0x800  }
0x4d: {  	[sflag:s16] =	ssyncset.done $0x0  }
0x4e: {  	[sflag:s16] =	ssyncadd.s32 $0xFFFFF800  }
0x4f: {  	_ =	swait.ge [sflag:s17], $0x800  }
0x50: {  	s29 =	smin.u32 s4, $0x4D;
	[sflag:s17] =	ssyncset.done $0x0  }
0x51: {  	s29 =	sshll.u32 s29, $0x7;
	[sflag:s17] =	ssyncadd.s32 $0xFFFFF800  }
0x52: {  	v48 =	vld [tilespmem:s29+$0x100];
	_ =	sdelay $0x4  }
0x53: {  	v49 =	vand.u32 $0x3FFF, v48  }
0x54: {  	v0 =	vshra.s32 v48, $0xE;
	[tilespmem:$0x2800] =	vst v49  }
0x55: {  	[tilespmem:$0x2880] =	vst v0  }
0x56: {  	v0 =	vld [tilespmem:s29+$0x110];
	_ =	sdelay $0x4  }
0x57: {  	v50 =	vand.u32 $0x3FFF, v0  }
0x58: {  	v0 =	vshra.s32 v0, $0xE;
	[tilespmem:$0x2810] =	vst v50  }
0x59: {  	[tilespmem:$0x2890] =	vst v0  }
0x5a: {  	v0 =	vld [tilespmem:s29+$0x120];
	_ =	sdelay $0x4  }
0x5b: {  	v51 =	vand.u32 $0x3FFF, v0  }
0x5c: {  	v0 =	vshra.s32 v0, $0xE;
	[tilespmem:$0x2820] =	vst v51  }
0x5d: {  	[tilespmem:$0x28A0] =	vst v0  }
0x5e: {  	v0 =	vld [tilespmem:s29+$0x130];
	_ =	sdelay $0x4  }
0x5f: {  	v52 =	vand.u32 $0x3FFF, v0  }
0x60: {  	v0 =	vshra.s32 v0, $0xE;
	[tilespmem:$0x2830] =	vst v52  }
0x61: {  	[tilespmem:$0x28B0] =	vst v0  }
0x62: {  	v0 =	vld [tilespmem:s29+$0x140];
	_ =	sdelay $0x4  }
0x63: {  	v53 =	vand.u32 $0x3FFF, v0  }
0x64: {  	v0 =	vshra.s32 v0, $0xE;
	[tilespmem:$0x2840] =	vst v53  }
0x65: {  	[tilespmem:$0x28C0] =	vst v0  }
0x66: {  	v0 =	vld [tilespmem:s29+$0x150];
	_ =	sdelay $0x4  }
0x67: {  	v54 =	vand.u32 $0x3FFF, v0  }
0x68: {  	v0 =	vshra.s32 v0, $0xE;
	[tilespmem:$0x2850] =	vst v54  }
0x69: {  	[tilespmem:$0x28D0] =	vst v0  }
0x6a: {  	v0 =	vld [tilespmem:s29+$0x160];
	_ =	sdelay $0x4  }
0x6b: {  	v55 =	vand.u32 $0x3FFF, v0  }
0x6c: {  	v0 =	vshra.s32 v0, $0xE;
	[tilespmem:$0x2860] =	vst v55  }
0x6d: {  	[tilespmem:$0x28E0] =	vst v0  }
0x6e: {  	v0 =	vld [tilespmem:s29+$0x170];
	_ =	sdelay $0x4  }
0x6f: {  	v56 =	vand.u32 $0x3FFF, v0  }
0x70: {  	v0 =	vshra.s32 v0, $0xE;
	[tilespmem:$0x2870] =	vst v56  }
0x71: {  	[tilespmem:$0x28F0] =	vst v0  }
0x72: {  	[tilespmem:s20], [sflag:$0x1] =	stream.indirect.gather [spmem:s3], $0x10, s19, s18, $0xb8;
	[tilespmem:$0x8A00] =	vst v63  }
0x73: {  	_ = 	snop  }
0x74: {  	[spmem:s2] =	stream.indirect.scatter.add.f32 [tilespmem:s22], [sflag:$0x4], $0x10, s24, s18, $0xb8;
	[tilespmem:$0x8A00] =	vst v63  }
0x75: {  	_ =	swait.ge [sflag:s25], $0x800  }
0x76: {  	s29 =	smin.u32 s4, $0x4C;
	[sflag:s25] =	ssyncset.done $0x0  }
0x77: {  	s30 =	sshll.u32 s29, $0x7;
	[sflag:s25] =	ssyncadd.s32 $0xFFFFF800  }
0x78: {  	v57 =	vld [tilespmem:s30+$0x180];
	_ =	sdelay $0x4  }
0x79: {  	v58 =	vand.u32 $0x3FFF, v57  }
0x7a: {  	v0 =	vshra.s32 v57, $0xE;
	[tilespmem:$0x2900] =	vst v58  }
0x7b: {  	[tilespmem:$0x2980] =	vst v0  }
0x7c: {  	v0 =	vld [tilespmem:s30+$0x190];
	_ =	sdelay $0x4  }
0x7d: {  	v59 =	vand.u32 $0x3FFF, v0  }
0x7e: {  	v0 =	vshra.s32 v0, $0xE;
	[tilespmem:$0x2910] =	vst v59  }
0x7f: {  	[tilespmem:$0x2990] =	vst v0  }
0x80: {  	v0 =	vld [tilespmem:s30+$0x1A0];
	_ =	sdelay $0x4  }
0x81: {  	v60 =	vand.u32 $0x3FFF, v0  }
0x82: {  	v0 =	vshra.s32 v0, $0xE;
	[tilespmem:$0x2920] =	vst v60  }
0x83: {  	[tilespmem:$0x29A0] =	vst v0  }
0x84: {  	v0 =	vld [tilespmem:s30+$0x1B0];
	_ =	sdelay $0x4  }
0x85: {  	v61 =	vand.u32 $0x3FFF, v0  }
0x86: {  	v0 =	vshra.s32 v0, $0xE;
	[tilespmem:$0x2930] =	vst v61  }
0x87: {  	[tilespmem:$0x29B0] =	vst v0  }
0x88: {  	v0 =	vld [tilespmem:s30+$0x1C0];
	_ =	sdelay $0x4  }
0x89: {  	v62 =	vand.u32 $0x3FFF, v0  }
0x8a: {  	v0 =	vshra.s32 v0, $0xE;
	[tilespmem:$0x2940] =	vst v62  }
0x8b: {  	[tilespmem:$0x29C0] =	vst v0  }
0x8c: {  	v0 =	vld [tilespmem:s30+$0x1D0];
	_ =	sdelay $0x4  }
0x8d: {  	v63 =	vand.u32 $0x3FFF, v0  }
0x8e: {  	v0 =	vshra.s32 v0, $0xE;
	[tilespmem:$0x2950] =	vst v63  }
0x8f: {  	s29 =	simm.s32 $0x2;
	[tilespmem:$0x29D0] =	vst v0  }
.LBB2_2:
0x90: {  	p0 =	sne.s32 s29, $0x4E;
	v0 =	vld [tilespmem:s30+$0x1E0];
	s31 =	smov.u32 s29;
	s29 =	sadd.s32 $0x2, s29  }
0x91: {  	_ =	sdelay $0x3  }
0x92: {  	v1 =	vand.u32 $0x3FFF, v0;
	v0 =	vshra.s32 v0, $0xE  }
0x93: {  	[tilespmem:$0x2960] =	vst v1  }
0x94: {  	[tilespmem:$0x29E0] =	vst v0  }
0x95: {  	v0 =	vld [tilespmem:s30+$0x1F0];
	_ =	sdelay $0x4  }
0x96: {  	v1 =	vand.u32 $0x3FFF, v0;
	v0 =	vshra.s32 v0, $0xE  }
0x97: {  	[tilespmem:$0x2970] =	vst v1  }
0x98: {  	[tilespmem:$0x29F0] =	vst v0  }
0x99: {  	[tilespmem:s22], [sflag:$0x2] =	stream.indirect.gather [spmem:s3], $0x10, s21, s18, $0xb8;
	[tilespmem:$0x8A00] =	vst v63  }
0x9a: {  	_ =	swait.ge [sflag:s15], $0x800  }
0x9b: {  	[sflag:s15] =	ssyncset.done $0x0  }
0x9c: {  	[sflag:s15] =	ssyncadd.s32 $0xFFFFF800  }
0x9d: {  	[spmem:s2] =	stream.indirect.scatter.add.f32 [tilespmem:s20], [sflag:$0x3], $0x10, s23, s18, $0xb8;
	[tilespmem:$0x8A00] =	vst v63  }
0x9e: {  	_ =	swait.ge [sflag:s16], $0x800  }
0x9f: {  	[sflag:s16] =	ssyncset.done $0x0  }
0xa0: {  	[sflag:s16] =	ssyncadd.s32 $0xFFFFF800  }
0xa1: {  	_ =	swait.ge [sflag:s17], $0x800  }
0xa2: {  	s30 =	smin.u32 s31, $0x4D;
	[sflag:s17] =	ssyncset.done $0x0  }
0xa3: {  	s30 =	sshll.u32 s30, $0x7;
	[sflag:s17] =	ssyncadd.s32 $0xFFFFF800  }
0xa4: {  	v0 =	vld [tilespmem:s30+$0x100];
	_ =	sdelay $0x4  }
0xa5: {  	v1 =	vand.u32 $0x3FFF, v0;
	v0 =	vshra.s32 v0, $0xE  }
0xa6: {  	[tilespmem:$0x2800] =	vst v1  }
0xa7: {  	[tilespmem:$0x2880] =	vst v0  }
0xa8: {  	v0 =	vld [tilespmem:s30+$0x110];
	_ =	sdelay $0x4  }
0xa9: {  	v1 =	vand.u32 $0x3FFF, v0;
	v0 =	vshra.s32 v0, $0xE  }
0xaa: {  	[tilespmem:$0x2810] =	vst v1  }
0xab: {  	[tilespmem:$0x2890] =	vst v0  }
0xac: {  	v0 =	vld [tilespmem:s30+$0x120];
	_ =	sdelay $0x4  }
0xad: {  	v1 =	vand.u32 $0x3FFF, v0;
	v0 =	vshra.s32 v0, $0xE  }
0xae: {  	[tilespmem:$0x2820] =	vst v1  }
0xaf: {  	[tilespmem:$0x28A0] =	vst v0  }
0xb0: {  	v0 =	vld [tilespmem:s30+$0x130];
	_ =	sdelay $0x4  }
0xb1: {  	v1 =	vand.u32 $0x3FFF, v0;
	v0 =	vshra.s32 v0, $0xE  }
0xb2: {  	[tilespmem:$0x2830] =	vst v1  }
0xb3: {  	[tilespmem:$0x28B0] =	vst v0  }
0xb4: {  	v0 =	vld [tilespmem:s30+$0x140];
	_ =	sdelay $0x4  }
0xb5: {  	v1 =	vand.u32 $0x3FFF, v0;
	v0 =	vshra.s32 v0, $0xE  }
0xb6: {  	[tilespmem:$0x2840] =	vst v1  }
0xb7: {  	[tilespmem:$0x28C0] =	vst v0  }
0xb8: {  	v0 =	vld [tilespmem:s30+$0x150];
	_ =	sdelay $0x4  }
0xb9: {  	v1 =	vand.u32 $0x3FFF, v0;
	v0 =	vshra.s32 v0, $0xE  }
0xba: {  	[tilespmem:$0x2850] =	vst v1  }
0xbb: {  	[tilespmem:$0x28D0] =	vst v0  }
0xbc: {  	v0 =	vld [tilespmem:s30+$0x160];
	_ =	sdelay $0x4  }
0xbd: {  	v1 =	vand.u32 $0x3FFF, v0;
	v0 =	vshra.s32 v0, $0xE  }
0xbe: {  	[tilespmem:$0x2860] =	vst v1  }
0xbf: {  	[tilespmem:$0x28E0] =	vst v0  }
0xc0: {  	v0 =	vld [tilespmem:s30+$0x170];
	_ =	sdelay $0x3  }
0xc1: {  	s30 =	smin.u32 s31, $0x4C  }
0xc2: {  	s30 =	sshll.u32 s30, $0x7;
	v1 =	vand.u32 $0x3FFF, v0;
	v0 =	vshra.s32 v0, $0xE  }
0xc3: {  	[tilespmem:$0x2870] =	vst v1  }
0xc4: {  	[tilespmem:$0x28F0] =	vst v0  }
0xc5: {  	[tilespmem:s20], [sflag:$0x1] =	stream.indirect.gather [spmem:s3], $0x10, s19, s18, $0xb8;
	[tilespmem:$0x8A00] =	vst v63  }
0xc6: {  	_ = 	snop  }
0xc7: {  	[spmem:s2] =	stream.indirect.scatter.add.f32 [tilespmem:s22], [sflag:$0x4], $0x10, s24, s18, $0xb8;
	[tilespmem:$0x8A00] =	vst v63  }
0xc8: {  	_ =	swait.ge [sflag:s25], $0x800  }
0xc9: {  	[sflag:s25] =	ssyncset.done $0x0  }
0xca: {  	[sflag:s25] =	ssyncadd.s32 $0xFFFFF800  }
0xcb: {  	v0 =	vld [tilespmem:s30+$0x180];
	_ =	sdelay $0x4  }
0xcc: {  	v1 =	vand.u32 $0x3FFF, v0;
	v0 =	vshra.s32 v0, $0xE  }
0xcd: {  	[tilespmem:$0x2900] =	vst v1  }
0xce: {  	[tilespmem:$0x2980] =	vst v0  }
0xcf: {  	v0 =	vld [tilespmem:s30+$0x190];
	_ =	sdelay $0x4  }
0xd0: {  	v1 =	vand.u32 $0x3FFF, v0;
	v0 =	vshra.s32 v0, $0xE  }
0xd1: {  	[tilespmem:$0x2910] =	vst v1  }
0xd2: {  	[tilespmem:$0x2990] =	vst v0  }
0xd3: {  	v0 =	vld [tilespmem:s30+$0x1A0];
	_ =	sdelay $0x4  }
0xd4: {  	v1 =	vand.u32 $0x3FFF, v0;
	v0 =	vshra.s32 v0, $0xE  }
0xd5: {  	[tilespmem:$0x2920] =	vst v1  }
0xd6: {  	[tilespmem:$0x29A0] =	vst v0  }
0xd7: {  	v0 =	vld [tilespmem:s30+$0x1B0];
	_ =	sdelay $0x4  }
0xd8: {  	v1 =	vand.u32 $0x3FFF, v0;
	v0 =	vshra.s32 v0, $0xE  }
0xd9: {  	[tilespmem:$0x2930] =	vst v1  }
0xda: {  	[tilespmem:$0x29B0] =	vst v0  }
0xdb: {  	v0 =	vld [tilespmem:s30+$0x1C0];
	_ =	sdelay $0x4  }
0xdc: {  	v1 =	vand.u32 $0x3FFF, v0;
	v0 =	vshra.s32 v0, $0xE  }
0xdd: {  	[tilespmem:$0x2940] =	vst v1  }
0xde: {  	[tilespmem:$0x29C0] =	vst v0  }
0xdf: {  	v0 =	vld [tilespmem:s30+$0x1D0];
	_ =	sdelay $0x2  }
.Ltmp0:
0xe0: {  	(pc) =	sbr.rel @p0 .LBB2_2-.Ltmp0, $4  }
0xe1: {  	_ = 	snop  }
0xe2: {  	v1 =	vand.u32 $0x3FFF, v0;
	v0 =	vshra.s32 v0, $0xE  }
0xe3: {  	[tilespmem:$0x2950] =	vst v1  }
0xe4: {  	[tilespmem:$0x29D0] =	vst v0  }
0xe5: {  	v0 =	vld [tilespmem:s30+$0x1E0];
	_ =	sdelay $0x4  }
0xe6: {  	v1 =	vand.u32 $0x3FFF, v0  }
0xe7: {  	v0 =	vshra.s32 v0, $0xE;
	[tilespmem:$0x2960] =	vst v1  }
0xe8: {  	[tilespmem:$0x29E0] =	vst v0  }
0xe9: {  	v0 =	vld [tilespmem:s30+$0x1F0];
	_ =	sdelay $0x4  }
0xea: {  	v63 =	vand.u32 $0x3FFF, v0  }
0xeb: {  	v0 =	vshra.s32 v0, $0xE;
	[tilespmem:$0x2970] =	vst v63  }
0xec: {  	[tilespmem:$0x29F0] =	vst v0  }
0xed: {  	[tilespmem:s22], [sflag:$0x2] =	stream.indirect.gather [spmem:s3], $0x10, s21, s18, $0xb8;
	[tilespmem:$0x8A00] =	vst v63  }
0xee: {  	_ =	swait.ge [sflag:s15], $0x800  }
0xef: {  	[sflag:s15] =	ssyncset.done $0x0  }
0xf0: {  	[sflag:s15] =	ssyncadd.s32 $0xFFFFF800  }
0xf1: {  	_ =	swait.ge [sflag:s16], $0x800  }
0xf2: {  	s28 =	sadd.s32 $0x1, s28;
	[sflag:s16] =	ssyncset.done $0x0  }
0xf3: {  	p0 =	sne.s32 s28, s11;
	[sflag:s16] =	ssyncadd.s32 $0xFFFFF800  }
.Ltmp1:
0xf4: {  	s29 =	sor.u32 $0x1C05, s5;
	[bflag:$0x0] =	sbarrier.arrive $0xFFFF;
	(pc) =	sbr.rel @p0 .LBB2_1-.Ltmp1, $4  }
0xf5: {  	[hbm:s10], [sflag:s29] =	dma.local [spmem:s12], $0x500  }
0xf6: {  	_ =	swait.ge [sflag:s26], $0x500  }
0xf7: {  	[sflag:s26] =	ssyncset.done $0x0  }
0xf8: {  	[sflag:s26] =	ssyncadd.s32 $0xFFFFFB00  }
0xf9: {  	_ =	sfence.sel $0x180000  }
0xfa: {  	[bflag:$0x0] =	sbarrier.arrive $0xFFFF  }
0xfb: {  	p0 =	sne.s32 s1, $0x0;
	_ =	strace $0x90000050  }
0xfc: {  	s0 =	sadd.s32 @!p0 $0x100000, s0;
	[bflag:$0x2] =	sbarrier.arrive $0xFFFF  }
0xfd: {  	[sflag:s0] =	ssyncadd.tile.s32 @!p0 $0x1;
	_ =	shalt  }
.Lfunc_end2:
_tile_overlayer_lowered:
.L_overlay_start_2:
0xfe: {  	(tag) =	ssettag $0x2  }
0xff: {  	s0 =	rddreg [dreg:$0x0];
	s2 =	stileid.u32  }
0x100: {  	s1 =	rddreg [dreg:$0x1];
	p0 =	sne.s32 s2, $0x0  }
0x101: {  	s3 =	rddreg [dreg:$0x2];
	[bflag:$0x3] =	sbarrier.arrive $0xFFFF;
	s2 =	simm.s32 @!p0 $0x1C05  }
0x102: {  	[timem:s3], [sflag:s2] =	dma.local @!p0 [hbm:s0], s1  }
0x103: {  	s0 =	simm.s32 @!p0 $0x5  }
0x104: {  	_ =	swait.ge @!p0 [sflag:s0], s1  }
0x105: {  	s1 =	ssub.s32 @!p0 $0x0, s1;
	[sflag:s0] =	ssyncset.done @!p0 $0x0  }
0x106: {  	[sflag:s0] =	ssyncadd.s32 @!p0 s1  }
0x107: {  	[bflag:$0x3] =	sbarrier.arrive $0xFFFF  }
0x108: {  	_ =	shalt  }

</sc_bundles>
